<compile_context>
chip_gen: v7x
topology: tpu7x:2x2x1
jax: 0.10.2.dev20260603
libtpu: 0.0.44.dev20260713+nightly
codegen_flags: <defaults>
</compile_context>

<pallas_src>
import jax
import jax.numpy as jnp
from jax import lax
from jax.experimental import pallas as pl
from jax.experimental.pallas import tpu as pltpu
from jax.experimental.pallas import tpu_sc as plsc

_N = 10000
_E = 320000
_L = 100000
_D = 128
_EPS = 1e-5

_NC = 2
_NS = 16
_NW = _NC * _NS

_NP = 10240
_EW = _E // _NW
_EC, _EK = 80, 128
_EWP = _EC * _EK
_LC, _LK = 32, 104
_LWP = _LC * _LK
_LP = _NW * _LWP
_RT = _NP // _NS


def _sc_mesh():
    return plsc.VectorSubcoreMesh(
        core_axis_name="c", subcore_axis_name="s",
        num_cores=_NC, num_subcores=_NS)


def _zero_rows(ref, nrows, ncols16):
    def row(i, _):
        for j in range(ncols16):
            ref[i, pl.ds(j * 16, 16)] = jnp.zeros((16,), jnp.float32)
        return 0
    lax.fori_loop(0, nrows, row, 0)


_GD = 4
_SK = 64
_SC_CHUNKS = _EC * (_EK // _SK)


def _agg_builder():
    out_type = [jax.ShapeDtypeStruct((_NC, _NP, _D), jnp.float32)]
    scratch = [
        pltpu.VMEM((_EC, _EK), jnp.int32),
        [pltpu.VMEM((_SK,), jnp.int32) for _ in range(_GD)],
        [pltpu.VMEM((_SK, _D), jnp.float32) for _ in range(_GD)],
        pltpu.VMEM_SHARED((_NP, _D), jnp.float32),
        [pltpu.SemaphoreType.DMA for _ in range(_GD)],
        [pltpu.SemaphoreType.DMA for _ in range(_GD)],
    ]

    def body(x_hbm, src_hbm, dst_hbm, agg_out, sidx, dbuf, gbuf,
             acc, gsem, dsem):
        c = lax.axis_index("c")
        s = lax.axis_index("s")
        wid = c * _NS + s
        base = s * _RT

        def sidx_sl(j):
            return sidx.at[lax.div(j, 2), pl.ds(lax.rem(j, 2) * _SK, _SK)]

        def didx_sl(j):
            return dst_hbm.at[wid, lax.div(j, 2),
                              pl.ds(lax.rem(j, 2) * _SK, _SK)]

        _zero_rows(gbuf[0], _SK, _D // 16)
        for t in range(_RT // _SK):
            pltpu.sync_copy(gbuf[0], acc.at[pl.ds(base + t * _SK, _SK)])
        plsc.subcore_barrier()

        pltpu.sync_copy(src_hbm.at[wid], sidx)
        for j in range(_GD - 1):
            pltpu.async_copy(x_hbm.at[sidx_sl(j)], gbuf[j], gsem[j])
            pltpu.async_copy(didx_sl(j), dbuf[j], dsem[j])

        def step(g, _):
            j0 = g * _GD
            for b in range(_GD):
                j = j0 + b
                pltpu.make_async_copy(
                    x_hbm.at[sidx_sl(j)], gbuf[b], gsem[b]).wait()

                @pl.when(j + _GD - 1 < _SC_CHUNKS)
                def _():
                    nb = (b + _GD - 1) % _GD
                    pltpu.async_copy(
                        x_hbm.at[sidx_sl(j + _GD - 1)], gbuf[nb], gsem[nb])
                    pltpu.async_copy(didx_sl(j + _GD - 1), dbuf[nb], dsem[nb])

                pltpu.make_async_copy(
                    didx_sl(j), dbuf[b], dsem[b]).wait()
                pltpu.sync_copy(gbuf[b], acc.at[dbuf[b]], add=True)
            return 0
        lax.fori_loop(0, _SC_CHUNKS // _GD, step, 0)
        plsc.subcore_barrier()

        for t in range(_RT // 128):
            r0 = base + t * 128
            pltpu.sync_copy(acc.at[pl.ds(r0, 128)],
                            agg_out.at[c, pl.ds(r0, 128)])

    return pl.kernel(body, out_type=out_type, mesh=_sc_mesh(),
                     scratch_types=scratch)


def _deg_builder():
    out_type = [jax.ShapeDtypeStruct((_NC, _NP, _D), jnp.float32)]
    scratch = [
        pltpu.VMEM((_EC, _EK), jnp.int32),
        pltpu.VMEM((_EK, _D), jnp.float32),
        pltpu.VMEM_SHARED((_NP, _D), jnp.float32),
    ]

    def body(dst_hbm, deg_out, didx, buf, dacc):
        c = lax.axis_index("c")
        s = lax.axis_index("s")
        wid = c * _NS + s
        base = s * _RT

        _zero_rows(buf, _EK, _D // 16)
        for t in range(_RT // _EK):
            pltpu.sync_copy(buf, dacc.at[pl.ds(base + t * _EK, _EK)])

        def orow(i, _):
            for j in range(_D // 16):
                buf[i, pl.ds(j * 16, 16)] = jnp.ones((16,), jnp.float32)
            return 0
        lax.fori_loop(0, _EK, orow, 0)
        plsc.subcore_barrier()

        pltpu.sync_copy(dst_hbm.at[wid], didx)

        def step(j, _):
            pltpu.sync_copy(buf, dacc.at[didx.at[j]], add=True)
            return 0
        lax.fori_loop(0, _EC, step, 0)
        plsc.subcore_barrier()

        for t in range(_RT // 128):
            r0 = base + t * 128
            pltpu.sync_copy(dacc.at[pl.ds(r0, 128)],
                            deg_out.at[c, pl.ds(r0, 128)])

    return pl.kernel(body, out_type=out_type, mesh=_sc_mesh(),
                     scratch_types=scratch)


def _pair_gather(u, v, esr, edr):
    out_type = [jax.ShapeDtypeStruct((_LP, _D), jnp.float32)]
    scratch = [
        pltpu.VMEM((_LC, _LK), jnp.int32),
        pltpu.VMEM((_LC, _LK), jnp.int32),
        [pltpu.VMEM((_LK, _D), jnp.float32) for _ in range(2)],
        [pltpu.VMEM((_LK, _D), jnp.float32) for _ in range(2)],
        [pltpu.SemaphoreType.DMA for _ in range(2)],
        [pltpu.SemaphoreType.DMA for _ in range(2)],
    ]

    def body(u_hbm, v_hbm, es_hbm, ed_hbm, s_out,
             sidx, didx, bufu, bufv, semu, semv):
        c = lax.axis_index("c")
        s = lax.axis_index("s")
        wid = c * _NS + s
        base = wid * _LWP
        pltpu.sync_copy(es_hbm.at[wid], sidx)
        pltpu.sync_copy(ed_hbm.at[wid], didx)

        pltpu.async_copy(u_hbm.at[sidx.at[0]], bufu[0], semu[0])
        pltpu.async_copy(v_hbm.at[didx.at[0]], bufv[0], semv[0])

        def step(g, _):
            j0 = g * 2
            for b in range(2):
                j = j0 + b
                o = 1 - b
                pltpu.make_async_copy(
                    u_hbm.at[sidx.at[j]], bufu[b], semu[b]).wait()
                pltpu.make_async_copy(
                    v_hbm.at[didx.at[j]], bufv[b], semv[b]).wait()

                @pl.when(j + 1 < _LC)
                def _():
                    pltpu.async_copy(
                        u_hbm.at[sidx.at[j + 1]], bufu[o], semu[o])
                    pltpu.async_copy(
                        v_hbm.at[didx.at[j + 1]], bufv[o], semv[o])

                def srow(i, _):
                    for t in range(_D // 16):
                        sl = pl.ds(t * 16, 16)
                        bufu[b][i, sl] = bufu[b][i, sl] + bufv[b][i, sl]
                    return 0
                lax.fori_loop(0, _LK, srow, 0)
                pltpu.sync_copy(bufu[b], s_out.at[pl.ds(base + j * _LK, _LK)])
            return 0
        lax.fori_loop(0, _LC // 2, step, 0)

    return pl.kernel(body, out_type=out_type, mesh=_sc_mesh(),
                     scratch_types=scratch)(u, v, esr, edr)


_NB = 1000


def _mean(p0, p1, d0, d1):
    deg = jnp.maximum(d0[:, 0:1] + d1[:, 0:1], 1.0)
    return (p0 + p1) / deg


def _layer1_body(p0, p1, d0, d1, x, wl, wr, bl, gs, bt, o):
    mean = _mean(p0[...], p1[...], d0[...], d1[...])
    pre = (jnp.dot(mean, wl[...], preferred_element_type=jnp.float32)
           + jnp.dot(x[...], wr[...], preferred_element_type=jnp.float32)
           + bl[...])
    o[...] = jnp.maximum(pre, 0.0) * gs[...] + bt[...]


def _layer2_body(p0, p1, d0, d1, x, wl, wr, bl, gs, bt, res, o):
    mean = _mean(p0[...], p1[...], d0[...], d1[...])
    pre = (jnp.dot(mean, wl[...], preferred_element_type=jnp.float32)
           + jnp.dot(x[...], wr[...], preferred_element_type=jnp.float32)
           + bl[...])
    o[...] = jnp.maximum(pre, 0.0) * gs[...] + bt[...] + res[...]


def _layer3_body(p0, p1, d0, d1, x, wl, wr, bl, wa, wb, u, v):
    mean = _mean(p0[...], p1[...], d0[...], d1[...])
    x3 = (jnp.dot(mean, wl[...], preferred_element_type=jnp.float32)
          + jnp.dot(x[...], wr[...], preferred_element_type=jnp.float32)
          + bl[...])
    u[...] = jnp.dot(x3, wa[...], preferred_element_type=jnp.float32)
    v[...] = jnp.dot(x3, wb[...], preferred_element_type=jnp.float32)


def _row_spec(w):
    return pl.BlockSpec((_NB, w), lambda i: (i, 0))


def _full_spec(r, w):
    return pl.BlockSpec((r, w), lambda i: (0, 0))


def _run_layer(body, nout, args):
    specs = [_row_spec(_D), _row_spec(_D), _row_spec(_D), _row_spec(_D),
             _row_spec(_D)]
    for a in args[5:]:
        specs.append(_row_spec(a.shape[1]) if a.shape[0] == _N
                     else _full_spec(*a.shape))
    out_shape = [jax.ShapeDtypeStruct((_N, _D), jnp.float32)] * nout
    out_specs = [_row_spec(_D)] * nout
    if nout == 1:
        out_shape, out_specs = out_shape[0], out_specs[0]
    return pl.pallas_call(
        body, grid=(_N // _NB,), in_specs=specs,
        out_specs=out_specs, out_shape=out_shape)(*args)


_BL = 2000


def _mlp_body(sm, b1, w2, b2, o):
    h = jnp.maximum(sm[...] + b1[...], 0.0)
    o[...] = jnp.dot(h, w2[...], preferred_element_type=jnp.float32) + b2[...]


def _run_mlp(sm, b1, w2, b2):
    return pl.pallas_call(
        _mlp_body, grid=(_L // _BL,),
        in_specs=[pl.BlockSpec((_BL, _D), lambda i: (i, 0)),
                  pl.BlockSpec((1, _D), lambda i: (0, 0)),
                  pl.BlockSpec((_D, 1), lambda i: (0, 0)),
                  pl.BlockSpec((1, 1), lambda i: (0, 0))],
        out_specs=pl.BlockSpec((_BL, 1), lambda i: (i, 0)),
        out_shape=jax.ShapeDtypeStruct((_L, 1), jnp.float32))(
            sm, b1, w2, b2)


def _pad_edges(idx, fill, nw, per_w, nc, nk):
    pad = nc * nk - per_w
    r = idx.reshape(nw, per_w)
    r = jnp.concatenate(
        [r, jnp.full((nw, pad), fill, dtype=jnp.int32)], axis=1)
    return r.reshape(nw, nc, nk)


def kernel(x, edge_index, edge_label_index, W1l, b1l, W1r, g1, bt1,
           W2l, b2l, W2r, g2, bt2, W3l, b3l, W3r, Wp1, bp1, Wp2, bp2):
    srcr = _pad_edges(edge_index[0], 0, _NW, _EW, _EC, _EK)
    dstr = _pad_edges(edge_index[1], _N, _NW, _EW, _EC, _EK)
    lpad = jnp.zeros((_LP - _L,), dtype=jnp.int32)
    esr = jnp.concatenate([edge_label_index[0], lpad]).reshape(_NW, _LC, _LK)
    edr = jnp.concatenate([edge_label_index[1], lpad]).reshape(_NW, _LC, _LK)

    inv = 1.0 / jnp.sqrt(1.0 + _EPS)
    gs1 = (g1 * inv).reshape(1, _D)
    gs2 = (g2 * inv).reshape(1, _D)
    b1l_ = b1l.reshape(1, _D)
    b2l_ = b2l.reshape(1, _D)
    b3l_ = b3l.reshape(1, _D)
    bt1_ = bt1.reshape(1, _D)
    bt2_ = bt2.reshape(1, _D)
    bp1_ = bp1.reshape(1, _D)
    bp2_ = bp2.reshape(1, 1)

    deg, = _deg_builder()(dstr)
    agg1, = _agg_builder()(x, srcr, dstr)
    x1 = _run_layer(_layer1_body, 1,
                    (agg1[0], agg1[1], deg[0], deg[1], x,
                     W1l, W1r, b1l_, gs1, bt1_))
    agg2, = _agg_builder()(x1, srcr, dstr)
    x2 = _run_layer(_layer2_body, 1,
                    (agg2[0], agg2[1], deg[0], deg[1], x1,
                     W2l, W2r, b2l_, gs2, bt2_, x1))
    agg3, = _agg_builder()(x2, srcr, dstr)
    u, v = _run_layer(_layer3_body, 2,
                      (agg3[0], agg3[1], deg[0], deg[1], x2,
                       W3l, W3r, b3l_, Wp1[:_D], Wp1[_D:]))
    sm, = _pair_gather(u, v, esr, edr)
    out = _run_mlp(sm, bp1_, Wp2, bp2_)
    return out.reshape(-1)

# --- scband reference (transcript-rebuilt; emitter-appended) ---
"""Pipeline reference for scband-improved-link-prediction-gnn-59837484368533 (READ-ONLY COPY).

The authoritative reference and input builder live on the scoring server;
editing this copy changes nothing except your own understanding.
"""

import jax, jax.numpy as jnp
import numpy as np

N = 10000
E = 320000
L = 100000
D = 128
H = 128
Z = 128
BN_EPS = 1e-5


def setup_inputs(seed: int = 0) -> dict:
    key = jax.random.key(seed)
    ks = jax.random.split(key, 24)
    s = 0.05
    inp = {}
    inp['x'] = jax.random.normal(ks[0], (N, D), dtype=jnp.float32)
    inp['edge_index'] = jax.random.randint(ks[1], (2, E), 0, N, dtype=jnp.int32)
    inp['edge_label_index'] = jax.random.randint(ks[2], (2, L), 0, N, dtype=jnp.int32)
    # SAGEConv 1
    inp['W1l'] = jax.random.normal(ks[3], (D, H), dtype=jnp.float32) * s
    inp['b1l'] = jnp.zeros((H,), dtype=jnp.float32)
    inp['W1r'] = jax.random.normal(ks[4], (D, H), dtype=jnp.float32) * s
    # BN1
    inp['g1'] = jnp.ones((H,), dtype=jnp.float32)
    inp['bt1'] = jnp.zeros((H,), dtype=jnp.float32)
    # SAGEConv 2
    inp['W2l'] = jax.random.normal(ks[5], (H, H), dtype=jnp.float32) * s
    inp['b2l'] = jnp.zeros((H,), dtype=jnp.float32)
    inp['W2r'] = jax.random.normal(ks[6], (H, H), dtype=jnp.float32) * s
    # BN2
    inp['g2'] = jnp.ones((H,), dtype=jnp.float32)
    inp['bt2'] = jnp.zeros((H,), dtype=jnp.float32)
    # SAGEConv 3
    inp['W3l'] = jax.random.normal(ks[7], (H, Z), dtype=jnp.float32) * s
    inp['b3l'] = jnp.zeros((Z,), dtype=jnp.float32)
    inp['W3r'] = jax.random.normal(ks[8], (H, Z), dtype=jnp.float32) * s
    # MLP link predictor
    inp['Wp1'] = jax.random.normal(ks[9], (2 * Z, Z), dtype=jnp.float32) * s
    inp['bp1'] = jnp.zeros((Z,), dtype=jnp.float32)
    inp['Wp2'] = jax.random.normal(ks[10], (Z, 1), dtype=jnp.float32) * s
    inp['bp2'] = jnp.zeros((1,), dtype=jnp.float32)
    return inp


def _sage(x, src, dst, Wl, bl, Wr, n):
    # PyG SAGEConv (mean aggr): out = lin_l(mean_{j in N(i)} x_j) + lin_r(x_i)
    msg = x[src]
    agg = jax.ops.segment_sum(msg, dst, num_segments=n)
    deg = jax.ops.segment_sum(jnp.ones((src.shape[0],), dtype=x.dtype), dst, num_segments=n)
    mean = agg / jnp.maximum(deg, 1.0)[:, None]
    return mean @ Wl + bl + x @ Wr


def _bn_eval(x, g, b):
    # BatchNorm1d in eval mode with fresh running stats (mean=0, var=1)
    return g * (x / jnp.sqrt(1.0 + BN_EPS)) + b


def reference(x, edge_index, edge_label_index, W1l, b1l, W1r, g1, bt1, W2l, b2l, W2r, g2, bt2, W3l, b3l, W3r, Wp1, bp1, Wp2, bp2):
    src = edge_index[0]
    dst = edge_index[1]
    n = x.shape[0]
    # encoder
    x1 = jax.nn.relu(_sage(x, src, dst, W1l, b1l, W1r, n))
    x1 = _bn_eval(x1, g1, bt1)
    # dropout is identity in eval
    x2 = jax.nn.relu(_sage(x1, src, dst, W2l, b2l, W2r, n))
    x2 = _bn_eval(x2, g2, bt2)
    x2 = x2 + x1  # residual (shapes match: hidden == hidden)
    x3 = _sage(x2, src, dst, W3l, b3l, W3r, n)
    # MLP link predictor on label edges
    e_src = edge_label_index[0]
    e_dst = edge_label_index[1]
    embed_src = x3[e_src]
    embed_dst = x3[e_dst]
    h = jnp.concatenate([embed_src, embed_dst], axis=1)
    h = jax.nn.relu(h @ Wp1 + bp1)
    out = h @ Wp2 + bp2
    return out.reshape(-1)

if __name__ == "__main__":
    import jax
    _d = setup_inputs()
    print(jax.jit(kernel)(*tuple(_d.values())))

</pallas_src>

<mosaic_0001>
#map = affine_map<(d0, d1) -> (0, 0, 0)>
module attributes {stable_mosaic.version = 14 : i64} {
  func.func @body(%arg0: i32, %arg1: i32, %arg2: memref<32x80x128xi32, #tpu.memory_space<hbm>>, %arg3: memref<2x10240x128xf32, #tpu.memory_space<hbm>>, %arg4: memref<80x128xi32, #tpu.memory_space<vmem>>, %arg5: memref<128x128xf32, #tpu.memory_space<vmem>>, %arg6: memref<10240x128xf32, #tpu.memory_space<vmem_shared>>) attributes {dimension_semantics = [#tpu.dimension_semantics<core_parallel>, #tpu.dimension_semantics<subcore_parallel>], iteration_bounds = array<i64: 2, 16>, scalar_prefetch = 0 : i64, scratch_operands = 3 : i64, tpu.core_type = #tpu.core_type<sc_vector_subcore>, window_params = [{transform_indices = #map}, {transform_indices = #map}]} {
    %mul3A = arith.constant 16 : i32
    %mul3A_0 = arith.muli %arg0, %mul3A : i32
    %add3A = arith.addi %mul3A_0, %arg1 : i32
    %mul3A_1 = arith.constant 640 : i32
    %mul3A_2 = arith.muli %arg1, %mul3A_1 : i32
    %scan3A = arith.constant 0 : i32
    %scan3A_3 = arith.constant 0 : i32
    %scan3A_4 = arith.constant 128 : i32
    %scan3A_5 = arith.addi %scan3A_3, %scan3A_4 : i32
    %scan3A_6 = arith.constant 1 : i32
    %scan3A_7 = scf.for %scan3A_44 = %scan3A_3 to %scan3A_5 step %scan3A_6 iter_args(%scan3A_45 = %scan3A) -> (i32)  : i32 {
      %broadcast_in_dim3A = arith.constant 0.000000e+00 : f32
      %broadcast_in_dim3A_46 = vector.broadcast %broadcast_in_dim3A : f32 to vector<16xf32>
      %swap3A = arith.index_cast %scan3A_44 : i32 to index
      %swap3A_47 = arith.constant 0 : index
      %swap3A_48 = tpu.vector_load %arg5[%swap3A, %swap3A_47] {strides = array<i32>} : memref<128x128xf32, #tpu.memory_space<vmem>>, vector<1x16xf32>,
      %swap3A_49 = vector.shape_cast %swap3A_48 : vector<1x16xf32> to vector<16xf32>
      %swap3A_50 = vector.shape_cast %broadcast_in_dim3A_46 : vector<16xf32> to vector<1x16xf32>
      tpu.vector_store %arg5[%swap3A, %swap3A_47], %swap3A_50 {strides = array<i32>} : memref<128x128xf32, #tpu.memory_space<vmem>>, vector<1x16xf32>,
      %broadcast_in_dim3A_51 = arith.constant 0.000000e+00 : f32
      %broadcast_in_dim3A_52 = vector.broadcast %broadcast_in_dim3A_51 : f32 to vector<16xf32>
      %swap3A_53 = arith.index_cast %scan3A_44 : i32 to index
      %swap3A_54 = arith.constant 16 : index
      %swap3A_55 = tpu.vector_load %arg5[%swap3A_53, %swap3A_54] {strides = array<i32>} : memref<128x128xf32, #tpu.memory_space<vmem>>, vector<1x16xf32>,
      %swap3A_56 = vector.shape_cast %swap3A_55 : vector<1x16xf32> to vector<16xf32>
      %swap3A_57 = vector.shape_cast %broadcast_in_dim3A_52 : vector<16xf32> to vector<1x16xf32>
      tpu.vector_store %arg5[%swap3A_53, %swap3A_54], %swap3A_57 {strides = array<i32>} : memref<128x128xf32, #tpu.memory_space<vmem>>, vector<1x16xf32>,
      %broadcast_in_dim3A_58 = arith.constant 0.000000e+00 : f32
      %broadcast_in_dim3A_59 = vector.broadcast %broadcast_in_dim3A_58 : f32 to vector<16xf32>
      %swap3A_60 = arith.index_cast %scan3A_44 : i32 to index
      %swap3A_61 = arith.constant 32 : index
      %swap3A_62 = tpu.vector_load %arg5[%swap3A_60, %swap3A_61] {strides = array<i32>} : memref<128x128xf32, #tpu.memory_space<vmem>>, vector<1x16xf32>,
      %swap3A_63 = vector.shape_cast %swap3A_62 : vector<1x16xf32> to vector<16xf32>
      %swap3A_64 = vector.shape_cast %broadcast_in_dim3A_59 : vector<16xf32> to vector<1x16xf32>
      tpu.vector_store %arg5[%swap3A_60, %swap3A_61], %swap3A_64 {strides = array<i32>} : memref<128x128xf32, #tpu.memory_space<vmem>>, vector<1x16xf32>,
      %broadcast_in_dim3A_65 = arith.constant 0.000000e+00 : f32
      %broadcast_in_dim3A_66 = vector.broadcast %broadcast_in_dim3A_65 : f32 to vector<16xf32>
      %swap3A_67 = arith.index_cast %scan3A_44 : i32 to index
      %swap3A_68 = arith.constant 48 : index
      %swap3A_69 = tpu.vector_load %arg5[%swap3A_67, %swap3A_68] {strides = array<i32>} : memref<128x128xf32, #tpu.memory_space<vmem>>, vector<1x16xf32>,
      %swap3A_70 = vector.shape_cast %swap3A_69 : vector<1x16xf32> to vector<16xf32>
      %swap3A_71 = vector.shape_cast %broadcast_in_dim3A_66 : vector<16xf32> to vector<1x16xf32>
      tpu.vector_store %arg5[%swap3A_67, %swap3A_68], %swap3A_71 {strides = array<i32>} : memref<128x128xf32, #tpu.memory_space<vmem>>, vector<1x16xf32>,
      %broadcast_in_dim3A_72 = arith.constant 0.000000e+00 : f32
      %broadcast_in_dim3A_73 = vector.broadcast %broadcast_in_dim3A_72 : f32 to vector<16xf32>
      %swap3A_74 = arith.index_cast %scan3A_44 : i32 to index
      %swap3A_75 = arith.constant 64 : index
      %swap3A_76 = tpu.vector_load %arg5[%swap3A_74, %swap3A_75] {strides = array<i32>} : memref<128x128xf32, #tpu.memory_space<vmem>>, vector<1x16xf32>,
      %swap3A_77 = vector.shape_cast %swap3A_76 : vector<1x16xf32> to vector<16xf32>
      %swap3A_78 = vector.shape_cast %broadcast_in_dim3A_73 : vector<16xf32> to vector<1x16xf32>
      tpu.vector_store %arg5[%swap3A_74, %swap3A_75], %swap3A_78 {strides = array<i32>} : memref<128x128xf32, #tpu.memory_space<vmem>>, vector<1x16xf32>,
      %broadcast_in_dim3A_79 = arith.constant 0.000000e+00 : f32
      %broadcast_in_dim3A_80 = vector.broadcast %broadcast_in_dim3A_79 : f32 to vector<16xf32>
      %swap3A_81 = arith.index_cast %scan3A_44 : i32 to index
      %swap3A_82 = arith.constant 80 : index
      %swap3A_83 = tpu.vector_load %arg5[%swap3A_81, %swap3A_82] {strides = array<i32>} : memref<128x128xf32, #tpu.memory_space<vmem>>, vector<1x16xf32>,
      %swap3A_84 = vector.shape_cast %swap3A_83 : vector<1x16xf32> to vector<16xf32>
      %swap3A_85 = vector.shape_cast %broadcast_in_dim3A_80 : vector<16xf32> to vector<1x16xf32>
      tpu.vector_store %arg5[%swap3A_81, %swap3A_82], %swap3A_85 {strides = array<i32>} : memref<128x128xf32, #tpu.memory_space<vmem>>, vector<1x16xf32>,
      %broadcast_in_dim3A_86 = arith.constant 0.000000e+00 : f32
      %broadcast_in_dim3A_87 = vector.broadcast %broadcast_in_dim3A_86 : f32 to vector<16xf32>
      %swap3A_88 = arith.index_cast %scan3A_44 : i32 to index
      %swap3A_89 = arith.constant 96 : index
      %swap3A_90 = tpu.vector_load %arg5[%swap3A_88, %swap3A_89] {strides = array<i32>} : memref<128x128xf32, #tpu.memory_space<vmem>>, vector<1x16xf32>,
      %swap3A_91 = vector.shape_cast %swap3A_90 : vector<1x16xf32> to vector<16xf32>
      %swap3A_92 = vector.shape_cast %broadcast_in_dim3A_87 : vector<16xf32> to vector<1x16xf32>
      tpu.vector_store %arg5[%swap3A_88, %swap3A_89], %swap3A_92 {strides = array<i32>} : memref<128x128xf32, #tpu.memory_space<vmem>>, vector<1x16xf32>,
      %broadcast_in_dim3A_93 = arith.constant 0.000000e+00 : f32
      %broadcast_in_dim3A_94 = vector.broadcast %broadcast_in_dim3A_93 : f32 to vector<16xf32>
      %swap3A_95 = arith.index_cast %scan3A_44 : i32 to index
      %swap3A_96 = arith.constant 112 : index
      %swap3A_97 = tpu.vector_load %arg5[%swap3A_95, %swap3A_96] {strides = array<i32>} : memref<128x128xf32, #tpu.memory_space<vmem>>, vector<1x16xf32>,
      %swap3A_98 = vector.shape_cast %swap3A_97 : vector<1x16xf32> to vector<16xf32>
      %swap3A_99 = vector.shape_cast %broadcast_in_dim3A_94 : vector<16xf32> to vector<1x16xf32>
      tpu.vector_store %arg5[%swap3A_95, %swap3A_96], %swap3A_99 {strides = array<i32>} : memref<128x128xf32, #tpu.memory_space<vmem>>, vector<1x16xf32>,
      %scan3A_100 = arith.constant 0 : i32
      scf.yield %scan3A_100 : i32
    }
    %scan3A_8 = arith.constant 128 : i32
    %add3A_9 = arith.constant 0 : i32
    %add3A_10 = arith.addi %mul3A_2, %add3A_9 : i32
    "tpu.region"() ({
      %run_scoped3A = tpu.sem_alloc : memref<!tpu.dma_semaphore, #tpu.memory_space<semaphore_mem>>
      %dma_start3A = arith.constant 0 : i32
      %dma_start3A_44 = tpu.memref_slice %arg6[%add3A_10, %dma_start3A] : memref<10240x128xf32, #tpu.memory_space<vmem_shared>> -> memref<128x128xf32, #tpu.memory_space<vmem_shared>>
      %dma_start3A_45 = arith.constant 0 : i32
      %dma_start3A_46 = tpu.memref_slice %arg6[%add3A_10, %dma_start3A_45] : memref<10240x128xf32, #tpu.memory_space<vmem_shared>> -> memref<128x128xf32, #tpu.memory_space<vmem_shared>>
      tpu.enqueue_dma source(%arg5 : memref<128x128xf32, #tpu.memory_space<vmem>>) target(%dma_start3A_46 : memref<128x128xf32, #tpu.memory_space<vmem_shared>>) target_semaphore(%run_scoped3A : memref<!tpu.dma_semaphore, #tpu.memory_space<semaphore_mem>>)
      %dma_wait3A = arith.constant 0 : i32
      %dma_wait3A_47 = tpu.memref_slice %arg6[%add3A_10, %dma_wait3A] : memref<10240x128xf32, #tpu.memory_space<vmem_shared>> -> memref<128x128xf32, #tpu.memory_space<vmem_shared>>
      %dma_wait3A_48 = arith.constant 0 : i32
      %dma_wait3A_49 = tpu.memref_slice %arg6[%add3A_10, %dma_wait3A_48] : memref<10240x128xf32, #tpu.memory_space<vmem_shared>> -> memref<128x128xf32, #tpu.memory_space<vmem_shared>>
      tpu.wait_dma2 semaphore(%run_scoped3A : memref<!tpu.dma_semaphore, #tpu.memory_space<semaphore_mem>>) src(%arg5 : memref<128x128xf32, #tpu.memory_space<vmem>>) dst(%dma_wait3A_49 : memref<128x128xf32, #tpu.memory_space<vmem_shared>>)
      tpu.yield
    }) : () -> ()
    %add3A_11 = arith.constant 128 : i32
    %add3A_12 = arith.addi %mul3A_2, %add3A_11 : i32
    "tpu.region"() ({
      %run_scoped3A = tpu.sem_alloc : memref<!tpu.dma_semaphore, #tpu.memory_space<semaphore_mem>>
      %dma_start3A = arith.constant 0 : i32
      %dma_start3A_44 = tpu.memref_slice %arg6[%add3A_12, %dma_start3A] : memref<10240x128xf32, #tpu.memory_space<vmem_shared>> -> memref<128x128xf32, #tpu.memory_space<vmem_shared>>
      %dma_start3A_45 = arith.constant 0 : i32
      %dma_start3A_46 = tpu.memref_slice %arg6[%add3A_12, %dma_start3A_45] : memref<10240x128xf32, #tpu.memory_space<vmem_shared>> -> memref<128x128xf32, #tpu.memory_space<vmem_shared>>
      tpu.enqueue_dma source(%arg5 : memref<128x128xf32, #tpu.memory_space<vmem>>) target(%dma_start3A_46 : memref<128x128xf32, #tpu.memory_space<vmem_shared>>) target_semaphore(%run_scoped3A : memref<!tpu.dma_semaphore, #tpu.memory_space<semaphore_mem>>)
      %dma_wait3A = arith.constant 0 : i32
      %dma_wait3A_47 = tpu.memref_slice %arg6[%add3A_12, %dma_wait3A] : memref<10240x128xf32, #tpu.memory_space<vmem_shared>> -> memref<128x128xf32, #tpu.memory_space<vmem_shared>>
      %dma_wait3A_48 = arith.constant 0 : i32
      %dma_wait3A_49 = tpu.memref_slice %arg6[%add3A_12, %dma_wait3A_48] : memref<10240x128xf32, #tpu.memory_space<vmem_shared>> -> memref<128x128xf32, #tpu.memory_space<vmem_shared>>
      tpu.wait_dma2 semaphore(%run_scoped3A : memref<!tpu.dma_semaphore, #tpu.memory_space<semaphore_mem>>) src(%arg5 : memref<128x128xf32, #tpu.memory_space<vmem>>) dst(%dma_wait3A_49 : memref<128x128xf32, #tpu.memory_space<vmem_shared>>)
      tpu.yield
    }) : () -> ()
    %add3A_13 = arith.constant 256 : i32
    %add3A_14 = arith.addi %mul3A_2, %add3A_13 : i32
    "tpu.region"() ({
      %run_scoped3A = tpu.sem_alloc : memref<!tpu.dma_semaphore, #tpu.memory_space<semaphore_mem>>
      %dma_start3A = arith.constant 0 : i32
      %dma_start3A_44 = tpu.memref_slice %arg6[%add3A_14, %dma_start3A] : memref<10240x128xf32, #tpu.memory_space<vmem_shared>> -> memref<128x128xf32, #tpu.memory_space<vmem_shared>>
      %dma_start3A_45 = arith.constant 0 : i32
      %dma_start3A_46 = tpu.memref_slice %arg6[%add3A_14, %dma_start3A_45] : memref<10240x128xf32, #tpu.memory_space<vmem_shared>> -> memref<128x128xf32, #tpu.memory_space<vmem_shared>>
      tpu.enqueue_dma source(%arg5 : memref<128x128xf32, #tpu.memory_space<vmem>>) target(%dma_start3A_46 : memref<128x128xf32, #tpu.memory_space<vmem_shared>>) target_semaphore(%run_scoped3A : memref<!tpu.dma_semaphore, #tpu.memory_space<semaphore_mem>>)
      %dma_wait3A = arith.constant 0 : i32
      %dma_wait3A_47 = tpu.memref_slice %arg6[%add3A_14, %dma_wait3A] : memref<10240x128xf32, #tpu.memory_space<vmem_shared>> -> memref<128x128xf32, #tpu.memory_space<vmem_shared>>
      %dma_wait3A_48 = arith.constant 0 : i32
      %dma_wait3A_49 = tpu.memref_slice %arg6[%add3A_14, %dma_wait3A_48] : memref<10240x128xf32, #tpu.memory_space<vmem_shared>> -> memref<128x128xf32, #tpu.memory_space<vmem_shared>>
      tpu.wait_dma2 semaphore(%run_scoped3A : memref<!tpu.dma_semaphore, #tpu.memory_space<semaphore_mem>>) src(%arg5 : memref<128x128xf32, #tpu.memory_space<vmem>>) dst(%dma_wait3A_49 : memref<128x128xf32, #tpu.memory_space<vmem_shared>>)
      tpu.yield
    }) : () -> ()
    %add3A_15 = arith.constant 384 : i32
    %add3A_16 = arith.addi %mul3A_2, %add3A_15 : i32
    "tpu.region"() ({
      %run_scoped3A = tpu.sem_alloc : memref<!tpu.dma_semaphore, #tpu.memory_space<semaphore_mem>>
      %dma_start3A = arith.constant 0 : i32
      %dma_start3A_44 = tpu.memref_slice %arg6[%add3A_16, %dma_start3A] : memref<10240x128xf32, #tpu.memory_space<vmem_shared>> -> memref<128x128xf32, #tpu.memory_space<vmem_shared>>
      %dma_start3A_45 = arith.constant 0 : i32
      %dma_start3A_46 = tpu.memref_slice %arg6[%add3A_16, %dma_start3A_45] : memref<10240x128xf32, #tpu.memory_space<vmem_shared>> -> memref<128x128xf32, #tpu.memory_space<vmem_shared>>
      tpu.enqueue_dma source(%arg5 : memref<128x128xf32, #tpu.memory_space<vmem>>) target(%dma_start3A_46 : memref<128x128xf32, #tpu.memory_space<vmem_shared>>) target_semaphore(%run_scoped3A : memref<!tpu.dma_semaphore, #tpu.memory_space<semaphore_mem>>)
      %dma_wait3A = arith.constant 0 : i32
      %dma_wait3A_47 = tpu.memref_slice %arg6[%add3A_16, %dma_wait3A] : memref<10240x128xf32, #tpu.memory_space<vmem_shared>> -> memref<128x128xf32, #tpu.memory_space<vmem_shared>>
      %dma_wait3A_48 = arith.constant 0 : i32
      %dma_wait3A_49 = tpu.memref_slice %arg6[%add3A_16, %dma_wait3A_48] : memref<10240x128xf32, #tpu.memory_space<vmem_shared>> -> memref<128x128xf32, #tpu.memory_space<vmem_shared>>
      tpu.wait_dma2 semaphore(%run_scoped3A : memref<!tpu.dma_semaphore, #tpu.memory_space<semaphore_mem>>) src(%arg5 : memref<128x128xf32, #tpu.memory_space<vmem>>) dst(%dma_wait3A_49 : memref<128x128xf32, #tpu.memory_space<vmem_shared>>)
      tpu.yield
    }) : () -> ()
    %add3A_17 = arith.constant 512 : i32
    %add3A_18 = arith.addi %mul3A_2, %add3A_17 : i32
    "tpu.region"() ({
      %run_scoped3A = tpu.sem_alloc : memref<!tpu.dma_semaphore, #tpu.memory_space<semaphore_mem>>
      %dma_start3A = arith.constant 0 : i32
      %dma_start3A_44 = tpu.memref_slice %arg6[%add3A_18, %dma_start3A] : memref<10240x128xf32, #tpu.memory_space<vmem_shared>> -> memref<128x128xf32, #tpu.memory_space<vmem_shared>>
      %dma_start3A_45 = arith.constant 0 : i32
      %dma_start3A_46 = tpu.memref_slice %arg6[%add3A_18, %dma_start3A_45] : memref<10240x128xf32, #tpu.memory_space<vmem_shared>> -> memref<128x128xf32, #tpu.memory_space<vmem_shared>>
      tpu.enqueue_dma source(%arg5 : memref<128x128xf32, #tpu.memory_space<vmem>>) target(%dma_start3A_46 : memref<128x128xf32, #tpu.memory_space<vmem_shared>>) target_semaphore(%run_scoped3A : memref<!tpu.dma_semaphore, #tpu.memory_space<semaphore_mem>>)
      %dma_wait3A = arith.constant 0 : i32
      %dma_wait3A_47 = tpu.memref_slice %arg6[%add3A_18, %dma_wait3A] : memref<10240x128xf32, #tpu.memory_space<vmem_shared>> -> memref<128x128xf32, #tpu.memory_space<vmem_shared>>
      %dma_wait3A_48 = arith.constant 0 : i32
      %dma_wait3A_49 = tpu.memref_slice %arg6[%add3A_18, %dma_wait3A_48] : memref<10240x128xf32, #tpu.memory_space<vmem_shared>> -> memref<128x128xf32, #tpu.memory_space<vmem_shared>>
      tpu.wait_dma2 semaphore(%run_scoped3A : memref<!tpu.dma_semaphore, #tpu.memory_space<semaphore_mem>>) src(%arg5 : memref<128x128xf32, #tpu.memory_space<vmem>>) dst(%dma_wait3A_49 : memref<128x128xf32, #tpu.memory_space<vmem_shared>>)
      tpu.yield
    }) : () -> ()
    %scan3A_19 = arith.constant 0 : i32
    %scan3A_20 = arith.constant 0 : i32
    %scan3A_21 = arith.constant 128 : i32
    %scan3A_22 = arith.addi %scan3A_20, %scan3A_21 : i32
    %scan3A_23 = arith.constant 1 : i32
    %scan3A_24 = scf.for %scan3A_44 = %scan3A_20 to %scan3A_22 step %scan3A_23 iter_args(%scan3A_45 = %scan3A_19) -> (i32)  : i32 {
      %broadcast_in_dim3A = arith.constant 1.000000e+00 : f32
      %broadcast_in_dim3A_46 = vector.broadcast %broadcast_in_dim3A : f32 to vector<16xf32>
      %swap3A = arith.index_cast %scan3A_44 : i32 to index
      %swap3A_47 = arith.constant 0 : index
      %swap3A_48 = tpu.vector_load %arg5[%swap3A, %swap3A_47] {strides = array<i32>} : memref<128x128xf32, #tpu.memory_space<vmem>>, vector<1x16xf32>,
      %swap3A_49 = vector.shape_cast %swap3A_48 : vector<1x16xf32> to vector<16xf32>
      %swap3A_50 = vector.shape_cast %broadcast_in_dim3A_46 : vector<16xf32> to vector<1x16xf32>
      tpu.vector_store %arg5[%swap3A, %swap3A_47], %swap3A_50 {strides = array<i32>} : memref<128x128xf32, #tpu.memory_space<vmem>>, vector<1x16xf32>,
      %broadcast_in_dim3A_51 = arith.constant 1.000000e+00 : f32
      %broadcast_in_dim3A_52 = vector.broadcast %broadcast_in_dim3A_51 : f32 to vector<16xf32>
      %swap3A_53 = arith.index_cast %scan3A_44 : i32 to index
      %swap3A_54 = arith.constant 16 : index
      %swap3A_55 = tpu.vector_load %arg5[%swap3A_53, %swap3A_54] {strides = array<i32>} : memref<128x128xf32, #tpu.memory_space<vmem>>, vector<1x16xf32>,
      %swap3A_56 = vector.shape_cast %swap3A_55 : vector<1x16xf32> to vector<16xf32>
      %swap3A_57 = vector.shape_cast %broadcast_in_dim3A_52 : vector<16xf32> to vector<1x16xf32>
      tpu.vector_store %arg5[%swap3A_53, %swap3A_54], %swap3A_57 {strides = array<i32>} : memref<128x128xf32, #tpu.memory_space<vmem>>, vector<1x16xf32>,
      %broadcast_in_dim3A_58 = arith.constant 1.000000e+00 : f32
      %broadcast_in_dim3A_59 = vector.broadcast %broadcast_in_dim3A_58 : f32 to vector<16xf32>
      %swap3A_60 = arith.index_cast %scan3A_44 : i32 to index
      %swap3A_61 = arith.constant 32 : index
      %swap3A_62 = tpu.vector_load %arg5[%swap3A_60, %swap3A_61] {strides = array<i32>} : memref<128x128xf32, #tpu.memory_space<vmem>>, vector<1x16xf32>,
      %swap3A_63 = vector.shape_cast %swap3A_62 : vector<1x16xf32> to vector<16xf32>
      %swap3A_64 = vector.shape_cast %broadcast_in_dim3A_59 : vector<16xf32> to vector<1x16xf32>
      tpu.vector_store %arg5[%swap3A_60, %swap3A_61], %swap3A_64 {strides = array<i32>} : memref<128x128xf32, #tpu.memory_space<vmem>>, vector<1x16xf32>,
      %broadcast_in_dim3A_65 = arith.constant 1.000000e+00 : f32
      %broadcast_in_dim3A_66 = vector.broadcast %broadcast_in_dim3A_65 : f32 to vector<16xf32>
      %swap3A_67 = arith.index_cast %scan3A_44 : i32 to index
      %swap3A_68 = arith.constant 48 : index
      %swap3A_69 = tpu.vector_load %arg5[%swap3A_67, %swap3A_68] {strides = array<i32>} : memref<128x128xf32, #tpu.memory_space<vmem>>, vector<1x16xf32>,
      %swap3A_70 = vector.shape_cast %swap3A_69 : vector<1x16xf32> to vector<16xf32>
      %swap3A_71 = vector.shape_cast %broadcast_in_dim3A_66 : vector<16xf32> to vector<1x16xf32>
      tpu.vector_store %arg5[%swap3A_67, %swap3A_68], %swap3A_71 {strides = array<i32>} : memref<128x128xf32, #tpu.memory_space<vmem>>, vector<1x16xf32>,
      %broadcast_in_dim3A_72 = arith.constant 1.000000e+00 : f32
      %broadcast_in_dim3A_73 = vector.broadcast %broadcast_in_dim3A_72 : f32 to vector<16xf32>
      %swap3A_74 = arith.index_cast %scan3A_44 : i32 to index
      %swap3A_75 = arith.constant 64 : index
      %swap3A_76 = tpu.vector_load %arg5[%swap3A_74, %swap3A_75] {strides = array<i32>} : memref<128x128xf32, #tpu.memory_space<vmem>>, vector<1x16xf32>,
      %swap3A_77 = vector.shape_cast %swap3A_76 : vector<1x16xf32> to vector<16xf32>
      %swap3A_78 = vector.shape_cast %broadcast_in_dim3A_73 : vector<16xf32> to vector<1x16xf32>
      tpu.vector_store %arg5[%swap3A_74, %swap3A_75], %swap3A_78 {strides = array<i32>} : memref<128x128xf32, #tpu.memory_space<vmem>>, vector<1x16xf32>,
      %broadcast_in_dim3A_79 = arith.constant 1.000000e+00 : f32
      %broadcast_in_dim3A_80 = vector.broadcast %broadcast_in_dim3A_79 : f32 to vector<16xf32>
      %swap3A_81 = arith.index_cast %scan3A_44 : i32 to index
      %swap3A_82 = arith.constant 80 : index
      %swap3A_83 = tpu.vector_load %arg5[%swap3A_81, %swap3A_82] {strides = array<i32>} : memref<128x128xf32, #tpu.memory_space<vmem>>, vector<1x16xf32>,
      %swap3A_84 = vector.shape_cast %swap3A_83 : vector<1x16xf32> to vector<16xf32>
      %swap3A_85 = vector.shape_cast %broadcast_in_dim3A_80 : vector<16xf32> to vector<1x16xf32>
      tpu.vector_store %arg5[%swap3A_81, %swap3A_82], %swap3A_85 {strides = array<i32>} : memref<128x128xf32, #tpu.memory_space<vmem>>, vector<1x16xf32>,
      %broadcast_in_dim3A_86 = arith.constant 1.000000e+00 : f32
      %broadcast_in_dim3A_87 = vector.broadcast %broadcast_in_dim3A_86 : f32 to vector<16xf32>
      %swap3A_88 = arith.index_cast %scan3A_44 : i32 to index
      %swap3A_89 = arith.constant 96 : index
      %swap3A_90 = tpu.vector_load %arg5[%swap3A_88, %swap3A_89] {strides = array<i32>} : memref<128x128xf32, #tpu.memory_space<vmem>>, vector<1x16xf32>,
      %swap3A_91 = vector.shape_cast %swap3A_90 : vector<1x16xf32> to vector<16xf32>
      %swap3A_92 = vector.shape_cast %broadcast_in_dim3A_87 : vector<16xf32> to vector<1x16xf32>
      tpu.vector_store %arg5[%swap3A_88, %swap3A_89], %swap3A_92 {strides = array<i32>} : memref<128x128xf32, #tpu.memory_space<vmem>>, vector<1x16xf32>,
      %broadcast_in_dim3A_93 = arith.constant 1.000000e+00 : f32
      %broadcast_in_dim3A_94 = vector.broadcast %broadcast_in_dim3A_93 : f32 to vector<16xf32>
      %swap3A_95 = arith.index_cast %scan3A_44 : i32 to index
      %swap3A_96 = arith.constant 112 : index
      %swap3A_97 = tpu.vector_load %arg5[%swap3A_95, %swap3A_96] {strides = array<i32>} : memref<128x128xf32, #tpu.memory_space<vmem>>, vector<1x16xf32>,
      %swap3A_98 = vector.shape_cast %swap3A_97 : vector<1x16xf32> to vector<16xf32>
      %swap3A_99 = vector.shape_cast %broadcast_in_dim3A_94 : vector<16xf32> to vector<1x16xf32>
      tpu.vector_store %arg5[%swap3A_95, %swap3A_96], %swap3A_99 {strides = array<i32>} : memref<128x128xf32, #tpu.memory_space<vmem>>, vector<1x16xf32>,
      %scan3A_100 = arith.constant 0 : i32
      scf.yield %scan3A_100 : i32
    }
    %scan3A_25 = arith.constant 128 : i32
    %barrier3A = arith.constant 0 : index
    tpu.barrier barrier_id(%barrier3A)
    "tpu.region"() ({
      %run_scoped3A = tpu.sem_alloc : memref<!tpu.dma_semaphore, #tpu.memory_space<semaphore_mem>>
      %dma_start3A = arith.constant 0 : i32
      %dma_start3A_44 = arith.constant 0 : i32
      %dma_start3A_45 = tpu.memref_slice %arg2[%add3A, %dma_start3A, %dma_start3A_44] : memref<32x80x128xi32, #tpu.memory_space<hbm>> -> memref<1x80x128xi32, #tpu.memory_space<hbm>>
      %dma_start3A_46 = tpu.memref_squeeze %dma_start3A_45 : memref<1x80x128xi32, #tpu.memory_space<hbm>> -> memref<80x128xi32, #tpu.memory_space<hbm>>
      %dma_start3A_47 = arith.constant 0 : i32
      %dma_start3A_48 = arith.constant 0 : i32
      %dma_start3A_49 = tpu.memref_slice %arg2[%add3A, %dma_start3A_47, %dma_start3A_48] : memref<32x80x128xi32, #tpu.memory_space<hbm>> -> memref<1x80x128xi32, #tpu.memory_space<hbm>>
      %dma_start3A_50 = tpu.memref_squeeze %dma_start3A_49 : memref<1x80x128xi32, #tpu.memory_space<hbm>> -> memref<80x128xi32, #tpu.memory_space<hbm>>
      tpu.enqueue_dma source(%dma_start3A_50 : memref<80x128xi32, #tpu.memory_space<hbm>>) target(%arg4 : memref<80x128xi32, #tpu.memory_space<vmem>>) target_semaphore(%run_scoped3A : memref<!tpu.dma_semaphore, #tpu.memory_space<semaphore_mem>>)
      %dma_wait3A = arith.constant 0 : i32
      %dma_wait3A_51 = arith.constant 0 : i32
      %dma_wait3A_52 = tpu.memref_slice %arg2[%add3A, %dma_wait3A, %dma_wait3A_51] : memref<32x80x128xi32, #tpu.memory_space<hbm>> -> memref<1x80x128xi32, #tpu.memory_space<hbm>>
      %dma_wait3A_53 = tpu.memref_squeeze %dma_wait3A_52 : memref<1x80x128xi32, #tpu.memory_space<hbm>> -> memref<80x128xi32, #tpu.memory_space<hbm>>
      %dma_wait3A_54 = arith.constant 0 : i32
      %dma_wait3A_55 = arith.constant 0 : i32
      %dma_wait3A_56 = tpu.memref_slice %arg2[%add3A, %dma_wait3A_54, %dma_wait3A_55] : memref<32x80x128xi32, #tpu.memory_space<hbm>> -> memref<1x80x128xi32, #tpu.memory_space<hbm>>
      %dma_wait3A_57 = tpu.memref_squeeze %dma_wait3A_56 : memref<1x80x128xi32, #tpu.memory_space<hbm>> -> memref<80x128xi32, #tpu.memory_space<hbm>>
      tpu.wait_dma2 semaphore(%run_scoped3A : memref<!tpu.dma_semaphore, #tpu.memory_space<semaphore_mem>>) src(%dma_wait3A_57 : memref<80x128xi32, #tpu.memory_space<hbm>>) dst(%arg4 : memref<80x128xi32, #tpu.memory_space<vmem>>)
      tpu.yield
    }) : () -> ()
    %scan3A_26 = arith.constant 0 : i32
    %scan3A_27 = arith.constant 0 : i32
    %scan3A_28 = arith.constant 80 : i32
    %scan3A_29 = arith.addi %scan3A_27, %scan3A_28 : i32
    %scan3A_30 = arith.constant 1 : i32
    %scan3A_31 = scf.for %scan3A_44 = %scan3A_27 to %scan3A_29 step %scan3A_30 iter_args(%scan3A_45 = %scan3A_26) -> (i32)  : i32 {
      "tpu.region"() ({
        %run_scoped3A = tpu.sem_alloc : memref<!tpu.dma_semaphore, #tpu.memory_space<semaphore_mem>>
        %dma_start3A = arith.constant 0 : i32
        %dma_start3A_47 = tpu.memref_slice %arg4[%scan3A_44, %dma_start3A] : memref<80x128xi32, #tpu.memory_space<vmem>> -> memref<1x128xi32, #tpu.memory_space<vmem>>
        %dma_start3A_48 = tpu.memref_squeeze %dma_start3A_47 : memref<1x128xi32, #tpu.memory_space<vmem>> -> memref<128xi32, #tpu.memory_space<vmem>>
        %dma_start3A_49 = arith.constant 0 : i32
        %dma_start3A_50 = arith.constant 0 : i32
        %dma_start3A_51 = tpu.memref_slice %arg6[%dma_start3A_49, %dma_start3A_50] : memref<10240x128xf32, #tpu.memory_space<vmem_shared>> -> memref<10240x128xf32, #tpu.memory_space<vmem_shared>>
        tpu.enqueue_indirect_dma source(%arg5 : memref<128x128xf32, #tpu.memory_space<vmem>>) target(%dma_start3A_51 : memref<10240x128xf32, #tpu.memory_space<vmem_shared>>) offsets(%dma_start3A_48 : memref<128xi32, #tpu.memory_space<vmem>>) semaphore(%run_scoped3A : memref<!tpu.dma_semaphore, #tpu.memory_space<semaphore_mem>>) {add = true}
        %dma_wait3A = arith.constant 0 : i32
        %dma_wait3A_52 = tpu.memref_slice %arg4[%scan3A_44, %dma_wait3A] : memref<80x128xi32, #tpu.memory_space<vmem>> -> memref<1x128xi32, #tpu.memory_space<vmem>>
        %dma_wait3A_53 = tpu.memref_squeeze %dma_wait3A_52 : memref<1x128xi32, #tpu.memory_space<vmem>> -> memref<128xi32, #tpu.memory_space<vmem>>
        %dma_wait3A_54 = arith.constant 0 : i32
        %dma_wait3A_55 = arith.constant 0 : i32
        %dma_wait3A_56 = tpu.memref_slice %arg6[%dma_wait3A_54, %dma_wait3A_55] : memref<10240x128xf32, #tpu.memory_space<vmem_shared>> -> memref<10240x128xf32, #tpu.memory_space<vmem_shared>>
        tpu.wait_indirect_dma semaphore(%run_scoped3A : memref<!tpu.dma_semaphore, #tpu.memory_space<semaphore_mem>>) src(%arg5 : memref<128x128xf32, #tpu.memory_space<vmem>>) dst(%dma_wait3A_56 : memref<10240x128xf32, #tpu.memory_space<vmem_shared>>)
        tpu.yield
      }) : () -> ()
      %scan3A_46 = arith.constant 0 : i32
      scf.yield %scan3A_46 : i32
    }
    %scan3A_32 = arith.constant 80 : i32
    %barrier3A_33 = arith.constant 0 : index
    tpu.barrier barrier_id(%barrier3A_33)
    %add3A_34 = arith.constant 0 : i32
    %add3A_35 = arith.addi %mul3A_2, %add3A_34 : i32
    "tpu.region"() ({
      %run_scoped3A = tpu.sem_alloc : memref<!tpu.dma_semaphore, #tpu.memory_space<semaphore_mem>>
      %dma_start3A = arith.constant 0 : i32
      %dma_start3A_44 = tpu.memref_slice %arg3[%arg0, %add3A_35, %dma_start3A] : memref<2x10240x128xf32, #tpu.memory_space<hbm>> -> memref<1x128x128xf32, #tpu.memory_space<hbm>>
      %dma_start3A_45 = tpu.memref_squeeze %dma_start3A_44 : memref<1x128x128xf32, #tpu.memory_space<hbm>> -> memref<128x128xf32, #tpu.memory_space<hbm>>
      %dma_start3A_46 = arith.constant 0 : i32
      %dma_start3A_47 = tpu.memref_slice %arg6[%add3A_35, %dma_start3A_46] : memref<10240x128xf32, #tpu.memory_space<vmem_shared>> -> memref<128x128xf32, #tpu.memory_space<vmem_shared>>
      tpu.enqueue_dma source(%dma_start3A_47 : memref<128x128xf32, #tpu.memory_space<vmem_shared>>) target(%dma_start3A_45 : memref<128x128xf32, #tpu.memory_space<hbm>>) target_semaphore(%run_scoped3A : memref<!tpu.dma_semaphore, #tpu.memory_space<semaphore_mem>>)
      %dma_wait3A = arith.constant 0 : i32
      %dma_wait3A_48 = tpu.memref_slice %arg3[%arg0, %add3A_35, %dma_wait3A] : memref<2x10240x128xf32, #tpu.memory_space<hbm>> -> memref<1x128x128xf32, #tpu.memory_space<hbm>>
      %dma_wait3A_49 = tpu.memref_squeeze %dma_wait3A_48 : memref<1x128x128xf32, #tpu.memory_space<hbm>> -> memref<128x128xf32, #tpu.memory_space<hbm>>
      %dma_wait3A_50 = arith.constant 0 : i32
      %dma_wait3A_51 = tpu.memref_slice %arg6[%add3A_35, %dma_wait3A_50] : memref<10240x128xf32, #tpu.memory_space<vmem_shared>> -> memref<128x128xf32, #tpu.memory_space<vmem_shared>>
      tpu.wait_dma2 semaphore(%run_scoped3A : memref<!tpu.dma_semaphore, #tpu.memory_space<semaphore_mem>>) src(%dma_wait3A_51 : memref<128x128xf32, #tpu.memory_space<vmem_shared>>) dst(%dma_wait3A_49 : memref<128x128xf32, #tpu.memory_space<hbm>>)
      tpu.yield
    }) : () -> ()
    %add3A_36 = arith.constant 128 : i32
    %add3A_37 = arith.addi %mul3A_2, %add3A_36 : i32
    "tpu.region"() ({
      %run_scoped3A = tpu.sem_alloc : memref<!tpu.dma_semaphore, #tpu.memory_space<semaphore_mem>>
      %dma_start3A = arith.constant 0 : i32
      %dma_start3A_44 = tpu.memref_slice %arg3[%arg0, %add3A_37, %dma_start3A] : memref<2x10240x128xf32, #tpu.memory_space<hbm>> -> memref<1x128x128xf32, #tpu.memory_space<hbm>>
      %dma_start3A_45 = tpu.memref_squeeze %dma_start3A_44 : memref<1x128x128xf32, #tpu.memory_space<hbm>> -> memref<128x128xf32, #tpu.memory_space<hbm>>
      %dma_start3A_46 = arith.constant 0 : i32
      %dma_start3A_47 = tpu.memref_slice %arg6[%add3A_37, %dma_start3A_46] : memref<10240x128xf32, #tpu.memory_space<vmem_shared>> -> memref<128x128xf32, #tpu.memory_space<vmem_shared>>
      tpu.enqueue_dma source(%dma_start3A_47 : memref<128x128xf32, #tpu.memory_space<vmem_shared>>) target(%dma_start3A_45 : memref<128x128xf32, #tpu.memory_space<hbm>>) target_semaphore(%run_scoped3A : memref<!tpu.dma_semaphore, #tpu.memory_space<semaphore_mem>>)
      %dma_wait3A = arith.constant 0 : i32
      %dma_wait3A_48 = tpu.memref_slice %arg3[%arg0, %add3A_37, %dma_wait3A] : memref<2x10240x128xf32, #tpu.memory_space<hbm>> -> memref<1x128x128xf32, #tpu.memory_space<hbm>>
      %dma_wait3A_49 = tpu.memref_squeeze %dma_wait3A_48 : memref<1x128x128xf32, #tpu.memory_space<hbm>> -> memref<128x128xf32, #tpu.memory_space<hbm>>
      %dma_wait3A_50 = arith.constant 0 : i32
      %dma_wait3A_51 = tpu.memref_slice %arg6[%add3A_37, %dma_wait3A_50] : memref<10240x128xf32, #tpu.memory_space<vmem_shared>> -> memref<128x128xf32, #tpu.memory_space<vmem_shared>>
      tpu.wait_dma2 semaphore(%run_scoped3A : memref<!tpu.dma_semaphore, #tpu.memory_space<semaphore_mem>>) src(%dma_wait3A_51 : memref<128x128xf32, #tpu.memory_space<vmem_shared>>) dst(%dma_wait3A_49 : memref<128x128xf32, #tpu.memory_space<hbm>>)
      tpu.yield
    }) : () -> ()
    %add3A_38 = arith.constant 256 : i32
    %add3A_39 = arith.addi %mul3A_2, %add3A_38 : i32
    "tpu.region"() ({
      %run_scoped3A = tpu.sem_alloc : memref<!tpu.dma_semaphore, #tpu.memory_space<semaphore_mem>>
      %dma_start3A = arith.constant 0 : i32
      %dma_start3A_44 = tpu.memref_slice %arg3[%arg0, %add3A_39, %dma_start3A] : memref<2x10240x128xf32, #tpu.memory_space<hbm>> -> memref<1x128x128xf32, #tpu.memory_space<hbm>>
      %dma_start3A_45 = tpu.memref_squeeze %dma_start3A_44 : memref<1x128x128xf32, #tpu.memory_space<hbm>> -> memref<128x128xf32, #tpu.memory_space<hbm>>
      %dma_start3A_46 = arith.constant 0 : i32
      %dma_start3A_47 = tpu.memref_slice %arg6[%add3A_39, %dma_start3A_46] : memref<10240x128xf32, #tpu.memory_space<vmem_shared>> -> memref<128x128xf32, #tpu.memory_space<vmem_shared>>
      tpu.enqueue_dma source(%dma_start3A_47 : memref<128x128xf32, #tpu.memory_space<vmem_shared>>) target(%dma_start3A_45 : memref<128x128xf32, #tpu.memory_space<hbm>>) target_semaphore(%run_scoped3A : memref<!tpu.dma_semaphore, #tpu.memory_space<semaphore_mem>>)
      %dma_wait3A = arith.constant 0 : i32
      %dma_wait3A_48 = tpu.memref_slice %arg3[%arg0, %add3A_39, %dma_wait3A] : memref<2x10240x128xf32, #tpu.memory_space<hbm>> -> memref<1x128x128xf32, #tpu.memory_space<hbm>>
      %dma_wait3A_49 = tpu.memref_squeeze %dma_wait3A_48 : memref<1x128x128xf32, #tpu.memory_space<hbm>> -> memref<128x128xf32, #tpu.memory_space<hbm>>
      %dma_wait3A_50 = arith.constant 0 : i32
      %dma_wait3A_51 = tpu.memref_slice %arg6[%add3A_39, %dma_wait3A_50] : memref<10240x128xf32, #tpu.memory_space<vmem_shared>> -> memref<128x128xf32, #tpu.memory_space<vmem_shared>>
      tpu.wait_dma2 semaphore(%run_scoped3A : memref<!tpu.dma_semaphore, #tpu.memory_space<semaphore_mem>>) src(%dma_wait3A_51 : memref<128x128xf32, #tpu.memory_space<vmem_shared>>) dst(%dma_wait3A_49 : memref<128x128xf32, #tpu.memory_space<hbm>>)
      tpu.yield
    }) : () -> ()
    %add3A_40 = arith.constant 384 : i32
    %add3A_41 = arith.addi %mul3A_2, %add3A_40 : i32
    "tpu.region"() ({
      %run_scoped3A = tpu.sem_alloc : memref<!tpu.dma_semaphore, #tpu.memory_space<semaphore_mem>>
      %dma_start3A = arith.constant 0 : i32
      %dma_start3A_44 = tpu.memref_slice %arg3[%arg0, %add3A_41, %dma_start3A] : memref<2x10240x128xf32, #tpu.memory_space<hbm>> -> memref<1x128x128xf32, #tpu.memory_space<hbm>>
      %dma_start3A_45 = tpu.memref_squeeze %dma_start3A_44 : memref<1x128x128xf32, #tpu.memory_space<hbm>> -> memref<128x128xf32, #tpu.memory_space<hbm>>
      %dma_start3A_46 = arith.constant 0 : i32
      %dma_start3A_47 = tpu.memref_slice %arg6[%add3A_41, %dma_start3A_46] : memref<10240x128xf32, #tpu.memory_space<vmem_shared>> -> memref<128x128xf32, #tpu.memory_space<vmem_shared>>
      tpu.enqueue_dma source(%dma_start3A_47 : memref<128x128xf32, #tpu.memory_space<vmem_shared>>) target(%dma_start3A_45 : memref<128x128xf32, #tpu.memory_space<hbm>>) target_semaphore(%run_scoped3A : memref<!tpu.dma_semaphore, #tpu.memory_space<semaphore_mem>>)
      %dma_wait3A = arith.constant 0 : i32
      %dma_wait3A_48 = tpu.memref_slice %arg3[%arg0, %add3A_41, %dma_wait3A] : memref<2x10240x128xf32, #tpu.memory_space<hbm>> -> memref<1x128x128xf32, #tpu.memory_space<hbm>>
      %dma_wait3A_49 = tpu.memref_squeeze %dma_wait3A_48 : memref<1x128x128xf32, #tpu.memory_space<hbm>> -> memref<128x128xf32, #tpu.memory_space<hbm>>
      %dma_wait3A_50 = arith.constant 0 : i32
      %dma_wait3A_51 = tpu.memref_slice %arg6[%add3A_41, %dma_wait3A_50] : memref<10240x128xf32, #tpu.memory_space<vmem_shared>> -> memref<128x128xf32, #tpu.memory_space<vmem_shared>>
      tpu.wait_dma2 semaphore(%run_scoped3A : memref<!tpu.dma_semaphore, #tpu.memory_space<semaphore_mem>>) src(%dma_wait3A_51 : memref<128x128xf32, #tpu.memory_space<vmem_shared>>) dst(%dma_wait3A_49 : memref<128x128xf32, #tpu.memory_space<hbm>>)
      tpu.yield
    }) : () -> ()
    %add3A_42 = arith.constant 512 : i32
    %add3A_43 = arith.addi %mul3A_2, %add3A_42 : i32
    "tpu.region"() ({
      %run_scoped3A = tpu.sem_alloc : memref<!tpu.dma_semaphore, #tpu.memory_space<semaphore_mem>>
      %dma_start3A = arith.constant 0 : i32
      %dma_start3A_44 = tpu.memref_slice %arg3[%arg0, %add3A_43, %dma_start3A] : memref<2x10240x128xf32, #tpu.memory_space<hbm>> -> memref<1x128x128xf32, #tpu.memory_space<hbm>>
      %dma_start3A_45 = tpu.memref_squeeze %dma_start3A_44 : memref<1x128x128xf32, #tpu.memory_space<hbm>> -> memref<128x128xf32, #tpu.memory_space<hbm>>
      %dma_start3A_46 = arith.constant 0 : i32
      %dma_start3A_47 = tpu.memref_slice %arg6[%add3A_43, %dma_start3A_46] : memref<10240x128xf32, #tpu.memory_space<vmem_shared>> -> memref<128x128xf32, #tpu.memory_space<vmem_shared>>
      tpu.enqueue_dma source(%dma_start3A_47 : memref<128x128xf32, #tpu.memory_space<vmem_shared>>) target(%dma_start3A_45 : memref<128x128xf32, #tpu.memory_space<hbm>>) target_semaphore(%run_scoped3A : memref<!tpu.dma_semaphore, #tpu.memory_space<semaphore_mem>>)
      %dma_wait3A = arith.constant 0 : i32
      %dma_wait3A_48 = tpu.memref_slice %arg3[%arg0, %add3A_43, %dma_wait3A] : memref<2x10240x128xf32, #tpu.memory_space<hbm>> -> memref<1x128x128xf32, #tpu.memory_space<hbm>>
      %dma_wait3A_49 = tpu.memref_squeeze %dma_wait3A_48 : memref<1x128x128xf32, #tpu.memory_space<hbm>> -> memref<128x128xf32, #tpu.memory_space<hbm>>
      %dma_wait3A_50 = arith.constant 0 : i32
      %dma_wait3A_51 = tpu.memref_slice %arg6[%add3A_43, %dma_wait3A_50] : memref<10240x128xf32, #tpu.memory_space<vmem_shared>> -> memref<128x128xf32, #tpu.memory_space<vmem_shared>>
      tpu.wait_dma2 semaphore(%run_scoped3A : memref<!tpu.dma_semaphore, #tpu.memory_space<semaphore_mem>>) src(%dma_wait3A_51 : memref<128x128xf32, #tpu.memory_space<vmem_shared>>) dst(%dma_wait3A_49 : memref<128x128xf32, #tpu.memory_space<hbm>>)
      tpu.yield
    }) : () -> ()
    return
  }
}

#map = affine_map<(d0, d1) -> (0, 0)>
#map1 = affine_map<(d0, d1) -> (0, 0, 0)>
module attributes {stable_mosaic.version = 14 : i64} {
  func.func @body(%arg0: i32, %arg1: i32, %arg2: memref<10000x128xf32, #tpu.memory_space<hbm>>, %arg3: memref<32x80x128xi32, #tpu.memory_space<hbm>>, %arg4: memref<32x80x128xi32, #tpu.memory_space<hbm>>, %arg5: memref<2x10240x128xf32, #tpu.memory_space<hbm>>, %arg6: memref<80x128xi32, #tpu.memory_space<vmem>>, %arg7: memref<64xi32, #tpu.memory_space<vmem>>, %arg8: memref<64xi32, #tpu.memory_space<vmem>>, %arg9: memref<64xi32, #tpu.memory_space<vmem>>, %arg10: memref<64xi32, #tpu.memory_space<vmem>>, %arg11: memref<64x128xf32, #tpu.memory_space<vmem>>, %arg12: memref<64x128xf32, #tpu.memory_space<vmem>>, %arg13: memref<64x128xf32, #tpu.memory_space<vmem>>, %arg14: memref<64x128xf32, #tpu.memory_space<vmem>>, %arg15: memref<10240x128xf32, #tpu.memory_space<vmem_shared>>, %arg16: memref<!tpu.dma_semaphore, #tpu.memory_space<semaphore_mem>>, %arg17: memref<!tpu.dma_semaphore, #tpu.memory_space<semaphore_mem>>, %arg18: memref<!tpu.dma_semaphore, #tpu.memory_space<semaphore_mem>>, %arg19: memref<!tpu.dma_semaphore, #tpu.memory_space<semaphore_mem>>, %arg20: memref<!tpu.dma_semaphore, #tpu.memory_space<semaphore_mem>>, %arg21: memref<!tpu.dma_semaphore, #tpu.memory_space<semaphore_mem>>, %arg22: memref<!tpu.dma_semaphore, #tpu.memory_space<semaphore_mem>>, %arg23: memref<!tpu.dma_semaphore, #tpu.memory_space<semaphore_mem>>) attributes {dimension_semantics = [#tpu.dimension_semantics<core_parallel>, #tpu.dimension_semantics<subcore_parallel>], iteration_bounds = array<i64: 2, 16>, scalar_prefetch = 0 : i64, scratch_operands = 18 : i64, tpu.core_type = #tpu.core_type<sc_vector_subcore>, window_params = [{transform_indices = #map}, {transform_indices = #map1}, {transform_indices = #map1}, {transform_indices = #map1}]} {
    %mul3A = arith.constant 16 : i32
    %mul3A_0 = arith.muli %arg0, %mul3A : i32
    %add3A = arith.addi %mul3A_0, %arg1 : i32
    %mul3A_1 = arith.constant 640 : i32
    %mul3A_2 = arith.muli %arg1, %mul3A_1 : i32
    %scan3A = arith.constant 0 : i32
    %scan3A_3 = arith.constant 0 : i32
    %scan3A_4 = arith.constant 64 : i32
    %scan3A_5 = arith.addi %scan3A_3, %scan3A_4 : i32
    %scan3A_6 = arith.constant 1 : i32
    %scan3A_7 = scf.for %scan3A_119 = %scan3A_3 to %scan3A_5 step %scan3A_6 iter_args(%scan3A_120 = %scan3A) -> (i32)  : i32 {
      %broadcast_in_dim3A = arith.constant 0.000000e+00 : f32
      %broadcast_in_dim3A_121 = vector.broadcast %broadcast_in_dim3A : f32 to vector<16xf32>
      %swap3A = arith.index_cast %scan3A_119 : i32 to index
      %swap3A_122 = arith.constant 0 : index
      %swap3A_123 = tpu.vector_load %arg11[%swap3A, %swap3A_122] {strides = array<i32>} : memref<64x128xf32, #tpu.memory_space<vmem>>, vector<1x16xf32>,
      %swap3A_124 = vector.shape_cast %swap3A_123 : vector<1x16xf32> to vector<16xf32>
      %swap3A_125 = vector.shape_cast %broadcast_in_dim3A_121 : vector<16xf32> to vector<1x16xf32>
      tpu.vector_store %arg11[%swap3A, %swap3A_122], %swap3A_125 {strides = array<i32>} : memref<64x128xf32, #tpu.memory_space<vmem>>, vector<1x16xf32>,
      %broadcast_in_dim3A_126 = arith.constant 0.000000e+00 : f32
      %broadcast_in_dim3A_127 = vector.broadcast %broadcast_in_dim3A_126 : f32 to vector<16xf32>
      %swap3A_128 = arith.index_cast %scan3A_119 : i32 to index
      %swap3A_129 = arith.constant 16 : index
      %swap3A_130 = tpu.vector_load %arg11[%swap3A_128, %swap3A_129] {strides = array<i32>} : memref<64x128xf32, #tpu.memory_space<vmem>>, vector<1x16xf32>,
      %swap3A_131 = vector.shape_cast %swap3A_130 : vector<1x16xf32> to vector<16xf32>
      %swap3A_132 = vector.shape_cast %broadcast_in_dim3A_127 : vector<16xf32> to vector<1x16xf32>
      tpu.vector_store %arg11[%swap3A_128, %swap3A_129], %swap3A_132 {strides = array<i32>} : memref<64x128xf32, #tpu.memory_space<vmem>>, vector<1x16xf32>,
      %broadcast_in_dim3A_133 = arith.constant 0.000000e+00 : f32
      %broadcast_in_dim3A_134 = vector.broadcast %broadcast_in_dim3A_133 : f32 to vector<16xf32>
      %swap3A_135 = arith.index_cast %scan3A_119 : i32 to index
      %swap3A_136 = arith.constant 32 : index
      %swap3A_137 = tpu.vector_load %arg11[%swap3A_135, %swap3A_136] {strides = array<i32>} : memref<64x128xf32, #tpu.memory_space<vmem>>, vector<1x16xf32>,
      %swap3A_138 = vector.shape_cast %swap3A_137 : vector<1x16xf32> to vector<16xf32>
      %swap3A_139 = vector.shape_cast %broadcast_in_dim3A_134 : vector<16xf32> to vector<1x16xf32>
      tpu.vector_store %arg11[%swap3A_135, %swap3A_136], %swap3A_139 {strides = array<i32>} : memref<64x128xf32, #tpu.memory_space<vmem>>, vector<1x16xf32>,
      %broadcast_in_dim3A_140 = arith.constant 0.000000e+00 : f32
      %broadcast_in_dim3A_141 = vector.broadcast %broadcast_in_dim3A_140 : f32 to vector<16xf32>
      %swap3A_142 = arith.index_cast %scan3A_119 : i32 to index
      %swap3A_143 = arith.constant 48 : index
      %swap3A_144 = tpu.vector_load %arg11[%swap3A_142, %swap3A_143] {strides = array<i32>} : memref<64x128xf32, #tpu.memory_space<vmem>>, vector<1x16xf32>,
      %swap3A_145 = vector.shape_cast %swap3A_144 : vector<1x16xf32> to vector<16xf32>
      %swap3A_146 = vector.shape_cast %broadcast_in_dim3A_141 : vector<16xf32> to vector<1x16xf32>
      tpu.vector_store %arg11[%swap3A_142, %swap3A_143], %swap3A_146 {strides = array<i32>} : memref<64x128xf32, #tpu.memory_space<vmem>>, vector<1x16xf32>,
      %broadcast_in_dim3A_147 = arith.constant 0.000000e+00 : f32
      %broadcast_in_dim3A_148 = vector.broadcast %broadcast_in_dim3A_147 : f32 to vector<16xf32>
      %swap3A_149 = arith.index_cast %scan3A_119 : i32 to index
      %swap3A_150 = arith.constant 64 : index
      %swap3A_151 = tpu.vector_load %arg11[%swap3A_149, %swap3A_150] {strides = array<i32>} : memref<64x128xf32, #tpu.memory_space<vmem>>, vector<1x16xf32>,
      %swap3A_152 = vector.shape_cast %swap3A_151 : vector<1x16xf32> to vector<16xf32>
      %swap3A_153 = vector.shape_cast %broadcast_in_dim3A_148 : vector<16xf32> to vector<1x16xf32>
      tpu.vector_store %arg11[%swap3A_149, %swap3A_150], %swap3A_153 {strides = array<i32>} : memref<64x128xf32, #tpu.memory_space<vmem>>, vector<1x16xf32>,
      %broadcast_in_dim3A_154 = arith.constant 0.000000e+00 : f32
      %broadcast_in_dim3A_155 = vector.broadcast %broadcast_in_dim3A_154 : f32 to vector<16xf32>
      %swap3A_156 = arith.index_cast %scan3A_119 : i32 to index
      %swap3A_157 = arith.constant 80 : index
      %swap3A_158 = tpu.vector_load %arg11[%swap3A_156, %swap3A_157] {strides = array<i32>} : memref<64x128xf32, #tpu.memory_space<vmem>>, vector<1x16xf32>,
      %swap3A_159 = vector.shape_cast %swap3A_158 : vector<1x16xf32> to vector<16xf32>
      %swap3A_160 = vector.shape_cast %broadcast_in_dim3A_155 : vector<16xf32> to vector<1x16xf32>
      tpu.vector_store %arg11[%swap3A_156, %swap3A_157], %swap3A_160 {strides = array<i32>} : memref<64x128xf32, #tpu.memory_space<vmem>>, vector<1x16xf32>,
      %broadcast_in_dim3A_161 = arith.constant 0.000000e+00 : f32
      %broadcast_in_dim3A_162 = vector.broadcast %broadcast_in_dim3A_161 : f32 to vector<16xf32>
      %swap3A_163 = arith.index_cast %scan3A_119 : i32 to index
      %swap3A_164 = arith.constant 96 : index
      %swap3A_165 = tpu.vector_load %arg11[%swap3A_163, %swap3A_164] {strides = array<i32>} : memref<64x128xf32, #tpu.memory_space<vmem>>, vector<1x16xf32>,
      %swap3A_166 = vector.shape_cast %swap3A_165 : vector<1x16xf32> to vector<16xf32>
      %swap3A_167 = vector.shape_cast %broadcast_in_dim3A_162 : vector<16xf32> to vector<1x16xf32>
      tpu.vector_store %arg11[%swap3A_163, %swap3A_164], %swap3A_167 {strides = array<i32>} : memref<64x128xf32, #tpu.memory_space<vmem>>, vector<1x16xf32>,
      %broadcast_in_dim3A_168 = arith.constant 0.000000e+00 : f32
      %broadcast_in_dim3A_169 = vector.broadcast %broadcast_in_dim3A_168 : f32 to vector<16xf32>
      %swap3A_170 = arith.index_cast %scan3A_119 : i32 to index
      %swap3A_171 = arith.constant 112 : index
      %swap3A_172 = tpu.vector_load %arg11[%swap3A_170, %swap3A_171] {strides = array<i32>} : memref<64x128xf32, #tpu.memory_space<vmem>>, vector<1x16xf32>,
      %swap3A_173 = vector.shape_cast %swap3A_172 : vector<1x16xf32> to vector<16xf32>
      %swap3A_174 = vector.shape_cast %broadcast_in_dim3A_169 : vector<16xf32> to vector<1x16xf32>
      tpu.vector_store %arg11[%swap3A_170, %swap3A_171], %swap3A_174 {strides = array<i32>} : memref<64x128xf32, #tpu.memory_space<vmem>>, vector<1x16xf32>,
      %scan3A_175 = arith.constant 0 : i32
      scf.yield %scan3A_175 : i32
    }
    %scan3A_8 = arith.constant 64 : i32
    %add3A_9 = arith.constant 0 : i32
    %add3A_10 = arith.addi %mul3A_2, %add3A_9 : i32
    "tpu.region"() ({
      %run_scoped3A = tpu.sem_alloc : memref<!tpu.dma_semaphore, #tpu.memory_space<semaphore_mem>>
      %dma_start3A_119 = arith.constant 0 : i32
      %dma_start3A_120 = tpu.memref_slice %arg15[%add3A_10, %dma_start3A_119] : memref<10240x128xf32, #tpu.memory_space<vmem_shared>> -> memref<64x128xf32, #tpu.memory_space<vmem_shared>>
      %dma_start3A_121 = arith.constant 0 : i32
      %dma_start3A_122 = tpu.memref_slice %arg15[%add3A_10, %dma_start3A_121] : memref<10240x128xf32, #tpu.memory_space<vmem_shared>> -> memref<64x128xf32, #tpu.memory_space<vmem_shared>>
      tpu.enqueue_dma source(%arg11 : memref<64x128xf32, #tpu.memory_space<vmem>>) target(%dma_start3A_122 : memref<64x128xf32, #tpu.memory_space<vmem_shared>>) target_semaphore(%run_scoped3A : memref<!tpu.dma_semaphore, #tpu.memory_space<semaphore_mem>>)
      %dma_wait3A = arith.constant 0 : i32
      %dma_wait3A_123 = tpu.memref_slice %arg15[%add3A_10, %dma_wait3A] : memref<10240x128xf32, #tpu.memory_space<vmem_shared>> -> memref<64x128xf32, #tpu.memory_space<vmem_shared>>
      %dma_wait3A_124 = arith.constant 0 : i32
      %dma_wait3A_125 = tpu.memref_slice %arg15[%add3A_10, %dma_wait3A_124] : memref<10240x128xf32, #tpu.memory_space<vmem_shared>> -> memref<64x128xf32, #tpu.memory_space<vmem_shared>>
      tpu.wait_dma2 semaphore(%run_scoped3A : memref<!tpu.dma_semaphore, #tpu.memory_space<semaphore_mem>>) src(%arg11 : memref<64x128xf32, #tpu.memory_space<vmem>>) dst(%dma_wait3A_125 : memref<64x128xf32, #tpu.memory_space<vmem_shared>>)
      tpu.yield
    }) : () -> ()
    %add3A_11 = arith.constant 64 : i32
    %add3A_12 = arith.addi %mul3A_2, %add3A_11 : i32
    "tpu.region"() ({
      %run_scoped3A = tpu.sem_alloc : memref<!tpu.dma_semaphore, #tpu.memory_space<semaphore_mem>>
      %dma_start3A_119 = arith.constant 0 : i32
      %dma_start3A_120 = tpu.memref_slice %arg15[%add3A_12, %dma_start3A_119] : memref<10240x128xf32, #tpu.memory_space<vmem_shared>> -> memref<64x128xf32, #tpu.memory_space<vmem_shared>>
      %dma_start3A_121 = arith.constant 0 : i32
      %dma_start3A_122 = tpu.memref_slice %arg15[%add3A_12, %dma_start3A_121] : memref<10240x128xf32, #tpu.memory_space<vmem_shared>> -> memref<64x128xf32, #tpu.memory_space<vmem_shared>>
      tpu.enqueue_dma source(%arg11 : memref<64x128xf32, #tpu.memory_space<vmem>>) target(%dma_start3A_122 : memref<64x128xf32, #tpu.memory_space<vmem_shared>>) target_semaphore(%run_scoped3A : memref<!tpu.dma_semaphore, #tpu.memory_space<semaphore_mem>>)
      %dma_wait3A = arith.constant 0 : i32
      %dma_wait3A_123 = tpu.memref_slice %arg15[%add3A_12, %dma_wait3A] : memref<10240x128xf32, #tpu.memory_space<vmem_shared>> -> memref<64x128xf32, #tpu.memory_space<vmem_shared>>
      %dma_wait3A_124 = arith.constant 0 : i32
      %dma_wait3A_125 = tpu.memref_slice %arg15[%add3A_12, %dma_wait3A_124] : memref<10240x128xf32, #tpu.memory_space<vmem_shared>> -> memref<64x128xf32, #tpu.memory_space<vmem_shared>>
      tpu.wait_dma2 semaphore(%run_scoped3A : memref<!tpu.dma_semaphore, #tpu.memory_space<semaphore_mem>>) src(%arg11 : memref<64x128xf32, #tpu.memory_space<vmem>>) dst(%dma_wait3A_125 : memref<64x128xf32, #tpu.memory_space<vmem_shared>>)
      tpu.yield
    }) : () -> ()
    %add3A_13 = arith.constant 128 : i32
    %add3A_14 = arith.addi %mul3A_2, %add3A_13 : i32
    "tpu.region"() ({
      %run_scoped3A = tpu.sem_alloc : memref<!tpu.dma_semaphore, #tpu.memory_space<semaphore_mem>>
      %dma_start3A_119 = arith.constant 0 : i32
      %dma_start3A_120 = tpu.memref_slice %arg15[%add3A_14, %dma_start3A_119] : memref<10240x128xf32, #tpu.memory_space<vmem_shared>> -> memref<64x128xf32, #tpu.memory_space<vmem_shared>>
      %dma_start3A_121 = arith.constant 0 : i32
      %dma_start3A_122 = tpu.memref_slice %arg15[%add3A_14, %dma_start3A_121] : memref<10240x128xf32, #tpu.memory_space<vmem_shared>> -> memref<64x128xf32, #tpu.memory_space<vmem_shared>>
      tpu.enqueue_dma source(%arg11 : memref<64x128xf32, #tpu.memory_space<vmem>>) target(%dma_start3A_122 : memref<64x128xf32, #tpu.memory_space<vmem_shared>>) target_semaphore(%run_scoped3A : memref<!tpu.dma_semaphore, #tpu.memory_space<semaphore_mem>>)
      %dma_wait3A = arith.constant 0 : i32
      %dma_wait3A_123 = tpu.memref_slice %arg15[%add3A_14, %dma_wait3A] : memref<10240x128xf32, #tpu.memory_space<vmem_shared>> -> memref<64x128xf32, #tpu.memory_space<vmem_shared>>
      %dma_wait3A_124 = arith.constant 0 : i32
      %dma_wait3A_125 = tpu.memref_slice %arg15[%add3A_14, %dma_wait3A_124] : memref<10240x128xf32, #tpu.memory_space<vmem_shared>> -> memref<64x128xf32, #tpu.memory_space<vmem_shared>>
      tpu.wait_dma2 semaphore(%run_scoped3A : memref<!tpu.dma_semaphore, #tpu.memory_space<semaphore_mem>>) src(%arg11 : memref<64x128xf32, #tpu.memory_space<vmem>>) dst(%dma_wait3A_125 : memref<64x128xf32, #tpu.memory_space<vmem_shared>>)
      tpu.yield
    }) : () -> ()
    %add3A_15 = arith.constant 192 : i32
    %add3A_16 = arith.addi %mul3A_2, %add3A_15 : i32
    "tpu.region"() ({
      %run_scoped3A = tpu.sem_alloc : memref<!tpu.dma_semaphore, #tpu.memory_space<semaphore_mem>>
      %dma_start3A_119 = arith.constant 0 : i32
      %dma_start3A_120 = tpu.memref_slice %arg15[%add3A_16, %dma_start3A_119] : memref<10240x128xf32, #tpu.memory_space<vmem_shared>> -> memref<64x128xf32, #tpu.memory_space<vmem_shared>>
      %dma_start3A_121 = arith.constant 0 : i32
      %dma_start3A_122 = tpu.memref_slice %arg15[%add3A_16, %dma_start3A_121] : memref<10240x128xf32, #tpu.memory_space<vmem_shared>> -> memref<64x128xf32, #tpu.memory_space<vmem_shared>>
      tpu.enqueue_dma source(%arg11 : memref<64x128xf32, #tpu.memory_space<vmem>>) target(%dma_start3A_122 : memref<64x128xf32, #tpu.memory_space<vmem_shared>>) target_semaphore(%run_scoped3A : memref<!tpu.dma_semaphore, #tpu.memory_space<semaphore_mem>>)
      %dma_wait3A = arith.constant 0 : i32
      %dma_wait3A_123 = tpu.memref_slice %arg15[%add3A_16, %dma_wait3A] : memref<10240x128xf32, #tpu.memory_space<vmem_shared>> -> memref<64x128xf32, #tpu.memory_space<vmem_shared>>
      %dma_wait3A_124 = arith.constant 0 : i32
      %dma_wait3A_125 = tpu.memref_slice %arg15[%add3A_16, %dma_wait3A_124] : memref<10240x128xf32, #tpu.memory_space<vmem_shared>> -> memref<64x128xf32, #tpu.memory_space<vmem_shared>>
      tpu.wait_dma2 semaphore(%run_scoped3A : memref<!tpu.dma_semaphore, #tpu.memory_space<semaphore_mem>>) src(%arg11 : memref<64x128xf32, #tpu.memory_space<vmem>>) dst(%dma_wait3A_125 : memref<64x128xf32, #tpu.memory_space<vmem_shared>>)
      tpu.yield
    }) : () -> ()
    %add3A_17 = arith.constant 256 : i32
    %add3A_18 = arith.addi %mul3A_2, %add3A_17 : i32
    "tpu.region"() ({
      %run_scoped3A = tpu.sem_alloc : memref<!tpu.dma_semaphore, #tpu.memory_space<semaphore_mem>>
      %dma_start3A_119 = arith.constant 0 : i32
      %dma_start3A_120 = tpu.memref_slice %arg15[%add3A_18, %dma_start3A_119] : memref<10240x128xf32, #tpu.memory_space<vmem_shared>> -> memref<64x128xf32, #tpu.memory_space<vmem_shared>>
      %dma_start3A_121 = arith.constant 0 : i32
      %dma_start3A_122 = tpu.memref_slice %arg15[%add3A_18, %dma_start3A_121] : memref<10240x128xf32, #tpu.memory_space<vmem_shared>> -> memref<64x128xf32, #tpu.memory_space<vmem_shared>>
      tpu.enqueue_dma source(%arg11 : memref<64x128xf32, #tpu.memory_space<vmem>>) target(%dma_start3A_122 : memref<64x128xf32, #tpu.memory_space<vmem_shared>>) target_semaphore(%run_scoped3A : memref<!tpu.dma_semaphore, #tpu.memory_space<semaphore_mem>>)
      %dma_wait3A = arith.constant 0 : i32
      %dma_wait3A_123 = tpu.memref_slice %arg15[%add3A_18, %dma_wait3A] : memref<10240x128xf32, #tpu.memory_space<vmem_shared>> -> memref<64x128xf32, #tpu.memory_space<vmem_shared>>
      %dma_wait3A_124 = arith.constant 0 : i32
      %dma_wait3A_125 = tpu.memref_slice %arg15[%add3A_18, %dma_wait3A_124] : memref<10240x128xf32, #tpu.memory_space<vmem_shared>> -> memref<64x128xf32, #tpu.memory_space<vmem_shared>>
      tpu.wait_dma2 semaphore(%run_scoped3A : memref<!tpu.dma_semaphore, #tpu.memory_space<semaphore_mem>>) src(%arg11 : memref<64x128xf32, #tpu.memory_space<vmem>>) dst(%dma_wait3A_125 : memref<64x128xf32, #tpu.memory_space<vmem_shared>>)
      tpu.yield
    }) : () -> ()
    %add3A_19 = arith.constant 320 : i32
    %add3A_20 = arith.addi %mul3A_2, %add3A_19 : i32
    "tpu.region"() ({
      %run_scoped3A = tpu.sem_alloc : memref<!tpu.dma_semaphore, #tpu.memory_space<semaphore_mem>>
      %dma_start3A_119 = arith.constant 0 : i32
      %dma_start3A_120 = tpu.memref_slice %arg15[%add3A_20, %dma_start3A_119] : memref<10240x128xf32, #tpu.memory_space<vmem_shared>> -> memref<64x128xf32, #tpu.memory_space<vmem_shared>>
      %dma_start3A_121 = arith.constant 0 : i32
      %dma_start3A_122 = tpu.memref_slice %arg15[%add3A_20, %dma_start3A_121] : memref<10240x128xf32, #tpu.memory_space<vmem_shared>> -> memref<64x128xf32, #tpu.memory_space<vmem_shared>>
      tpu.enqueue_dma source(%arg11 : memref<64x128xf32, #tpu.memory_space<vmem>>) target(%dma_start3A_122 : memref<64x128xf32, #tpu.memory_space<vmem_shared>>) target_semaphore(%run_scoped3A : memref<!tpu.dma_semaphore, #tpu.memory_space<semaphore_mem>>)
      %dma_wait3A = arith.constant 0 : i32
      %dma_wait3A_123 = tpu.memref_slice %arg15[%add3A_20, %dma_wait3A] : memref<10240x128xf32, #tpu.memory_space<vmem_shared>> -> memref<64x128xf32, #tpu.memory_space<vmem_shared>>
      %dma_wait3A_124 = arith.constant 0 : i32
      %dma_wait3A_125 = tpu.memref_slice %arg15[%add3A_20, %dma_wait3A_124] : memref<10240x128xf32, #tpu.memory_space<vmem_shared>> -> memref<64x128xf32, #tpu.memory_space<vmem_shared>>
      tpu.wait_dma2 semaphore(%run_scoped3A : memref<!tpu.dma_semaphore, #tpu.memory_space<semaphore_mem>>) src(%arg11 : memref<64x128xf32, #tpu.memory_space<vmem>>) dst(%dma_wait3A_125 : memref<64x128xf32, #tpu.memory_space<vmem_shared>>)
      tpu.yield
    }) : () -> ()
    %add3A_21 = arith.constant 384 : i32
    %add3A_22 = arith.addi %mul3A_2, %add3A_21 : i32
    "tpu.region"() ({
      %run_scoped3A = tpu.sem_alloc : memref<!tpu.dma_semaphore, #tpu.memory_space<semaphore_mem>>
      %dma_start3A_119 = arith.constant 0 : i32
      %dma_start3A_120 = tpu.memref_slice %arg15[%add3A_22, %dma_start3A_119] : memref<10240x128xf32, #tpu.memory_space<vmem_shared>> -> memref<64x128xf32, #tpu.memory_space<vmem_shared>>
      %dma_start3A_121 = arith.constant 0 : i32
      %dma_start3A_122 = tpu.memref_slice %arg15[%add3A_22, %dma_start3A_121] : memref<10240x128xf32, #tpu.memory_space<vmem_shared>> -> memref<64x128xf32, #tpu.memory_space<vmem_shared>>
      tpu.enqueue_dma source(%arg11 : memref<64x128xf32, #tpu.memory_space<vmem>>) target(%dma_start3A_122 : memref<64x128xf32, #tpu.memory_space<vmem_shared>>) target_semaphore(%run_scoped3A : memref<!tpu.dma_semaphore, #tpu.memory_space<semaphore_mem>>)
      %dma_wait3A = arith.constant 0 : i32
      %dma_wait3A_123 = tpu.memref_slice %arg15[%add3A_22, %dma_wait3A] : memref<10240x128xf32, #tpu.memory_space<vmem_shared>> -> memref<64x128xf32, #tpu.memory_space<vmem_shared>>
      %dma_wait3A_124 = arith.constant 0 : i32
      %dma_wait3A_125 = tpu.memref_slice %arg15[%add3A_22, %dma_wait3A_124] : memref<10240x128xf32, #tpu.memory_space<vmem_shared>> -> memref<64x128xf32, #tpu.memory_space<vmem_shared>>
      tpu.wait_dma2 semaphore(%run_scoped3A : memref<!tpu.dma_semaphore, #tpu.memory_space<semaphore_mem>>) src(%arg11 : memref<64x128xf32, #tpu.memory_space<vmem>>) dst(%dma_wait3A_125 : memref<64x128xf32, #tpu.memory_space<vmem_shared>>)
      tpu.yield
    }) : () -> ()
    %add3A_23 = arith.constant 448 : i32
    %add3A_24 = arith.addi %mul3A_2, %add3A_23 : i32
    "tpu.region"() ({
      %run_scoped3A = tpu.sem_alloc : memref<!tpu.dma_semaphore, #tpu.memory_space<semaphore_mem>>
      %dma_start3A_119 = arith.constant 0 : i32
      %dma_start3A_120 = tpu.memref_slice %arg15[%add3A_24, %dma_start3A_119] : memref<10240x128xf32, #tpu.memory_space<vmem_shared>> -> memref<64x128xf32, #tpu.memory_space<vmem_shared>>
      %dma_start3A_121 = arith.constant 0 : i32
      %dma_start3A_122 = tpu.memref_slice %arg15[%add3A_24, %dma_start3A_121] : memref<10240x128xf32, #tpu.memory_space<vmem_shared>> -> memref<64x128xf32, #tpu.memory_space<vmem_shared>>
      tpu.enqueue_dma source(%arg11 : memref<64x128xf32, #tpu.memory_space<vmem>>) target(%dma_start3A_122 : memref<64x128xf32, #tpu.memory_space<vmem_shared>>) target_semaphore(%run_scoped3A : memref<!tpu.dma_semaphore, #tpu.memory_space<semaphore_mem>>)
      %dma_wait3A = arith.constant 0 : i32
      %dma_wait3A_123 = tpu.memref_slice %arg15[%add3A_24, %dma_wait3A] : memref<10240x128xf32, #tpu.memory_space<vmem_shared>> -> memref<64x128xf32, #tpu.memory_space<vmem_shared>>
      %dma_wait3A_124 = arith.constant 0 : i32
      %dma_wait3A_125 = tpu.memref_slice %arg15[%add3A_24, %dma_wait3A_124] : memref<10240x128xf32, #tpu.memory_space<vmem_shared>> -> memref<64x128xf32, #tpu.memory_space<vmem_shared>>
      tpu.wait_dma2 semaphore(%run_scoped3A : memref<!tpu.dma_semaphore, #tpu.memory_space<semaphore_mem>>) src(%arg11 : memref<64x128xf32, #tpu.memory_space<vmem>>) dst(%dma_wait3A_125 : memref<64x128xf32, #tpu.memory_space<vmem_shared>>)
      tpu.yield
    }) : () -> ()
    %add3A_25 = arith.constant 512 : i32
    %add3A_26 = arith.addi %mul3A_2, %add3A_25 : i32
    "tpu.region"() ({
      %run_scoped3A = tpu.sem_alloc : memref<!tpu.dma_semaphore, #tpu.memory_space<semaphore_mem>>
      %dma_start3A_119 = arith.constant 0 : i32
      %dma_start3A_120 = tpu.memref_slice %arg15[%add3A_26, %dma_start3A_119] : memref<10240x128xf32, #tpu.memory_space<vmem_shared>> -> memref<64x128xf32, #tpu.memory_space<vmem_shared>>
      %dma_start3A_121 = arith.constant 0 : i32
      %dma_start3A_122 = tpu.memref_slice %arg15[%add3A_26, %dma_start3A_121] : memref<10240x128xf32, #tpu.memory_space<vmem_shared>> -> memref<64x128xf32, #tpu.memory_space<vmem_shared>>
      tpu.enqueue_dma source(%arg11 : memref<64x128xf32, #tpu.memory_space<vmem>>) target(%dma_start3A_122 : memref<64x128xf32, #tpu.memory_space<vmem_shared>>) target_semaphore(%run_scoped3A : memref<!tpu.dma_semaphore, #tpu.memory_space<semaphore_mem>>)
      %dma_wait3A = arith.constant 0 : i32
      %dma_wait3A_123 = tpu.memref_slice %arg15[%add3A_26, %dma_wait3A] : memref<10240x128xf32, #tpu.memory_space<vmem_shared>> -> memref<64x128xf32, #tpu.memory_space<vmem_shared>>
      %dma_wait3A_124 = arith.constant 0 : i32
      %dma_wait3A_125 = tpu.memref_slice %arg15[%add3A_26, %dma_wait3A_124] : memref<10240x128xf32, #tpu.memory_space<vmem_shared>> -> memref<64x128xf32, #tpu.memory_space<vmem_shared>>
      tpu.wait_dma2 semaphore(%run_scoped3A : memref<!tpu.dma_semaphore, #tpu.memory_space<semaphore_mem>>) src(%arg11 : memref<64x128xf32, #tpu.memory_space<vmem>>) dst(%dma_wait3A_125 : memref<64x128xf32, #tpu.memory_space<vmem_shared>>)
      tpu.yield
    }) : () -> ()
    %add3A_27 = arith.constant 576 : i32
    %add3A_28 = arith.addi %mul3A_2, %add3A_27 : i32
    "tpu.region"() ({
      %run_scoped3A = tpu.sem_alloc : memref<!tpu.dma_semaphore, #tpu.memory_space<semaphore_mem>>
      %dma_start3A_119 = arith.constant 0 : i32
      %dma_start3A_120 = tpu.memref_slice %arg15[%add3A_28, %dma_start3A_119] : memref<10240x128xf32, #tpu.memory_space<vmem_shared>> -> memref<64x128xf32, #tpu.memory_space<vmem_shared>>
      %dma_start3A_121 = arith.constant 0 : i32
      %dma_start3A_122 = tpu.memref_slice %arg15[%add3A_28, %dma_start3A_121] : memref<10240x128xf32, #tpu.memory_space<vmem_shared>> -> memref<64x128xf32, #tpu.memory_space<vmem_shared>>
      tpu.enqueue_dma source(%arg11 : memref<64x128xf32, #tpu.memory_space<vmem>>) target(%dma_start3A_122 : memref<64x128xf32, #tpu.memory_space<vmem_shared>>) target_semaphore(%run_scoped3A : memref<!tpu.dma_semaphore, #tpu.memory_space<semaphore_mem>>)
      %dma_wait3A = arith.constant 0 : i32
      %dma_wait3A_123 = tpu.memref_slice %arg15[%add3A_28, %dma_wait3A] : memref<10240x128xf32, #tpu.memory_space<vmem_shared>> -> memref<64x128xf32, #tpu.memory_space<vmem_shared>>
      %dma_wait3A_124 = arith.constant 0 : i32
      %dma_wait3A_125 = tpu.memref_slice %arg15[%add3A_28, %dma_wait3A_124] : memref<10240x128xf32, #tpu.memory_space<vmem_shared>> -> memref<64x128xf32, #tpu.memory_space<vmem_shared>>
      tpu.wait_dma2 semaphore(%run_scoped3A : memref<!tpu.dma_semaphore, #tpu.memory_space<semaphore_mem>>) src(%arg11 : memref<64x128xf32, #tpu.memory_space<vmem>>) dst(%dma_wait3A_125 : memref<64x128xf32, #tpu.memory_space<vmem_shared>>)
      tpu.yield
    }) : () -> ()
    %barrier3A = arith.constant 0 : index
    tpu.barrier barrier_id(%barrier3A)
    "tpu.region"() ({
      %run_scoped3A = tpu.sem_alloc : memref<!tpu.dma_semaphore, #tpu.memory_space<semaphore_mem>>
      %dma_start3A_119 = arith.constant 0 : i32
      %dma_start3A_120 = arith.constant 0 : i32
      %dma_start3A_121 = tpu.memref_slice %arg3[%add3A, %dma_start3A_119, %dma_start3A_120] : memref<32x80x128xi32, #tpu.memory_space<hbm>> -> memref<1x80x128xi32, #tpu.memory_space<hbm>>
      %dma_start3A_122 = tpu.memref_squeeze %dma_start3A_121 : memref<1x80x128xi32, #tpu.memory_space<hbm>> -> memref<80x128xi32, #tpu.memory_space<hbm>>
      %dma_start3A_123 = arith.constant 0 : i32
      %dma_start3A_124 = arith.constant 0 : i32
      %dma_start3A_125 = tpu.memref_slice %arg3[%add3A, %dma_start3A_123, %dma_start3A_124] : memref<32x80x128xi32, #tpu.memory_space<hbm>> -> memref<1x80x128xi32, #tpu.memory_space<hbm>>
      %dma_start3A_126 = tpu.memref_squeeze %dma_start3A_125 : memref<1x80x128xi32, #tpu.memory_space<hbm>> -> memref<80x128xi32, #tpu.memory_space<hbm>>
      tpu.enqueue_dma source(%dma_start3A_126 : memref<80x128xi32, #tpu.memory_space<hbm>>) target(%arg6 : memref<80x128xi32, #tpu.memory_space<vmem>>) target_semaphore(%run_scoped3A : memref<!tpu.dma_semaphore, #tpu.memory_space<semaphore_mem>>)
      %dma_wait3A = arith.constant 0 : i32
      %dma_wait3A_127 = arith.constant 0 : i32
      %dma_wait3A_128 = tpu.memref_slice %arg3[%add3A, %dma_wait3A, %dma_wait3A_127] : memref<32x80x128xi32, #tpu.memory_space<hbm>> -> memref<1x80x128xi32, #tpu.memory_space<hbm>>
      %dma_wait3A_129 = tpu.memref_squeeze %dma_wait3A_128 : memref<1x80x128xi32, #tpu.memory_space<hbm>> -> memref<80x128xi32, #tpu.memory_space<hbm>>
      %dma_wait3A_130 = arith.constant 0 : i32
      %dma_wait3A_131 = arith.constant 0 : i32
      %dma_wait3A_132 = tpu.memref_slice %arg3[%add3A, %dma_wait3A_130, %dma_wait3A_131] : memref<32x80x128xi32, #tpu.memory_space<hbm>> -> memref<1x80x128xi32, #tpu.memory_space<hbm>>
      %dma_wait3A_133 = tpu.memref_squeeze %dma_wait3A_132 : memref<1x80x128xi32, #tpu.memory_space<hbm>> -> memref<80x128xi32, #tpu.memory_space<hbm>>
      tpu.wait_dma2 semaphore(%run_scoped3A : memref<!tpu.dma_semaphore, #tpu.memory_space<semaphore_mem>>) src(%dma_wait3A_133 : memref<80x128xi32, #tpu.memory_space<hbm>>) dst(%arg6 : memref<80x128xi32, #tpu.memory_space<vmem>>)
      tpu.yield
    }) : () -> ()
    %div3A = arith.constant 0 : i32
    %div3A_29 = arith.constant 2 : i32
    %div3A_30 = arith.divsi %div3A, %div3A_29 : i32
    %rem3A = arith.constant 0 : i32
    %rem3A_31 = arith.constant 2 : i32
    %rem3A_32 = arith.remsi %rem3A, %rem3A_31 : i32
    %mul3A_33 = arith.constant 64 : i32
    %mul3A_34 = arith.muli %rem3A_32, %mul3A_33 : i32
    %dma_start3A = tpu.memref_slice %arg6[%div3A_30, %mul3A_34] : memref<80x128xi32, #tpu.memory_space<vmem>> -> memref<1x64xi32, #tpu.memory_space<vmem>>
    %dma_start3A_35 = tpu.memref_squeeze %dma_start3A : memref<1x64xi32, #tpu.memory_space<vmem>> -> memref<64xi32, #tpu.memory_space<vmem>>
    %dma_start3A_36 = arith.constant 0 : i32
    %dma_start3A_37 = arith.constant 0 : i32
    %dma_start3A_38 = tpu.memref_slice %arg2[%dma_start3A_36, %dma_start3A_37] : memref<10000x128xf32, #tpu.memory_space<hbm>> -> memref<10000x128xf32, #tpu.memory_space<hbm>>
    tpu.enqueue_indirect_dma source(%dma_start3A_38 : memref<10000x128xf32, #tpu.memory_space<hbm>>) target(%arg11 : memref<64x128xf32, #tpu.memory_space<vmem>>) offsets(%dma_start3A_35 : memref<64xi32, #tpu.memory_space<vmem>>) semaphore(%arg16 : memref<!tpu.dma_semaphore, #tpu.memory_space<semaphore_mem>>)
    %div3A_39 = arith.constant 0 : i32
    %div3A_40 = arith.constant 2 : i32
    %div3A_41 = arith.divsi %div3A_39, %div3A_40 : i32
    %rem3A_42 = arith.constant 0 : i32
    %rem3A_43 = arith.constant 2 : i32
    %rem3A_44 = arith.remsi %rem3A_42, %rem3A_43 : i32
    %mul3A_45 = arith.constant 64 : i32
    %mul3A_46 = arith.muli %rem3A_44, %mul3A_45 : i32
    %dma_start3A_47 = tpu.memref_slice %arg4[%add3A, %div3A_41, %mul3A_46] : memref<32x80x128xi32, #tpu.memory_space<hbm>> -> memref<1x1x64xi32, #tpu.memory_space<hbm>>
    %dma_start3A_48 = tpu.memref_squeeze %dma_start3A_47 : memref<1x1x64xi32, #tpu.memory_space<hbm>> -> memref<64xi32, #tpu.memory_space<hbm>>
    %dma_start3A_49 = tpu.memref_slice %arg4[%add3A, %div3A_41, %mul3A_46] : memref<32x80x128xi32, #tpu.memory_space<hbm>> -> memref<1x1x64xi32, #tpu.memory_space<hbm>>
    %dma_start3A_50 = tpu.memref_squeeze %dma_start3A_49 : memref<1x1x64xi32, #tpu.memory_space<hbm>> -> memref<64xi32, #tpu.memory_space<hbm>>
    tpu.enqueue_dma source(%dma_start3A_50 : memref<64xi32, #tpu.memory_space<hbm>>) target(%arg7 : memref<64xi32, #tpu.memory_space<vmem>>) target_semaphore(%arg20 : memref<!tpu.dma_semaphore, #tpu.memory_space<semaphore_mem>>)
    %div3A_51 = arith.constant 1 : i32
    %div3A_52 = arith.constant 2 : i32
    %div3A_53 = arith.divsi %div3A_51, %div3A_52 : i32
    %rem3A_54 = arith.constant 1 : i32
    %rem3A_55 = arith.constant 2 : i32
    %rem3A_56 = arith.remsi %rem3A_54, %rem3A_55 : i32
    %mul3A_57 = arith.constant 64 : i32
    %mul3A_58 = arith.muli %rem3A_56, %mul3A_57 : i32
    %dma_start3A_59 = tpu.memref_slice %arg6[%div3A_53, %mul3A_58] : memref<80x128xi32, #tpu.memory_space<vmem>> -> memref<1x64xi32, #tpu.memory_space<vmem>>
    %dma_start3A_60 = tpu.memref_squeeze %dma_start3A_59 : memref<1x64xi32, #tpu.memory_space<vmem>> -> memref<64xi32, #tpu.memory_space<vmem>>
    %dma_start3A_61 = arith.constant 0 : i32
    %dma_start3A_62 = arith.constant 0 : i32
    %dma_start3A_63 = tpu.memref_slice %arg2[%dma_start3A_61, %dma_start3A_62] : memref<10000x128xf32, #tpu.memory_space<hbm>> -> memref<10000x128xf32, #tpu.memory_space<hbm>>
    tpu.enqueue_indirect_dma source(%dma_start3A_63 : memref<10000x128xf32, #tpu.memory_space<hbm>>) target(%arg12 : memref<64x128xf32, #tpu.memory_space<vmem>>) offsets(%dma_start3A_60 : memref<64xi32, #tpu.memory_space<vmem>>) semaphore(%arg17 : memref<!tpu.dma_semaphore, #tpu.memory_space<semaphore_mem>>)
    %div3A_64 = arith.constant 1 : i32
    %div3A_65 = arith.constant 2 : i32
    %div3A_66 = arith.divsi %div3A_64, %div3A_65 : i32
    %rem3A_67 = arith.constant 1 : i32
    %rem3A_68 = arith.constant 2 : i32
    %rem3A_69 = arith.remsi %rem3A_67, %rem3A_68 : i32
    %mul3A_70 = arith.constant 64 : i32
    %mul3A_71 = arith.muli %rem3A_69, %mul3A_70 : i32
    %dma_start3A_72 = tpu.memref_slice %arg4[%add3A, %div3A_66, %mul3A_71] : memref<32x80x128xi32, #tpu.memory_space<hbm>> -> memref<1x1x64xi32, #tpu.memory_space<hbm>>
    %dma_start3A_73 = tpu.memref_squeeze %dma_start3A_72 : memref<1x1x64xi32, #tpu.memory_space<hbm>> -> memref<64xi32, #tpu.memory_space<hbm>>
    %dma_start3A_74 = tpu.memref_slice %arg4[%add3A, %div3A_66, %mul3A_71] : memref<32x80x128xi32, #tpu.memory_space<hbm>> -> memref<1x1x64xi32, #tpu.memory_space<hbm>>
    %dma_start3A_75 = tpu.memref_squeeze %dma_start3A_74 : memref<1x1x64xi32, #tpu.memory_space<hbm>> -> memref<64xi32, #tpu.memory_space<hbm>>
    tpu.enqueue_dma source(%dma_start3A_75 : memref<64xi32, #tpu.memory_space<hbm>>) target(%arg8 : memref<64xi32, #tpu.memory_space<vmem>>) target_semaphore(%arg21 : memref<!tpu.dma_semaphore, #tpu.memory_space<semaphore_mem>>)
    %div3A_76 = arith.constant 2 : i32
    %div3A_77 = arith.constant 2 : i32
    %div3A_78 = arith.divsi %div3A_76, %div3A_77 : i32
    %rem3A_79 = arith.constant 2 : i32
    %rem3A_80 = arith.constant 2 : i32
    %rem3A_81 = arith.remsi %rem3A_79, %rem3A_80 : i32
    %mul3A_82 = arith.constant 64 : i32
    %mul3A_83 = arith.muli %rem3A_81, %mul3A_82 : i32
    %dma_start3A_84 = tpu.memref_slice %arg6[%div3A_78, %mul3A_83] : memref<80x128xi32, #tpu.memory_space<vmem>> -> memref<1x64xi32, #tpu.memory_space<vmem>>
    %dma_start3A_85 = tpu.memref_squeeze %dma_start3A_84 : memref<1x64xi32, #tpu.memory_space<vmem>> -> memref<64xi32, #tpu.memory_space<vmem>>
    %dma_start3A_86 = arith.constant 0 : i32
    %dma_start3A_87 = arith.constant 0 : i32
    %dma_start3A_88 = tpu.memref_slice %arg2[%dma_start3A_86, %dma_start3A_87] : memref<10000x128xf32, #tpu.memory_space<hbm>> -> memref<10000x128xf32, #tpu.memory_space<hbm>>
    tpu.enqueue_indirect_dma source(%dma_start3A_88 : memref<10000x128xf32, #tpu.memory_space<hbm>>) target(%arg13 : memref<64x128xf32, #tpu.memory_space<vmem>>) offsets(%dma_start3A_85 : memref<64xi32, #tpu.memory_space<vmem>>) semaphore(%arg18 : memref<!tpu.dma_semaphore, #tpu.memory_space<semaphore_mem>>)
    %div3A_89 = arith.constant 2 : i32
    %div3A_90 = arith.constant 2 : i32
    %div3A_91 = arith.divsi %div3A_89, %div3A_90 : i32
    %rem3A_92 = arith.constant 2 : i32
    %rem3A_93 = arith.constant 2 : i32
    %rem3A_94 = arith.remsi %rem3A_92, %rem3A_93 : i32
    %mul3A_95 = arith.constant 64 : i32
    %mul3A_96 = arith.muli %rem3A_94, %mul3A_95 : i32
    %dma_start3A_97 = tpu.memref_slice %arg4[%add3A, %div3A_91, %mul3A_96] : memref<32x80x128xi32, #tpu.memory_space<hbm>> -> memref<1x1x64xi32, #tpu.memory_space<hbm>>
    %dma_start3A_98 = tpu.memref_squeeze %dma_start3A_97 : memref<1x1x64xi32, #tpu.memory_space<hbm>> -> memref<64xi32, #tpu.memory_space<hbm>>
    %dma_start3A_99 = tpu.memref_slice %arg4[%add3A, %div3A_91, %mul3A_96] : memref<32x80x128xi32, #tpu.memory_space<hbm>> -> memref<1x1x64xi32, #tpu.memory_space<hbm>>
    %dma_start3A_100 = tpu.memref_squeeze %dma_start3A_99 : memref<1x1x64xi32, #tpu.memory_space<hbm>> -> memref<64xi32, #tpu.memory_space<hbm>>
    tpu.enqueue_dma source(%dma_start3A_100 : memref<64xi32, #tpu.memory_space<hbm>>) target(%arg9 : memref<64xi32, #tpu.memory_space<vmem>>) target_semaphore(%arg22 : memref<!tpu.dma_semaphore, #tpu.memory_space<semaphore_mem>>)
    %scan3A_101 = arith.constant 0 : i32
    %scan3A_102 = arith.constant 0 : i32
    %scan3A_103 = arith.constant 40 : i32
    %scan3A_104 = arith.addi %scan3A_102, %scan3A_103 : i32
    %scan3A_105 = arith.constant 1 : i32
    %scan3A_106 = scf.for %scan3A_119 = %scan3A_102 to %scan3A_104 step %scan3A_105 iter_args(%scan3A_120 = %scan3A_101) -> (i32)  : i32 {
      %mul3A_121 = arith.constant 4 : i32
      %mul3A_122 = arith.muli %scan3A_119, %mul3A_121 : i32
      %add3A_123 = arith.constant 0 : i32
      %add3A_124 = arith.addi %mul3A_122, %add3A_123 : i32
      %div3A_125 = arith.constant 2 : i32
      %div3A_126 = arith.divsi %add3A_124, %div3A_125 : i32
      %rem3A_127 = arith.constant 2 : i32
      %rem3A_128 = arith.remsi %add3A_124, %rem3A_127 : i32
      %mul3A_129 = arith.constant 64 : i32
      %mul3A_130 = arith.muli %rem3A_128, %mul3A_129 : i32
      %dma_wait3A = tpu.memref_slice %arg6[%div3A_126, %mul3A_130] : memref<80x128xi32, #tpu.memory_space<vmem>> -> memref<1x64xi32, #tpu.memory_space<vmem>>
      %dma_wait3A_131 = tpu.memref_squeeze %dma_wait3A : memref<1x64xi32, #tpu.memory_space<vmem>> -> memref<64xi32, #tpu.memory_space<vmem>>
      %dma_wait3A_132 = arith.constant 0 : i32
      %dma_wait3A_133 = arith.constant 0 : i32
      %dma_wait3A_134 = tpu.memref_slice %arg2[%dma_wait3A_132, %dma_wait3A_133] : memref<10000x128xf32, #tpu.memory_space<hbm>> -> memref<10000x128xf32, #tpu.memory_space<hbm>>
      tpu.wait_indirect_dma semaphore(%arg16 : memref<!tpu.dma_semaphore, #tpu.memory_space<semaphore_mem>>) src(%dma_wait3A_134 : memref<10000x128xf32, #tpu.memory_space<hbm>>) dst(%arg11 : memref<64x128xf32, #tpu.memory_space<vmem>>)
      %add3A_135 = arith.constant 4 : i32
      %add3A_136 = arith.addi %add3A_124, %add3A_135 : i32
      %sub3A = arith.constant 1 : i32
      %sub3A_137 = arith.subi %add3A_136, %sub3A : i32
      %lt3A = arith.constant 160 : i32
      %lt3A_138 = arith.cmpi slt, %sub3A_137, %lt3A : i32
      %convert_element_type3A = arith.extui %lt3A_138 : i1 to i32
      %cond3A = arith.constant 0 : i32
      %cond3A_139 = arith.cmpi ne, %convert_element_type3A, %cond3A : i32
      scf.if %cond3A_139 {
        %add3A_247 = arith.constant 4 : i32
        %add3A_248 = arith.addi %add3A_124, %add3A_247 : i32
        %sub3A_249 = arith.constant 1 : i32
        %sub3A_250 = arith.subi %add3A_248, %sub3A_249 : i32
        %div3A_251 = arith.constant 2 : i32
        %div3A_252 = arith.divsi %sub3A_250, %div3A_251 : i32
        %rem3A_253 = arith.constant 2 : i32
        %rem3A_254 = arith.remsi %sub3A_250, %rem3A_253 : i32
        %mul3A_255 = arith.constant 64 : i32
        %mul3A_256 = arith.muli %rem3A_254, %mul3A_255 : i32
        %dma_start3A_257 = tpu.memref_slice %arg6[%div3A_252, %mul3A_256] : memref<80x128xi32, #tpu.memory_space<vmem>> -> memref<1x64xi32, #tpu.memory_space<vmem>>
        %dma_start3A_258 = tpu.memref_squeeze %dma_start3A_257 : memref<1x64xi32, #tpu.memory_space<vmem>> -> memref<64xi32, #tpu.memory_space<vmem>>
        %dma_start3A_259 = arith.constant 0 : i32
        %dma_start3A_260 = arith.constant 0 : i32
        %dma_start3A_261 = tpu.memref_slice %arg2[%dma_start3A_259, %dma_start3A_260] : memref<10000x128xf32, #tpu.memory_space<hbm>> -> memref<10000x128xf32, #tpu.memory_space<hbm>>
        tpu.enqueue_indirect_dma source(%dma_start3A_261 : memref<10000x128xf32, #tpu.memory_space<hbm>>) target(%arg14 : memref<64x128xf32, #tpu.memory_space<vmem>>) offsets(%dma_start3A_258 : memref<64xi32, #tpu.memory_space<vmem>>) semaphore(%arg19 : memref<!tpu.dma_semaphore, #tpu.memory_space<semaphore_mem>>)
        %add3A_262 = arith.constant 4 : i32
        %add3A_263 = arith.addi %add3A_124, %add3A_262 : i32
        %sub3A_264 = arith.constant 1 : i32
        %sub3A_265 = arith.subi %add3A_263, %sub3A_264 : i32
        %div3A_266 = arith.constant 2 : i32
        %div3A_267 = arith.divsi %sub3A_265, %div3A_266 : i32
        %rem3A_268 = arith.constant 2 : i32
        %rem3A_269 = arith.remsi %sub3A_265, %rem3A_268 : i32
        %mul3A_270 = arith.constant 64 : i32
        %mul3A_271 = arith.muli %rem3A_269, %mul3A_270 : i32
        %dma_start3A_272 = tpu.memref_slice %arg4[%add3A, %div3A_267, %mul3A_271] : memref<32x80x128xi32, #tpu.memory_space<hbm>> -> memref<1x1x64xi32, #tpu.memory_space<hbm>>
        %dma_start3A_273 = tpu.memref_squeeze %dma_start3A_272 : memref<1x1x64xi32, #tpu.memory_space<hbm>> -> memref<64xi32, #tpu.memory_space<hbm>>
        %dma_start3A_274 = tpu.memref_slice %arg4[%add3A, %div3A_267, %mul3A_271] : memref<32x80x128xi32, #tpu.memory_space<hbm>> -> memref<1x1x64xi32, #tpu.memory_space<hbm>>
        %dma_start3A_275 = tpu.memref_squeeze %dma_start3A_274 : memref<1x1x64xi32, #tpu.memory_space<hbm>> -> memref<64xi32, #tpu.memory_space<hbm>>
        tpu.enqueue_dma source(%dma_start3A_275 : memref<64xi32, #tpu.memory_space<hbm>>) target(%arg10 : memref<64xi32, #tpu.memory_space<vmem>>) target_semaphore(%arg23 : memref<!tpu.dma_semaphore, #tpu.memory_space<semaphore_mem>>)
      } else {
      }
      %div3A_140 = arith.constant 2 : i32
      %div3A_141 = arith.divsi %add3A_124, %div3A_140 : i32
      %rem3A_142 = arith.constant 2 : i32
      %rem3A_143 = arith.remsi %add3A_124, %rem3A_142 : i32
      %mul3A_144 = arith.constant 64 : i32
      %mul3A_145 = arith.muli %rem3A_143, %mul3A_144 : i32
      %dma_wait3A_146 = tpu.memref_slice %arg4[%add3A, %div3A_141, %mul3A_145] : memref<32x80x128xi32, #tpu.memory_space<hbm>> -> memref<1x1x64xi32, #tpu.memory_space<hbm>>
      %dma_wait3A_147 = tpu.memref_squeeze %dma_wait3A_146 : memref<1x1x64xi32, #tpu.memory_space<hbm>> -> memref<64xi32, #tpu.memory_space<hbm>>
      %dma_wait3A_148 = tpu.memref_slice %arg4[%add3A, %div3A_141, %mul3A_145] : memref<32x80x128xi32, #tpu.memory_space<hbm>> -> memref<1x1x64xi32, #tpu.memory_space<hbm>>
      %dma_wait3A_149 = tpu.memref_squeeze %dma_wait3A_148 : memref<1x1x64xi32, #tpu.memory_space<hbm>> -> memref<64xi32, #tpu.memory_space<hbm>>
      tpu.wait_dma2 semaphore(%arg20 : memref<!tpu.dma_semaphore, #tpu.memory_space<semaphore_mem>>) src(%dma_wait3A_149 : memref<64xi32, #tpu.memory_space<hbm>>) dst(%arg7 : memref<64xi32, #tpu.memory_space<vmem>>)
      "tpu.region"() ({
        %run_scoped3A = tpu.sem_alloc : memref<!tpu.dma_semaphore, #tpu.memory_space<semaphore_mem>>
        %dma_start3A_247 = arith.constant 0 : i32
        %dma_start3A_248 = arith.constant 0 : i32
        %dma_start3A_249 = tpu.memref_slice %arg15[%dma_start3A_247, %dma_start3A_248] : memref<10240x128xf32, #tpu.memory_space<vmem_shared>> -> memref<10240x128xf32, #tpu.memory_space<vmem_shared>>
        tpu.enqueue_indirect_dma source(%arg11 : memref<64x128xf32, #tpu.memory_space<vmem>>) target(%dma_start3A_249 : memref<10240x128xf32, #tpu.memory_space<vmem_shared>>) offsets(%arg7 : memref<64xi32, #tpu.memory_space<vmem>>) semaphore(%run_scoped3A : memref<!tpu.dma_semaphore, #tpu.memory_space<semaphore_mem>>) {add = true}
        %dma_wait3A_250 = arith.constant 0 : i32
        %dma_wait3A_251 = arith.constant 0 : i32
        %dma_wait3A_252 = tpu.memref_slice %arg15[%dma_wait3A_250, %dma_wait3A_251] : memref<10240x128xf32, #tpu.memory_space<vmem_shared>> -> memref<10240x128xf32, #tpu.memory_space<vmem_shared>>
        tpu.wait_indirect_dma semaphore(%run_scoped3A : memref<!tpu.dma_semaphore, #tpu.memory_space<semaphore_mem>>) src(%arg11 : memref<64x128xf32, #tpu.memory_space<vmem>>) dst(%dma_wait3A_252 : memref<10240x128xf32, #tpu.memory_space<vmem_shared>>)
        tpu.yield
      }) : () -> ()
      %add3A_150 = arith.constant 1 : i32
      %add3A_151 = arith.addi %mul3A_122, %add3A_150 : i32
      %div3A_152 = arith.constant 2 : i32
      %div3A_153 = arith.divsi %add3A_151, %div3A_152 : i32
      %rem3A_154 = arith.constant 2 : i32
      %rem3A_155 = arith.remsi %add3A_151, %rem3A_154 : i32
      %mul3A_156 = arith.constant 64 : i32
      %mul3A_157 = arith.muli %rem3A_155, %mul3A_156 : i32
      %dma_wait3A_158 = tpu.memref_slice %arg6[%div3A_153, %mul3A_157] : memref<80x128xi32, #tpu.memory_space<vmem>> -> memref<1x64xi32, #tpu.memory_space<vmem>>
      %dma_wait3A_159 = tpu.memref_squeeze %dma_wait3A_158 : memref<1x64xi32, #tpu.memory_space<vmem>> -> memref<64xi32, #tpu.memory_space<vmem>>
      %dma_wait3A_160 = arith.constant 0 : i32
      %dma_wait3A_161 = arith.constant 0 : i32
      %dma_wait3A_162 = tpu.memref_slice %arg2[%dma_wait3A_160, %dma_wait3A_161] : memref<10000x128xf32, #tpu.memory_space<hbm>> -> memref<10000x128xf32, #tpu.memory_space<hbm>>
      tpu.wait_indirect_dma semaphore(%arg17 : memref<!tpu.dma_semaphore, #tpu.memory_space<semaphore_mem>>) src(%dma_wait3A_162 : memref<10000x128xf32, #tpu.memory_space<hbm>>) dst(%arg12 : memref<64x128xf32, #tpu.memory_space<vmem>>)
      %add3A_163 = arith.constant 4 : i32
      %add3A_164 = arith.addi %add3A_151, %add3A_163 : i32
      %sub3A_165 = arith.constant 1 : i32
      %sub3A_166 = arith.subi %add3A_164, %sub3A_165 : i32
      %lt3A_167 = arith.constant 160 : i32
      %lt3A_168 = arith.cmpi slt, %sub3A_166, %lt3A_167 : i32
      %convert_element_type3A_169 = arith.extui %lt3A_168 : i1 to i32
      %cond3A_170 = arith.constant 0 : i32
      %cond3A_171 = arith.cmpi ne, %convert_element_type3A_169, %cond3A_170 : i32
      scf.if %cond3A_171 {
        %add3A_247 = arith.constant 4 : i32
        %add3A_248 = arith.addi %add3A_151, %add3A_247 : i32
        %sub3A_249 = arith.constant 1 : i32
        %sub3A_250 = arith.subi %add3A_248, %sub3A_249 : i32
        %div3A_251 = arith.constant 2 : i32
        %div3A_252 = arith.divsi %sub3A_250, %div3A_251 : i32
        %rem3A_253 = arith.constant 2 : i32
        %rem3A_254 = arith.remsi %sub3A_250, %rem3A_253 : i32
        %mul3A_255 = arith.constant 64 : i32
        %mul3A_256 = arith.muli %rem3A_254, %mul3A_255 : i32
        %dma_start3A_257 = tpu.memref_slice %arg6[%div3A_252, %mul3A_256] : memref<80x128xi32, #tpu.memory_space<vmem>> -> memref<1x64xi32, #tpu.memory_space<vmem>>
        %dma_start3A_258 = tpu.memref_squeeze %dma_start3A_257 : memref<1x64xi32, #tpu.memory_space<vmem>> -> memref<64xi32, #tpu.memory_space<vmem>>
        %dma_start3A_259 = arith.constant 0 : i32
        %dma_start3A_260 = arith.constant 0 : i32
        %dma_start3A_261 = tpu.memref_slice %arg2[%dma_start3A_259, %dma_start3A_260] : memref<10000x128xf32, #tpu.memory_space<hbm>> -> memref<10000x128xf32, #tpu.memory_space<hbm>>
        tpu.enqueue_indirect_dma source(%dma_start3A_261 : memref<10000x128xf32, #tpu.memory_space<hbm>>) target(%arg11 : memref<64x128xf32, #tpu.memory_space<vmem>>) offsets(%dma_start3A_258 : memref<64xi32, #tpu.memory_space<vmem>>) semaphore(%arg16 : memref<!tpu.dma_semaphore, #tpu.memory_space<semaphore_mem>>)
        %add3A_262 = arith.constant 4 : i32
        %add3A_263 = arith.addi %add3A_151, %add3A_262 : i32
        %sub3A_264 = arith.constant 1 : i32
        %sub3A_265 = arith.subi %add3A_263, %sub3A_264 : i32
        %div3A_266 = arith.constant 2 : i32
        %div3A_267 = arith.divsi %sub3A_265, %div3A_266 : i32
        %rem3A_268 = arith.constant 2 : i32
        %rem3A_269 = arith.remsi %sub3A_265, %rem3A_268 : i32
        %mul3A_270 = arith.constant 64 : i32
        %mul3A_271 = arith.muli %rem3A_269, %mul3A_270 : i32
        %dma_start3A_272 = tpu.memref_slice %arg4[%add3A, %div3A_267, %mul3A_271] : memref<32x80x128xi32, #tpu.memory_space<hbm>> -> memref<1x1x64xi32, #tpu.memory_space<hbm>>
        %dma_start3A_273 = tpu.memref_squeeze %dma_start3A_272 : memref<1x1x64xi32, #tpu.memory_space<hbm>> -> memref<64xi32, #tpu.memory_space<hbm>>
        %dma_start3A_274 = tpu.memref_slice %arg4[%add3A, %div3A_267, %mul3A_271] : memref<32x80x128xi32, #tpu.memory_space<hbm>> -> memref<1x1x64xi32, #tpu.memory_space<hbm>>
        %dma_start3A_275 = tpu.memref_squeeze %dma_start3A_274 : memref<1x1x64xi32, #tpu.memory_space<hbm>> -> memref<64xi32, #tpu.memory_space<hbm>>
        tpu.enqueue_dma source(%dma_start3A_275 : memref<64xi32, #tpu.memory_space<hbm>>) target(%arg7 : memref<64xi32, #tpu.memory_space<vmem>>) target_semaphore(%arg20 : memref<!tpu.dma_semaphore, #tpu.memory_space<semaphore_mem>>)
      } else {
      }
      %div3A_172 = arith.constant 2 : i32
      %div3A_173 = arith.divsi %add3A_151, %div3A_172 : i32
      %rem3A_174 = arith.constant 2 : i32
      %rem3A_175 = arith.remsi %add3A_151, %rem3A_174 : i32
      %mul3A_176 = arith.constant 64 : i32
      %mul3A_177 = arith.muli %rem3A_175, %mul3A_176 : i32
      %dma_wait3A_178 = tpu.memref_slice %arg4[%add3A, %div3A_173, %mul3A_177] : memref<32x80x128xi32, #tpu.memory_space<hbm>> -> memref<1x1x64xi32, #tpu.memory_space<hbm>>
      %dma_wait3A_179 = tpu.memref_squeeze %dma_wait3A_178 : memref<1x1x64xi32, #tpu.memory_space<hbm>> -> memref<64xi32, #tpu.memory_space<hbm>>
      %dma_wait3A_180 = tpu.memref_slice %arg4[%add3A, %div3A_173, %mul3A_177] : memref<32x80x128xi32, #tpu.memory_space<hbm>> -> memref<1x1x64xi32, #tpu.memory_space<hbm>>
      %dma_wait3A_181 = tpu.memref_squeeze %dma_wait3A_180 : memref<1x1x64xi32, #tpu.memory_space<hbm>> -> memref<64xi32, #tpu.memory_space<hbm>>
      tpu.wait_dma2 semaphore(%arg21 : memref<!tpu.dma_semaphore, #tpu.memory_space<semaphore_mem>>) src(%dma_wait3A_181 : memref<64xi32, #tpu.memory_space<hbm>>) dst(%arg8 : memref<64xi32, #tpu.memory_space<vmem>>)
      "tpu.region"() ({
        %run_scoped3A = tpu.sem_alloc : memref<!tpu.dma_semaphore, #tpu.memory_space<semaphore_mem>>
        %dma_start3A_247 = arith.constant 0 : i32
        %dma_start3A_248 = arith.constant 0 : i32
        %dma_start3A_249 = tpu.memref_slice %arg15[%dma_start3A_247, %dma_start3A_248] : memref<10240x128xf32, #tpu.memory_space<vmem_shared>> -> memref<10240x128xf32, #tpu.memory_space<vmem_shared>>
        tpu.enqueue_indirect_dma source(%arg12 : memref<64x128xf32, #tpu.memory_space<vmem>>) target(%dma_start3A_249 : memref<10240x128xf32, #tpu.memory_space<vmem_shared>>) offsets(%arg8 : memref<64xi32, #tpu.memory_space<vmem>>) semaphore(%run_scoped3A : memref<!tpu.dma_semaphore, #tpu.memory_space<semaphore_mem>>) {add = true}
        %dma_wait3A_250 = arith.constant 0 : i32
        %dma_wait3A_251 = arith.constant 0 : i32
        %dma_wait3A_252 = tpu.memref_slice %arg15[%dma_wait3A_250, %dma_wait3A_251] : memref<10240x128xf32, #tpu.memory_space<vmem_shared>> -> memref<10240x128xf32, #tpu.memory_space<vmem_shared>>
        tpu.wait_indirect_dma semaphore(%run_scoped3A : memref<!tpu.dma_semaphore, #tpu.memory_space<semaphore_mem>>) src(%arg12 : memref<64x128xf32, #tpu.memory_space<vmem>>) dst(%dma_wait3A_252 : memref<10240x128xf32, #tpu.memory_space<vmem_shared>>)
        tpu.yield
      }) : () -> ()
      %add3A_182 = arith.constant 2 : i32
      %add3A_183 = arith.addi %mul3A_122, %add3A_182 : i32
      %div3A_184 = arith.constant 2 : i32
      %div3A_185 = arith.divsi %add3A_183, %div3A_184 : i32
      %rem3A_186 = arith.constant 2 : i32
      %rem3A_187 = arith.remsi %add3A_183, %rem3A_186 : i32
      %mul3A_188 = arith.constant 64 : i32
      %mul3A_189 = arith.muli %rem3A_187, %mul3A_188 : i32
      %dma_wait3A_190 = tpu.memref_slice %arg6[%div3A_185, %mul3A_189] : memref<80x128xi32, #tpu.memory_space<vmem>> -> memref<1x64xi32, #tpu.memory_space<vmem>>
      %dma_wait3A_191 = tpu.memref_squeeze %dma_wait3A_190 : memref<1x64xi32, #tpu.memory_space<vmem>> -> memref<64xi32, #tpu.memory_space<vmem>>
      %dma_wait3A_192 = arith.constant 0 : i32
      %dma_wait3A_193 = arith.constant 0 : i32
      %dma_wait3A_194 = tpu.memref_slice %arg2[%dma_wait3A_192, %dma_wait3A_193] : memref<10000x128xf32, #tpu.memory_space<hbm>> -> memref<10000x128xf32, #tpu.memory_space<hbm>>
      tpu.wait_indirect_dma semaphore(%arg18 : memref<!tpu.dma_semaphore, #tpu.memory_space<semaphore_mem>>) src(%dma_wait3A_194 : memref<10000x128xf32, #tpu.memory_space<hbm>>) dst(%arg13 : memref<64x128xf32, #tpu.memory_space<vmem>>)
      %add3A_195 = arith.constant 4 : i32
      %add3A_196 = arith.addi %add3A_183, %add3A_195 : i32
      %sub3A_197 = arith.constant 1 : i32
      %sub3A_198 = arith.subi %add3A_196, %sub3A_197 : i32
      %lt3A_199 = arith.constant 160 : i32
      %lt3A_200 = arith.cmpi slt, %sub3A_198, %lt3A_199 : i32
      %convert_element_type3A_201 = arith.extui %lt3A_200 : i1 to i32
      %cond3A_202 = arith.constant 0 : i32
      %cond3A_203 = arith.cmpi ne, %convert_element_type3A_201, %cond3A_202 : i32
      scf.if %cond3A_203 {
        %add3A_247 = arith.constant 4 : i32
        %add3A_248 = arith.addi %add3A_183, %add3A_247 : i32
        %sub3A_249 = arith.constant 1 : i32
        %sub3A_250 = arith.subi %add3A_248, %sub3A_249 : i32
        %div3A_251 = arith.constant 2 : i32
        %div3A_252 = arith.divsi %sub3A_250, %div3A_251 : i32
        %rem3A_253 = arith.constant 2 : i32
        %rem3A_254 = arith.remsi %sub3A_250, %rem3A_253 : i32
        %mul3A_255 = arith.constant 64 : i32
        %mul3A_256 = arith.muli %rem3A_254, %mul3A_255 : i32
        %dma_start3A_257 = tpu.memref_slice %arg6[%div3A_252, %mul3A_256] : memref<80x128xi32, #tpu.memory_space<vmem>> -> memref<1x64xi32, #tpu.memory_space<vmem>>
        %dma_start3A_258 = tpu.memref_squeeze %dma_start3A_257 : memref<1x64xi32, #tpu.memory_space<vmem>> -> memref<64xi32, #tpu.memory_space<vmem>>
        %dma_start3A_259 = arith.constant 0 : i32
        %dma_start3A_260 = arith.constant 0 : i32
        %dma_start3A_261 = tpu.memref_slice %arg2[%dma_start3A_259, %dma_start3A_260] : memref<10000x128xf32, #tpu.memory_space<hbm>> -> memref<10000x128xf32, #tpu.memory_space<hbm>>
        tpu.enqueue_indirect_dma source(%dma_start3A_261 : memref<10000x128xf32, #tpu.memory_space<hbm>>) target(%arg12 : memref<64x128xf32, #tpu.memory_space<vmem>>) offsets(%dma_start3A_258 : memref<64xi32, #tpu.memory_space<vmem>>) semaphore(%arg17 : memref<!tpu.dma_semaphore, #tpu.memory_space<semaphore_mem>>)
        %add3A_262 = arith.constant 4 : i32
        %add3A_263 = arith.addi %add3A_183, %add3A_262 : i32
        %sub3A_264 = arith.constant 1 : i32
        %sub3A_265 = arith.subi %add3A_263, %sub3A_264 : i32
        %div3A_266 = arith.constant 2 : i32
        %div3A_267 = arith.divsi %sub3A_265, %div3A_266 : i32
        %rem3A_268 = arith.constant 2 : i32
        %rem3A_269 = arith.remsi %sub3A_265, %rem3A_268 : i32
        %mul3A_270 = arith.constant 64 : i32
        %mul3A_271 = arith.muli %rem3A_269, %mul3A_270 : i32
        %dma_start3A_272 = tpu.memref_slice %arg4[%add3A, %div3A_267, %mul3A_271] : memref<32x80x128xi32, #tpu.memory_space<hbm>> -> memref<1x1x64xi32, #tpu.memory_space<hbm>>
        %dma_start3A_273 = tpu.memref_squeeze %dma_start3A_272 : memref<1x1x64xi32, #tpu.memory_space<hbm>> -> memref<64xi32, #tpu.memory_space<hbm>>
        %dma_start3A_274 = tpu.memref_slice %arg4[%add3A, %div3A_267, %mul3A_271] : memref<32x80x128xi32, #tpu.memory_space<hbm>> -> memref<1x1x64xi32, #tpu.memory_space<hbm>>
        %dma_start3A_275 = tpu.memref_squeeze %dma_start3A_274 : memref<1x1x64xi32, #tpu.memory_space<hbm>> -> memref<64xi32, #tpu.memory_space<hbm>>
        tpu.enqueue_dma source(%dma_start3A_275 : memref<64xi32, #tpu.memory_space<hbm>>) target(%arg8 : memref<64xi32, #tpu.memory_space<vmem>>) target_semaphore(%arg21 : memref<!tpu.dma_semaphore, #tpu.memory_space<semaphore_mem>>)
      } else {
      }
      %div3A_204 = arith.constant 2 : i32
      %div3A_205 = arith.divsi %add3A_183, %div3A_204 : i32
      %rem3A_206 = arith.constant 2 : i32
      %rem3A_207 = arith.remsi %add3A_183, %rem3A_206 : i32
      %mul3A_208 = arith.constant 64 : i32
      %mul3A_209 = arith.muli %rem3A_207, %mul3A_208 : i32
      %dma_wait3A_210 = tpu.memref_slice %arg4[%add3A, %div3A_205, %mul3A_209] : memref<32x80x128xi32, #tpu.memory_space<hbm>> -> memref<1x1x64xi32, #tpu.memory_space<hbm>>
      %dma_wait3A_211 = tpu.memref_squeeze %dma_wait3A_210 : memref<1x1x64xi32, #tpu.memory_space<hbm>> -> memref<64xi32, #tpu.memory_space<hbm>>
      %dma_wait3A_212 = tpu.memref_slice %arg4[%add3A, %div3A_205, %mul3A_209] : memref<32x80x128xi32, #tpu.memory_space<hbm>> -> memref<1x1x64xi32, #tpu.memory_space<hbm>>
      %dma_wait3A_213 = tpu.memref_squeeze %dma_wait3A_212 : memref<1x1x64xi32, #tpu.memory_space<hbm>> -> memref<64xi32, #tpu.memory_space<hbm>>
      tpu.wait_dma2 semaphore(%arg22 : memref<!tpu.dma_semaphore, #tpu.memory_space<semaphore_mem>>) src(%dma_wait3A_213 : memref<64xi32, #tpu.memory_space<hbm>>) dst(%arg9 : memref<64xi32, #tpu.memory_space<vmem>>)
      "tpu.region"() ({
        %run_scoped3A = tpu.sem_alloc : memref<!tpu.dma_semaphore, #tpu.memory_space<semaphore_mem>>
        %dma_start3A_247 = arith.constant 0 : i32
        %dma_start3A_248 = arith.constant 0 : i32
        %dma_start3A_249 = tpu.memref_slice %arg15[%dma_start3A_247, %dma_start3A_248] : memref<10240x128xf32, #tpu.memory_space<vmem_shared>> -> memref<10240x128xf32, #tpu.memory_space<vmem_shared>>
        tpu.enqueue_indirect_dma source(%arg13 : memref<64x128xf32, #tpu.memory_space<vmem>>) target(%dma_start3A_249 : memref<10240x128xf32, #tpu.memory_space<vmem_shared>>) offsets(%arg9 : memref<64xi32, #tpu.memory_space<vmem>>) semaphore(%run_scoped3A : memref<!tpu.dma_semaphore, #tpu.memory_space<semaphore_mem>>) {add = true}
        %dma_wait3A_250 = arith.constant 0 : i32
        %dma_wait3A_251 = arith.constant 0 : i32
        %dma_wait3A_252 = tpu.memref_slice %arg15[%dma_wait3A_250, %dma_wait3A_251] : memref<10240x128xf32, #tpu.memory_space<vmem_shared>> -> memref<10240x128xf32, #tpu.memory_space<vmem_shared>>
        tpu.wait_indirect_dma semaphore(%run_scoped3A : memref<!tpu.dma_semaphore, #tpu.memory_space<semaphore_mem>>) src(%arg13 : memref<64x128xf32, #tpu.memory_space<vmem>>) dst(%dma_wait3A_252 : memref<10240x128xf32, #tpu.memory_space<vmem_shared>>)
        tpu.yield
      }) : () -> ()
      %add3A_214 = arith.constant 3 : i32
      %add3A_215 = arith.addi %mul3A_122, %add3A_214 : i32
      %div3A_216 = arith.constant 2 : i32
      %div3A_217 = arith.divsi %add3A_215, %div3A_216 : i32
      %rem3A_218 = arith.constant 2 : i32
      %rem3A_219 = arith.remsi %add3A_215, %rem3A_218 : i32
      %mul3A_220 = arith.constant 64 : i32
      %mul3A_221 = arith.muli %rem3A_219, %mul3A_220 : i32
      %dma_wait3A_222 = tpu.memref_slice %arg6[%div3A_217, %mul3A_221] : memref<80x128xi32, #tpu.memory_space<vmem>> -> memref<1x64xi32, #tpu.memory_space<vmem>>
      %dma_wait3A_223 = tpu.memref_squeeze %dma_wait3A_222 : memref<1x64xi32, #tpu.memory_space<vmem>> -> memref<64xi32, #tpu.memory_space<vmem>>
      %dma_wait3A_224 = arith.constant 0 : i32
      %dma_wait3A_225 = arith.constant 0 : i32
      %dma_wait3A_226 = tpu.memref_slice %arg2[%dma_wait3A_224, %dma_wait3A_225] : memref<10000x128xf32, #tpu.memory_space<hbm>> -> memref<10000x128xf32, #tpu.memory_space<hbm>>
      tpu.wait_indirect_dma semaphore(%arg19 : memref<!tpu.dma_semaphore, #tpu.memory_space<semaphore_mem>>) src(%dma_wait3A_226 : memref<10000x128xf32, #tpu.memory_space<hbm>>) dst(%arg14 : memref<64x128xf32, #tpu.memory_space<vmem>>)
      %add3A_227 = arith.constant 4 : i32
      %add3A_228 = arith.addi %add3A_215, %add3A_227 : i32
      %sub3A_229 = arith.constant 1 : i32
      %sub3A_230 = arith.subi %add3A_228, %sub3A_229 : i32
      %lt3A_231 = arith.constant 160 : i32
      %lt3A_232 = arith.cmpi slt, %sub3A_230, %lt3A_231 : i32
      %convert_element_type3A_233 = arith.extui %lt3A_232 : i1 to i32
      %cond3A_234 = arith.constant 0 : i32
      %cond3A_235 = arith.cmpi ne, %convert_element_type3A_233, %cond3A_234 : i32
      scf.if %cond3A_235 {
        %add3A_247 = arith.constant 4 : i32
        %add3A_248 = arith.addi %add3A_215, %add3A_247 : i32
        %sub3A_249 = arith.constant 1 : i32
        %sub3A_250 = arith.subi %add3A_248, %sub3A_249 : i32
        %div3A_251 = arith.constant 2 : i32
        %div3A_252 = arith.divsi %sub3A_250, %div3A_251 : i32
        %rem3A_253 = arith.constant 2 : i32
        %rem3A_254 = arith.remsi %sub3A_250, %rem3A_253 : i32
        %mul3A_255 = arith.constant 64 : i32
        %mul3A_256 = arith.muli %rem3A_254, %mul3A_255 : i32
        %dma_start3A_257 = tpu.memref_slice %arg6[%div3A_252, %mul3A_256] : memref<80x128xi32, #tpu.memory_space<vmem>> -> memref<1x64xi32, #tpu.memory_space<vmem>>
        %dma_start3A_258 = tpu.memref_squeeze %dma_start3A_257 : memref<1x64xi32, #tpu.memory_space<vmem>> -> memref<64xi32, #tpu.memory_space<vmem>>
        %dma_start3A_259 = arith.constant 0 : i32
        %dma_start3A_260 = arith.constant 0 : i32
        %dma_start3A_261 = tpu.memref_slice %arg2[%dma_start3A_259, %dma_start3A_260] : memref<10000x128xf32, #tpu.memory_space<hbm>> -> memref<10000x128xf32, #tpu.memory_space<hbm>>
        tpu.enqueue_indirect_dma source(%dma_start3A_261 : memref<10000x128xf32, #tpu.memory_space<hbm>>) target(%arg13 : memref<64x128xf32, #tpu.memory_space<vmem>>) offsets(%dma_start3A_258 : memref<64xi32, #tpu.memory_space<vmem>>) semaphore(%arg18 : memref<!tpu.dma_semaphore, #tpu.memory_space<semaphore_mem>>)
        %add3A_262 = arith.constant 4 : i32
        %add3A_263 = arith.addi %add3A_215, %add3A_262 : i32
        %sub3A_264 = arith.constant 1 : i32
        %sub3A_265 = arith.subi %add3A_263, %sub3A_264 : i32
        %div3A_266 = arith.constant 2 : i32
        %div3A_267 = arith.divsi %sub3A_265, %div3A_266 : i32
        %rem3A_268 = arith.constant 2 : i32
        %rem3A_269 = arith.remsi %sub3A_265, %rem3A_268 : i32
        %mul3A_270 = arith.constant 64 : i32
        %mul3A_271 = arith.muli %rem3A_269, %mul3A_270 : i32
        %dma_start3A_272 = tpu.memref_slice %arg4[%add3A, %div3A_267, %mul3A_271] : memref<32x80x128xi32, #tpu.memory_space<hbm>> -> memref<1x1x64xi32, #tpu.memory_space<hbm>>
        %dma_start3A_273 = tpu.memref_squeeze %dma_start3A_272 : memref<1x1x64xi32, #tpu.memory_space<hbm>> -> memref<64xi32, #tpu.memory_space<hbm>>
        %dma_start3A_274 = tpu.memref_slice %arg4[%add3A, %div3A_267, %mul3A_271] : memref<32x80x128xi32, #tpu.memory_space<hbm>> -> memref<1x1x64xi32, #tpu.memory_space<hbm>>
        %dma_start3A_275 = tpu.memref_squeeze %dma_start3A_274 : memref<1x1x64xi32, #tpu.memory_space<hbm>> -> memref<64xi32, #tpu.memory_space<hbm>>
        tpu.enqueue_dma source(%dma_start3A_275 : memref<64xi32, #tpu.memory_space<hbm>>) target(%arg9 : memref<64xi32, #tpu.memory_space<vmem>>) target_semaphore(%arg22 : memref<!tpu.dma_semaphore, #tpu.memory_space<semaphore_mem>>)
      } else {
      }
      %div3A_236 = arith.constant 2 : i32
      %div3A_237 = arith.divsi %add3A_215, %div3A_236 : i32
      %rem3A_238 = arith.constant 2 : i32
      %rem3A_239 = arith.remsi %add3A_215, %rem3A_238 : i32
      %mul3A_240 = arith.constant 64 : i32
      %mul3A_241 = arith.muli %rem3A_239, %mul3A_240 : i32
      %dma_wait3A_242 = tpu.memref_slice %arg4[%add3A, %div3A_237, %mul3A_241] : memref<32x80x128xi32, #tpu.memory_space<hbm>> -> memref<1x1x64xi32, #tpu.memory_space<hbm>>
      %dma_wait3A_243 = tpu.memref_squeeze %dma_wait3A_242 : memref<1x1x64xi32, #tpu.memory_space<hbm>> -> memref<64xi32, #tpu.memory_space<hbm>>
      %dma_wait3A_244 = tpu.memref_slice %arg4[%add3A, %div3A_237, %mul3A_241] : memref<32x80x128xi32, #tpu.memory_space<hbm>> -> memref<1x1x64xi32, #tpu.memory_space<hbm>>
      %dma_wait3A_245 = tpu.memref_squeeze %dma_wait3A_244 : memref<1x1x64xi32, #tpu.memory_space<hbm>> -> memref<64xi32, #tpu.memory_space<hbm>>
      tpu.wait_dma2 semaphore(%arg23 : memref<!tpu.dma_semaphore, #tpu.memory_space<semaphore_mem>>) src(%dma_wait3A_245 : memref<64xi32, #tpu.memory_space<hbm>>) dst(%arg10 : memref<64xi32, #tpu.memory_space<vmem>>)
      "tpu.region"() ({
        %run_scoped3A = tpu.sem_alloc : memref<!tpu.dma_semaphore, #tpu.memory_space<semaphore_mem>>
        %dma_start3A_247 = arith.constant 0 : i32
        %dma_start3A_248 = arith.constant 0 : i32
        %dma_start3A_249 = tpu.memref_slice %arg15[%dma_start3A_247, %dma_start3A_248] : memref<10240x128xf32, #tpu.memory_space<vmem_shared>> -> memref<10240x128xf32, #tpu.memory_space<vmem_shared>>
        tpu.enqueue_indirect_dma source(%arg14 : memref<64x128xf32, #tpu.memory_space<vmem>>) target(%dma_start3A_249 : memref<10240x128xf32, #tpu.memory_space<vmem_shared>>) offsets(%arg10 : memref<64xi32, #tpu.memory_space<vmem>>) semaphore(%run_scoped3A : memref<!tpu.dma_semaphore, #tpu.memory_space<semaphore_mem>>) {add = true}
        %dma_wait3A_250 = arith.constant 0 : i32
        %dma_wait3A_251 = arith.constant 0 : i32
        %dma_wait3A_252 = tpu.memref_slice %arg15[%dma_wait3A_250, %dma_wait3A_251] : memref<10240x128xf32, #tpu.memory_space<vmem_shared>> -> memref<10240x128xf32, #tpu.memory_space<vmem_shared>>
        tpu.wait_indirect_dma semaphore(%run_scoped3A : memref<!tpu.dma_semaphore, #tpu.memory_space<semaphore_mem>>) src(%arg14 : memref<64x128xf32, #tpu.memory_space<vmem>>) dst(%dma_wait3A_252 : memref<10240x128xf32, #tpu.memory_space<vmem_shared>>)
        tpu.yield
      }) : () -> ()
      %scan3A_246 = arith.constant 0 : i32
      scf.yield %scan3A_246 : i32
    }
    %scan3A_107 = arith.constant 40 : i32
    %barrier3A_108 = arith.constant 0 : index
    tpu.barrier barrier_id(%barrier3A_108)
    %add3A_109 = arith.constant 0 : i32
    %add3A_110 = arith.addi %mul3A_2, %add3A_109 : i32
    "tpu.region"() ({
      %run_scoped3A = tpu.sem_alloc : memref<!tpu.dma_semaphore, #tpu.memory_space<semaphore_mem>>
      %dma_start3A_119 = arith.constant 0 : i32
      %dma_start3A_120 = tpu.memref_slice %arg5[%arg0, %add3A_110, %dma_start3A_119] : memref<2x10240x128xf32, #tpu.memory_space<hbm>> -> memref<1x128x128xf32, #tpu.memory_space<hbm>>
      %dma_start3A_121 = tpu.memref_squeeze %dma_start3A_120 : memref<1x128x128xf32, #tpu.memory_space<hbm>> -> memref<128x128xf32, #tpu.memory_space<hbm>>
      %dma_start3A_122 = arith.constant 0 : i32
      %dma_start3A_123 = tpu.memref_slice %arg15[%add3A_110, %dma_start3A_122] : memref<10240x128xf32, #tpu.memory_space<vmem_shared>> -> memref<128x128xf32, #tpu.memory_space<vmem_shared>>
      tpu.enqueue_dma source(%dma_start3A_123 : memref<128x128xf32, #tpu.memory_space<vmem_shared>>) target(%dma_start3A_121 : memref<128x128xf32, #tpu.memory_space<hbm>>) target_semaphore(%run_scoped3A : memref<!tpu.dma_semaphore, #tpu.memory_space<semaphore_mem>>)
      %dma_wait3A = arith.constant 0 : i32
      %dma_wait3A_124 = tpu.memref_slice %arg5[%arg0, %add3A_110, %dma_wait3A] : memref<2x10240x128xf32, #tpu.memory_space<hbm>> -> memref<1x128x128xf32, #tpu.memory_space<hbm>>
      %dma_wait3A_125 = tpu.memref_squeeze %dma_wait3A_124 : memref<1x128x128xf32, #tpu.memory_space<hbm>> -> memref<128x128xf32, #tpu.memory_space<hbm>>
      %dma_wait3A_126 = arith.constant 0 : i32
      %dma_wait3A_127 = tpu.memref_slice %arg15[%add3A_110, %dma_wait3A_126] : memref<10240x128xf32, #tpu.memory_space<vmem_shared>> -> memref<128x128xf32, #tpu.memory_space<vmem_shared>>
      tpu.wait_dma2 semaphore(%run_scoped3A : memref<!tpu.dma_semaphore, #tpu.memory_space<semaphore_mem>>) src(%dma_wait3A_127 : memref<128x128xf32, #tpu.memory_space<vmem_shared>>) dst(%dma_wait3A_125 : memref<128x128xf32, #tpu.memory_space<hbm>>)
      tpu.yield
    }) : () -> ()
    %add3A_111 = arith.constant 128 : i32
    %add3A_112 = arith.addi %mul3A_2, %add3A_111 : i32
    "tpu.region"() ({
      %run_scoped3A = tpu.sem_alloc : memref<!tpu.dma_semaphore, #tpu.memory_space<semaphore_mem>>
      %dma_start3A_119 = arith.constant 0 : i32
      %dma_start3A_120 = tpu.memref_slice %arg5[%arg0, %add3A_112, %dma_start3A_119] : memref<2x10240x128xf32, #tpu.memory_space<hbm>> -> memref<1x128x128xf32, #tpu.memory_space<hbm>>
      %dma_start3A_121 = tpu.memref_squeeze %dma_start3A_120 : memref<1x128x128xf32, #tpu.memory_space<hbm>> -> memref<128x128xf32, #tpu.memory_space<hbm>>
      %dma_start3A_122 = arith.constant 0 : i32
      %dma_start3A_123 = tpu.memref_slice %arg15[%add3A_112, %dma_start3A_122] : memref<10240x128xf32, #tpu.memory_space<vmem_shared>> -> memref<128x128xf32, #tpu.memory_space<vmem_shared>>
      tpu.enqueue_dma source(%dma_start3A_123 : memref<128x128xf32, #tpu.memory_space<vmem_shared>>) target(%dma_start3A_121 : memref<128x128xf32, #tpu.memory_space<hbm>>) target_semaphore(%run_scoped3A : memref<!tpu.dma_semaphore, #tpu.memory_space<semaphore_mem>>)
      %dma_wait3A = arith.constant 0 : i32
      %dma_wait3A_124 = tpu.memref_slice %arg5[%arg0, %add3A_112, %dma_wait3A] : memref<2x10240x128xf32, #tpu.memory_space<hbm>> -> memref<1x128x128xf32, #tpu.memory_space<hbm>>
      %dma_wait3A_125 = tpu.memref_squeeze %dma_wait3A_124 : memref<1x128x128xf32, #tpu.memory_space<hbm>> -> memref<128x128xf32, #tpu.memory_space<hbm>>
      %dma_wait3A_126 = arith.constant 0 : i32
      %dma_wait3A_127 = tpu.memref_slice %arg15[%add3A_112, %dma_wait3A_126] : memref<10240x128xf32, #tpu.memory_space<vmem_shared>> -> memref<128x128xf32, #tpu.memory_space<vmem_shared>>
      tpu.wait_dma2 semaphore(%run_scoped3A : memref<!tpu.dma_semaphore, #tpu.memory_space<semaphore_mem>>) src(%dma_wait3A_127 : memref<128x128xf32, #tpu.memory_space<vmem_shared>>) dst(%dma_wait3A_125 : memref<128x128xf32, #tpu.memory_space<hbm>>)
      tpu.yield
    }) : () -> ()
    %add3A_113 = arith.constant 256 : i32
    %add3A_114 = arith.addi %mul3A_2, %add3A_113 : i32
    "tpu.region"() ({
      %run_scoped3A = tpu.sem_alloc : memref<!tpu.dma_semaphore, #tpu.memory_space<semaphore_mem>>
      %dma_start3A_119 = arith.constant 0 : i32
      %dma_start3A_120 = tpu.memref_slice %arg5[%arg0, %add3A_114, %dma_start3A_119] : memref<2x10240x128xf32, #tpu.memory_space<hbm>> -> memref<1x128x128xf32, #tpu.memory_space<hbm>>
      %dma_start3A_121 = tpu.memref_squeeze %dma_start3A_120 : memref<1x128x128xf32, #tpu.memory_space<hbm>> -> memref<128x128xf32, #tpu.memory_space<hbm>>
      %dma_start3A_122 = arith.constant 0 : i32
      %dma_start3A_123 = tpu.memref_slice %arg15[%add3A_114, %dma_start3A_122] : memref<10240x128xf32, #tpu.memory_space<vmem_shared>> -> memref<128x128xf32, #tpu.memory_space<vmem_shared>>
      tpu.enqueue_dma source(%dma_start3A_123 : memref<128x128xf32, #tpu.memory_space<vmem_shared>>) target(%dma_start3A_121 : memref<128x128xf32, #tpu.memory_space<hbm>>) target_semaphore(%run_scoped3A : memref<!tpu.dma_semaphore, #tpu.memory_space<semaphore_mem>>)
      %dma_wait3A = arith.constant 0 : i32
      %dma_wait3A_124 = tpu.memref_slice %arg5[%arg0, %add3A_114, %dma_wait3A] : memref<2x10240x128xf32, #tpu.memory_space<hbm>> -> memref<1x128x128xf32, #tpu.memory_space<hbm>>
      %dma_wait3A_125 = tpu.memref_squeeze %dma_wait3A_124 : memref<1x128x128xf32, #tpu.memory_space<hbm>> -> memref<128x128xf32, #tpu.memory_space<hbm>>
      %dma_wait3A_126 = arith.constant 0 : i32
      %dma_wait3A_127 = tpu.memref_slice %arg15[%add3A_114, %dma_wait3A_126] : memref<10240x128xf32, #tpu.memory_space<vmem_shared>> -> memref<128x128xf32, #tpu.memory_space<vmem_shared>>
      tpu.wait_dma2 semaphore(%run_scoped3A : memref<!tpu.dma_semaphore, #tpu.memory_space<semaphore_mem>>) src(%dma_wait3A_127 : memref<128x128xf32, #tpu.memory_space<vmem_shared>>) dst(%dma_wait3A_125 : memref<128x128xf32, #tpu.memory_space<hbm>>)
      tpu.yield
    }) : () -> ()
    %add3A_115 = arith.constant 384 : i32
    %add3A_116 = arith.addi %mul3A_2, %add3A_115 : i32
    "tpu.region"() ({
      %run_scoped3A = tpu.sem_alloc : memref<!tpu.dma_semaphore, #tpu.memory_space<semaphore_mem>>
      %dma_start3A_119 = arith.constant 0 : i32
      %dma_start3A_120 = tpu.memref_slice %arg5[%arg0, %add3A_116, %dma_start3A_119] : memref<2x10240x128xf32, #tpu.memory_space<hbm>> -> memref<1x128x128xf32, #tpu.memory_space<hbm>>
      %dma_start3A_121 = tpu.memref_squeeze %dma_start3A_120 : memref<1x128x128xf32, #tpu.memory_space<hbm>> -> memref<128x128xf32, #tpu.memory_space<hbm>>
      %dma_start3A_122 = arith.constant 0 : i32
      %dma_start3A_123 = tpu.memref_slice %arg15[%add3A_116, %dma_start3A_122] : memref<10240x128xf32, #tpu.memory_space<vmem_shared>> -> memref<128x128xf32, #tpu.memory_space<vmem_shared>>
      tpu.enqueue_dma source(%dma_start3A_123 : memref<128x128xf32, #tpu.memory_space<vmem_shared>>) target(%dma_start3A_121 : memref<128x128xf32, #tpu.memory_space<hbm>>) target_semaphore(%run_scoped3A : memref<!tpu.dma_semaphore, #tpu.memory_space<semaphore_mem>>)
      %dma_wait3A = arith.constant 0 : i32
      %dma_wait3A_124 = tpu.memref_slice %arg5[%arg0, %add3A_116, %dma_wait3A] : memref<2x10240x128xf32, #tpu.memory_space<hbm>> -> memref<1x128x128xf32, #tpu.memory_space<hbm>>
      %dma_wait3A_125 = tpu.memref_squeeze %dma_wait3A_124 : memref<1x128x128xf32, #tpu.memory_space<hbm>> -> memref<128x128xf32, #tpu.memory_space<hbm>>
      %dma_wait3A_126 = arith.constant 0 : i32
      %dma_wait3A_127 = tpu.memref_slice %arg15[%add3A_116, %dma_wait3A_126] : memref<10240x128xf32, #tpu.memory_space<vmem_shared>> -> memref<128x128xf32, #tpu.memory_space<vmem_shared>>
      tpu.wait_dma2 semaphore(%run_scoped3A : memref<!tpu.dma_semaphore, #tpu.memory_space<semaphore_mem>>) src(%dma_wait3A_127 : memref<128x128xf32, #tpu.memory_space<vmem_shared>>) dst(%dma_wait3A_125 : memref<128x128xf32, #tpu.memory_space<hbm>>)
      tpu.yield
    }) : () -> ()
    %add3A_117 = arith.constant 512 : i32
    %add3A_118 = arith.addi %mul3A_2, %add3A_117 : i32
    "tpu.region"() ({
      %run_scoped3A = tpu.sem_alloc : memref<!tpu.dma_semaphore, #tpu.memory_space<semaphore_mem>>
      %dma_start3A_119 = arith.constant 0 : i32
      %dma_start3A_120 = tpu.memref_slice %arg5[%arg0, %add3A_118, %dma_start3A_119] : memref<2x10240x128xf32, #tpu.memory_space<hbm>> -> memref<1x128x128xf32, #tpu.memory_space<hbm>>
      %dma_start3A_121 = tpu.memref_squeeze %dma_start3A_120 : memref<1x128x128xf32, #tpu.memory_space<hbm>> -> memref<128x128xf32, #tpu.memory_space<hbm>>
      %dma_start3A_122 = arith.constant 0 : i32
      %dma_start3A_123 = tpu.memref_slice %arg15[%add3A_118, %dma_start3A_122] : memref<10240x128xf32, #tpu.memory_space<vmem_shared>> -> memref<128x128xf32, #tpu.memory_space<vmem_shared>>
      tpu.enqueue_dma source(%dma_start3A_123 : memref<128x128xf32, #tpu.memory_space<vmem_shared>>) target(%dma_start3A_121 : memref<128x128xf32, #tpu.memory_space<hbm>>) target_semaphore(%run_scoped3A : memref<!tpu.dma_semaphore, #tpu.memory_space<semaphore_mem>>)
      %dma_wait3A = arith.constant 0 : i32
      %dma_wait3A_124 = tpu.memref_slice %arg5[%arg0, %add3A_118, %dma_wait3A] : memref<2x10240x128xf32, #tpu.memory_space<hbm>> -> memref<1x128x128xf32, #tpu.memory_space<hbm>>
      %dma_wait3A_125 = tpu.memref_squeeze %dma_wait3A_124 : memref<1x128x128xf32, #tpu.memory_space<hbm>> -> memref<128x128xf32, #tpu.memory_space<hbm>>
      %dma_wait3A_126 = arith.constant 0 : i32
      %dma_wait3A_127 = tpu.memref_slice %arg15[%add3A_118, %dma_wait3A_126] : memref<10240x128xf32, #tpu.memory_space<vmem_shared>> -> memref<128x128xf32, #tpu.memory_space<vmem_shared>>
      tpu.wait_dma2 semaphore(%run_scoped3A : memref<!tpu.dma_semaphore, #tpu.memory_space<semaphore_mem>>) src(%dma_wait3A_127 : memref<128x128xf32, #tpu.memory_space<vmem_shared>>) dst(%dma_wait3A_125 : memref<128x128xf32, #tpu.memory_space<hbm>>)
      tpu.yield
    }) : () -> ()
    return
  }
}

#map = affine_map<(d0, d1) -> (0, 0)>
#map1 = affine_map<(d0, d1) -> (0, 0, 0)>
module attributes {stable_mosaic.version = 14 : i64} {
  func.func @body(%arg0: i32, %arg1: i32, %arg2: memref<10000x128xf32, #tpu.memory_space<hbm>>, %arg3: memref<32x80x128xi32, #tpu.memory_space<hbm>>, %arg4: memref<32x80x128xi32, #tpu.memory_space<hbm>>, %arg5: memref<2x10240x128xf32, #tpu.memory_space<hbm>>, %arg6: memref<80x128xi32, #tpu.memory_space<vmem>>, %arg7: memref<64xi32, #tpu.memory_space<vmem>>, %arg8: memref<64xi32, #tpu.memory_space<vmem>>, %arg9: memref<64xi32, #tpu.memory_space<vmem>>, %arg10: memref<64xi32, #tpu.memory_space<vmem>>, %arg11: memref<64x128xf32, #tpu.memory_space<vmem>>, %arg12: memref<64x128xf32, #tpu.memory_space<vmem>>, %arg13: memref<64x128xf32, #tpu.memory_space<vmem>>, %arg14: memref<64x128xf32, #tpu.memory_space<vmem>>, %arg15: memref<10240x128xf32, #tpu.memory_space<vmem_shared>>, %arg16: memref<!tpu.dma_semaphore, #tpu.memory_space<semaphore_mem>>, %arg17: memref<!tpu.dma_semaphore, #tpu.memory_space<semaphore_mem>>, %arg18: memref<!tpu.dma_semaphore, #tpu.memory_space<semaphore_mem>>, %arg19: memref<!tpu.dma_semaphore, #tpu.memory_space<semaphore_mem>>, %arg20: memref<!tpu.dma_semaphore, #tpu.memory_space<semaphore_mem>>, %arg21: memref<!tpu.dma_semaphore, #tpu.memory_space<semaphore_mem>>, %arg22: memref<!tpu.dma_semaphore, #tpu.memory_space<semaphore_mem>>, %arg23: memref<!tpu.dma_semaphore, #tpu.memory_space<semaphore_mem>>) attributes {dimension_semantics = [#tpu.dimension_semantics<core_parallel>, #tpu.dimension_semantics<subcore_parallel>], iteration_bounds = array<i64: 2, 16>, scalar_prefetch = 0 : i64, scratch_operands = 18 : i64, tpu.core_type = #tpu.core_type<sc_vector_subcore>, window_params = [{transform_indices = #map}, {transform_indices = #map1}, {transform_indices = #map1}, {transform_indices = #map1}]} {
    %mul3A = arith.constant 16 : i32
    %mul3A_0 = arith.muli %arg0, %mul3A : i32
    %add3A = arith.addi %mul3A_0, %arg1 : i32
    %mul3A_1 = arith.constant 640 : i32
    %mul3A_2 = arith.muli %arg1, %mul3A_1 : i32
    %scan3A = arith.constant 0 : i32
    %scan3A_3 = arith.constant 0 : i32
    %scan3A_4 = arith.constant 64 : i32
    %scan3A_5 = arith.addi %scan3A_3, %scan3A_4 : i32
    %scan3A_6 = arith.constant 1 : i32
    %scan3A_7 = scf.for %scan3A_119 = %scan3A_3 to %scan3A_5 step %scan3A_6 iter_args(%scan3A_120 = %scan3A) -> (i32)  : i32 {
      %broadcast_in_dim3A = arith.constant 0.000000e+00 : f32
      %broadcast_in_dim3A_121 = vector.broadcast %broadcast_in_dim3A : f32 to vector<16xf32>
      %swap3A = arith.index_cast %scan3A_119 : i32 to index
      %swap3A_122 = arith.constant 0 : index
      %swap3A_123 = tpu.vector_load %arg11[%swap3A, %swap3A_122] {strides = array<i32>} : memref<64x128xf32, #tpu.memory_space<vmem>>, vector<1x16xf32>,
      %swap3A_124 = vector.shape_cast %swap3A_123 : vector<1x16xf32> to vector<16xf32>
      %swap3A_125 = vector.shape_cast %broadcast_in_dim3A_121 : vector<16xf32> to vector<1x16xf32>
      tpu.vector_store %arg11[%swap3A, %swap3A_122], %swap3A_125 {strides = array<i32>} : memref<64x128xf32, #tpu.memory_space<vmem>>, vector<1x16xf32>,
      %broadcast_in_dim3A_126 = arith.constant 0.000000e+00 : f32
      %broadcast_in_dim3A_127 = vector.broadcast %broadcast_in_dim3A_126 : f32 to vector<16xf32>
      %swap3A_128 = arith.index_cast %scan3A_119 : i32 to index
      %swap3A_129 = arith.constant 16 : index
      %swap3A_130 = tpu.vector_load %arg11[%swap3A_128, %swap3A_129] {strides = array<i32>} : memref<64x128xf32, #tpu.memory_space<vmem>>, vector<1x16xf32>,
      %swap3A_131 = vector.shape_cast %swap3A_130 : vector<1x16xf32> to vector<16xf32>
      %swap3A_132 = vector.shape_cast %broadcast_in_dim3A_127 : vector<16xf32> to vector<1x16xf32>
      tpu.vector_store %arg11[%swap3A_128, %swap3A_129], %swap3A_132 {strides = array<i32>} : memref<64x128xf32, #tpu.memory_space<vmem>>, vector<1x16xf32>,
      %broadcast_in_dim3A_133 = arith.constant 0.000000e+00 : f32
      %broadcast_in_dim3A_134 = vector.broadcast %broadcast_in_dim3A_133 : f32 to vector<16xf32>
      %swap3A_135 = arith.index_cast %scan3A_119 : i32 to index
      %swap3A_136 = arith.constant 32 : index
      %swap3A_137 = tpu.vector_load %arg11[%swap3A_135, %swap3A_136] {strides = array<i32>} : memref<64x128xf32, #tpu.memory_space<vmem>>, vector<1x16xf32>,
      %swap3A_138 = vector.shape_cast %swap3A_137 : vector<1x16xf32> to vector<16xf32>
      %swap3A_139 = vector.shape_cast %broadcast_in_dim3A_134 : vector<16xf32> to vector<1x16xf32>
      tpu.vector_store %arg11[%swap3A_135, %swap3A_136], %swap3A_139 {strides = array<i32>} : memref<64x128xf32, #tpu.memory_space<vmem>>, vector<1x16xf32>,
      %broadcast_in_dim3A_140 = arith.constant 0.000000e+00 : f32
      %broadcast_in_dim3A_141 = vector.broadcast %broadcast_in_dim3A_140 : f32 to vector<16xf32>
      %swap3A_142 = arith.index_cast %scan3A_119 : i32 to index
      %swap3A_143 = arith.constant 48 : index
      %swap3A_144 = tpu.vector_load %arg11[%swap3A_142, %swap3A_143] {strides = array<i32>} : memref<64x128xf32, #tpu.memory_space<vmem>>, vector<1x16xf32>,
      %swap3A_145 = vector.shape_cast %swap3A_144 : vector<1x16xf32> to vector<16xf32>
      %swap3A_146 = vector.shape_cast %broadcast_in_dim3A_141 : vector<16xf32> to vector<1x16xf32>
      tpu.vector_store %arg11[%swap3A_142, %swap3A_143], %swap3A_146 {strides = array<i32>} : memref<64x128xf32, #tpu.memory_space<vmem>>, vector<1x16xf32>,
      %broadcast_in_dim3A_147 = arith.constant 0.000000e+00 : f32
      %broadcast_in_dim3A_148 = vector.broadcast %broadcast_in_dim3A_147 : f32 to vector<16xf32>
      %swap3A_149 = arith.index_cast %scan3A_119 : i32 to index
      %swap3A_150 = arith.constant 64 : index
      %swap3A_151 = tpu.vector_load %arg11[%swap3A_149, %swap3A_150] {strides = array<i32>} : memref<64x128xf32, #tpu.memory_space<vmem>>, vector<1x16xf32>,
      %swap3A_152 = vector.shape_cast %swap3A_151 : vector<1x16xf32> to vector<16xf32>
      %swap3A_153 = vector.shape_cast %broadcast_in_dim3A_148 : vector<16xf32> to vector<1x16xf32>
      tpu.vector_store %arg11[%swap3A_149, %swap3A_150], %swap3A_153 {strides = array<i32>} : memref<64x128xf32, #tpu.memory_space<vmem>>, vector<1x16xf32>,
      %broadcast_in_dim3A_154 = arith.constant 0.000000e+00 : f32
      %broadcast_in_dim3A_155 = vector.broadcast %broadcast_in_dim3A_154 : f32 to vector<16xf32>
      %swap3A_156 = arith.index_cast %scan3A_119 : i32 to index
      %swap3A_157 = arith.constant 80 : index
      %swap3A_158 = tpu.vector_load %arg11[%swap3A_156, %swap3A_157] {strides = array<i32>} : memref<64x128xf32, #tpu.memory_space<vmem>>, vector<1x16xf32>,
      %swap3A_159 = vector.shape_cast %swap3A_158 : vector<1x16xf32> to vector<16xf32>
      %swap3A_160 = vector.shape_cast %broadcast_in_dim3A_155 : vector<16xf32> to vector<1x16xf32>
      tpu.vector_store %arg11[%swap3A_156, %swap3A_157], %swap3A_160 {strides = array<i32>} : memref<64x128xf32, #tpu.memory_space<vmem>>, vector<1x16xf32>,
      %broadcast_in_dim3A_161 = arith.constant 0.000000e+00 : f32
      %broadcast_in_dim3A_162 = vector.broadcast %broadcast_in_dim3A_161 : f32 to vector<16xf32>
      %swap3A_163 = arith.index_cast %scan3A_119 : i32 to index
      %swap3A_164 = arith.constant 96 : index
      %swap3A_165 = tpu.vector_load %arg11[%swap3A_163, %swap3A_164] {strides = array<i32>} : memref<64x128xf32, #tpu.memory_space<vmem>>, vector<1x16xf32>,
      %swap3A_166 = vector.shape_cast %swap3A_165 : vector<1x16xf32> to vector<16xf32>
      %swap3A_167 = vector.shape_cast %broadcast_in_dim3A_162 : vector<16xf32> to vector<1x16xf32>
      tpu.vector_store %arg11[%swap3A_163, %swap3A_164], %swap3A_167 {strides = array<i32>} : memref<64x128xf32, #tpu.memory_space<vmem>>, vector<1x16xf32>,
      %broadcast_in_dim3A_168 = arith.constant 0.000000e+00 : f32
      %broadcast_in_dim3A_169 = vector.broadcast %broadcast_in_dim3A_168 : f32 to vector<16xf32>
      %swap3A_170 = arith.index_cast %scan3A_119 : i32 to index
      %swap3A_171 = arith.constant 112 : index
      %swap3A_172 = tpu.vector_load %arg11[%swap3A_170, %swap3A_171] {strides = array<i32>} : memref<64x128xf32, #tpu.memory_space<vmem>>, vector<1x16xf32>,
      %swap3A_173 = vector.shape_cast %swap3A_172 : vector<1x16xf32> to vector<16xf32>
      %swap3A_174 = vector.shape_cast %broadcast_in_dim3A_169 : vector<16xf32> to vector<1x16xf32>
      tpu.vector_store %arg11[%swap3A_170, %swap3A_171], %swap3A_174 {strides = array<i32>} : memref<64x128xf32, #tpu.memory_space<vmem>>, vector<1x16xf32>,
      %scan3A_175 = arith.constant 0 : i32
      scf.yield %scan3A_175 : i32
    }
    %scan3A_8 = arith.constant 64 : i32
    %add3A_9 = arith.constant 0 : i32
    %add3A_10 = arith.addi %mul3A_2, %add3A_9 : i32
    "tpu.region"() ({
      %run_scoped3A = tpu.sem_alloc : memref<!tpu.dma_semaphore, #tpu.memory_space<semaphore_mem>>
      %dma_start3A_119 = arith.constant 0 : i32
      %dma_start3A_120 = tpu.memref_slice %arg15[%add3A_10, %dma_start3A_119] : memref<10240x128xf32, #tpu.memory_space<vmem_shared>> -> memref<64x128xf32, #tpu.memory_space<vmem_shared>>
      %dma_start3A_121 = arith.constant 0 : i32
      %dma_start3A_122 = tpu.memref_slice %arg15[%add3A_10, %dma_start3A_121] : memref<10240x128xf32, #tpu.memory_space<vmem_shared>> -> memref<64x128xf32, #tpu.memory_space<vmem_shared>>
      tpu.enqueue_dma source(%arg11 : memref<64x128xf32, #tpu.memory_space<vmem>>) target(%dma_start3A_122 : memref<64x128xf32, #tpu.memory_space<vmem_shared>>) target_semaphore(%run_scoped3A : memref<!tpu.dma_semaphore, #tpu.memory_space<semaphore_mem>>)
      %dma_wait3A = arith.constant 0 : i32
      %dma_wait3A_123 = tpu.memref_slice %arg15[%add3A_10, %dma_wait3A] : memref<10240x128xf32, #tpu.memory_space<vmem_shared>> -> memref<64x128xf32, #tpu.memory_space<vmem_shared>>
      %dma_wait3A_124 = arith.constant 0 : i32
      %dma_wait3A_125 = tpu.memref_slice %arg15[%add3A_10, %dma_wait3A_124] : memref<10240x128xf32, #tpu.memory_space<vmem_shared>> -> memref<64x128xf32, #tpu.memory_space<vmem_shared>>
      tpu.wait_dma2 semaphore(%run_scoped3A : memref<!tpu.dma_semaphore, #tpu.memory_space<semaphore_mem>>) src(%arg11 : memref<64x128xf32, #tpu.memory_space<vmem>>) dst(%dma_wait3A_125 : memref<64x128xf32, #tpu.memory_space<vmem_shared>>)
      tpu.yield
    }) : () -> ()
    %add3A_11 = arith.constant 64 : i32
    %add3A_12 = arith.addi %mul3A_2, %add3A_11 : i32
    "tpu.region"() ({
      %run_scoped3A = tpu.sem_alloc : memref<!tpu.dma_semaphore, #tpu.memory_space<semaphore_mem>>
      %dma_start3A_119 = arith.constant 0 : i32
      %dma_start3A_120 = tpu.memref_slice %arg15[%add3A_12, %dma_start3A_119] : memref<10240x128xf32, #tpu.memory_space<vmem_shared>> -> memref<64x128xf32, #tpu.memory_space<vmem_shared>>
      %dma_start3A_121 = arith.constant 0 : i32
      %dma_start3A_122 = tpu.memref_slice %arg15[%add3A_12, %dma_start3A_121] : memref<10240x128xf32, #tpu.memory_space<vmem_shared>> -> memref<64x128xf32, #tpu.memory_space<vmem_shared>>
      tpu.enqueue_dma source(%arg11 : memref<64x128xf32, #tpu.memory_space<vmem>>) target(%dma_start3A_122 : memref<64x128xf32, #tpu.memory_space<vmem_shared>>) target_semaphore(%run_scoped3A : memref<!tpu.dma_semaphore, #tpu.memory_space<semaphore_mem>>)
      %dma_wait3A = arith.constant 0 : i32
      %dma_wait3A_123 = tpu.memref_slice %arg15[%add3A_12, %dma_wait3A] : memref<10240x128xf32, #tpu.memory_space<vmem_shared>> -> memref<64x128xf32, #tpu.memory_space<vmem_shared>>
      %dma_wait3A_124 = arith.constant 0 : i32
      %dma_wait3A_125 = tpu.memref_slice %arg15[%add3A_12, %dma_wait3A_124] : memref<10240x128xf32, #tpu.memory_space<vmem_shared>> -> memref<64x128xf32, #tpu.memory_space<vmem_shared>>
      tpu.wait_dma2 semaphore(%run_scoped3A : memref<!tpu.dma_semaphore, #tpu.memory_space<semaphore_mem>>) src(%arg11 : memref<64x128xf32, #tpu.memory_space<vmem>>) dst(%dma_wait3A_125 : memref<64x128xf32, #tpu.memory_space<vmem_shared>>)
      tpu.yield
    }) : () -> ()
    %add3A_13 = arith.constant 128 : i32
    %add3A_14 = arith.addi %mul3A_2, %add3A_13 : i32
    "tpu.region"() ({
      %run_scoped3A = tpu.sem_alloc : memref<!tpu.dma_semaphore, #tpu.memory_space<semaphore_mem>>
      %dma_start3A_119 = arith.constant 0 : i32
      %dma_start3A_120 = tpu.memref_slice %arg15[%add3A_14, %dma_start3A_119] : memref<10240x128xf32, #tpu.memory_space<vmem_shared>> -> memref<64x128xf32, #tpu.memory_space<vmem_shared>>
      %dma_start3A_121 = arith.constant 0 : i32
      %dma_start3A_122 = tpu.memref_slice %arg15[%add3A_14, %dma_start3A_121] : memref<10240x128xf32, #tpu.memory_space<vmem_shared>> -> memref<64x128xf32, #tpu.memory_space<vmem_shared>>
      tpu.enqueue_dma source(%arg11 : memref<64x128xf32, #tpu.memory_space<vmem>>) target(%dma_start3A_122 : memref<64x128xf32, #tpu.memory_space<vmem_shared>>) target_semaphore(%run_scoped3A : memref<!tpu.dma_semaphore, #tpu.memory_space<semaphore_mem>>)
      %dma_wait3A = arith.constant 0 : i32
      %dma_wait3A_123 = tpu.memref_slice %arg15[%add3A_14, %dma_wait3A] : memref<10240x128xf32, #tpu.memory_space<vmem_shared>> -> memref<64x128xf32, #tpu.memory_space<vmem_shared>>
      %dma_wait3A_124 = arith.constant 0 : i32
      %dma_wait3A_125 = tpu.memref_slice %arg15[%add3A_14, %dma_wait3A_124] : memref<10240x128xf32, #tpu.memory_space<vmem_shared>> -> memref<64x128xf32, #tpu.memory_space<vmem_shared>>
      tpu.wait_dma2 semaphore(%run_scoped3A : memref<!tpu.dma_semaphore, #tpu.memory_space<semaphore_mem>>) src(%arg11 : memref<64x128xf32, #tpu.memory_space<vmem>>) dst(%dma_wait3A_125 : memref<64x128xf32, #tpu.memory_space<vmem_shared>>)
      tpu.yield
    }) : () -> ()
    %add3A_15 = arith.constant 192 : i32
    %add3A_16 = arith.addi %mul3A_2, %add3A_15 : i32
    "tpu.region"() ({
      %run_scoped3A = tpu.sem_alloc : memref<!tpu.dma_semaphore, #tpu.memory_space<semaphore_mem>>
      %dma_start3A_119 = arith.constant 0 : i32
      %dma_start3A_120 = tpu.memref_slice %arg15[%add3A_16, %dma_start3A_119] : memref<10240x128xf32, #tpu.memory_space<vmem_shared>> -> memref<64x128xf32, #tpu.memory_space<vmem_shared>>
      %dma_start3A_121 = arith.constant 0 : i32
      %dma_start3A_122 = tpu.memref_slice %arg15[%add3A_16, %dma_start3A_121] : memref<10240x128xf32, #tpu.memory_space<vmem_shared>> -> memref<64x128xf32, #tpu.memory_space<vmem_shared>>
      tpu.enqueue_dma source(%arg11 : memref<64x128xf32, #tpu.memory_space<vmem>>) target(%dma_start3A_122 : memref<64x128xf32, #tpu.memory_space<vmem_shared>>) target_semaphore(%run_scoped3A : memref<!tpu.dma_semaphore, #tpu.memory_space<semaphore_mem>>)
      %dma_wait3A = arith.constant 0 : i32
      %dma_wait3A_123 = tpu.memref_slice %arg15[%add3A_16, %dma_wait3A] : memref<10240x128xf32, #tpu.memory_space<vmem_shared>> -> memref<64x128xf32, #tpu.memory_space<vmem_shared>>
      %dma_wait3A_124 = arith.constant 0 : i32
      %dma_wait3A_125 = tpu.memref_slice %arg15[%add3A_16, %dma_wait3A_124] : memref<10240x128xf32, #tpu.memory_space<vmem_shared>> -> memref<64x128xf32, #tpu.memory_space<vmem_shared>>
      tpu.wait_dma2 semaphore(%run_scoped3A : memref<!tpu.dma_semaphore, #tpu.memory_space<semaphore_mem>>) src(%arg11 : memref<64x128xf32, #tpu.memory_space<vmem>>) dst(%dma_wait3A_125 : memref<64x128xf32, #tpu.memory_space<vmem_shared>>)
      tpu.yield
    }) : () -> ()
    %add3A_17 = arith.constant 256 : i32
    %add3A_18 = arith.addi %mul3A_2, %add3A_17 : i32
    "tpu.region"() ({
      %run_scoped3A = tpu.sem_alloc : memref<!tpu.dma_semaphore, #tpu.memory_space<semaphore_mem>>
      %dma_start3A_119 = arith.constant 0 : i32
      %dma_start3A_120 = tpu.memref_slice %arg15[%add3A_18, %dma_start3A_119] : memref<10240x128xf32, #tpu.memory_space<vmem_shared>> -> memref<64x128xf32, #tpu.memory_space<vmem_shared>>
      %dma_start3A_121 = arith.constant 0 : i32
      %dma_start3A_122 = tpu.memref_slice %arg15[%add3A_18, %dma_start3A_121] : memref<10240x128xf32, #tpu.memory_space<vmem_shared>> -> memref<64x128xf32, #tpu.memory_space<vmem_shared>>
      tpu.enqueue_dma source(%arg11 : memref<64x128xf32, #tpu.memory_space<vmem>>) target(%dma_start3A_122 : memref<64x128xf32, #tpu.memory_space<vmem_shared>>) target_semaphore(%run_scoped3A : memref<!tpu.dma_semaphore, #tpu.memory_space<semaphore_mem>>)
      %dma_wait3A = arith.constant 0 : i32
      %dma_wait3A_123 = tpu.memref_slice %arg15[%add3A_18, %dma_wait3A] : memref<10240x128xf32, #tpu.memory_space<vmem_shared>> -> memref<64x128xf32, #tpu.memory_space<vmem_shared>>
      %dma_wait3A_124 = arith.constant 0 : i32
      %dma_wait3A_125 = tpu.memref_slice %arg15[%add3A_18, %dma_wait3A_124] : memref<10240x128xf32, #tpu.memory_space<vmem_shared>> -> memref<64x128xf32, #tpu.memory_space<vmem_shared>>
      tpu.wait_dma2 semaphore(%run_scoped3A : memref<!tpu.dma_semaphore, #tpu.memory_space<semaphore_mem>>) src(%arg11 : memref<64x128xf32, #tpu.memory_space<vmem>>) dst(%dma_wait3A_125 : memref<64x128xf32, #tpu.memory_space<vmem_shared>>)
      tpu.yield
    }) : () -> ()
    %add3A_19 = arith.constant 320 : i32
    %add3A_20 = arith.addi %mul3A_2, %add3A_19 : i32
    "tpu.region"() ({
      %run_scoped3A = tpu.sem_alloc : memref<!tpu.dma_semaphore, #tpu.memory_space<semaphore_mem>>
      %dma_start3A_119 = arith.constant 0 : i32
      %dma_start3A_120 = tpu.memref_slice %arg15[%add3A_20, %dma_start3A_119] : memref<10240x128xf32, #tpu.memory_space<vmem_shared>> -> memref<64x128xf32, #tpu.memory_space<vmem_shared>>
      %dma_start3A_121 = arith.constant 0 : i32
      %dma_start3A_122 = tpu.memref_slice %arg15[%add3A_20, %dma_start3A_121] : memref<10240x128xf32, #tpu.memory_space<vmem_shared>> -> memref<64x128xf32, #tpu.memory_space<vmem_shared>>
      tpu.enqueue_dma source(%arg11 : memref<64x128xf32, #tpu.memory_space<vmem>>) target(%dma_start3A_122 : memref<64x128xf32, #tpu.memory_space<vmem_shared>>) target_semaphore(%run_scoped3A : memref<!tpu.dma_semaphore, #tpu.memory_space<semaphore_mem>>)
      %dma_wait3A = arith.constant 0 : i32
      %dma_wait3A_123 = tpu.memref_slice %arg15[%add3A_20, %dma_wait3A] : memref<10240x128xf32, #tpu.memory_space<vmem_shared>> -> memref<64x128xf32, #tpu.memory_space<vmem_shared>>
      %dma_wait3A_124 = arith.constant 0 : i32
      %dma_wait3A_125 = tpu.memref_slice %arg15[%add3A_20, %dma_wait3A_124] : memref<10240x128xf32, #tpu.memory_space<vmem_shared>> -> memref<64x128xf32, #tpu.memory_space<vmem_shared>>
      tpu.wait_dma2 semaphore(%run_scoped3A : memref<!tpu.dma_semaphore, #tpu.memory_space<semaphore_mem>>) src(%arg11 : memref<64x128xf32, #tpu.memory_space<vmem>>) dst(%dma_wait3A_125 : memref<64x128xf32, #tpu.memory_space<vmem_shared>>)
      tpu.yield
    }) : () -> ()
    %add3A_21 = arith.constant 384 : i32
    %add3A_22 = arith.addi %mul3A_2, %add3A_21 : i32
    "tpu.region"() ({
      %run_scoped3A = tpu.sem_alloc : memref<!tpu.dma_semaphore, #tpu.memory_space<semaphore_mem>>
      %dma_start3A_119 = arith.constant 0 : i32
      %dma_start3A_120 = tpu.memref_slice %arg15[%add3A_22, %dma_start3A_119] : memref<10240x128xf32, #tpu.memory_space<vmem_shared>> -> memref<64x128xf32, #tpu.memory_space<vmem_shared>>
      %dma_start3A_121 = arith.constant 0 : i32
      %dma_start3A_122 = tpu.memref_slice %arg15[%add3A_22, %dma_start3A_121] : memref<10240x128xf32, #tpu.memory_space<vmem_shared>> -> memref<64x128xf32, #tpu.memory_space<vmem_shared>>
      tpu.enqueue_dma source(%arg11 : memref<64x128xf32, #tpu.memory_space<vmem>>) target(%dma_start3A_122 : memref<64x128xf32, #tpu.memory_space<vmem_shared>>) target_semaphore(%run_scoped3A : memref<!tpu.dma_semaphore, #tpu.memory_space<semaphore_mem>>)
      %dma_wait3A = arith.constant 0 : i32
      %dma_wait3A_123 = tpu.memref_slice %arg15[%add3A_22, %dma_wait3A] : memref<10240x128xf32, #tpu.memory_space<vmem_shared>> -> memref<64x128xf32, #tpu.memory_space<vmem_shared>>
      %dma_wait3A_124 = arith.constant 0 : i32
      %dma_wait3A_125 = tpu.memref_slice %arg15[%add3A_22, %dma_wait3A_124] : memref<10240x128xf32, #tpu.memory_space<vmem_shared>> -> memref<64x128xf32, #tpu.memory_space<vmem_shared>>
      tpu.wait_dma2 semaphore(%run_scoped3A : memref<!tpu.dma_semaphore, #tpu.memory_space<semaphore_mem>>) src(%arg11 : memref<64x128xf32, #tpu.memory_space<vmem>>) dst(%dma_wait3A_125 : memref<64x128xf32, #tpu.memory_space<vmem_shared>>)
      tpu.yield
    }) : () -> ()
    %add3A_23 = arith.constant 448 : i32
    %add3A_24 = arith.addi %mul3A_2, %add3A_23 : i32
    "tpu.region"() ({
      %run_scoped3A = tpu.sem_alloc : memref<!tpu.dma_semaphore, #tpu.memory_space<semaphore_mem>>
      %dma_start3A_119 = arith.constant 0 : i32
      %dma_start3A_120 = tpu.memref_slice %arg15[%add3A_24, %dma_start3A_119] : memref<10240x128xf32, #tpu.memory_space<vmem_shared>> -> memref<64x128xf32, #tpu.memory_space<vmem_shared>>
      %dma_start3A_121 = arith.constant 0 : i32
      %dma_start3A_122 = tpu.memref_slice %arg15[%add3A_24, %dma_start3A_121] : memref<10240x128xf32, #tpu.memory_space<vmem_shared>> -> memref<64x128xf32, #tpu.memory_space<vmem_shared>>
      tpu.enqueue_dma source(%arg11 : memref<64x128xf32, #tpu.memory_space<vmem>>) target(%dma_start3A_122 : memref<64x128xf32, #tpu.memory_space<vmem_shared>>) target_semaphore(%run_scoped3A : memref<!tpu.dma_semaphore, #tpu.memory_space<semaphore_mem>>)
      %dma_wait3A = arith.constant 0 : i32
      %dma_wait3A_123 = tpu.memref_slice %arg15[%add3A_24, %dma_wait3A] : memref<10240x128xf32, #tpu.memory_space<vmem_shared>> -> memref<64x128xf32, #tpu.memory_space<vmem_shared>>
      %dma_wait3A_124 = arith.constant 0 : i32
      %dma_wait3A_125 = tpu.memref_slice %arg15[%add3A_24, %dma_wait3A_124] : memref<10240x128xf32, #tpu.memory_space<vmem_shared>> -> memref<64x128xf32, #tpu.memory_space<vmem_shared>>
      tpu.wait_dma2 semaphore(%run_scoped3A : memref<!tpu.dma_semaphore, #tpu.memory_space<semaphore_mem>>) src(%arg11 : memref<64x128xf32, #tpu.memory_space<vmem>>) dst(%dma_wait3A_125 : memref<64x128xf32, #tpu.memory_space<vmem_shared>>)
      tpu.yield
    }) : () -> ()
    %add3A_25 = arith.constant 512 : i32
    %add3A_26 = arith.addi %mul3A_2, %add3A_25 : i32
    "tpu.region"() ({
      %run_scoped3A = tpu.sem_alloc : memref<!tpu.dma_semaphore, #tpu.memory_space<semaphore_mem>>
      %dma_start3A_119 = arith.constant 0 : i32
      %dma_start3A_120 = tpu.memref_slice %arg15[%add3A_26, %dma_start3A_119] : memref<10240x128xf32, #tpu.memory_space<vmem_shared>> -> memref<64x128xf32, #tpu.memory_space<vmem_shared>>
      %dma_start3A_121 = arith.constant 0 : i32
      %dma_start3A_122 = tpu.memref_slice %arg15[%add3A_26, %dma_start3A_121] : memref<10240x128xf32, #tpu.memory_space<vmem_shared>> -> memref<64x128xf32, #tpu.memory_space<vmem_shared>>
      tpu.enqueue_dma source(%arg11 : memref<64x128xf32, #tpu.memory_space<vmem>>) target(%dma_start3A_122 : memref<64x128xf32, #tpu.memory_space<vmem_shared>>) target_semaphore(%run_scoped3A : memref<!tpu.dma_semaphore, #tpu.memory_space<semaphore_mem>>)
      %dma_wait3A = arith.constant 0 : i32
      %dma_wait3A_123 = tpu.memref_slice %arg15[%add3A_26, %dma_wait3A] : memref<10240x128xf32, #tpu.memory_space<vmem_shared>> -> memref<64x128xf32, #tpu.memory_space<vmem_shared>>
      %dma_wait3A_124 = arith.constant 0 : i32
      %dma_wait3A_125 = tpu.memref_slice %arg15[%add3A_26, %dma_wait3A_124] : memref<10240x128xf32, #tpu.memory_space<vmem_shared>> -> memref<64x128xf32, #tpu.memory_space<vmem_shared>>
      tpu.wait_dma2 semaphore(%run_scoped3A : memref<!tpu.dma_semaphore, #tpu.memory_space<semaphore_mem>>) src(%arg11 : memref<64x128xf32, #tpu.memory_space<vmem>>) dst(%dma_wait3A_125 : memref<64x128xf32, #tpu.memory_space<vmem_shared>>)
      tpu.yield
    }) : () -> ()
    %add3A_27 = arith.constant 576 : i32
    %add3A_28 = arith.addi %mul3A_2, %add3A_27 : i32
    "tpu.region"() ({
      %run_scoped3A = tpu.sem_alloc : memref<!tpu.dma_semaphore, #tpu.memory_space<semaphore_mem>>
      %dma_start3A_119 = arith.constant 0 : i32
      %dma_start3A_120 = tpu.memref_slice %arg15[%add3A_28, %dma_start3A_119] : memref<10240x128xf32, #tpu.memory_space<vmem_shared>> -> memref<64x128xf32, #tpu.memory_space<vmem_shared>>
      %dma_start3A_121 = arith.constant 0 : i32
      %dma_start3A_122 = tpu.memref_slice %arg15[%add3A_28, %dma_start3A_121] : memref<10240x128xf32, #tpu.memory_space<vmem_shared>> -> memref<64x128xf32, #tpu.memory_space<vmem_shared>>
      tpu.enqueue_dma source(%arg11 : memref<64x128xf32, #tpu.memory_space<vmem>>) target(%dma_start3A_122 : memref<64x128xf32, #tpu.memory_space<vmem_shared>>) target_semaphore(%run_scoped3A : memref<!tpu.dma_semaphore, #tpu.memory_space<semaphore_mem>>)
      %dma_wait3A = arith.constant 0 : i32
      %dma_wait3A_123 = tpu.memref_slice %arg15[%add3A_28, %dma_wait3A] : memref<10240x128xf32, #tpu.memory_space<vmem_shared>> -> memref<64x128xf32, #tpu.memory_space<vmem_shared>>
      %dma_wait3A_124 = arith.constant 0 : i32
      %dma_wait3A_125 = tpu.memref_slice %arg15[%add3A_28, %dma_wait3A_124] : memref<10240x128xf32, #tpu.memory_space<vmem_shared>> -> memref<64x128xf32, #tpu.memory_space<vmem_shared>>
      tpu.wait_dma2 semaphore(%run_scoped3A : memref<!tpu.dma_semaphore, #tpu.memory_space<semaphore_mem>>) src(%arg11 : memref<64x128xf32, #tpu.memory_space<vmem>>) dst(%dma_wait3A_125 : memref<64x128xf32, #tpu.memory_space<vmem_shared>>)
      tpu.yield
    }) : () -> ()
    %barrier3A = arith.constant 0 : index
    tpu.barrier barrier_id(%barrier3A)
    "tpu.region"() ({
      %run_scoped3A = tpu.sem_alloc : memref<!tpu.dma_semaphore, #tpu.memory_space<semaphore_mem>>
      %dma_start3A_119 = arith.constant 0 : i32
      %dma_start3A_120 = arith.constant 0 : i32
      %dma_start3A_121 = tpu.memref_slice %arg3[%add3A, %dma_start3A_119, %dma_start3A_120] : memref<32x80x128xi32, #tpu.memory_space<hbm>> -> memref<1x80x128xi32, #tpu.memory_space<hbm>>
      %dma_start3A_122 = tpu.memref_squeeze %dma_start3A_121 : memref<1x80x128xi32, #tpu.memory_space<hbm>> -> memref<80x128xi32, #tpu.memory_space<hbm>>
      %dma_start3A_123 = arith.constant 0 : i32
      %dma_start3A_124 = arith.constant 0 : i32
      %dma_start3A_125 = tpu.memref_slice %arg3[%add3A, %dma_start3A_123, %dma_start3A_124] : memref<32x80x128xi32, #tpu.memory_space<hbm>> -> memref<1x80x128xi32, #tpu.memory_space<hbm>>
      %dma_start3A_126 = tpu.memref_squeeze %dma_start3A_125 : memref<1x80x128xi32, #tpu.memory_space<hbm>> -> memref<80x128xi32, #tpu.memory_space<hbm>>
      tpu.enqueue_dma source(%dma_start3A_126 : memref<80x128xi32, #tpu.memory_space<hbm>>) target(%arg6 : memref<80x128xi32, #tpu.memory_space<vmem>>) target_semaphore(%run_scoped3A : memref<!tpu.dma_semaphore, #tpu.memory_space<semaphore_mem>>)
      %dma_wait3A = arith.constant 0 : i32
      %dma_wait3A_127 = arith.constant 0 : i32
      %dma_wait3A_128 = tpu.memref_slice %arg3[%add3A, %dma_wait3A, %dma_wait3A_127] : memref<32x80x128xi32, #tpu.memory_space<hbm>> -> memref<1x80x128xi32, #tpu.memory_space<hbm>>
      %dma_wait3A_129 = tpu.memref_squeeze %dma_wait3A_128 : memref<1x80x128xi32, #tpu.memory_space<hbm>> -> memref<80x128xi32, #tpu.memory_space<hbm>>
      %dma_wait3A_130 = arith.constant 0 : i32
      %dma_wait3A_131 = arith.constant 0 : i32
      %dma_wait3A_132 = tpu.memref_slice %arg3[%add3A, %dma_wait3A_130, %dma_wait3A_131] : memref<32x80x128xi32, #tpu.memory_space<hbm>> -> memref<1x80x128xi32, #tpu.memory_space<hbm>>
      %dma_wait3A_133 = tpu.memref_squeeze %dma_wait3A_132 : memref<1x80x128xi32, #tpu.memory_space<hbm>> -> memref<80x128xi32, #tpu.memory_space<hbm>>
      tpu.wait_dma2 semaphore(%run_scoped3A : memref<!tpu.dma_semaphore, #tpu.memory_space<semaphore_mem>>) src(%dma_wait3A_133 : memref<80x128xi32, #tpu.memory_space<hbm>>) dst(%arg6 : memref<80x128xi32, #tpu.memory_space<vmem>>)
      tpu.yield
    }) : () -> ()
    %div3A = arith.constant 0 : i32
    %div3A_29 = arith.constant 2 : i32
    %div3A_30 = arith.divsi %div3A, %div3A_29 : i32
    %rem3A = arith.constant 0 : i32
    %rem3A_31 = arith.constant 2 : i32
    %rem3A_32 = arith.remsi %rem3A, %rem3A_31 : i32
    %mul3A_33 = arith.constant 64 : i32
    %mul3A_34 = arith.muli %rem3A_32, %mul3A_33 : i32
    %dma_start3A = tpu.memref_slice %arg6[%div3A_30, %mul3A_34] : memref<80x128xi32, #tpu.memory_space<vmem>> -> memref<1x64xi32, #tpu.memory_space<vmem>>
    %dma_start3A_35 = tpu.memref_squeeze %dma_start3A : memref<1x64xi32, #tpu.memory_space<vmem>> -> memref<64xi32, #tpu.memory_space<vmem>>
    %dma_start3A_36 = arith.constant 0 : i32
    %dma_start3A_37 = arith.constant 0 : i32
    %dma_start3A_38 = tpu.memref_slice %arg2[%dma_start3A_36, %dma_start3A_37] : memref<10000x128xf32, #tpu.memory_space<hbm>> -> memref<10000x128xf32, #tpu.memory_space<hbm>>
    tpu.enqueue_indirect_dma source(%dma_start3A_38 : memref<10000x128xf32, #tpu.memory_space<hbm>>) target(%arg11 : memref<64x128xf32, #tpu.memory_space<vmem>>) offsets(%dma_start3A_35 : memref<64xi32, #tpu.memory_space<vmem>>) semaphore(%arg16 : memref<!tpu.dma_semaphore, #tpu.memory_space<semaphore_mem>>)
    %div3A_39 = arith.constant 0 : i32
    %div3A_40 = arith.constant 2 : i32
    %div3A_41 = arith.divsi %div3A_39, %div3A_40 : i32
    %rem3A_42 = arith.constant 0 : i32
    %rem3A_43 = arith.constant 2 : i32
    %rem3A_44 = arith.remsi %rem3A_42, %rem3A_43 : i32
    %mul3A_45 = arith.constant 64 : i32
    %mul3A_46 = arith.muli %rem3A_44, %mul3A_45 : i32
    %dma_start3A_47 = tpu.memref_slice %arg4[%add3A, %div3A_41, %mul3A_46] : memref<32x80x128xi32, #tpu.memory_space<hbm>> -> memref<1x1x64xi32, #tpu.memory_space<hbm>>
    %dma_start3A_48 = tpu.memref_squeeze %dma_start3A_47 : memref<1x1x64xi32, #tpu.memory_space<hbm>> -> memref<64xi32, #tpu.memory_space<hbm>>
    %dma_start3A_49 = tpu.memref_slice %arg4[%add3A, %div3A_41, %mul3A_46] : memref<32x80x128xi32, #tpu.memory_space<hbm>> -> memref<1x1x64xi32, #tpu.memory_space<hbm>>
    %dma_start3A_50 = tpu.memref_squeeze %dma_start3A_49 : memref<1x1x64xi32, #tpu.memory_space<hbm>> -> memref<64xi32, #tpu.memory_space<hbm>>
    tpu.enqueue_dma source(%dma_start3A_50 : memref<64xi32, #tpu.memory_space<hbm>>) target(%arg7 : memref<64xi32, #tpu.memory_space<vmem>>) target_semaphore(%arg20 : memref<!tpu.dma_semaphore, #tpu.memory_space<semaphore_mem>>)
    %div3A_51 = arith.constant 1 : i32
    %div3A_52 = arith.constant 2 : i32
    %div3A_53 = arith.divsi %div3A_51, %div3A_52 : i32
    %rem3A_54 = arith.constant 1 : i32
    %rem3A_55 = arith.constant 2 : i32
    %rem3A_56 = arith.remsi %rem3A_54, %rem3A_55 : i32
    %mul3A_57 = arith.constant 64 : i32
    %mul3A_58 = arith.muli %rem3A_56, %mul3A_57 : i32
    %dma_start3A_59 = tpu.memref_slice %arg6[%div3A_53, %mul3A_58] : memref<80x128xi32, #tpu.memory_space<vmem>> -> memref<1x64xi32, #tpu.memory_space<vmem>>
    %dma_start3A_60 = tpu.memref_squeeze %dma_start3A_59 : memref<1x64xi32, #tpu.memory_space<vmem>> -> memref<64xi32, #tpu.memory_space<vmem>>
    %dma_start3A_61 = arith.constant 0 : i32
    %dma_start3A_62 = arith.constant 0 : i32
    %dma_start3A_63 = tpu.memref_slice %arg2[%dma_start3A_61, %dma_start3A_62] : memref<10000x128xf32, #tpu.memory_space<hbm>> -> memref<10000x128xf32, #tpu.memory_space<hbm>>
    tpu.enqueue_indirect_dma source(%dma_start3A_63 : memref<10000x128xf32, #tpu.memory_space<hbm>>) target(%arg12 : memref<64x128xf32, #tpu.memory_space<vmem>>) offsets(%dma_start3A_60 : memref<64xi32, #tpu.memory_space<vmem>>) semaphore(%arg17 : memref<!tpu.dma_semaphore, #tpu.memory_space<semaphore_mem>>)
    %div3A_64 = arith.constant 1 : i32
    %div3A_65 = arith.constant 2 : i32
    %div3A_66 = arith.divsi %div3A_64, %div3A_65 : i32
    %rem3A_67 = arith.constant 1 : i32
    %rem3A_68 = arith.constant 2 : i32
    %rem3A_69 = arith.remsi %rem3A_67, %rem3A_68 : i32
    %mul3A_70 = arith.constant 64 : i32
    %mul3A_71 = arith.muli %rem3A_69, %mul3A_70 : i32
    %dma_start3A_72 = tpu.memref_slice %arg4[%add3A, %div3A_66, %mul3A_71] : memref<32x80x128xi32, #tpu.memory_space<hbm>> -> memref<1x1x64xi32, #tpu.memory_space<hbm>>
    %dma_start3A_73 = tpu.memref_squeeze %dma_start3A_72 : memref<1x1x64xi32, #tpu.memory_space<hbm>> -> memref<64xi32, #tpu.memory_space<hbm>>
    %dma_start3A_74 = tpu.memref_slice %arg4[%add3A, %div3A_66, %mul3A_71] : memref<32x80x128xi32, #tpu.memory_space<hbm>> -> memref<1x1x64xi32, #tpu.memory_space<hbm>>
    %dma_start3A_75 = tpu.memref_squeeze %dma_start3A_74 : memref<1x1x64xi32, #tpu.memory_space<hbm>> -> memref<64xi32, #tpu.memory_space<hbm>>
    tpu.enqueue_dma source(%dma_start3A_75 : memref<64xi32, #tpu.memory_space<hbm>>) target(%arg8 : memref<64xi32, #tpu.memory_space<vmem>>) target_semaphore(%arg21 : memref<!tpu.dma_semaphore, #tpu.memory_space<semaphore_mem>>)
    %div3A_76 = arith.constant 2 : i32
    %div3A_77 = arith.constant 2 : i32
    %div3A_78 = arith.divsi %div3A_76, %div3A_77 : i32
    %rem3A_79 = arith.constant 2 : i32
    %rem3A_80 = arith.constant 2 : i32
    %rem3A_81 = arith.remsi %rem3A_79, %rem3A_80 : i32
    %mul3A_82 = arith.constant 64 : i32
    %mul3A_83 = arith.muli %rem3A_81, %mul3A_82 : i32
    %dma_start3A_84 = tpu.memref_slice %arg6[%div3A_78, %mul3A_83] : memref<80x128xi32, #tpu.memory_space<vmem>> -> memref<1x64xi32, #tpu.memory_space<vmem>>
    %dma_start3A_85 = tpu.memref_squeeze %dma_start3A_84 : memref<1x64xi32, #tpu.memory_space<vmem>> -> memref<64xi32, #tpu.memory_space<vmem>>
    %dma_start3A_86 = arith.constant 0 : i32
    %dma_start3A_87 = arith.constant 0 : i32
    %dma_start3A_88 = tpu.memref_slice %arg2[%dma_start3A_86, %dma_start3A_87] : memref<10000x128xf32, #tpu.memory_space<hbm>> -> memref<10000x128xf32, #tpu.memory_space<hbm>>
    tpu.enqueue_indirect_dma source(%dma_start3A_88 : memref<10000x128xf32, #tpu.memory_space<hbm>>) target(%arg13 : memref<64x128xf32, #tpu.memory_space<vmem>>) offsets(%dma_start3A_85 : memref<64xi32, #tpu.memory_space<vmem>>) semaphore(%arg18 : memref<!tpu.dma_semaphore, #tpu.memory_space<semaphore_mem>>)
    %div3A_89 = arith.constant 2 : i32
    %div3A_90 = arith.constant 2 : i32
    %div3A_91 = arith.divsi %div3A_89, %div3A_90 : i32
    %rem3A_92 = arith.constant 2 : i32
    %rem3A_93 = arith.constant 2 : i32
    %rem3A_94 = arith.remsi %rem3A_92, %rem3A_93 : i32
    %mul3A_95 = arith.constant 64 : i32
    %mul3A_96 = arith.muli %rem3A_94, %mul3A_95 : i32
    %dma_start3A_97 = tpu.memref_slice %arg4[%add3A, %div3A_91, %mul3A_96] : memref<32x80x128xi32, #tpu.memory_space<hbm>> -> memref<1x1x64xi32, #tpu.memory_space<hbm>>
    %dma_start3A_98 = tpu.memref_squeeze %dma_start3A_97 : memref<1x1x64xi32, #tpu.memory_space<hbm>> -> memref<64xi32, #tpu.memory_space<hbm>>
    %dma_start3A_99 = tpu.memref_slice %arg4[%add3A, %div3A_91, %mul3A_96] : memref<32x80x128xi32, #tpu.memory_space<hbm>> -> memref<1x1x64xi32, #tpu.memory_space<hbm>>
    %dma_start3A_100 = tpu.memref_squeeze %dma_start3A_99 : memref<1x1x64xi32, #tpu.memory_space<hbm>> -> memref<64xi32, #tpu.memory_space<hbm>>
    tpu.enqueue_dma source(%dma_start3A_100 : memref<64xi32, #tpu.memory_space<hbm>>) target(%arg9 : memref<64xi32, #tpu.memory_space<vmem>>) target_semaphore(%arg22 : memref<!tpu.dma_semaphore, #tpu.memory_space<semaphore_mem>>)
    %scan3A_101 = arith.constant 0 : i32
    %scan3A_102 = arith.constant 0 : i32
    %scan3A_103 = arith.constant 40 : i32
    %scan3A_104 = arith.addi %scan3A_102, %scan3A_103 : i32
    %scan3A_105 = arith.constant 1 : i32
    %scan3A_106 = scf.for %scan3A_119 = %scan3A_102 to %scan3A_104 step %scan3A_105 iter_args(%scan3A_120 = %scan3A_101) -> (i32)  : i32 {
      %mul3A_121 = arith.constant 4 : i32
      %mul3A_122 = arith.muli %scan3A_119, %mul3A_121 : i32
      %add3A_123 = arith.constant 0 : i32
      %add3A_124 = arith.addi %mul3A_122, %add3A_123 : i32
      %div3A_125 = arith.constant 2 : i32
      %div3A_126 = arith.divsi %add3A_124, %div3A_125 : i32
      %rem3A_127 = arith.constant 2 : i32
      %rem3A_128 = arith.remsi %add3A_124, %rem3A_127 : i32
      %mul3A_129 = arith.constant 64 : i32
      %mul3A_130 = arith.muli %rem3A_128, %mul3A_129 : i32
      %dma_wait3A = tpu.memref_slice %arg6[%div3A_126, %mul3A_130] : memref<80x128xi32, #tpu.memory_space<vmem>> -> memref<1x64xi32, #tpu.memory_space<vmem>>
      %dma_wait3A_131 = tpu.memref_squeeze %dma_wait3A : memref<1x64xi32, #tpu.memory_space<vmem>> -> memref<64xi32, #tpu.memory_space<vmem>>
      %dma_wait3A_132 = arith.constant 0 : i32
      %dma_wait3A_133 = arith.constant 0 : i32
      %dma_wait3A_134 = tpu.memref_slice %arg2[%dma_wait3A_132, %dma_wait3A_133] : memref<10000x128xf32, #tpu.memory_space<hbm>> -> memref<10000x128xf32, #tpu.memory_space<hbm>>
      tpu.wait_indirect_dma semaphore(%arg16 : memref<!tpu.dma_semaphore, #tpu.memory_space<semaphore_mem>>) src(%dma_wait3A_134 : memref<10000x128xf32, #tpu.memory_space<hbm>>) dst(%arg11 : memref<64x128xf32, #tpu.memory_space<vmem>>)
      %add3A_135 = arith.constant 4 : i32
      %add3A_136 = arith.addi %add3A_124, %add3A_135 : i32
      %sub3A = arith.constant 1 : i32
      %sub3A_137 = arith.subi %add3A_136, %sub3A : i32
      %lt3A = arith.constant 160 : i32
      %lt3A_138 = arith.cmpi slt, %sub3A_137, %lt3A : i32
      %convert_element_type3A = arith.extui %lt3A_138 : i1 to i32
      %cond3A = arith.constant 0 : i32
      %cond3A_139 = arith.cmpi ne, %convert_element_type3A, %cond3A : i32
      scf.if %cond3A_139 {
        %add3A_247 = arith.constant 4 : i32
        %add3A_248 = arith.addi %add3A_124, %add3A_247 : i32
        %sub3A_249 = arith.constant 1 : i32
        %sub3A_250 = arith.subi %add3A_248, %sub3A_249 : i32
        %div3A_251 = arith.constant 2 : i32
        %div3A_252 = arith.divsi %sub3A_250, %div3A_251 : i32
        %rem3A_253 = arith.constant 2 : i32
        %rem3A_254 = arith.remsi %sub3A_250, %rem3A_253 : i32
        %mul3A_255 = arith.constant 64 : i32
        %mul3A_256 = arith.muli %rem3A_254, %mul3A_255 : i32
        %dma_start3A_257 = tpu.memref_slice %arg6[%div3A_252, %mul3A_256] : memref<80x128xi32, #tpu.memory_space<vmem>> -> memref<1x64xi32, #tpu.memory_space<vmem>>
        %dma_start3A_258 = tpu.memref_squeeze %dma_start3A_257 : memref<1x64xi32, #tpu.memory_space<vmem>> -> memref<64xi32, #tpu.memory_space<vmem>>
        %dma_start3A_259 = arith.constant 0 : i32
        %dma_start3A_260 = arith.constant 0 : i32
        %dma_start3A_261 = tpu.memref_slice %arg2[%dma_start3A_259, %dma_start3A_260] : memref<10000x128xf32, #tpu.memory_space<hbm>> -> memref<10000x128xf32, #tpu.memory_space<hbm>>
        tpu.enqueue_indirect_dma source(%dma_start3A_261 : memref<10000x128xf32, #tpu.memory_space<hbm>>) target(%arg14 : memref<64x128xf32, #tpu.memory_space<vmem>>) offsets(%dma_start3A_258 : memref<64xi32, #tpu.memory_space<vmem>>) semaphore(%arg19 : memref<!tpu.dma_semaphore, #tpu.memory_space<semaphore_mem>>)
        %add3A_262 = arith.constant 4 : i32
        %add3A_263 = arith.addi %add3A_124, %add3A_262 : i32
        %sub3A_264 = arith.constant 1 : i32
        %sub3A_265 = arith.subi %add3A_263, %sub3A_264 : i32
        %div3A_266 = arith.constant 2 : i32
        %div3A_267 = arith.divsi %sub3A_265, %div3A_266 : i32
        %rem3A_268 = arith.constant 2 : i32
        %rem3A_269 = arith.remsi %sub3A_265, %rem3A_268 : i32
        %mul3A_270 = arith.constant 64 : i32
        %mul3A_271 = arith.muli %rem3A_269, %mul3A_270 : i32
        %dma_start3A_272 = tpu.memref_slice %arg4[%add3A, %div3A_267, %mul3A_271] : memref<32x80x128xi32, #tpu.memory_space<hbm>> -> memref<1x1x64xi32, #tpu.memory_space<hbm>>
        %dma_start3A_273 = tpu.memref_squeeze %dma_start3A_272 : memref<1x1x64xi32, #tpu.memory_space<hbm>> -> memref<64xi32, #tpu.memory_space<hbm>>
        %dma_start3A_274 = tpu.memref_slice %arg4[%add3A, %div3A_267, %mul3A_271] : memref<32x80x128xi32, #tpu.memory_space<hbm>> -> memref<1x1x64xi32, #tpu.memory_space<hbm>>
        %dma_start3A_275 = tpu.memref_squeeze %dma_start3A_274 : memref<1x1x64xi32, #tpu.memory_space<hbm>> -> memref<64xi32, #tpu.memory_space<hbm>>
        tpu.enqueue_dma source(%dma_start3A_275 : memref<64xi32, #tpu.memory_space<hbm>>) target(%arg10 : memref<64xi32, #tpu.memory_space<vmem>>) target_semaphore(%arg23 : memref<!tpu.dma_semaphore, #tpu.memory_space<semaphore_mem>>)
      } else {
      }
      %div3A_140 = arith.constant 2 : i32
      %div3A_141 = arith.divsi %add3A_124, %div3A_140 : i32
      %rem3A_142 = arith.constant 2 : i32
      %rem3A_143 = arith.remsi %add3A_124, %rem3A_142 : i32
      %mul3A_144 = arith.constant 64 : i32
      %mul3A_145 = arith.muli %rem3A_143, %mul3A_144 : i32
      %dma_wait3A_146 = tpu.memref_slice %arg4[%add3A, %div3A_141, %mul3A_145] : memref<32x80x128xi32, #tpu.memory_space<hbm>> -> memref<1x1x64xi32, #tpu.memory_space<hbm>>
      %dma_wait3A_147 = tpu.memref_squeeze %dma_wait3A_146 : memref<1x1x64xi32, #tpu.memory_space<hbm>> -> memref<64xi32, #tpu.memory_space<hbm>>
      %dma_wait3A_148 = tpu.memref_slice %arg4[%add3A, %div3A_141, %mul3A_145] : memref<32x80x128xi32, #tpu.memory_space<hbm>> -> memref<1x1x64xi32, #tpu.memory_space<hbm>>
      %dma_wait3A_149 = tpu.memref_squeeze %dma_wait3A_148 : memref<1x1x64xi32, #tpu.memory_space<hbm>> -> memref<64xi32, #tpu.memory_space<hbm>>
      tpu.wait_dma2 semaphore(%arg20 : memref<!tpu.dma_semaphore, #tpu.memory_space<semaphore_mem>>) src(%dma_wait3A_149 : memref<64xi32, #tpu.memory_space<hbm>>) dst(%arg7 : memref<64xi32, #tpu.memory_space<vmem>>)
      "tpu.region"() ({
        %run_scoped3A = tpu.sem_alloc : memref<!tpu.dma_semaphore, #tpu.memory_space<semaphore_mem>>
        %dma_start3A_247 = arith.constant 0 : i32
        %dma_start3A_248 = arith.constant 0 : i32
        %dma_start3A_249 = tpu.memref_slice %arg15[%dma_start3A_247, %dma_start3A_248] : memref<10240x128xf32, #tpu.memory_space<vmem_shared>> -> memref<10240x128xf32, #tpu.memory_space<vmem_shared>>
        tpu.enqueue_indirect_dma source(%arg11 : memref<64x128xf32, #tpu.memory_space<vmem>>) target(%dma_start3A_249 : memref<10240x128xf32, #tpu.memory_space<vmem_shared>>) offsets(%arg7 : memref<64xi32, #tpu.memory_space<vmem>>) semaphore(%run_scoped3A : memref<!tpu.dma_semaphore, #tpu.memory_space<semaphore_mem>>) {add = true}
        %dma_wait3A_250 = arith.constant 0 : i32
        %dma_wait3A_251 = arith.constant 0 : i32
        %dma_wait3A_252 = tpu.memref_slice %arg15[%dma_wait3A_250, %dma_wait3A_251] : memref<10240x128xf32, #tpu.memory_space<vmem_shared>> -> memref<10240x128xf32, #tpu.memory_space<vmem_shared>>
        tpu.wait_indirect_dma semaphore(%run_scoped3A : memref<!tpu.dma_semaphore, #tpu.memory_space<semaphore_mem>>) src(%arg11 : memref<64x128xf32, #tpu.memory_space<vmem>>) dst(%dma_wait3A_252 : memref<10240x128xf32, #tpu.memory_space<vmem_shared>>)
        tpu.yield
      }) : () -> ()
      %add3A_150 = arith.constant 1 : i32
      %add3A_151 = arith.addi %mul3A_122, %add3A_150 : i32
      %div3A_152 = arith.constant 2 : i32
      %div3A_153 = arith.divsi %add3A_151, %div3A_152 : i32
      %rem3A_154 = arith.constant 2 : i32
      %rem3A_155 = arith.remsi %add3A_151, %rem3A_154 : i32
      %mul3A_156 = arith.constant 64 : i32
      %mul3A_157 = arith.muli %rem3A_155, %mul3A_156 : i32
      %dma_wait3A_158 = tpu.memref_slice %arg6[%div3A_153, %mul3A_157] : memref<80x128xi32, #tpu.memory_space<vmem>> -> memref<1x64xi32, #tpu.memory_space<vmem>>
      %dma_wait3A_159 = tpu.memref_squeeze %dma_wait3A_158 : memref<1x64xi32, #tpu.memory_space<vmem>> -> memref<64xi32, #tpu.memory_space<vmem>>
      %dma_wait3A_160 = arith.constant 0 : i32
      %dma_wait3A_161 = arith.constant 0 : i32
      %dma_wait3A_162 = tpu.memref_slice %arg2[%dma_wait3A_160, %dma_wait3A_161] : memref<10000x128xf32, #tpu.memory_space<hbm>> -> memref<10000x128xf32, #tpu.memory_space<hbm>>
      tpu.wait_indirect_dma semaphore(%arg17 : memref<!tpu.dma_semaphore, #tpu.memory_space<semaphore_mem>>) src(%dma_wait3A_162 : memref<10000x128xf32, #tpu.memory_space<hbm>>) dst(%arg12 : memref<64x128xf32, #tpu.memory_space<vmem>>)
      %add3A_163 = arith.constant 4 : i32
      %add3A_164 = arith.addi %add3A_151, %add3A_163 : i32
      %sub3A_165 = arith.constant 1 : i32
      %sub3A_166 = arith.subi %add3A_164, %sub3A_165 : i32
      %lt3A_167 = arith.constant 160 : i32
      %lt3A_168 = arith.cmpi slt, %sub3A_166, %lt3A_167 : i32
      %convert_element_type3A_169 = arith.extui %lt3A_168 : i1 to i32
      %cond3A_170 = arith.constant 0 : i32
      %cond3A_171 = arith.cmpi ne, %convert_element_type3A_169, %cond3A_170 : i32
      scf.if %cond3A_171 {
        %add3A_247 = arith.constant 4 : i32
        %add3A_248 = arith.addi %add3A_151, %add3A_247 : i32
        %sub3A_249 = arith.constant 1 : i32
        %sub3A_250 = arith.subi %add3A_248, %sub3A_249 : i32
        %div3A_251 = arith.constant 2 : i32
        %div3A_252 = arith.divsi %sub3A_250, %div3A_251 : i32
        %rem3A_253 = arith.constant 2 : i32
        %rem3A_254 = arith.remsi %sub3A_250, %rem3A_253 : i32
        %mul3A_255 = arith.constant 64 : i32
        %mul3A_256 = arith.muli %rem3A_254, %mul3A_255 : i32
        %dma_start3A_257 = tpu.memref_slice %arg6[%div3A_252, %mul3A_256] : memref<80x128xi32, #tpu.memory_space<vmem>> -> memref<1x64xi32, #tpu.memory_space<vmem>>
        %dma_start3A_258 = tpu.memref_squeeze %dma_start3A_257 : memref<1x64xi32, #tpu.memory_space<vmem>> -> memref<64xi32, #tpu.memory_space<vmem>>
        %dma_start3A_259 = arith.constant 0 : i32
        %dma_start3A_260 = arith.constant 0 : i32
        %dma_start3A_261 = tpu.memref_slice %arg2[%dma_start3A_259, %dma_start3A_260] : memref<10000x128xf32, #tpu.memory_space<hbm>> -> memref<10000x128xf32, #tpu.memory_space<hbm>>
        tpu.enqueue_indirect_dma source(%dma_start3A_261 : memref<10000x128xf32, #tpu.memory_space<hbm>>) target(%arg11 : memref<64x128xf32, #tpu.memory_space<vmem>>) offsets(%dma_start3A_258 : memref<64xi32, #tpu.memory_space<vmem>>) semaphore(%arg16 : memref<!tpu.dma_semaphore, #tpu.memory_space<semaphore_mem>>)
        %add3A_262 = arith.constant 4 : i32
        %add3A_263 = arith.addi %add3A_151, %add3A_262 : i32
        %sub3A_264 = arith.constant 1 : i32
        %sub3A_265 = arith.subi %add3A_263, %sub3A_264 : i32
        %div3A_266 = arith.constant 2 : i32
        %div3A_267 = arith.divsi %sub3A_265, %div3A_266 : i32
        %rem3A_268 = arith.constant 2 : i32
        %rem3A_269 = arith.remsi %sub3A_265, %rem3A_268 : i32
        %mul3A_270 = arith.constant 64 : i32
        %mul3A_271 = arith.muli %rem3A_269, %mul3A_270 : i32
        %dma_start3A_272 = tpu.memref_slice %arg4[%add3A, %div3A_267, %mul3A_271] : memref<32x80x128xi32, #tpu.memory_space<hbm>> -> memref<1x1x64xi32, #tpu.memory_space<hbm>>
        %dma_start3A_273 = tpu.memref_squeeze %dma_start3A_272 : memref<1x1x64xi32, #tpu.memory_space<hbm>> -> memref<64xi32, #tpu.memory_space<hbm>>
        %dma_start3A_274 = tpu.memref_slice %arg4[%add3A, %div3A_267, %mul3A_271] : memref<32x80x128xi32, #tpu.memory_space<hbm>> -> memref<1x1x64xi32, #tpu.memory_space<hbm>>
        %dma_start3A_275 = tpu.memref_squeeze %dma_start3A_274 : memref<1x1x64xi32, #tpu.memory_space<hbm>> -> memref<64xi32, #tpu.memory_space<hbm>>
        tpu.enqueue_dma source(%dma_start3A_275 : memref<64xi32, #tpu.memory_space<hbm>>) target(%arg7 : memref<64xi32, #tpu.memory_space<vmem>>) target_semaphore(%arg20 : memref<!tpu.dma_semaphore, #tpu.memory_space<semaphore_mem>>)
      } else {
      }
      %div3A_172 = arith.constant 2 : i32
      %div3A_173 = arith.divsi %add3A_151, %div3A_172 : i32
      %rem3A_174 = arith.constant 2 : i32
      %rem3A_175 = arith.remsi %add3A_151, %rem3A_174 : i32
      %mul3A_176 = arith.constant 64 : i32
      %mul3A_177 = arith.muli %rem3A_175, %mul3A_176 : i32
      %dma_wait3A_178 = tpu.memref_slice %arg4[%add3A, %div3A_173, %mul3A_177] : memref<32x80x128xi32, #tpu.memory_space<hbm>> -> memref<1x1x64xi32, #tpu.memory_space<hbm>>
      %dma_wait3A_179 = tpu.memref_squeeze %dma_wait3A_178 : memref<1x1x64xi32, #tpu.memory_space<hbm>> -> memref<64xi32, #tpu.memory_space<hbm>>
      %dma_wait3A_180 = tpu.memref_slice %arg4[%add3A, %div3A_173, %mul3A_177] : memref<32x80x128xi32, #tpu.memory_space<hbm>> -> memref<1x1x64xi32, #tpu.memory_space<hbm>>
      %dma_wait3A_181 = tpu.memref_squeeze %dma_wait3A_180 : memref<1x1x64xi32, #tpu.memory_space<hbm>> -> memref<64xi32, #tpu.memory_space<hbm>>
      tpu.wait_dma2 semaphore(%arg21 : memref<!tpu.dma_semaphore, #tpu.memory_space<semaphore_mem>>) src(%dma_wait3A_181 : memref<64xi32, #tpu.memory_space<hbm>>) dst(%arg8 : memref<64xi32, #tpu.memory_space<vmem>>)
      "tpu.region"() ({
        %run_scoped3A = tpu.sem_alloc : memref<!tpu.dma_semaphore, #tpu.memory_space<semaphore_mem>>
        %dma_start3A_247 = arith.constant 0 : i32
        %dma_start3A_248 = arith.constant 0 : i32
        %dma_start3A_249 = tpu.memref_slice %arg15[%dma_start3A_247, %dma_start3A_248] : memref<10240x128xf32, #tpu.memory_space<vmem_shared>> -> memref<10240x128xf32, #tpu.memory_space<vmem_shared>>
        tpu.enqueue_indirect_dma source(%arg12 : memref<64x128xf32, #tpu.memory_space<vmem>>) target(%dma_start3A_249 : memref<10240x128xf32, #tpu.memory_space<vmem_shared>>) offsets(%arg8 : memref<64xi32, #tpu.memory_space<vmem>>) semaphore(%run_scoped3A : memref<!tpu.dma_semaphore, #tpu.memory_space<semaphore_mem>>) {add = true}
        %dma_wait3A_250 = arith.constant 0 : i32
        %dma_wait3A_251 = arith.constant 0 : i32
        %dma_wait3A_252 = tpu.memref_slice %arg15[%dma_wait3A_250, %dma_wait3A_251] : memref<10240x128xf32, #tpu.memory_space<vmem_shared>> -> memref<10240x128xf32, #tpu.memory_space<vmem_shared>>
        tpu.wait_indirect_dma semaphore(%run_scoped3A : memref<!tpu.dma_semaphore, #tpu.memory_space<semaphore_mem>>) src(%arg12 : memref<64x128xf32, #tpu.memory_space<vmem>>) dst(%dma_wait3A_252 : memref<10240x128xf32, #tpu.memory_space<vmem_shared>>)
        tpu.yield
      }) : () -> ()
      %add3A_182 = arith.constant 2 : i32
      %add3A_183 = arith.addi %mul3A_122, %add3A_182 : i32
      %div3A_184 = arith.constant 2 : i32
      %div3A_185 = arith.divsi %add3A_183, %div3A_184 : i32
      %rem3A_186 = arith.constant 2 : i32
      %rem3A_187 = arith.remsi %add3A_183, %rem3A_186 : i32
      %mul3A_188 = arith.constant 64 : i32
      %mul3A_189 = arith.muli %rem3A_187, %mul3A_188 : i32
      %dma_wait3A_190 = tpu.memref_slice %arg6[%div3A_185, %mul3A_189] : memref<80x128xi32, #tpu.memory_space<vmem>> -> memref<1x64xi32, #tpu.memory_space<vmem>>
      %dma_wait3A_191 = tpu.memref_squeeze %dma_wait3A_190 : memref<1x64xi32, #tpu.memory_space<vmem>> -> memref<64xi32, #tpu.memory_space<vmem>>
      %dma_wait3A_192 = arith.constant 0 : i32
      %dma_wait3A_193 = arith.constant 0 : i32
      %dma_wait3A_194 = tpu.memref_slice %arg2[%dma_wait3A_192, %dma_wait3A_193] : memref<10000x128xf32, #tpu.memory_space<hbm>> -> memref<10000x128xf32, #tpu.memory_space<hbm>>
      tpu.wait_indirect_dma semaphore(%arg18 : memref<!tpu.dma_semaphore, #tpu.memory_space<semaphore_mem>>) src(%dma_wait3A_194 : memref<10000x128xf32, #tpu.memory_space<hbm>>) dst(%arg13 : memref<64x128xf32, #tpu.memory_space<vmem>>)
      %add3A_195 = arith.constant 4 : i32
      %add3A_196 = arith.addi %add3A_183, %add3A_195 : i32
      %sub3A_197 = arith.constant 1 : i32
      %sub3A_198 = arith.subi %add3A_196, %sub3A_197 : i32
      %lt3A_199 = arith.constant 160 : i32
      %lt3A_200 = arith.cmpi slt, %sub3A_198, %lt3A_199 : i32
      %convert_element_type3A_201 = arith.extui %lt3A_200 : i1 to i32
      %cond3A_202 = arith.constant 0 : i32
      %cond3A_203 = arith.cmpi ne, %convert_element_type3A_201, %cond3A_202 : i32
      scf.if %cond3A_203 {
        %add3A_247 = arith.constant 4 : i32
        %add3A_248 = arith.addi %add3A_183, %add3A_247 : i32
        %sub3A_249 = arith.constant 1 : i32
        %sub3A_250 = arith.subi %add3A_248, %sub3A_249 : i32
        %div3A_251 = arith.constant 2 : i32
        %div3A_252 = arith.divsi %sub3A_250, %div3A_251 : i32
        %rem3A_253 = arith.constant 2 : i32
        %rem3A_254 = arith.remsi %sub3A_250, %rem3A_253 : i32
        %mul3A_255 = arith.constant 64 : i32
        %mul3A_256 = arith.muli %rem3A_254, %mul3A_255 : i32
        %dma_start3A_257 = tpu.memref_slice %arg6[%div3A_252, %mul3A_256] : memref<80x128xi32, #tpu.memory_space<vmem>> -> memref<1x64xi32, #tpu.memory_space<vmem>>
        %dma_start3A_258 = tpu.memref_squeeze %dma_start3A_257 : memref<1x64xi32, #tpu.memory_space<vmem>> -> memref<64xi32, #tpu.memory_space<vmem>>
        %dma_start3A_259 = arith.constant 0 : i32
        %dma_start3A_260 = arith.constant 0 : i32
        %dma_start3A_261 = tpu.memref_slice %arg2[%dma_start3A_259, %dma_start3A_260] : memref<10000x128xf32, #tpu.memory_space<hbm>> -> memref<10000x128xf32, #tpu.memory_space<hbm>>
        tpu.enqueue_indirect_dma source(%dma_start3A_261 : memref<10000x128xf32, #tpu.memory_space<hbm>>) target(%arg12 : memref<64x128xf32, #tpu.memory_space<vmem>>) offsets(%dma_start3A_258 : memref<64xi32, #tpu.memory_space<vmem>>) semaphore(%arg17 : memref<!tpu.dma_semaphore, #tpu.memory_space<semaphore_mem>>)
        %add3A_262 = arith.constant 4 : i32
        %add3A_263 = arith.addi %add3A_183, %add3A_262 : i32
        %sub3A_264 = arith.constant 1 : i32
        %sub3A_265 = arith.subi %add3A_263, %sub3A_264 : i32
        %div3A_266 = arith.constant 2 : i32
        %div3A_267 = arith.divsi %sub3A_265, %div3A_266 : i32
        %rem3A_268 = arith.constant 2 : i32
        %rem3A_269 = arith.remsi %sub3A_265, %rem3A_268 : i32
        %mul3A_270 = arith.constant 64 : i32
        %mul3A_271 = arith.muli %rem3A_269, %mul3A_270 : i32
        %dma_start3A_272 = tpu.memref_slice %arg4[%add3A, %div3A_267, %mul3A_271] : memref<32x80x128xi32, #tpu.memory_space<hbm>> -> memref<1x1x64xi32, #tpu.memory_space<hbm>>
        %dma_start3A_273 = tpu.memref_squeeze %dma_start3A_272 : memref<1x1x64xi32, #tpu.memory_space<hbm>> -> memref<64xi32, #tpu.memory_space<hbm>>
        %dma_start3A_274 = tpu.memref_slice %arg4[%add3A, %div3A_267, %mul3A_271] : memref<32x80x128xi32, #tpu.memory_space<hbm>> -> memref<1x1x64xi32, #tpu.memory_space<hbm>>
        %dma_start3A_275 = tpu.memref_squeeze %dma_start3A_274 : memref<1x1x64xi32, #tpu.memory_space<hbm>> -> memref<64xi32, #tpu.memory_space<hbm>>
        tpu.enqueue_dma source(%dma_start3A_275 : memref<64xi32, #tpu.memory_space<hbm>>) target(%arg8 : memref<64xi32, #tpu.memory_space<vmem>>) target_semaphore(%arg21 : memref<!tpu.dma_semaphore, #tpu.memory_space<semaphore_mem>>)
      } else {
      }
      %div3A_204 = arith.constant 2 : i32
      %div3A_205 = arith.divsi %add3A_183, %div3A_204 : i32
      %rem3A_206 = arith.constant 2 : i32
      %rem3A_207 = arith.remsi %add3A_183, %rem3A_206 : i32
      %mul3A_208 = arith.constant 64 : i32
      %mul3A_209 = arith.muli %rem3A_207, %mul3A_208 : i32
      %dma_wait3A_210 = tpu.memref_slice %arg4[%add3A, %div3A_205, %mul3A_209] : memref<32x80x128xi32, #tpu.memory_space<hbm>> -> memref<1x1x64xi32, #tpu.memory_space<hbm>>
      %dma_wait3A_211 = tpu.memref_squeeze %dma_wait3A_210 : memref<1x1x64xi32, #tpu.memory_space<hbm>> -> memref<64xi32, #tpu.memory_space<hbm>>
      %dma_wait3A_212 = tpu.memref_slice %arg4[%add3A, %div3A_205, %mul3A_209] : memref<32x80x128xi32, #tpu.memory_space<hbm>> -> memref<1x1x64xi32, #tpu.memory_space<hbm>>
      %dma_wait3A_213 = tpu.memref_squeeze %dma_wait3A_212 : memref<1x1x64xi32, #tpu.memory_space<hbm>> -> memref<64xi32, #tpu.memory_space<hbm>>
      tpu.wait_dma2 semaphore(%arg22 : memref<!tpu.dma_semaphore, #tpu.memory_space<semaphore_mem>>) src(%dma_wait3A_213 : memref<64xi32, #tpu.memory_space<hbm>>) dst(%arg9 : memref<64xi32, #tpu.memory_space<vmem>>)
      "tpu.region"() ({
        %run_scoped3A = tpu.sem_alloc : memref<!tpu.dma_semaphore, #tpu.memory_space<semaphore_mem>>
        %dma_start3A_247 = arith.constant 0 : i32
        %dma_start3A_248 = arith.constant 0 : i32
        %dma_start3A_249 = tpu.memref_slice %arg15[%dma_start3A_247, %dma_start3A_248] : memref<10240x128xf32, #tpu.memory_space<vmem_shared>> -> memref<10240x128xf32, #tpu.memory_space<vmem_shared>>
        tpu.enqueue_indirect_dma source(%arg13 : memref<64x128xf32, #tpu.memory_space<vmem>>) target(%dma_start3A_249 : memref<10240x128xf32, #tpu.memory_space<vmem_shared>>) offsets(%arg9 : memref<64xi32, #tpu.memory_space<vmem>>) semaphore(%run_scoped3A : memref<!tpu.dma_semaphore, #tpu.memory_space<semaphore_mem>>) {add = true}
        %dma_wait3A_250 = arith.constant 0 : i32
        %dma_wait3A_251 = arith.constant 0 : i32
        %dma_wait3A_252 = tpu.memref_slice %arg15[%dma_wait3A_250, %dma_wait3A_251] : memref<10240x128xf32, #tpu.memory_space<vmem_shared>> -> memref<10240x128xf32, #tpu.memory_space<vmem_shared>>
        tpu.wait_indirect_dma semaphore(%run_scoped3A : memref<!tpu.dma_semaphore, #tpu.memory_space<semaphore_mem>>) src(%arg13 : memref<64x128xf32, #tpu.memory_space<vmem>>) dst(%dma_wait3A_252 : memref<10240x128xf32, #tpu.memory_space<vmem_shared>>)
        tpu.yield
      }) : () -> ()
      %add3A_214 = arith.constant 3 : i32
      %add3A_215 = arith.addi %mul3A_122, %add3A_214 : i32
      %div3A_216 = arith.constant 2 : i32
      %div3A_217 = arith.divsi %add3A_215, %div3A_216 : i32
      %rem3A_218 = arith.constant 2 : i32
      %rem3A_219 = arith.remsi %add3A_215, %rem3A_218 : i32
      %mul3A_220 = arith.constant 64 : i32
      %mul3A_221 = arith.muli %rem3A_219, %mul3A_220 : i32
      %dma_wait3A_222 = tpu.memref_slice %arg6[%div3A_217, %mul3A_221] : memref<80x128xi32, #tpu.memory_space<vmem>> -> memref<1x64xi32, #tpu.memory_space<vmem>>
      %dma_wait3A_223 = tpu.memref_squeeze %dma_wait3A_222 : memref<1x64xi32, #tpu.memory_space<vmem>> -> memref<64xi32, #tpu.memory_space<vmem>>
      %dma_wait3A_224 = arith.constant 0 : i32
      %dma_wait3A_225 = arith.constant 0 : i32
      %dma_wait3A_226 = tpu.memref_slice %arg2[%dma_wait3A_224, %dma_wait3A_225] : memref<10000x128xf32, #tpu.memory_space<hbm>> -> memref<10000x128xf32, #tpu.memory_space<hbm>>
      tpu.wait_indirect_dma semaphore(%arg19 : memref<!tpu.dma_semaphore, #tpu.memory_space<semaphore_mem>>) src(%dma_wait3A_226 : memref<10000x128xf32, #tpu.memory_space<hbm>>) dst(%arg14 : memref<64x128xf32, #tpu.memory_space<vmem>>)
      %add3A_227 = arith.constant 4 : i32
      %add3A_228 = arith.addi %add3A_215, %add3A_227 : i32
      %sub3A_229 = arith.constant 1 : i32
      %sub3A_230 = arith.subi %add3A_228, %sub3A_229 : i32
      %lt3A_231 = arith.constant 160 : i32
      %lt3A_232 = arith.cmpi slt, %sub3A_230, %lt3A_231 : i32
      %convert_element_type3A_233 = arith.extui %lt3A_232 : i1 to i32
      %cond3A_234 = arith.constant 0 : i32
      %cond3A_235 = arith.cmpi ne, %convert_element_type3A_233, %cond3A_234 : i32
      scf.if %cond3A_235 {
        %add3A_247 = arith.constant 4 : i32
        %add3A_248 = arith.addi %add3A_215, %add3A_247 : i32
        %sub3A_249 = arith.constant 1 : i32
        %sub3A_250 = arith.subi %add3A_248, %sub3A_249 : i32
        %div3A_251 = arith.constant 2 : i32
        %div3A_252 = arith.divsi %sub3A_250, %div3A_251 : i32
        %rem3A_253 = arith.constant 2 : i32
        %rem3A_254 = arith.remsi %sub3A_250, %rem3A_253 : i32
        %mul3A_255 = arith.constant 64 : i32
        %mul3A_256 = arith.muli %rem3A_254, %mul3A_255 : i32
        %dma_start3A_257 = tpu.memref_slice %arg6[%div3A_252, %mul3A_256] : memref<80x128xi32, #tpu.memory_space<vmem>> -> memref<1x64xi32, #tpu.memory_space<vmem>>
        %dma_start3A_258 = tpu.memref_squeeze %dma_start3A_257 : memref<1x64xi32, #tpu.memory_space<vmem>> -> memref<64xi32, #tpu.memory_space<vmem>>
        %dma_start3A_259 = arith.constant 0 : i32
        %dma_start3A_260 = arith.constant 0 : i32
        %dma_start3A_261 = tpu.memref_slice %arg2[%dma_start3A_259, %dma_start3A_260] : memref<10000x128xf32, #tpu.memory_space<hbm>> -> memref<10000x128xf32, #tpu.memory_space<hbm>>
        tpu.enqueue_indirect_dma source(%dma_start3A_261 : memref<10000x128xf32, #tpu.memory_space<hbm>>) target(%arg13 : memref<64x128xf32, #tpu.memory_space<vmem>>) offsets(%dma_start3A_258 : memref<64xi32, #tpu.memory_space<vmem>>) semaphore(%arg18 : memref<!tpu.dma_semaphore, #tpu.memory_space<semaphore_mem>>)
        %add3A_262 = arith.constant 4 : i32
        %add3A_263 = arith.addi %add3A_215, %add3A_262 : i32
        %sub3A_264 = arith.constant 1 : i32
        %sub3A_265 = arith.subi %add3A_263, %sub3A_264 : i32
        %div3A_266 = arith.constant 2 : i32
        %div3A_267 = arith.divsi %sub3A_265, %div3A_266 : i32
        %rem3A_268 = arith.constant 2 : i32
        %rem3A_269 = arith.remsi %sub3A_265, %rem3A_268 : i32
        %mul3A_270 = arith.constant 64 : i32
        %mul3A_271 = arith.muli %rem3A_269, %mul3A_270 : i32
        %dma_start3A_272 = tpu.memref_slice %arg4[%add3A, %div3A_267, %mul3A_271] : memref<32x80x128xi32, #tpu.memory_space<hbm>> -> memref<1x1x64xi32, #tpu.memory_space<hbm>>
        %dma_start3A_273 = tpu.memref_squeeze %dma_start3A_272 : memref<1x1x64xi32, #tpu.memory_space<hbm>> -> memref<64xi32, #tpu.memory_space<hbm>>
        %dma_start3A_274 = tpu.memref_slice %arg4[%add3A, %div3A_267, %mul3A_271] : memref<32x80x128xi32, #tpu.memory_space<hbm>> -> memref<1x1x64xi32, #tpu.memory_space<hbm>>
        %dma_start3A_275 = tpu.memref_squeeze %dma_start3A_274 : memref<1x1x64xi32, #tpu.memory_space<hbm>> -> memref<64xi32, #tpu.memory_space<hbm>>
        tpu.enqueue_dma source(%dma_start3A_275 : memref<64xi32, #tpu.memory_space<hbm>>) target(%arg9 : memref<64xi32, #tpu.memory_space<vmem>>) target_semaphore(%arg22 : memref<!tpu.dma_semaphore, #tpu.memory_space<semaphore_mem>>)
      } else {
      }
      %div3A_236 = arith.constant 2 : i32
      %div3A_237 = arith.divsi %add3A_215, %div3A_236 : i32
      %rem3A_238 = arith.constant 2 : i32
      %rem3A_239 = arith.remsi %add3A_215, %rem3A_238 : i32
      %mul3A_240 = arith.constant 64 : i32
      %mul3A_241 = arith.muli %rem3A_239, %mul3A_240 : i32
      %dma_wait3A_242 = tpu.memref_slice %arg4[%add3A, %div3A_237, %mul3A_241] : memref<32x80x128xi32, #tpu.memory_space<hbm>> -> memref<1x1x64xi32, #tpu.memory_space<hbm>>
      %dma_wait3A_243 = tpu.memref_squeeze %dma_wait3A_242 : memref<1x1x64xi32, #tpu.memory_space<hbm>> -> memref<64xi32, #tpu.memory_space<hbm>>
      %dma_wait3A_244 = tpu.memref_slice %arg4[%add3A, %div3A_237, %mul3A_241] : memref<32x80x128xi32, #tpu.memory_space<hbm>> -> memref<1x1x64xi32, #tpu.memory_space<hbm>>
      %dma_wait3A_245 = tpu.memref_squeeze %dma_wait3A_244 : memref<1x1x64xi32, #tpu.memory_space<hbm>> -> memref<64xi32, #tpu.memory_space<hbm>>
      tpu.wait_dma2 semaphore(%arg23 : memref<!tpu.dma_semaphore, #tpu.memory_space<semaphore_mem>>) src(%dma_wait3A_245 : memref<64xi32, #tpu.memory_space<hbm>>) dst(%arg10 : memref<64xi32, #tpu.memory_space<vmem>>)
      "tpu.region"() ({
        %run_scoped3A = tpu.sem_alloc : memref<!tpu.dma_semaphore, #tpu.memory_space<semaphore_mem>>
        %dma_start3A_247 = arith.constant 0 : i32
        %dma_start3A_248 = arith.constant 0 : i32
        %dma_start3A_249 = tpu.memref_slice %arg15[%dma_start3A_247, %dma_start3A_248] : memref<10240x128xf32, #tpu.memory_space<vmem_shared>> -> memref<10240x128xf32, #tpu.memory_space<vmem_shared>>
        tpu.enqueue_indirect_dma source(%arg14 : memref<64x128xf32, #tpu.memory_space<vmem>>) target(%dma_start3A_249 : memref<10240x128xf32, #tpu.memory_space<vmem_shared>>) offsets(%arg10 : memref<64xi32, #tpu.memory_space<vmem>>) semaphore(%run_scoped3A : memref<!tpu.dma_semaphore, #tpu.memory_space<semaphore_mem>>) {add = true}
        %dma_wait3A_250 = arith.constant 0 : i32
        %dma_wait3A_251 = arith.constant 0 : i32
        %dma_wait3A_252 = tpu.memref_slice %arg15[%dma_wait3A_250, %dma_wait3A_251] : memref<10240x128xf32, #tpu.memory_space<vmem_shared>> -> memref<10240x128xf32, #tpu.memory_space<vmem_shared>>
        tpu.wait_indirect_dma semaphore(%run_scoped3A : memref<!tpu.dma_semaphore, #tpu.memory_space<semaphore_mem>>) src(%arg14 : memref<64x128xf32, #tpu.memory_space<vmem>>) dst(%dma_wait3A_252 : memref<10240x128xf32, #tpu.memory_space<vmem_shared>>)
        tpu.yield
      }) : () -> ()
      %scan3A_246 = arith.constant 0 : i32
      scf.yield %scan3A_246 : i32
    }
    %scan3A_107 = arith.constant 40 : i32
    %barrier3A_108 = arith.constant 0 : index
    tpu.barrier barrier_id(%barrier3A_108)
    %add3A_109 = arith.constant 0 : i32
    %add3A_110 = arith.addi %mul3A_2, %add3A_109 : i32
    "tpu.region"() ({
      %run_scoped3A = tpu.sem_alloc : memref<!tpu.dma_semaphore, #tpu.memory_space<semaphore_mem>>
      %dma_start3A_119 = arith.constant 0 : i32
      %dma_start3A_120 = tpu.memref_slice %arg5[%arg0, %add3A_110, %dma_start3A_119] : memref<2x10240x128xf32, #tpu.memory_space<hbm>> -> memref<1x128x128xf32, #tpu.memory_space<hbm>>
      %dma_start3A_121 = tpu.memref_squeeze %dma_start3A_120 : memref<1x128x128xf32, #tpu.memory_space<hbm>> -> memref<128x128xf32, #tpu.memory_space<hbm>>
      %dma_start3A_122 = arith.constant 0 : i32
      %dma_start3A_123 = tpu.memref_slice %arg15[%add3A_110, %dma_start3A_122] : memref<10240x128xf32, #tpu.memory_space<vmem_shared>> -> memref<128x128xf32, #tpu.memory_space<vmem_shared>>
      tpu.enqueue_dma source(%dma_start3A_123 : memref<128x128xf32, #tpu.memory_space<vmem_shared>>) target(%dma_start3A_121 : memref<128x128xf32, #tpu.memory_space<hbm>>) target_semaphore(%run_scoped3A : memref<!tpu.dma_semaphore, #tpu.memory_space<semaphore_mem>>)
      %dma_wait3A = arith.constant 0 : i32
      %dma_wait3A_124 = tpu.memref_slice %arg5[%arg0, %add3A_110, %dma_wait3A] : memref<2x10240x128xf32, #tpu.memory_space<hbm>> -> memref<1x128x128xf32, #tpu.memory_space<hbm>>
      %dma_wait3A_125 = tpu.memref_squeeze %dma_wait3A_124 : memref<1x128x128xf32, #tpu.memory_space<hbm>> -> memref<128x128xf32, #tpu.memory_space<hbm>>
      %dma_wait3A_126 = arith.constant 0 : i32
      %dma_wait3A_127 = tpu.memref_slice %arg15[%add3A_110, %dma_wait3A_126] : memref<10240x128xf32, #tpu.memory_space<vmem_shared>> -> memref<128x128xf32, #tpu.memory_space<vmem_shared>>
      tpu.wait_dma2 semaphore(%run_scoped3A : memref<!tpu.dma_semaphore, #tpu.memory_space<semaphore_mem>>) src(%dma_wait3A_127 : memref<128x128xf32, #tpu.memory_space<vmem_shared>>) dst(%dma_wait3A_125 : memref<128x128xf32, #tpu.memory_space<hbm>>)
      tpu.yield
    }) : () -> ()
    %add3A_111 = arith.constant 128 : i32
    %add3A_112 = arith.addi %mul3A_2, %add3A_111 : i32
    "tpu.region"() ({
      %run_scoped3A = tpu.sem_alloc : memref<!tpu.dma_semaphore, #tpu.memory_space<semaphore_mem>>
      %dma_start3A_119 = arith.constant 0 : i32
      %dma_start3A_120 = tpu.memref_slice %arg5[%arg0, %add3A_112, %dma_start3A_119] : memref<2x10240x128xf32, #tpu.memory_space<hbm>> -> memref<1x128x128xf32, #tpu.memory_space<hbm>>
      %dma_start3A_121 = tpu.memref_squeeze %dma_start3A_120 : memref<1x128x128xf32, #tpu.memory_space<hbm>> -> memref<128x128xf32, #tpu.memory_space<hbm>>
      %dma_start3A_122 = arith.constant 0 : i32
      %dma_start3A_123 = tpu.memref_slice %arg15[%add3A_112, %dma_start3A_122] : memref<10240x128xf32, #tpu.memory_space<vmem_shared>> -> memref<128x128xf32, #tpu.memory_space<vmem_shared>>
      tpu.enqueue_dma source(%dma_start3A_123 : memref<128x128xf32, #tpu.memory_space<vmem_shared>>) target(%dma_start3A_121 : memref<128x128xf32, #tpu.memory_space<hbm>>) target_semaphore(%run_scoped3A : memref<!tpu.dma_semaphore, #tpu.memory_space<semaphore_mem>>)
      %dma_wait3A = arith.constant 0 : i32
      %dma_wait3A_124 = tpu.memref_slice %arg5[%arg0, %add3A_112, %dma_wait3A] : memref<2x10240x128xf32, #tpu.memory_space<hbm>> -> memref<1x128x128xf32, #tpu.memory_space<hbm>>
      %dma_wait3A_125 = tpu.memref_squeeze %dma_wait3A_124 : memref<1x128x128xf32, #tpu.memory_space<hbm>> -> memref<128x128xf32, #tpu.memory_space<hbm>>
      %dma_wait3A_126 = arith.constant 0 : i32
      %dma_wait3A_127 = tpu.memref_slice %arg15[%add3A_112, %dma_wait3A_126] : memref<10240x128xf32, #tpu.memory_space<vmem_shared>> -> memref<128x128xf32, #tpu.memory_space<vmem_shared>>
      tpu.wait_dma2 semaphore(%run_scoped3A : memref<!tpu.dma_semaphore, #tpu.memory_space<semaphore_mem>>) src(%dma_wait3A_127 : memref<128x128xf32, #tpu.memory_space<vmem_shared>>) dst(%dma_wait3A_125 : memref<128x128xf32, #tpu.memory_space<hbm>>)
      tpu.yield
    }) : () -> ()
    %add3A_113 = arith.constant 256 : i32
    %add3A_114 = arith.addi %mul3A_2, %add3A_113 : i32
    "tpu.region"() ({
      %run_scoped3A = tpu.sem_alloc : memref<!tpu.dma_semaphore, #tpu.memory_space<semaphore_mem>>
      %dma_start3A_119 = arith.constant 0 : i32
      %dma_start3A_120 = tpu.memref_slice %arg5[%arg0, %add3A_114, %dma_start3A_119] : memref<2x10240x128xf32, #tpu.memory_space<hbm>> -> memref<1x128x128xf32, #tpu.memory_space<hbm>>
      %dma_start3A_121 = tpu.memref_squeeze %dma_start3A_120 : memref<1x128x128xf32, #tpu.memory_space<hbm>> -> memref<128x128xf32, #tpu.memory_space<hbm>>
      %dma_start3A_122 = arith.constant 0 : i32
      %dma_start3A_123 = tpu.memref_slice %arg15[%add3A_114, %dma_start3A_122] : memref<10240x128xf32, #tpu.memory_space<vmem_shared>> -> memref<128x128xf32, #tpu.memory_space<vmem_shared>>
      tpu.enqueue_dma source(%dma_start3A_123 : memref<128x128xf32, #tpu.memory_space<vmem_shared>>) target(%dma_start3A_121 : memref<128x128xf32, #tpu.memory_space<hbm>>) target_semaphore(%run_scoped3A : memref<!tpu.dma_semaphore, #tpu.memory_space<semaphore_mem>>)
      %dma_wait3A = arith.constant 0 : i32
      %dma_wait3A_124 = tpu.memref_slice %arg5[%arg0, %add3A_114, %dma_wait3A] : memref<2x10240x128xf32, #tpu.memory_space<hbm>> -> memref<1x128x128xf32, #tpu.memory_space<hbm>>
      %dma_wait3A_125 = tpu.memref_squeeze %dma_wait3A_124 : memref<1x128x128xf32, #tpu.memory_space<hbm>> -> memref<128x128xf32, #tpu.memory_space<hbm>>
      %dma_wait3A_126 = arith.constant 0 : i32
      %dma_wait3A_127 = tpu.memref_slice %arg15[%add3A_114, %dma_wait3A_126] : memref<10240x128xf32, #tpu.memory_space<vmem_shared>> -> memref<128x128xf32, #tpu.memory_space<vmem_shared>>
      tpu.wait_dma2 semaphore(%run_scoped3A : memref<!tpu.dma_semaphore, #tpu.memory_space<semaphore_mem>>) src(%dma_wait3A_127 : memref<128x128xf32, #tpu.memory_space<vmem_shared>>) dst(%dma_wait3A_125 : memref<128x128xf32, #tpu.memory_space<hbm>>)
      tpu.yield
    }) : () -> ()
    %add3A_115 = arith.constant 384 : i32
    %add3A_116 = arith.addi %mul3A_2, %add3A_115 : i32
    "tpu.region"() ({
      %run_scoped3A = tpu.sem_alloc : memref<!tpu.dma_semaphore, #tpu.memory_space<semaphore_mem>>
      %dma_start3A_119 = arith.constant 0 : i32
      %dma_start3A_120 = tpu.memref_slice %arg5[%arg0, %add3A_116, %dma_start3A_119] : memref<2x10240x128xf32, #tpu.memory_space<hbm>> -> memref<1x128x128xf32, #tpu.memory_space<hbm>>
      %dma_start3A_121 = tpu.memref_squeeze %dma_start3A_120 : memref<1x128x128xf32, #tpu.memory_space<hbm>> -> memref<128x128xf32, #tpu.memory_space<hbm>>
      %dma_start3A_122 = arith.constant 0 : i32
      %dma_start3A_123 = tpu.memref_slice %arg15[%add3A_116, %dma_start3A_122] : memref<10240x128xf32, #tpu.memory_space<vmem_shared>> -> memref<128x128xf32, #tpu.memory_space<vmem_shared>>
      tpu.enqueue_dma source(%dma_start3A_123 : memref<128x128xf32, #tpu.memory_space<vmem_shared>>) target(%dma_start3A_121 : memref<128x128xf32, #tpu.memory_space<hbm>>) target_semaphore(%run_scoped3A : memref<!tpu.dma_semaphore, #tpu.memory_space<semaphore_mem>>)
      %dma_wait3A = arith.constant 0 : i32
      %dma_wait3A_124 = tpu.memref_slice %arg5[%arg0, %add3A_116, %dma_wait3A] : memref<2x10240x128xf32, #tpu.memory_space<hbm>> -> memref<1x128x128xf32, #tpu.memory_space<hbm>>
      %dma_wait3A_125 = tpu.memref_squeeze %dma_wait3A_124 : memref<1x128x128xf32, #tpu.memory_space<hbm>> -> memref<128x128xf32, #tpu.memory_space<hbm>>
      %dma_wait3A_126 = arith.constant 0 : i32
      %dma_wait3A_127 = tpu.memref_slice %arg15[%add3A_116, %dma_wait3A_126] : memref<10240x128xf32, #tpu.memory_space<vmem_shared>> -> memref<128x128xf32, #tpu.memory_space<vmem_shared>>
      tpu.wait_dma2 semaphore(%run_scoped3A : memref<!tpu.dma_semaphore, #tpu.memory_space<semaphore_mem>>) src(%dma_wait3A_127 : memref<128x128xf32, #tpu.memory_space<vmem_shared>>) dst(%dma_wait3A_125 : memref<128x128xf32, #tpu.memory_space<hbm>>)
      tpu.yield
    }) : () -> ()
    %add3A_117 = arith.constant 512 : i32
    %add3A_118 = arith.addi %mul3A_2, %add3A_117 : i32
    "tpu.region"() ({
      %run_scoped3A = tpu.sem_alloc : memref<!tpu.dma_semaphore, #tpu.memory_space<semaphore_mem>>
      %dma_start3A_119 = arith.constant 0 : i32
      %dma_start3A_120 = tpu.memref_slice %arg5[%arg0, %add3A_118, %dma_start3A_119] : memref<2x10240x128xf32, #tpu.memory_space<hbm>> -> memref<1x128x128xf32, #tpu.memory_space<hbm>>
      %dma_start3A_121 = tpu.memref_squeeze %dma_start3A_120 : memref<1x128x128xf32, #tpu.memory_space<hbm>> -> memref<128x128xf32, #tpu.memory_space<hbm>>
      %dma_start3A_122 = arith.constant 0 : i32
      %dma_start3A_123 = tpu.memref_slice %arg15[%add3A_118, %dma_start3A_122] : memref<10240x128xf32, #tpu.memory_space<vmem_shared>> -> memref<128x128xf32, #tpu.memory_space<vmem_shared>>
      tpu.enqueue_dma source(%dma_start3A_123 : memref<128x128xf32, #tpu.memory_space<vmem_shared>>) target(%dma_start3A_121 : memref<128x128xf32, #tpu.memory_space<hbm>>) target_semaphore(%run_scoped3A : memref<!tpu.dma_semaphore, #tpu.memory_space<semaphore_mem>>)
      %dma_wait3A = arith.constant 0 : i32
      %dma_wait3A_124 = tpu.memref_slice %arg5[%arg0, %add3A_118, %dma_wait3A] : memref<2x10240x128xf32, #tpu.memory_space<hbm>> -> memref<1x128x128xf32, #tpu.memory_space<hbm>>
      %dma_wait3A_125 = tpu.memref_squeeze %dma_wait3A_124 : memref<1x128x128xf32, #tpu.memory_space<hbm>> -> memref<128x128xf32, #tpu.memory_space<hbm>>
      %dma_wait3A_126 = arith.constant 0 : i32
      %dma_wait3A_127 = tpu.memref_slice %arg15[%add3A_118, %dma_wait3A_126] : memref<10240x128xf32, #tpu.memory_space<vmem_shared>> -> memref<128x128xf32, #tpu.memory_space<vmem_shared>>
      tpu.wait_dma2 semaphore(%run_scoped3A : memref<!tpu.dma_semaphore, #tpu.memory_space<semaphore_mem>>) src(%dma_wait3A_127 : memref<128x128xf32, #tpu.memory_space<vmem_shared>>) dst(%dma_wait3A_125 : memref<128x128xf32, #tpu.memory_space<hbm>>)
      tpu.yield
    }) : () -> ()
    return
  }
}

#map = affine_map<(d0, d1) -> (0, 0)>
#map1 = affine_map<(d0, d1) -> (0, 0, 0)>
module attributes {stable_mosaic.version = 14 : i64} {
  func.func @body(%arg0: i32, %arg1: i32, %arg2: memref<10000x128xf32, #tpu.memory_space<hbm>>, %arg3: memref<32x80x128xi32, #tpu.memory_space<hbm>>, %arg4: memref<32x80x128xi32, #tpu.memory_space<hbm>>, %arg5: memref<2x10240x128xf32, #tpu.memory_space<hbm>>, %arg6: memref<80x128xi32, #tpu.memory_space<vmem>>, %arg7: memref<64xi32, #tpu.memory_space<vmem>>, %arg8: memref<64xi32, #tpu.memory_space<vmem>>, %arg9: memref<64xi32, #tpu.memory_space<vmem>>, %arg10: memref<64xi32, #tpu.memory_space<vmem>>, %arg11: memref<64x128xf32, #tpu.memory_space<vmem>>, %arg12: memref<64x128xf32, #tpu.memory_space<vmem>>, %arg13: memref<64x128xf32, #tpu.memory_space<vmem>>, %arg14: memref<64x128xf32, #tpu.memory_space<vmem>>, %arg15: memref<10240x128xf32, #tpu.memory_space<vmem_shared>>, %arg16: memref<!tpu.dma_semaphore, #tpu.memory_space<semaphore_mem>>, %arg17: memref<!tpu.dma_semaphore, #tpu.memory_space<semaphore_mem>>, %arg18: memref<!tpu.dma_semaphore, #tpu.memory_space<semaphore_mem>>, %arg19: memref<!tpu.dma_semaphore, #tpu.memory_space<semaphore_mem>>, %arg20: memref<!tpu.dma_semaphore, #tpu.memory_space<semaphore_mem>>, %arg21: memref<!tpu.dma_semaphore, #tpu.memory_space<semaphore_mem>>, %arg22: memref<!tpu.dma_semaphore, #tpu.memory_space<semaphore_mem>>, %arg23: memref<!tpu.dma_semaphore, #tpu.memory_space<semaphore_mem>>) attributes {dimension_semantics = [#tpu.dimension_semantics<core_parallel>, #tpu.dimension_semantics<subcore_parallel>], iteration_bounds = array<i64: 2, 16>, scalar_prefetch = 0 : i64, scratch_operands = 18 : i64, tpu.core_type = #tpu.core_type<sc_vector_subcore>, window_params = [{transform_indices = #map}, {transform_indices = #map1}, {transform_indices = #map1}, {transform_indices = #map1}]} {
    %mul3A = arith.constant 16 : i32
    %mul3A_0 = arith.muli %arg0, %mul3A : i32
    %add3A = arith.addi %mul3A_0, %arg1 : i32
    %mul3A_1 = arith.constant 640 : i32
    %mul3A_2 = arith.muli %arg1, %mul3A_1 : i32
    %scan3A = arith.constant 0 : i32
    %scan3A_3 = arith.constant 0 : i32
    %scan3A_4 = arith.constant 64 : i32
    %scan3A_5 = arith.addi %scan3A_3, %scan3A_4 : i32
    %scan3A_6 = arith.constant 1 : i32
    %scan3A_7 = scf.for %scan3A_119 = %scan3A_3 to %scan3A_5 step %scan3A_6 iter_args(%scan3A_120 = %scan3A) -> (i32)  : i32 {
      %broadcast_in_dim3A = arith.constant 0.000000e+00 : f32
      %broadcast_in_dim3A_121 = vector.broadcast %broadcast_in_dim3A : f32 to vector<16xf32>
      %swap3A = arith.index_cast %scan3A_119 : i32 to index
      %swap3A_122 = arith.constant 0 : index
      %swap3A_123 = tpu.vector_load %arg11[%swap3A, %swap3A_122] {strides = array<i32>} : memref<64x128xf32, #tpu.memory_space<vmem>>, vector<1x16xf32>,
      %swap3A_124 = vector.shape_cast %swap3A_123 : vector<1x16xf32> to vector<16xf32>
      %swap3A_125 = vector.shape_cast %broadcast_in_dim3A_121 : vector<16xf32> to vector<1x16xf32>
      tpu.vector_store %arg11[%swap3A, %swap3A_122], %swap3A_125 {strides = array<i32>} : memref<64x128xf32, #tpu.memory_space<vmem>>, vector<1x16xf32>,
      %broadcast_in_dim3A_126 = arith.constant 0.000000e+00 : f32
      %broadcast_in_dim3A_127 = vector.broadcast %broadcast_in_dim3A_126 : f32 to vector<16xf32>
      %swap3A_128 = arith.index_cast %scan3A_119 : i32 to index
      %swap3A_129 = arith.constant 16 : index
      %swap3A_130 = tpu.vector_load %arg11[%swap3A_128, %swap3A_129] {strides = array<i32>} : memref<64x128xf32, #tpu.memory_space<vmem>>, vector<1x16xf32>,
      %swap3A_131 = vector.shape_cast %swap3A_130 : vector<1x16xf32> to vector<16xf32>
      %swap3A_132 = vector.shape_cast %broadcast_in_dim3A_127 : vector<16xf32> to vector<1x16xf32>
      tpu.vector_store %arg11[%swap3A_128, %swap3A_129], %swap3A_132 {strides = array<i32>} : memref<64x128xf32, #tpu.memory_space<vmem>>, vector<1x16xf32>,
      %broadcast_in_dim3A_133 = arith.constant 0.000000e+00 : f32
      %broadcast_in_dim3A_134 = vector.broadcast %broadcast_in_dim3A_133 : f32 to vector<16xf32>
      %swap3A_135 = arith.index_cast %scan3A_119 : i32 to index
      %swap3A_136 = arith.constant 32 : index
      %swap3A_137 = tpu.vector_load %arg11[%swap3A_135, %swap3A_136] {strides = array<i32>} : memref<64x128xf32, #tpu.memory_space<vmem>>, vector<1x16xf32>,
      %swap3A_138 = vector.shape_cast %swap3A_137 : vector<1x16xf32> to vector<16xf32>
      %swap3A_139 = vector.shape_cast %broadcast_in_dim3A_134 : vector<16xf32> to vector<1x16xf32>
      tpu.vector_store %arg11[%swap3A_135, %swap3A_136], %swap3A_139 {strides = array<i32>} : memref<64x128xf32, #tpu.memory_space<vmem>>, vector<1x16xf32>,
      %broadcast_in_dim3A_140 = arith.constant 0.000000e+00 : f32
      %broadcast_in_dim3A_141 = vector.broadcast %broadcast_in_dim3A_140 : f32 to vector<16xf32>
      %swap3A_142 = arith.index_cast %scan3A_119 : i32 to index
      %swap3A_143 = arith.constant 48 : index
      %swap3A_144 = tpu.vector_load %arg11[%swap3A_142, %swap3A_143] {strides = array<i32>} : memref<64x128xf32, #tpu.memory_space<vmem>>, vector<1x16xf32>,
      %swap3A_145 = vector.shape_cast %swap3A_144 : vector<1x16xf32> to vector<16xf32>
      %swap3A_146 = vector.shape_cast %broadcast_in_dim3A_141 : vector<16xf32> to vector<1x16xf32>
      tpu.vector_store %arg11[%swap3A_142, %swap3A_143], %swap3A_146 {strides = array<i32>} : memref<64x128xf32, #tpu.memory_space<vmem>>, vector<1x16xf32>,
      %broadcast_in_dim3A_147 = arith.constant 0.000000e+00 : f32
      %broadcast_in_dim3A_148 = vector.broadcast %broadcast_in_dim3A_147 : f32 to vector<16xf32>
      %swap3A_149 = arith.index_cast %scan3A_119 : i32 to index
      %swap3A_150 = arith.constant 64 : index
      %swap3A_151 = tpu.vector_load %arg11[%swap3A_149, %swap3A_150] {strides = array<i32>} : memref<64x128xf32, #tpu.memory_space<vmem>>, vector<1x16xf32>,
      %swap3A_152 = vector.shape_cast %swap3A_151 : vector<1x16xf32> to vector<16xf32>
      %swap3A_153 = vector.shape_cast %broadcast_in_dim3A_148 : vector<16xf32> to vector<1x16xf32>
      tpu.vector_store %arg11[%swap3A_149, %swap3A_150], %swap3A_153 {strides = array<i32>} : memref<64x128xf32, #tpu.memory_space<vmem>>, vector<1x16xf32>,
      %broadcast_in_dim3A_154 = arith.constant 0.000000e+00 : f32
      %broadcast_in_dim3A_155 = vector.broadcast %broadcast_in_dim3A_154 : f32 to vector<16xf32>
      %swap3A_156 = arith.index_cast %scan3A_119 : i32 to index
      %swap3A_157 = arith.constant 80 : index
      %swap3A_158 = tpu.vector_load %arg11[%swap3A_156, %swap3A_157] {strides = array<i32>} : memref<64x128xf32, #tpu.memory_space<vmem>>, vector<1x16xf32>,
      %swap3A_159 = vector.shape_cast %swap3A_158 : vector<1x16xf32> to vector<16xf32>
      %swap3A_160 = vector.shape_cast %broadcast_in_dim3A_155 : vector<16xf32> to vector<1x16xf32>
      tpu.vector_store %arg11[%swap3A_156, %swap3A_157], %swap3A_160 {strides = array<i32>} : memref<64x128xf32, #tpu.memory_space<vmem>>, vector<1x16xf32>,
      %broadcast_in_dim3A_161 = arith.constant 0.000000e+00 : f32
      %broadcast_in_dim3A_162 = vector.broadcast %broadcast_in_dim3A_161 : f32 to vector<16xf32>
      %swap3A_163 = arith.index_cast %scan3A_119 : i32 to index
      %swap3A_164 = arith.constant 96 : index
      %swap3A_165 = tpu.vector_load %arg11[%swap3A_163, %swap3A_164] {strides = array<i32>} : memref<64x128xf32, #tpu.memory_space<vmem>>, vector<1x16xf32>,
      %swap3A_166 = vector.shape_cast %swap3A_165 : vector<1x16xf32> to vector<16xf32>
      %swap3A_167 = vector.shape_cast %broadcast_in_dim3A_162 : vector<16xf32> to vector<1x16xf32>
      tpu.vector_store %arg11[%swap3A_163, %swap3A_164], %swap3A_167 {strides = array<i32>} : memref<64x128xf32, #tpu.memory_space<vmem>>, vector<1x16xf32>,
      %broadcast_in_dim3A_168 = arith.constant 0.000000e+00 : f32
      %broadcast_in_dim3A_169 = vector.broadcast %broadcast_in_dim3A_168 : f32 to vector<16xf32>
      %swap3A_170 = arith.index_cast %scan3A_119 : i32 to index
      %swap3A_171 = arith.constant 112 : index
      %swap3A_172 = tpu.vector_load %arg11[%swap3A_170, %swap3A_171] {strides = array<i32>} : memref<64x128xf32, #tpu.memory_space<vmem>>, vector<1x16xf32>,
      %swap3A_173 = vector.shape_cast %swap3A_172 : vector<1x16xf32> to vector<16xf32>
      %swap3A_174 = vector.shape_cast %broadcast_in_dim3A_169 : vector<16xf32> to vector<1x16xf32>
      tpu.vector_store %arg11[%swap3A_170, %swap3A_171], %swap3A_174 {strides = array<i32>} : memref<64x128xf32, #tpu.memory_space<vmem>>, vector<1x16xf32>,
      %scan3A_175 = arith.constant 0 : i32
      scf.yield %scan3A_175 : i32
    }
    %scan3A_8 = arith.constant 64 : i32
    %add3A_9 = arith.constant 0 : i32
    %add3A_10 = arith.addi %mul3A_2, %add3A_9 : i32
    "tpu.region"() ({
      %run_scoped3A = tpu.sem_alloc : memref<!tpu.dma_semaphore, #tpu.memory_space<semaphore_mem>>
      %dma_start3A_119 = arith.constant 0 : i32
      %dma_start3A_120 = tpu.memref_slice %arg15[%add3A_10, %dma_start3A_119] : memref<10240x128xf32, #tpu.memory_space<vmem_shared>> -> memref<64x128xf32, #tpu.memory_space<vmem_shared>>
      %dma_start3A_121 = arith.constant 0 : i32
      %dma_start3A_122 = tpu.memref_slice %arg15[%add3A_10, %dma_start3A_121] : memref<10240x128xf32, #tpu.memory_space<vmem_shared>> -> memref<64x128xf32, #tpu.memory_space<vmem_shared>>
      tpu.enqueue_dma source(%arg11 : memref<64x128xf32, #tpu.memory_space<vmem>>) target(%dma_start3A_122 : memref<64x128xf32, #tpu.memory_space<vmem_shared>>) target_semaphore(%run_scoped3A : memref<!tpu.dma_semaphore, #tpu.memory_space<semaphore_mem>>)
      %dma_wait3A = arith.constant 0 : i32
      %dma_wait3A_123 = tpu.memref_slice %arg15[%add3A_10, %dma_wait3A] : memref<10240x128xf32, #tpu.memory_space<vmem_shared>> -> memref<64x128xf32, #tpu.memory_space<vmem_shared>>
      %dma_wait3A_124 = arith.constant 0 : i32
      %dma_wait3A_125 = tpu.memref_slice %arg15[%add3A_10, %dma_wait3A_124] : memref<10240x128xf32, #tpu.memory_space<vmem_shared>> -> memref<64x128xf32, #tpu.memory_space<vmem_shared>>
      tpu.wait_dma2 semaphore(%run_scoped3A : memref<!tpu.dma_semaphore, #tpu.memory_space<semaphore_mem>>) src(%arg11 : memref<64x128xf32, #tpu.memory_space<vmem>>) dst(%dma_wait3A_125 : memref<64x128xf32, #tpu.memory_space<vmem_shared>>)
      tpu.yield
    }) : () -> ()
    %add3A_11 = arith.constant 64 : i32
    %add3A_12 = arith.addi %mul3A_2, %add3A_11 : i32
    "tpu.region"() ({
      %run_scoped3A = tpu.sem_alloc : memref<!tpu.dma_semaphore, #tpu.memory_space<semaphore_mem>>
      %dma_start3A_119 = arith.constant 0 : i32
      %dma_start3A_120 = tpu.memref_slice %arg15[%add3A_12, %dma_start3A_119] : memref<10240x128xf32, #tpu.memory_space<vmem_shared>> -> memref<64x128xf32, #tpu.memory_space<vmem_shared>>
      %dma_start3A_121 = arith.constant 0 : i32
      %dma_start3A_122 = tpu.memref_slice %arg15[%add3A_12, %dma_start3A_121] : memref<10240x128xf32, #tpu.memory_space<vmem_shared>> -> memref<64x128xf32, #tpu.memory_space<vmem_shared>>
      tpu.enqueue_dma source(%arg11 : memref<64x128xf32, #tpu.memory_space<vmem>>) target(%dma_start3A_122 : memref<64x128xf32, #tpu.memory_space<vmem_shared>>) target_semaphore(%run_scoped3A : memref<!tpu.dma_semaphore, #tpu.memory_space<semaphore_mem>>)
      %dma_wait3A = arith.constant 0 : i32
      %dma_wait3A_123 = tpu.memref_slice %arg15[%add3A_12, %dma_wait3A] : memref<10240x128xf32, #tpu.memory_space<vmem_shared>> -> memref<64x128xf32, #tpu.memory_space<vmem_shared>>
      %dma_wait3A_124 = arith.constant 0 : i32
      %dma_wait3A_125 = tpu.memref_slice %arg15[%add3A_12, %dma_wait3A_124] : memref<10240x128xf32, #tpu.memory_space<vmem_shared>> -> memref<64x128xf32, #tpu.memory_space<vmem_shared>>
      tpu.wait_dma2 semaphore(%run_scoped3A : memref<!tpu.dma_semaphore, #tpu.memory_space<semaphore_mem>>) src(%arg11 : memref<64x128xf32, #tpu.memory_space<vmem>>) dst(%dma_wait3A_125 : memref<64x128xf32, #tpu.memory_space<vmem_shared>>)
      tpu.yield
    }) : () -> ()
    %add3A_13 = arith.constant 128 : i32
    %add3A_14 = arith.addi %mul3A_2, %add3A_13 : i32
    "tpu.region"() ({
      %run_scoped3A = tpu.sem_alloc : memref<!tpu.dma_semaphore, #tpu.memory_space<semaphore_mem>>
      %dma_start3A_119 = arith.constant 0 : i32
      %dma_start3A_120 = tpu.memref_slice %arg15[%add3A_14, %dma_start3A_119] : memref<10240x128xf32, #tpu.memory_space<vmem_shared>> -> memref<64x128xf32, #tpu.memory_space<vmem_shared>>
      %dma_start3A_121 = arith.constant 0 : i32
      %dma_start3A_122 = tpu.memref_slice %arg15[%add3A_14, %dma_start3A_121] : memref<10240x128xf32, #tpu.memory_space<vmem_shared>> -> memref<64x128xf32, #tpu.memory_space<vmem_shared>>
      tpu.enqueue_dma source(%arg11 : memref<64x128xf32, #tpu.memory_space<vmem>>) target(%dma_start3A_122 : memref<64x128xf32, #tpu.memory_space<vmem_shared>>) target_semaphore(%run_scoped3A : memref<!tpu.dma_semaphore, #tpu.memory_space<semaphore_mem>>)
      %dma_wait3A = arith.constant 0 : i32
      %dma_wait3A_123 = tpu.memref_slice %arg15[%add3A_14, %dma_wait3A] : memref<10240x128xf32, #tpu.memory_space<vmem_shared>> -> memref<64x128xf32, #tpu.memory_space<vmem_shared>>
      %dma_wait3A_124 = arith.constant 0 : i32
      %dma_wait3A_125 = tpu.memref_slice %arg15[%add3A_14, %dma_wait3A_124] : memref<10240x128xf32, #tpu.memory_space<vmem_shared>> -> memref<64x128xf32, #tpu.memory_space<vmem_shared>>
      tpu.wait_dma2 semaphore(%run_scoped3A : memref<!tpu.dma_semaphore, #tpu.memory_space<semaphore_mem>>) src(%arg11 : memref<64x128xf32, #tpu.memory_space<vmem>>) dst(%dma_wait3A_125 : memref<64x128xf32, #tpu.memory_space<vmem_shared>>)
      tpu.yield
    }) : () -> ()
    %add3A_15 = arith.constant 192 : i32
    %add3A_16 = arith.addi %mul3A_2, %add3A_15 : i32
    "tpu.region"() ({
      %run_scoped3A = tpu.sem_alloc : memref<!tpu.dma_semaphore, #tpu.memory_space<semaphore_mem>>
      %dma_start3A_119 = arith.constant 0 : i32
      %dma_start3A_120 = tpu.memref_slice %arg15[%add3A_16, %dma_start3A_119] : memref<10240x128xf32, #tpu.memory_space<vmem_shared>> -> memref<64x128xf32, #tpu.memory_space<vmem_shared>>
      %dma_start3A_121 = arith.constant 0 : i32
      %dma_start3A_122 = tpu.memref_slice %arg15[%add3A_16, %dma_start3A_121] : memref<10240x128xf32, #tpu.memory_space<vmem_shared>> -> memref<64x128xf32, #tpu.memory_space<vmem_shared>>
      tpu.enqueue_dma source(%arg11 : memref<64x128xf32, #tpu.memory_space<vmem>>) target(%dma_start3A_122 : memref<64x128xf32, #tpu.memory_space<vmem_shared>>) target_semaphore(%run_scoped3A : memref<!tpu.dma_semaphore, #tpu.memory_space<semaphore_mem>>)
      %dma_wait3A = arith.constant 0 : i32
      %dma_wait3A_123 = tpu.memref_slice %arg15[%add3A_16, %dma_wait3A] : memref<10240x128xf32, #tpu.memory_space<vmem_shared>> -> memref<64x128xf32, #tpu.memory_space<vmem_shared>>
      %dma_wait3A_124 = arith.constant 0 : i32
      %dma_wait3A_125 = tpu.memref_slice %arg15[%add3A_16, %dma_wait3A_124] : memref<10240x128xf32, #tpu.memory_space<vmem_shared>> -> memref<64x128xf32, #tpu.memory_space<vmem_shared>>
      tpu.wait_dma2 semaphore(%run_scoped3A : memref<!tpu.dma_semaphore, #tpu.memory_space<semaphore_mem>>) src(%arg11 : memref<64x128xf32, #tpu.memory_space<vmem>>) dst(%dma_wait3A_125 : memref<64x128xf32, #tpu.memory_space<vmem_shared>>)
      tpu.yield
    }) : () -> ()
    %add3A_17 = arith.constant 256 : i32
    %add3A_18 = arith.addi %mul3A_2, %add3A_17 : i32
    "tpu.region"() ({
      %run_scoped3A = tpu.sem_alloc : memref<!tpu.dma_semaphore, #tpu.memory_space<semaphore_mem>>
      %dma_start3A_119 = arith.constant 0 : i32
      %dma_start3A_120 = tpu.memref_slice %arg15[%add3A_18, %dma_start3A_119] : memref<10240x128xf32, #tpu.memory_space<vmem_shared>> -> memref<64x128xf32, #tpu.memory_space<vmem_shared>>
      %dma_start3A_121 = arith.constant 0 : i32
      %dma_start3A_122 = tpu.memref_slice %arg15[%add3A_18, %dma_start3A_121] : memref<10240x128xf32, #tpu.memory_space<vmem_shared>> -> memref<64x128xf32, #tpu.memory_space<vmem_shared>>
      tpu.enqueue_dma source(%arg11 : memref<64x128xf32, #tpu.memory_space<vmem>>) target(%dma_start3A_122 : memref<64x128xf32, #tpu.memory_space<vmem_shared>>) target_semaphore(%run_scoped3A : memref<!tpu.dma_semaphore, #tpu.memory_space<semaphore_mem>>)
      %dma_wait3A = arith.constant 0 : i32
      %dma_wait3A_123 = tpu.memref_slice %arg15[%add3A_18, %dma_wait3A] : memref<10240x128xf32, #tpu.memory_space<vmem_shared>> -> memref<64x128xf32, #tpu.memory_space<vmem_shared>>
      %dma_wait3A_124 = arith.constant 0 : i32
      %dma_wait3A_125 = tpu.memref_slice %arg15[%add3A_18, %dma_wait3A_124] : memref<10240x128xf32, #tpu.memory_space<vmem_shared>> -> memref<64x128xf32, #tpu.memory_space<vmem_shared>>
      tpu.wait_dma2 semaphore(%run_scoped3A : memref<!tpu.dma_semaphore, #tpu.memory_space<semaphore_mem>>) src(%arg11 : memref<64x128xf32, #tpu.memory_space<vmem>>) dst(%dma_wait3A_125 : memref<64x128xf32, #tpu.memory_space<vmem_shared>>)
      tpu.yield
    }) : () -> ()
    %add3A_19 = arith.constant 320 : i32
    %add3A_20 = arith.addi %mul3A_2, %add3A_19 : i32
    "tpu.region"() ({
      %run_scoped3A = tpu.sem_alloc : memref<!tpu.dma_semaphore, #tpu.memory_space<semaphore_mem>>
      %dma_start3A_119 = arith.constant 0 : i32
      %dma_start3A_120 = tpu.memref_slice %arg15[%add3A_20, %dma_start3A_119] : memref<10240x128xf32, #tpu.memory_space<vmem_shared>> -> memref<64x128xf32, #tpu.memory_space<vmem_shared>>
      %dma_start3A_121 = arith.constant 0 : i32
      %dma_start3A_122 = tpu.memref_slice %arg15[%add3A_20, %dma_start3A_121] : memref<10240x128xf32, #tpu.memory_space<vmem_shared>> -> memref<64x128xf32, #tpu.memory_space<vmem_shared>>
      tpu.enqueue_dma source(%arg11 : memref<64x128xf32, #tpu.memory_space<vmem>>) target(%dma_start3A_122 : memref<64x128xf32, #tpu.memory_space<vmem_shared>>) target_semaphore(%run_scoped3A : memref<!tpu.dma_semaphore, #tpu.memory_space<semaphore_mem>>)
      %dma_wait3A = arith.constant 0 : i32
      %dma_wait3A_123 = tpu.memref_slice %arg15[%add3A_20, %dma_wait3A] : memref<10240x128xf32, #tpu.memory_space<vmem_shared>> -> memref<64x128xf32, #tpu.memory_space<vmem_shared>>
      %dma_wait3A_124 = arith.constant 0 : i32
      %dma_wait3A_125 = tpu.memref_slice %arg15[%add3A_20, %dma_wait3A_124] : memref<10240x128xf32, #tpu.memory_space<vmem_shared>> -> memref<64x128xf32, #tpu.memory_space<vmem_shared>>
      tpu.wait_dma2 semaphore(%run_scoped3A : memref<!tpu.dma_semaphore, #tpu.memory_space<semaphore_mem>>) src(%arg11 : memref<64x128xf32, #tpu.memory_space<vmem>>) dst(%dma_wait3A_125 : memref<64x128xf32, #tpu.memory_space<vmem_shared>>)
      tpu.yield
    }) : () -> ()
    %add3A_21 = arith.constant 384 : i32
    %add3A_22 = arith.addi %mul3A_2, %add3A_21 : i32
    "tpu.region"() ({
      %run_scoped3A = tpu.sem_alloc : memref<!tpu.dma_semaphore, #tpu.memory_space<semaphore_mem>>
      %dma_start3A_119 = arith.constant 0 : i32
      %dma_start3A_120 = tpu.memref_slice %arg15[%add3A_22, %dma_start3A_119] : memref<10240x128xf32, #tpu.memory_space<vmem_shared>> -> memref<64x128xf32, #tpu.memory_space<vmem_shared>>
      %dma_start3A_121 = arith.constant 0 : i32
      %dma_start3A_122 = tpu.memref_slice %arg15[%add3A_22, %dma_start3A_121] : memref<10240x128xf32, #tpu.memory_space<vmem_shared>> -> memref<64x128xf32, #tpu.memory_space<vmem_shared>>
      tpu.enqueue_dma source(%arg11 : memref<64x128xf32, #tpu.memory_space<vmem>>) target(%dma_start3A_122 : memref<64x128xf32, #tpu.memory_space<vmem_shared>>) target_semaphore(%run_scoped3A : memref<!tpu.dma_semaphore, #tpu.memory_space<semaphore_mem>>)
      %dma_wait3A = arith.constant 0 : i32
      %dma_wait3A_123 = tpu.memref_slice %arg15[%add3A_22, %dma_wait3A] : memref<10240x128xf32, #tpu.memory_space<vmem_shared>> -> memref<64x128xf32, #tpu.memory_space<vmem_shared>>
      %dma_wait3A_124 = arith.constant 0 : i32
      %dma_wait3A_125 = tpu.memref_slice %arg15[%add3A_22, %dma_wait3A_124] : memref<10240x128xf32, #tpu.memory_space<vmem_shared>> -> memref<64x128xf32, #tpu.memory_space<vmem_shared>>
      tpu.wait_dma2 semaphore(%run_scoped3A : memref<!tpu.dma_semaphore, #tpu.memory_space<semaphore_mem>>) src(%arg11 : memref<64x128xf32, #tpu.memory_space<vmem>>) dst(%dma_wait3A_125 : memref<64x128xf32, #tpu.memory_space<vmem_shared>>)
      tpu.yield
    }) : () -> ()
    %add3A_23 = arith.constant 448 : i32
    %add3A_24 = arith.addi %mul3A_2, %add3A_23 : i32
    "tpu.region"() ({
      %run_scoped3A = tpu.sem_alloc : memref<!tpu.dma_semaphore, #tpu.memory_space<semaphore_mem>>
      %dma_start3A_119 = arith.constant 0 : i32
      %dma_start3A_120 = tpu.memref_slice %arg15[%add3A_24, %dma_start3A_119] : memref<10240x128xf32, #tpu.memory_space<vmem_shared>> -> memref<64x128xf32, #tpu.memory_space<vmem_shared>>
      %dma_start3A_121 = arith.constant 0 : i32
      %dma_start3A_122 = tpu.memref_slice %arg15[%add3A_24, %dma_start3A_121] : memref<10240x128xf32, #tpu.memory_space<vmem_shared>> -> memref<64x128xf32, #tpu.memory_space<vmem_shared>>
      tpu.enqueue_dma source(%arg11 : memref<64x128xf32, #tpu.memory_space<vmem>>) target(%dma_start3A_122 : memref<64x128xf32, #tpu.memory_space<vmem_shared>>) target_semaphore(%run_scoped3A : memref<!tpu.dma_semaphore, #tpu.memory_space<semaphore_mem>>)
      %dma_wait3A = arith.constant 0 : i32
      %dma_wait3A_123 = tpu.memref_slice %arg15[%add3A_24, %dma_wait3A] : memref<10240x128xf32, #tpu.memory_space<vmem_shared>> -> memref<64x128xf32, #tpu.memory_space<vmem_shared>>
      %dma_wait3A_124 = arith.constant 0 : i32
      %dma_wait3A_125 = tpu.memref_slice %arg15[%add3A_24, %dma_wait3A_124] : memref<10240x128xf32, #tpu.memory_space<vmem_shared>> -> memref<64x128xf32, #tpu.memory_space<vmem_shared>>
      tpu.wait_dma2 semaphore(%run_scoped3A : memref<!tpu.dma_semaphore, #tpu.memory_space<semaphore_mem>>) src(%arg11 : memref<64x128xf32, #tpu.memory_space<vmem>>) dst(%dma_wait3A_125 : memref<64x128xf32, #tpu.memory_space<vmem_shared>>)
      tpu.yield
    }) : () -> ()
    %add3A_25 = arith.constant 512 : i32
    %add3A_26 = arith.addi %mul3A_2, %add3A_25 : i32
    "tpu.region"() ({
      %run_scoped3A = tpu.sem_alloc : memref<!tpu.dma_semaphore, #tpu.memory_space<semaphore_mem>>
      %dma_start3A_119 = arith.constant 0 : i32
      %dma_start3A_120 = tpu.memref_slice %arg15[%add3A_26, %dma_start3A_119] : memref<10240x128xf32, #tpu.memory_space<vmem_shared>> -> memref<64x128xf32, #tpu.memory_space<vmem_shared>>
      %dma_start3A_121 = arith.constant 0 : i32
      %dma_start3A_122 = tpu.memref_slice %arg15[%add3A_26, %dma_start3A_121] : memref<10240x128xf32, #tpu.memory_space<vmem_shared>> -> memref<64x128xf32, #tpu.memory_space<vmem_shared>>
      tpu.enqueue_dma source(%arg11 : memref<64x128xf32, #tpu.memory_space<vmem>>) target(%dma_start3A_122 : memref<64x128xf32, #tpu.memory_space<vmem_shared>>) target_semaphore(%run_scoped3A : memref<!tpu.dma_semaphore, #tpu.memory_space<semaphore_mem>>)
      %dma_wait3A = arith.constant 0 : i32
      %dma_wait3A_123 = tpu.memref_slice %arg15[%add3A_26, %dma_wait3A] : memref<10240x128xf32, #tpu.memory_space<vmem_shared>> -> memref<64x128xf32, #tpu.memory_space<vmem_shared>>
      %dma_wait3A_124 = arith.constant 0 : i32
      %dma_wait3A_125 = tpu.memref_slice %arg15[%add3A_26, %dma_wait3A_124] : memref<10240x128xf32, #tpu.memory_space<vmem_shared>> -> memref<64x128xf32, #tpu.memory_space<vmem_shared>>
      tpu.wait_dma2 semaphore(%run_scoped3A : memref<!tpu.dma_semaphore, #tpu.memory_space<semaphore_mem>>) src(%arg11 : memref<64x128xf32, #tpu.memory_space<vmem>>) dst(%dma_wait3A_125 : memref<64x128xf32, #tpu.memory_space<vmem_shared>>)
      tpu.yield
    }) : () -> ()
    %add3A_27 = arith.constant 576 : i32
    %add3A_28 = arith.addi %mul3A_2, %add3A_27 : i32
    "tpu.region"() ({
      %run_scoped3A = tpu.sem_alloc : memref<!tpu.dma_semaphore, #tpu.memory_space<semaphore_mem>>
      %dma_start3A_119 = arith.constant 0 : i32
      %dma_start3A_120 = tpu.memref_slice %arg15[%add3A_28, %dma_start3A_119] : memref<10240x128xf32, #tpu.memory_space<vmem_shared>> -> memref<64x128xf32, #tpu.memory_space<vmem_shared>>
      %dma_start3A_121 = arith.constant 0 : i32
      %dma_start3A_122 = tpu.memref_slice %arg15[%add3A_28, %dma_start3A_121] : memref<10240x128xf32, #tpu.memory_space<vmem_shared>> -> memref<64x128xf32, #tpu.memory_space<vmem_shared>>
      tpu.enqueue_dma source(%arg11 : memref<64x128xf32, #tpu.memory_space<vmem>>) target(%dma_start3A_122 : memref<64x128xf32, #tpu.memory_space<vmem_shared>>) target_semaphore(%run_scoped3A : memref<!tpu.dma_semaphore, #tpu.memory_space<semaphore_mem>>)
      %dma_wait3A = arith.constant 0 : i32
      %dma_wait3A_123 = tpu.memref_slice %arg15[%add3A_28, %dma_wait3A] : memref<10240x128xf32, #tpu.memory_space<vmem_shared>> -> memref<64x128xf32, #tpu.memory_space<vmem_shared>>
      %dma_wait3A_124 = arith.constant 0 : i32
      %dma_wait3A_125 = tpu.memref_slice %arg15[%add3A_28, %dma_wait3A_124] : memref<10240x128xf32, #tpu.memory_space<vmem_shared>> -> memref<64x128xf32, #tpu.memory_space<vmem_shared>>
      tpu.wait_dma2 semaphore(%run_scoped3A : memref<!tpu.dma_semaphore, #tpu.memory_space<semaphore_mem>>) src(%arg11 : memref<64x128xf32, #tpu.memory_space<vmem>>) dst(%dma_wait3A_125 : memref<64x128xf32, #tpu.memory_space<vmem_shared>>)
      tpu.yield
    }) : () -> ()
    %barrier3A = arith.constant 0 : index
    tpu.barrier barrier_id(%barrier3A)
    "tpu.region"() ({
      %run_scoped3A = tpu.sem_alloc : memref<!tpu.dma_semaphore, #tpu.memory_space<semaphore_mem>>
      %dma_start3A_119 = arith.constant 0 : i32
      %dma_start3A_120 = arith.constant 0 : i32
      %dma_start3A_121 = tpu.memref_slice %arg3[%add3A, %dma_start3A_119, %dma_start3A_120] : memref<32x80x128xi32, #tpu.memory_space<hbm>> -> memref<1x80x128xi32, #tpu.memory_space<hbm>>
      %dma_start3A_122 = tpu.memref_squeeze %dma_start3A_121 : memref<1x80x128xi32, #tpu.memory_space<hbm>> -> memref<80x128xi32, #tpu.memory_space<hbm>>
      %dma_start3A_123 = arith.constant 0 : i32
      %dma_start3A_124 = arith.constant 0 : i32
      %dma_start3A_125 = tpu.memref_slice %arg3[%add3A, %dma_start3A_123, %dma_start3A_124] : memref<32x80x128xi32, #tpu.memory_space<hbm>> -> memref<1x80x128xi32, #tpu.memory_space<hbm>>
      %dma_start3A_126 = tpu.memref_squeeze %dma_start3A_125 : memref<1x80x128xi32, #tpu.memory_space<hbm>> -> memref<80x128xi32, #tpu.memory_space<hbm>>
      tpu.enqueue_dma source(%dma_start3A_126 : memref<80x128xi32, #tpu.memory_space<hbm>>) target(%arg6 : memref<80x128xi32, #tpu.memory_space<vmem>>) target_semaphore(%run_scoped3A : memref<!tpu.dma_semaphore, #tpu.memory_space<semaphore_mem>>)
      %dma_wait3A = arith.constant 0 : i32
      %dma_wait3A_127 = arith.constant 0 : i32
      %dma_wait3A_128 = tpu.memref_slice %arg3[%add3A, %dma_wait3A, %dma_wait3A_127] : memref<32x80x128xi32, #tpu.memory_space<hbm>> -> memref<1x80x128xi32, #tpu.memory_space<hbm>>
      %dma_wait3A_129 = tpu.memref_squeeze %dma_wait3A_128 : memref<1x80x128xi32, #tpu.memory_space<hbm>> -> memref<80x128xi32, #tpu.memory_space<hbm>>
      %dma_wait3A_130 = arith.constant 0 : i32
      %dma_wait3A_131 = arith.constant 0 : i32
      %dma_wait3A_132 = tpu.memref_slice %arg3[%add3A, %dma_wait3A_130, %dma_wait3A_131] : memref<32x80x128xi32, #tpu.memory_space<hbm>> -> memref<1x80x128xi32, #tpu.memory_space<hbm>>
      %dma_wait3A_133 = tpu.memref_squeeze %dma_wait3A_132 : memref<1x80x128xi32, #tpu.memory_space<hbm>> -> memref<80x128xi32, #tpu.memory_space<hbm>>
      tpu.wait_dma2 semaphore(%run_scoped3A : memref<!tpu.dma_semaphore, #tpu.memory_space<semaphore_mem>>) src(%dma_wait3A_133 : memref<80x128xi32, #tpu.memory_space<hbm>>) dst(%arg6 : memref<80x128xi32, #tpu.memory_space<vmem>>)
      tpu.yield
    }) : () -> ()
    %div3A = arith.constant 0 : i32
    %div3A_29 = arith.constant 2 : i32
    %div3A_30 = arith.divsi %div3A, %div3A_29 : i32
    %rem3A = arith.constant 0 : i32
    %rem3A_31 = arith.constant 2 : i32
    %rem3A_32 = arith.remsi %rem3A, %rem3A_31 : i32
    %mul3A_33 = arith.constant 64 : i32
    %mul3A_34 = arith.muli %rem3A_32, %mul3A_33 : i32
    %dma_start3A = tpu.memref_slice %arg6[%div3A_30, %mul3A_34] : memref<80x128xi32, #tpu.memory_space<vmem>> -> memref<1x64xi32, #tpu.memory_space<vmem>>
    %dma_start3A_35 = tpu.memref_squeeze %dma_start3A : memref<1x64xi32, #tpu.memory_space<vmem>> -> memref<64xi32, #tpu.memory_space<vmem>>
    %dma_start3A_36 = arith.constant 0 : i32
    %dma_start3A_37 = arith.constant 0 : i32
    %dma_start3A_38 = tpu.memref_slice %arg2[%dma_start3A_36, %dma_start3A_37] : memref<10000x128xf32, #tpu.memory_space<hbm>> -> memref<10000x128xf32, #tpu.memory_space<hbm>>
    tpu.enqueue_indirect_dma source(%dma_start3A_38 : memref<10000x128xf32, #tpu.memory_space<hbm>>) target(%arg11 : memref<64x128xf32, #tpu.memory_space<vmem>>) offsets(%dma_start3A_35 : memref<64xi32, #tpu.memory_space<vmem>>) semaphore(%arg16 : memref<!tpu.dma_semaphore, #tpu.memory_space<semaphore_mem>>)
    %div3A_39 = arith.constant 0 : i32
    %div3A_40 = arith.constant 2 : i32
    %div3A_41 = arith.divsi %div3A_39, %div3A_40 : i32
    %rem3A_42 = arith.constant 0 : i32
    %rem3A_43 = arith.constant 2 : i32
    %rem3A_44 = arith.remsi %rem3A_42, %rem3A_43 : i32
    %mul3A_45 = arith.constant 64 : i32
    %mul3A_46 = arith.muli %rem3A_44, %mul3A_45 : i32
    %dma_start3A_47 = tpu.memref_slice %arg4[%add3A, %div3A_41, %mul3A_46] : memref<32x80x128xi32, #tpu.memory_space<hbm>> -> memref<1x1x64xi32, #tpu.memory_space<hbm>>
    %dma_start3A_48 = tpu.memref_squeeze %dma_start3A_47 : memref<1x1x64xi32, #tpu.memory_space<hbm>> -> memref<64xi32, #tpu.memory_space<hbm>>
    %dma_start3A_49 = tpu.memref_slice %arg4[%add3A, %div3A_41, %mul3A_46] : memref<32x80x128xi32, #tpu.memory_space<hbm>> -> memref<1x1x64xi32, #tpu.memory_space<hbm>>
    %dma_start3A_50 = tpu.memref_squeeze %dma_start3A_49 : memref<1x1x64xi32, #tpu.memory_space<hbm>> -> memref<64xi32, #tpu.memory_space<hbm>>
    tpu.enqueue_dma source(%dma_start3A_50 : memref<64xi32, #tpu.memory_space<hbm>>) target(%arg7 : memref<64xi32, #tpu.memory_space<vmem>>) target_semaphore(%arg20 : memref<!tpu.dma_semaphore, #tpu.memory_space<semaphore_mem>>)
    %div3A_51 = arith.constant 1 : i32
    %div3A_52 = arith.constant 2 : i32
    %div3A_53 = arith.divsi %div3A_51, %div3A_52 : i32
    %rem3A_54 = arith.constant 1 : i32
    %rem3A_55 = arith.constant 2 : i32
    %rem3A_56 = arith.remsi %rem3A_54, %rem3A_55 : i32
    %mul3A_57 = arith.constant 64 : i32
    %mul3A_58 = arith.muli %rem3A_56, %mul3A_57 : i32
    %dma_start3A_59 = tpu.memref_slice %arg6[%div3A_53, %mul3A_58] : memref<80x128xi32, #tpu.memory_space<vmem>> -> memref<1x64xi32, #tpu.memory_space<vmem>>
    %dma_start3A_60 = tpu.memref_squeeze %dma_start3A_59 : memref<1x64xi32, #tpu.memory_space<vmem>> -> memref<64xi32, #tpu.memory_space<vmem>>
    %dma_start3A_61 = arith.constant 0 : i32
    %dma_start3A_62 = arith.constant 0 : i32
    %dma_start3A_63 = tpu.memref_slice %arg2[%dma_start3A_61, %dma_start3A_62] : memref<10000x128xf32, #tpu.memory_space<hbm>> -> memref<10000x128xf32, #tpu.memory_space<hbm>>
    tpu.enqueue_indirect_dma source(%dma_start3A_63 : memref<10000x128xf32, #tpu.memory_space<hbm>>) target(%arg12 : memref<64x128xf32, #tpu.memory_space<vmem>>) offsets(%dma_start3A_60 : memref<64xi32, #tpu.memory_space<vmem>>) semaphore(%arg17 : memref<!tpu.dma_semaphore, #tpu.memory_space<semaphore_mem>>)
    %div3A_64 = arith.constant 1 : i32
    %div3A_65 = arith.constant 2 : i32
    %div3A_66 = arith.divsi %div3A_64, %div3A_65 : i32
    %rem3A_67 = arith.constant 1 : i32
    %rem3A_68 = arith.constant 2 : i32
    %rem3A_69 = arith.remsi %rem3A_67, %rem3A_68 : i32
    %mul3A_70 = arith.constant 64 : i32
    %mul3A_71 = arith.muli %rem3A_69, %mul3A_70 : i32
    %dma_start3A_72 = tpu.memref_slice %arg4[%add3A, %div3A_66, %mul3A_71] : memref<32x80x128xi32, #tpu.memory_space<hbm>> -> memref<1x1x64xi32, #tpu.memory_space<hbm>>
    %dma_start3A_73 = tpu.memref_squeeze %dma_start3A_72 : memref<1x1x64xi32, #tpu.memory_space<hbm>> -> memref<64xi32, #tpu.memory_space<hbm>>
    %dma_start3A_74 = tpu.memref_slice %arg4[%add3A, %div3A_66, %mul3A_71] : memref<32x80x128xi32, #tpu.memory_space<hbm>> -> memref<1x1x64xi32, #tpu.memory_space<hbm>>
    %dma_start3A_75 = tpu.memref_squeeze %dma_start3A_74 : memref<1x1x64xi32, #tpu.memory_space<hbm>> -> memref<64xi32, #tpu.memory_space<hbm>>
    tpu.enqueue_dma source(%dma_start3A_75 : memref<64xi32, #tpu.memory_space<hbm>>) target(%arg8 : memref<64xi32, #tpu.memory_space<vmem>>) target_semaphore(%arg21 : memref<!tpu.dma_semaphore, #tpu.memory_space<semaphore_mem>>)
    %div3A_76 = arith.constant 2 : i32
    %div3A_77 = arith.constant 2 : i32
    %div3A_78 = arith.divsi %div3A_76, %div3A_77 : i32
    %rem3A_79 = arith.constant 2 : i32
    %rem3A_80 = arith.constant 2 : i32
    %rem3A_81 = arith.remsi %rem3A_79, %rem3A_80 : i32
    %mul3A_82 = arith.constant 64 : i32
    %mul3A_83 = arith.muli %rem3A_81, %mul3A_82 : i32
    %dma_start3A_84 = tpu.memref_slice %arg6[%div3A_78, %mul3A_83] : memref<80x128xi32, #tpu.memory_space<vmem>> -> memref<1x64xi32, #tpu.memory_space<vmem>>
    %dma_start3A_85 = tpu.memref_squeeze %dma_start3A_84 : memref<1x64xi32, #tpu.memory_space<vmem>> -> memref<64xi32, #tpu.memory_space<vmem>>
    %dma_start3A_86 = arith.constant 0 : i32
    %dma_start3A_87 = arith.constant 0 : i32
    %dma_start3A_88 = tpu.memref_slice %arg2[%dma_start3A_86, %dma_start3A_87] : memref<10000x128xf32, #tpu.memory_space<hbm>> -> memref<10000x128xf32, #tpu.memory_space<hbm>>
    tpu.enqueue_indirect_dma source(%dma_start3A_88 : memref<10000x128xf32, #tpu.memory_space<hbm>>) target(%arg13 : memref<64x128xf32, #tpu.memory_space<vmem>>) offsets(%dma_start3A_85 : memref<64xi32, #tpu.memory_space<vmem>>) semaphore(%arg18 : memref<!tpu.dma_semaphore, #tpu.memory_space<semaphore_mem>>)
    %div3A_89 = arith.constant 2 : i32
    %div3A_90 = arith.constant 2 : i32
    %div3A_91 = arith.divsi %div3A_89, %div3A_90 : i32
    %rem3A_92 = arith.constant 2 : i32
    %rem3A_93 = arith.constant 2 : i32
    %rem3A_94 = arith.remsi %rem3A_92, %rem3A_93 : i32
    %mul3A_95 = arith.constant 64 : i32
    %mul3A_96 = arith.muli %rem3A_94, %mul3A_95 : i32
    %dma_start3A_97 = tpu.memref_slice %arg4[%add3A, %div3A_91, %mul3A_96] : memref<32x80x128xi32, #tpu.memory_space<hbm>> -> memref<1x1x64xi32, #tpu.memory_space<hbm>>
    %dma_start3A_98 = tpu.memref_squeeze %dma_start3A_97 : memref<1x1x64xi32, #tpu.memory_space<hbm>> -> memref<64xi32, #tpu.memory_space<hbm>>
    %dma_start3A_99 = tpu.memref_slice %arg4[%add3A, %div3A_91, %mul3A_96] : memref<32x80x128xi32, #tpu.memory_space<hbm>> -> memref<1x1x64xi32, #tpu.memory_space<hbm>>
    %dma_start3A_100 = tpu.memref_squeeze %dma_start3A_99 : memref<1x1x64xi32, #tpu.memory_space<hbm>> -> memref<64xi32, #tpu.memory_space<hbm>>
    tpu.enqueue_dma source(%dma_start3A_100 : memref<64xi32, #tpu.memory_space<hbm>>) target(%arg9 : memref<64xi32, #tpu.memory_space<vmem>>) target_semaphore(%arg22 : memref<!tpu.dma_semaphore, #tpu.memory_space<semaphore_mem>>)
    %scan3A_101 = arith.constant 0 : i32
    %scan3A_102 = arith.constant 0 : i32
    %scan3A_103 = arith.constant 40 : i32
    %scan3A_104 = arith.addi %scan3A_102, %scan3A_103 : i32
    %scan3A_105 = arith.constant 1 : i32
    %scan3A_106 = scf.for %scan3A_119 = %scan3A_102 to %scan3A_104 step %scan3A_105 iter_args(%scan3A_120 = %scan3A_101) -> (i32)  : i32 {
      %mul3A_121 = arith.constant 4 : i32
      %mul3A_122 = arith.muli %scan3A_119, %mul3A_121 : i32
      %add3A_123 = arith.constant 0 : i32
      %add3A_124 = arith.addi %mul3A_122, %add3A_123 : i32
      %div3A_125 = arith.constant 2 : i32
      %div3A_126 = arith.divsi %add3A_124, %div3A_125 : i32
      %rem3A_127 = arith.constant 2 : i32
      %rem3A_128 = arith.remsi %add3A_124, %rem3A_127 : i32
      %mul3A_129 = arith.constant 64 : i32
      %mul3A_130 = arith.muli %rem3A_128, %mul3A_129 : i32
      %dma_wait3A = tpu.memref_slice %arg6[%div3A_126, %mul3A_130] : memref<80x128xi32, #tpu.memory_space<vmem>> -> memref<1x64xi32, #tpu.memory_space<vmem>>
      %dma_wait3A_131 = tpu.memref_squeeze %dma_wait3A : memref<1x64xi32, #tpu.memory_space<vmem>> -> memref<64xi32, #tpu.memory_space<vmem>>
      %dma_wait3A_132 = arith.constant 0 : i32
      %dma_wait3A_133 = arith.constant 0 : i32
      %dma_wait3A_134 = tpu.memref_slice %arg2[%dma_wait3A_132, %dma_wait3A_133] : memref<10000x128xf32, #tpu.memory_space<hbm>> -> memref<10000x128xf32, #tpu.memory_space<hbm>>
      tpu.wait_indirect_dma semaphore(%arg16 : memref<!tpu.dma_semaphore, #tpu.memory_space<semaphore_mem>>) src(%dma_wait3A_134 : memref<10000x128xf32, #tpu.memory_space<hbm>>) dst(%arg11 : memref<64x128xf32, #tpu.memory_space<vmem>>)
      %add3A_135 = arith.constant 4 : i32
      %add3A_136 = arith.addi %add3A_124, %add3A_135 : i32
      %sub3A = arith.constant 1 : i32
      %sub3A_137 = arith.subi %add3A_136, %sub3A : i32
      %lt3A = arith.constant 160 : i32
      %lt3A_138 = arith.cmpi slt, %sub3A_137, %lt3A : i32
      %convert_element_type3A = arith.extui %lt3A_138 : i1 to i32
      %cond3A = arith.constant 0 : i32
      %cond3A_139 = arith.cmpi ne, %convert_element_type3A, %cond3A : i32
      scf.if %cond3A_139 {
        %add3A_247 = arith.constant 4 : i32
        %add3A_248 = arith.addi %add3A_124, %add3A_247 : i32
        %sub3A_249 = arith.constant 1 : i32
        %sub3A_250 = arith.subi %add3A_248, %sub3A_249 : i32
        %div3A_251 = arith.constant 2 : i32
        %div3A_252 = arith.divsi %sub3A_250, %div3A_251 : i32
        %rem3A_253 = arith.constant 2 : i32
        %rem3A_254 = arith.remsi %sub3A_250, %rem3A_253 : i32
        %mul3A_255 = arith.constant 64 : i32
        %mul3A_256 = arith.muli %rem3A_254, %mul3A_255 : i32
        %dma_start3A_257 = tpu.memref_slice %arg6[%div3A_252, %mul3A_256] : memref<80x128xi32, #tpu.memory_space<vmem>> -> memref<1x64xi32, #tpu.memory_space<vmem>>
        %dma_start3A_258 = tpu.memref_squeeze %dma_start3A_257 : memref<1x64xi32, #tpu.memory_space<vmem>> -> memref<64xi32, #tpu.memory_space<vmem>>
        %dma_start3A_259 = arith.constant 0 : i32
        %dma_start3A_260 = arith.constant 0 : i32
        %dma_start3A_261 = tpu.memref_slice %arg2[%dma_start3A_259, %dma_start3A_260] : memref<10000x128xf32, #tpu.memory_space<hbm>> -> memref<10000x128xf32, #tpu.memory_space<hbm>>
        tpu.enqueue_indirect_dma source(%dma_start3A_261 : memref<10000x128xf32, #tpu.memory_space<hbm>>) target(%arg14 : memref<64x128xf32, #tpu.memory_space<vmem>>) offsets(%dma_start3A_258 : memref<64xi32, #tpu.memory_space<vmem>>) semaphore(%arg19 : memref<!tpu.dma_semaphore, #tpu.memory_space<semaphore_mem>>)
        %add3A_262 = arith.constant 4 : i32
        %add3A_263 = arith.addi %add3A_124, %add3A_262 : i32
        %sub3A_264 = arith.constant 1 : i32
        %sub3A_265 = arith.subi %add3A_263, %sub3A_264 : i32
        %div3A_266 = arith.constant 2 : i32
        %div3A_267 = arith.divsi %sub3A_265, %div3A_266 : i32
        %rem3A_268 = arith.constant 2 : i32
        %rem3A_269 = arith.remsi %sub3A_265, %rem3A_268 : i32
        %mul3A_270 = arith.constant 64 : i32
        %mul3A_271 = arith.muli %rem3A_269, %mul3A_270 : i32
        %dma_start3A_272 = tpu.memref_slice %arg4[%add3A, %div3A_267, %mul3A_271] : memref<32x80x128xi32, #tpu.memory_space<hbm>> -> memref<1x1x64xi32, #tpu.memory_space<hbm>>
        %dma_start3A_273 = tpu.memref_squeeze %dma_start3A_272 : memref<1x1x64xi32, #tpu.memory_space<hbm>> -> memref<64xi32, #tpu.memory_space<hbm>>
        %dma_start3A_274 = tpu.memref_slice %arg4[%add3A, %div3A_267, %mul3A_271] : memref<32x80x128xi32, #tpu.memory_space<hbm>> -> memref<1x1x64xi32, #tpu.memory_space<hbm>>
        %dma_start3A_275 = tpu.memref_squeeze %dma_start3A_274 : memref<1x1x64xi32, #tpu.memory_space<hbm>> -> memref<64xi32, #tpu.memory_space<hbm>>
        tpu.enqueue_dma source(%dma_start3A_275 : memref<64xi32, #tpu.memory_space<hbm>>) target(%arg10 : memref<64xi32, #tpu.memory_space<vmem>>) target_semaphore(%arg23 : memref<!tpu.dma_semaphore, #tpu.memory_space<semaphore_mem>>)
      } else {
      }
      %div3A_140 = arith.constant 2 : i32
      %div3A_141 = arith.divsi %add3A_124, %div3A_140 : i32
      %rem3A_142 = arith.constant 2 : i32
      %rem3A_143 = arith.remsi %add3A_124, %rem3A_142 : i32
      %mul3A_144 = arith.constant 64 : i32
      %mul3A_145 = arith.muli %rem3A_143, %mul3A_144 : i32
      %dma_wait3A_146 = tpu.memref_slice %arg4[%add3A, %div3A_141, %mul3A_145] : memref<32x80x128xi32, #tpu.memory_space<hbm>> -> memref<1x1x64xi32, #tpu.memory_space<hbm>>
      %dma_wait3A_147 = tpu.memref_squeeze %dma_wait3A_146 : memref<1x1x64xi32, #tpu.memory_space<hbm>> -> memref<64xi32, #tpu.memory_space<hbm>>
      %dma_wait3A_148 = tpu.memref_slice %arg4[%add3A, %div3A_141, %mul3A_145] : memref<32x80x128xi32, #tpu.memory_space<hbm>> -> memref<1x1x64xi32, #tpu.memory_space<hbm>>
      %dma_wait3A_149 = tpu.memref_squeeze %dma_wait3A_148 : memref<1x1x64xi32, #tpu.memory_space<hbm>> -> memref<64xi32, #tpu.memory_space<hbm>>
      tpu.wait_dma2 semaphore(%arg20 : memref<!tpu.dma_semaphore, #tpu.memory_space<semaphore_mem>>) src(%dma_wait3A_149 : memref<64xi32, #tpu.memory_space<hbm>>) dst(%arg7 : memref<64xi32, #tpu.memory_space<vmem>>)
      "tpu.region"() ({
        %run_scoped3A = tpu.sem_alloc : memref<!tpu.dma_semaphore, #tpu.memory_space<semaphore_mem>>
        %dma_start3A_247 = arith.constant 0 : i32
        %dma_start3A_248 = arith.constant 0 : i32
        %dma_start3A_249 = tpu.memref_slice %arg15[%dma_start3A_247, %dma_start3A_248] : memref<10240x128xf32, #tpu.memory_space<vmem_shared>> -> memref<10240x128xf32, #tpu.memory_space<vmem_shared>>
        tpu.enqueue_indirect_dma source(%arg11 : memref<64x128xf32, #tpu.memory_space<vmem>>) target(%dma_start3A_249 : memref<10240x128xf32, #tpu.memory_space<vmem_shared>>) offsets(%arg7 : memref<64xi32, #tpu.memory_space<vmem>>) semaphore(%run_scoped3A : memref<!tpu.dma_semaphore, #tpu.memory_space<semaphore_mem>>) {add = true}
        %dma_wait3A_250 = arith.constant 0 : i32
        %dma_wait3A_251 = arith.constant 0 : i32
        %dma_wait3A_252 = tpu.memref_slice %arg15[%dma_wait3A_250, %dma_wait3A_251] : memref<10240x128xf32, #tpu.memory_space<vmem_shared>> -> memref<10240x128xf32, #tpu.memory_space<vmem_shared>>
        tpu.wait_indirect_dma semaphore(%run_scoped3A : memref<!tpu.dma_semaphore, #tpu.memory_space<semaphore_mem>>) src(%arg11 : memref<64x128xf32, #tpu.memory_space<vmem>>) dst(%dma_wait3A_252 : memref<10240x128xf32, #tpu.memory_space<vmem_shared>>)
        tpu.yield
      }) : () -> ()
      %add3A_150 = arith.constant 1 : i32
      %add3A_151 = arith.addi %mul3A_122, %add3A_150 : i32
      %div3A_152 = arith.constant 2 : i32
      %div3A_153 = arith.divsi %add3A_151, %div3A_152 : i32
      %rem3A_154 = arith.constant 2 : i32
      %rem3A_155 = arith.remsi %add3A_151, %rem3A_154 : i32
      %mul3A_156 = arith.constant 64 : i32
      %mul3A_157 = arith.muli %rem3A_155, %mul3A_156 : i32
      %dma_wait3A_158 = tpu.memref_slice %arg6[%div3A_153, %mul3A_157] : memref<80x128xi32, #tpu.memory_space<vmem>> -> memref<1x64xi32, #tpu.memory_space<vmem>>
      %dma_wait3A_159 = tpu.memref_squeeze %dma_wait3A_158 : memref<1x64xi32, #tpu.memory_space<vmem>> -> memref<64xi32, #tpu.memory_space<vmem>>
      %dma_wait3A_160 = arith.constant 0 : i32
      %dma_wait3A_161 = arith.constant 0 : i32
      %dma_wait3A_162 = tpu.memref_slice %arg2[%dma_wait3A_160, %dma_wait3A_161] : memref<10000x128xf32, #tpu.memory_space<hbm>> -> memref<10000x128xf32, #tpu.memory_space<hbm>>
      tpu.wait_indirect_dma semaphore(%arg17 : memref<!tpu.dma_semaphore, #tpu.memory_space<semaphore_mem>>) src(%dma_wait3A_162 : memref<10000x128xf32, #tpu.memory_space<hbm>>) dst(%arg12 : memref<64x128xf32, #tpu.memory_space<vmem>>)
      %add3A_163 = arith.constant 4 : i32
      %add3A_164 = arith.addi %add3A_151, %add3A_163 : i32
      %sub3A_165 = arith.constant 1 : i32
      %sub3A_166 = arith.subi %add3A_164, %sub3A_165 : i32
      %lt3A_167 = arith.constant 160 : i32
      %lt3A_168 = arith.cmpi slt, %sub3A_166, %lt3A_167 : i32
      %convert_element_type3A_169 = arith.extui %lt3A_168 : i1 to i32
      %cond3A_170 = arith.constant 0 : i32
      %cond3A_171 = arith.cmpi ne, %convert_element_type3A_169, %cond3A_170 : i32
      scf.if %cond3A_171 {
        %add3A_247 = arith.constant 4 : i32
        %add3A_248 = arith.addi %add3A_151, %add3A_247 : i32
        %sub3A_249 = arith.constant 1 : i32
        %sub3A_250 = arith.subi %add3A_248, %sub3A_249 : i32
        %div3A_251 = arith.constant 2 : i32
        %div3A_252 = arith.divsi %sub3A_250, %div3A_251 : i32
        %rem3A_253 = arith.constant 2 : i32
        %rem3A_254 = arith.remsi %sub3A_250, %rem3A_253 : i32
        %mul3A_255 = arith.constant 64 : i32
        %mul3A_256 = arith.muli %rem3A_254, %mul3A_255 : i32
        %dma_start3A_257 = tpu.memref_slice %arg6[%div3A_252, %mul3A_256] : memref<80x128xi32, #tpu.memory_space<vmem>> -> memref<1x64xi32, #tpu.memory_space<vmem>>
        %dma_start3A_258 = tpu.memref_squeeze %dma_start3A_257 : memref<1x64xi32, #tpu.memory_space<vmem>> -> memref<64xi32, #tpu.memory_space<vmem>>
        %dma_start3A_259 = arith.constant 0 : i32
        %dma_start3A_260 = arith.constant 0 : i32
        %dma_start3A_261 = tpu.memref_slice %arg2[%dma_start3A_259, %dma_start3A_260] : memref<10000x128xf32, #tpu.memory_space<hbm>> -> memref<10000x128xf32, #tpu.memory_space<hbm>>
        tpu.enqueue_indirect_dma source(%dma_start3A_261 : memref<10000x128xf32, #tpu.memory_space<hbm>>) target(%arg11 : memref<64x128xf32, #tpu.memory_space<vmem>>) offsets(%dma_start3A_258 : memref<64xi32, #tpu.memory_space<vmem>>) semaphore(%arg16 : memref<!tpu.dma_semaphore, #tpu.memory_space<semaphore_mem>>)
        %add3A_262 = arith.constant 4 : i32
        %add3A_263 = arith.addi %add3A_151, %add3A_262 : i32
        %sub3A_264 = arith.constant 1 : i32
        %sub3A_265 = arith.subi %add3A_263, %sub3A_264 : i32
        %div3A_266 = arith.constant 2 : i32
        %div3A_267 = arith.divsi %sub3A_265, %div3A_266 : i32
        %rem3A_268 = arith.constant 2 : i32
        %rem3A_269 = arith.remsi %sub3A_265, %rem3A_268 : i32
        %mul3A_270 = arith.constant 64 : i32
        %mul3A_271 = arith.muli %rem3A_269, %mul3A_270 : i32
        %dma_start3A_272 = tpu.memref_slice %arg4[%add3A, %div3A_267, %mul3A_271] : memref<32x80x128xi32, #tpu.memory_space<hbm>> -> memref<1x1x64xi32, #tpu.memory_space<hbm>>
        %dma_start3A_273 = tpu.memref_squeeze %dma_start3A_272 : memref<1x1x64xi32, #tpu.memory_space<hbm>> -> memref<64xi32, #tpu.memory_space<hbm>>
        %dma_start3A_274 = tpu.memref_slice %arg4[%add3A, %div3A_267, %mul3A_271] : memref<32x80x128xi32, #tpu.memory_space<hbm>> -> memref<1x1x64xi32, #tpu.memory_space<hbm>>
        %dma_start3A_275 = tpu.memref_squeeze %dma_start3A_274 : memref<1x1x64xi32, #tpu.memory_space<hbm>> -> memref<64xi32, #tpu.memory_space<hbm>>
        tpu.enqueue_dma source(%dma_start3A_275 : memref<64xi32, #tpu.memory_space<hbm>>) target(%arg7 : memref<64xi32, #tpu.memory_space<vmem>>) target_semaphore(%arg20 : memref<!tpu.dma_semaphore, #tpu.memory_space<semaphore_mem>>)
      } else {
      }
      %div3A_172 = arith.constant 2 : i32
      %div3A_173 = arith.divsi %add3A_151, %div3A_172 : i32
      %rem3A_174 = arith.constant 2 : i32
      %rem3A_175 = arith.remsi %add3A_151, %rem3A_174 : i32
      %mul3A_176 = arith.constant 64 : i32
      %mul3A_177 = arith.muli %rem3A_175, %mul3A_176 : i32
      %dma_wait3A_178 = tpu.memref_slice %arg4[%add3A, %div3A_173, %mul3A_177] : memref<32x80x128xi32, #tpu.memory_space<hbm>> -> memref<1x1x64xi32, #tpu.memory_space<hbm>>
      %dma_wait3A_179 = tpu.memref_squeeze %dma_wait3A_178 : memref<1x1x64xi32, #tpu.memory_space<hbm>> -> memref<64xi32, #tpu.memory_space<hbm>>
      %dma_wait3A_180 = tpu.memref_slice %arg4[%add3A, %div3A_173, %mul3A_177] : memref<32x80x128xi32, #tpu.memory_space<hbm>> -> memref<1x1x64xi32, #tpu.memory_space<hbm>>
      %dma_wait3A_181 = tpu.memref_squeeze %dma_wait3A_180 : memref<1x1x64xi32, #tpu.memory_space<hbm>> -> memref<64xi32, #tpu.memory_space<hbm>>
      tpu.wait_dma2 semaphore(%arg21 : memref<!tpu.dma_semaphore, #tpu.memory_space<semaphore_mem>>) src(%dma_wait3A_181 : memref<64xi32, #tpu.memory_space<hbm>>) dst(%arg8 : memref<64xi32, #tpu.memory_space<vmem>>)
      "tpu.region"() ({
        %run_scoped3A = tpu.sem_alloc : memref<!tpu.dma_semaphore, #tpu.memory_space<semaphore_mem>>
        %dma_start3A_247 = arith.constant 0 : i32
        %dma_start3A_248 = arith.constant 0 : i32
        %dma_start3A_249 = tpu.memref_slice %arg15[%dma_start3A_247, %dma_start3A_248] : memref<10240x128xf32, #tpu.memory_space<vmem_shared>> -> memref<10240x128xf32, #tpu.memory_space<vmem_shared>>
        tpu.enqueue_indirect_dma source(%arg12 : memref<64x128xf32, #tpu.memory_space<vmem>>) target(%dma_start3A_249 : memref<10240x128xf32, #tpu.memory_space<vmem_shared>>) offsets(%arg8 : memref<64xi32, #tpu.memory_space<vmem>>) semaphore(%run_scoped3A : memref<!tpu.dma_semaphore, #tpu.memory_space<semaphore_mem>>) {add = true}
        %dma_wait3A_250 = arith.constant 0 : i32
        %dma_wait3A_251 = arith.constant 0 : i32
        %dma_wait3A_252 = tpu.memref_slice %arg15[%dma_wait3A_250, %dma_wait3A_251] : memref<10240x128xf32, #tpu.memory_space<vmem_shared>> -> memref<10240x128xf32, #tpu.memory_space<vmem_shared>>
        tpu.wait_indirect_dma semaphore(%run_scoped3A : memref<!tpu.dma_semaphore, #tpu.memory_space<semaphore_mem>>) src(%arg12 : memref<64x128xf32, #tpu.memory_space<vmem>>) dst(%dma_wait3A_252 : memref<10240x128xf32, #tpu.memory_space<vmem_shared>>)
        tpu.yield
      }) : () -> ()
      %add3A_182 = arith.constant 2 : i32
      %add3A_183 = arith.addi %mul3A_122, %add3A_182 : i32
      %div3A_184 = arith.constant 2 : i32
      %div3A_185 = arith.divsi %add3A_183, %div3A_184 : i32
      %rem3A_186 = arith.constant 2 : i32
      %rem3A_187 = arith.remsi %add3A_183, %rem3A_186 : i32
      %mul3A_188 = arith.constant 64 : i32
      %mul3A_189 = arith.muli %rem3A_187, %mul3A_188 : i32
      %dma_wait3A_190 = tpu.memref_slice %arg6[%div3A_185, %mul3A_189] : memref<80x128xi32, #tpu.memory_space<vmem>> -> memref<1x64xi32, #tpu.memory_space<vmem>>
      %dma_wait3A_191 = tpu.memref_squeeze %dma_wait3A_190 : memref<1x64xi32, #tpu.memory_space<vmem>> -> memref<64xi32, #tpu.memory_space<vmem>>
      %dma_wait3A_192 = arith.constant 0 : i32
      %dma_wait3A_193 = arith.constant 0 : i32
      %dma_wait3A_194 = tpu.memref_slice %arg2[%dma_wait3A_192, %dma_wait3A_193] : memref<10000x128xf32, #tpu.memory_space<hbm>> -> memref<10000x128xf32, #tpu.memory_space<hbm>>
      tpu.wait_indirect_dma semaphore(%arg18 : memref<!tpu.dma_semaphore, #tpu.memory_space<semaphore_mem>>) src(%dma_wait3A_194 : memref<10000x128xf32, #tpu.memory_space<hbm>>) dst(%arg13 : memref<64x128xf32, #tpu.memory_space<vmem>>)
      %add3A_195 = arith.constant 4 : i32
      %add3A_196 = arith.addi %add3A_183, %add3A_195 : i32
      %sub3A_197 = arith.constant 1 : i32
      %sub3A_198 = arith.subi %add3A_196, %sub3A_197 : i32
      %lt3A_199 = arith.constant 160 : i32
      %lt3A_200 = arith.cmpi slt, %sub3A_198, %lt3A_199 : i32
      %convert_element_type3A_201 = arith.extui %lt3A_200 : i1 to i32
      %cond3A_202 = arith.constant 0 : i32
      %cond3A_203 = arith.cmpi ne, %convert_element_type3A_201, %cond3A_202 : i32
      scf.if %cond3A_203 {
        %add3A_247 = arith.constant 4 : i32
        %add3A_248 = arith.addi %add3A_183, %add3A_247 : i32
        %sub3A_249 = arith.constant 1 : i32
        %sub3A_250 = arith.subi %add3A_248, %sub3A_249 : i32
        %div3A_251 = arith.constant 2 : i32
        %div3A_252 = arith.divsi %sub3A_250, %div3A_251 : i32
        %rem3A_253 = arith.constant 2 : i32
        %rem3A_254 = arith.remsi %sub3A_250, %rem3A_253 : i32
        %mul3A_255 = arith.constant 64 : i32
        %mul3A_256 = arith.muli %rem3A_254, %mul3A_255 : i32
        %dma_start3A_257 = tpu.memref_slice %arg6[%div3A_252, %mul3A_256] : memref<80x128xi32, #tpu.memory_space<vmem>> -> memref<1x64xi32, #tpu.memory_space<vmem>>
        %dma_start3A_258 = tpu.memref_squeeze %dma_start3A_257 : memref<1x64xi32, #tpu.memory_space<vmem>> -> memref<64xi32, #tpu.memory_space<vmem>>
        %dma_start3A_259 = arith.constant 0 : i32
        %dma_start3A_260 = arith.constant 0 : i32
        %dma_start3A_261 = tpu.memref_slice %arg2[%dma_start3A_259, %dma_start3A_260] : memref<10000x128xf32, #tpu.memory_space<hbm>> -> memref<10000x128xf32, #tpu.memory_space<hbm>>
        tpu.enqueue_indirect_dma source(%dma_start3A_261 : memref<10000x128xf32, #tpu.memory_space<hbm>>) target(%arg12 : memref<64x128xf32, #tpu.memory_space<vmem>>) offsets(%dma_start3A_258 : memref<64xi32, #tpu.memory_space<vmem>>) semaphore(%arg17 : memref<!tpu.dma_semaphore, #tpu.memory_space<semaphore_mem>>)
        %add3A_262 = arith.constant 4 : i32
        %add3A_263 = arith.addi %add3A_183, %add3A_262 : i32
        %sub3A_264 = arith.constant 1 : i32
        %sub3A_265 = arith.subi %add3A_263, %sub3A_264 : i32
        %div3A_266 = arith.constant 2 : i32
        %div3A_267 = arith.divsi %sub3A_265, %div3A_266 : i32
        %rem3A_268 = arith.constant 2 : i32
        %rem3A_269 = arith.remsi %sub3A_265, %rem3A_268 : i32
        %mul3A_270 = arith.constant 64 : i32
        %mul3A_271 = arith.muli %rem3A_269, %mul3A_270 : i32
        %dma_start3A_272 = tpu.memref_slice %arg4[%add3A, %div3A_267, %mul3A_271] : memref<32x80x128xi32, #tpu.memory_space<hbm>> -> memref<1x1x64xi32, #tpu.memory_space<hbm>>
        %dma_start3A_273 = tpu.memref_squeeze %dma_start3A_272 : memref<1x1x64xi32, #tpu.memory_space<hbm>> -> memref<64xi32, #tpu.memory_space<hbm>>
        %dma_start3A_274 = tpu.memref_slice %arg4[%add3A, %div3A_267, %mul3A_271] : memref<32x80x128xi32, #tpu.memory_space<hbm>> -> memref<1x1x64xi32, #tpu.memory_space<hbm>>
        %dma_start3A_275 = tpu.memref_squeeze %dma_start3A_274 : memref<1x1x64xi32, #tpu.memory_space<hbm>> -> memref<64xi32, #tpu.memory_space<hbm>>
        tpu.enqueue_dma source(%dma_start3A_275 : memref<64xi32, #tpu.memory_space<hbm>>) target(%arg8 : memref<64xi32, #tpu.memory_space<vmem>>) target_semaphore(%arg21 : memref<!tpu.dma_semaphore, #tpu.memory_space<semaphore_mem>>)
      } else {
      }
      %div3A_204 = arith.constant 2 : i32
      %div3A_205 = arith.divsi %add3A_183, %div3A_204 : i32
      %rem3A_206 = arith.constant 2 : i32
      %rem3A_207 = arith.remsi %add3A_183, %rem3A_206 : i32
      %mul3A_208 = arith.constant 64 : i32
      %mul3A_209 = arith.muli %rem3A_207, %mul3A_208 : i32
      %dma_wait3A_210 = tpu.memref_slice %arg4[%add3A, %div3A_205, %mul3A_209] : memref<32x80x128xi32, #tpu.memory_space<hbm>> -> memref<1x1x64xi32, #tpu.memory_space<hbm>>
      %dma_wait3A_211 = tpu.memref_squeeze %dma_wait3A_210 : memref<1x1x64xi32, #tpu.memory_space<hbm>> -> memref<64xi32, #tpu.memory_space<hbm>>
      %dma_wait3A_212 = tpu.memref_slice %arg4[%add3A, %div3A_205, %mul3A_209] : memref<32x80x128xi32, #tpu.memory_space<hbm>> -> memref<1x1x64xi32, #tpu.memory_space<hbm>>
      %dma_wait3A_213 = tpu.memref_squeeze %dma_wait3A_212 : memref<1x1x64xi32, #tpu.memory_space<hbm>> -> memref<64xi32, #tpu.memory_space<hbm>>
      tpu.wait_dma2 semaphore(%arg22 : memref<!tpu.dma_semaphore, #tpu.memory_space<semaphore_mem>>) src(%dma_wait3A_213 : memref<64xi32, #tpu.memory_space<hbm>>) dst(%arg9 : memref<64xi32, #tpu.memory_space<vmem>>)
      "tpu.region"() ({
        %run_scoped3A = tpu.sem_alloc : memref<!tpu.dma_semaphore, #tpu.memory_space<semaphore_mem>>
        %dma_start3A_247 = arith.constant 0 : i32
        %dma_start3A_248 = arith.constant 0 : i32
        %dma_start3A_249 = tpu.memref_slice %arg15[%dma_start3A_247, %dma_start3A_248] : memref<10240x128xf32, #tpu.memory_space<vmem_shared>> -> memref<10240x128xf32, #tpu.memory_space<vmem_shared>>
        tpu.enqueue_indirect_dma source(%arg13 : memref<64x128xf32, #tpu.memory_space<vmem>>) target(%dma_start3A_249 : memref<10240x128xf32, #tpu.memory_space<vmem_shared>>) offsets(%arg9 : memref<64xi32, #tpu.memory_space<vmem>>) semaphore(%run_scoped3A : memref<!tpu.dma_semaphore, #tpu.memory_space<semaphore_mem>>) {add = true}
        %dma_wait3A_250 = arith.constant 0 : i32
        %dma_wait3A_251 = arith.constant 0 : i32
        %dma_wait3A_252 = tpu.memref_slice %arg15[%dma_wait3A_250, %dma_wait3A_251] : memref<10240x128xf32, #tpu.memory_space<vmem_shared>> -> memref<10240x128xf32, #tpu.memory_space<vmem_shared>>
        tpu.wait_indirect_dma semaphore(%run_scoped3A : memref<!tpu.dma_semaphore, #tpu.memory_space<semaphore_mem>>) src(%arg13 : memref<64x128xf32, #tpu.memory_space<vmem>>) dst(%dma_wait3A_252 : memref<10240x128xf32, #tpu.memory_space<vmem_shared>>)
        tpu.yield
      }) : () -> ()
      %add3A_214 = arith.constant 3 : i32
      %add3A_215 = arith.addi %mul3A_122, %add3A_214 : i32
      %div3A_216 = arith.constant 2 : i32
      %div3A_217 = arith.divsi %add3A_215, %div3A_216 : i32
      %rem3A_218 = arith.constant 2 : i32
      %rem3A_219 = arith.remsi %add3A_215, %rem3A_218 : i32
      %mul3A_220 = arith.constant 64 : i32
      %mul3A_221 = arith.muli %rem3A_219, %mul3A_220 : i32
      %dma_wait3A_222 = tpu.memref_slice %arg6[%div3A_217, %mul3A_221] : memref<80x128xi32, #tpu.memory_space<vmem>> -> memref<1x64xi32, #tpu.memory_space<vmem>>
      %dma_wait3A_223 = tpu.memref_squeeze %dma_wait3A_222 : memref<1x64xi32, #tpu.memory_space<vmem>> -> memref<64xi32, #tpu.memory_space<vmem>>
      %dma_wait3A_224 = arith.constant 0 : i32
      %dma_wait3A_225 = arith.constant 0 : i32
      %dma_wait3A_226 = tpu.memref_slice %arg2[%dma_wait3A_224, %dma_wait3A_225] : memref<10000x128xf32, #tpu.memory_space<hbm>> -> memref<10000x128xf32, #tpu.memory_space<hbm>>
      tpu.wait_indirect_dma semaphore(%arg19 : memref<!tpu.dma_semaphore, #tpu.memory_space<semaphore_mem>>) src(%dma_wait3A_226 : memref<10000x128xf32, #tpu.memory_space<hbm>>) dst(%arg14 : memref<64x128xf32, #tpu.memory_space<vmem>>)
      %add3A_227 = arith.constant 4 : i32
      %add3A_228 = arith.addi %add3A_215, %add3A_227 : i32
      %sub3A_229 = arith.constant 1 : i32
      %sub3A_230 = arith.subi %add3A_228, %sub3A_229 : i32
      %lt3A_231 = arith.constant 160 : i32
      %lt3A_232 = arith.cmpi slt, %sub3A_230, %lt3A_231 : i32
      %convert_element_type3A_233 = arith.extui %lt3A_232 : i1 to i32
      %cond3A_234 = arith.constant 0 : i32
      %cond3A_235 = arith.cmpi ne, %convert_element_type3A_233, %cond3A_234 : i32
      scf.if %cond3A_235 {
        %add3A_247 = arith.constant 4 : i32
        %add3A_248 = arith.addi %add3A_215, %add3A_247 : i32
        %sub3A_249 = arith.constant 1 : i32
        %sub3A_250 = arith.subi %add3A_248, %sub3A_249 : i32
        %div3A_251 = arith.constant 2 : i32
        %div3A_252 = arith.divsi %sub3A_250, %div3A_251 : i32
        %rem3A_253 = arith.constant 2 : i32
        %rem3A_254 = arith.remsi %sub3A_250, %rem3A_253 : i32
        %mul3A_255 = arith.constant 64 : i32
        %mul3A_256 = arith.muli %rem3A_254, %mul3A_255 : i32
        %dma_start3A_257 = tpu.memref_slice %arg6[%div3A_252, %mul3A_256] : memref<80x128xi32, #tpu.memory_space<vmem>> -> memref<1x64xi32, #tpu.memory_space<vmem>>
        %dma_start3A_258 = tpu.memref_squeeze %dma_start3A_257 : memref<1x64xi32, #tpu.memory_space<vmem>> -> memref<64xi32, #tpu.memory_space<vmem>>
        %dma_start3A_259 = arith.constant 0 : i32
        %dma_start3A_260 = arith.constant 0 : i32
        %dma_start3A_261 = tpu.memref_slice %arg2[%dma_start3A_259, %dma_start3A_260] : memref<10000x128xf32, #tpu.memory_space<hbm>> -> memref<10000x128xf32, #tpu.memory_space<hbm>>
        tpu.enqueue_indirect_dma source(%dma_start3A_261 : memref<10000x128xf32, #tpu.memory_space<hbm>>) target(%arg13 : memref<64x128xf32, #tpu.memory_space<vmem>>) offsets(%dma_start3A_258 : memref<64xi32, #tpu.memory_space<vmem>>) semaphore(%arg18 : memref<!tpu.dma_semaphore, #tpu.memory_space<semaphore_mem>>)
        %add3A_262 = arith.constant 4 : i32
        %add3A_263 = arith.addi %add3A_215, %add3A_262 : i32
        %sub3A_264 = arith.constant 1 : i32
        %sub3A_265 = arith.subi %add3A_263, %sub3A_264 : i32
        %div3A_266 = arith.constant 2 : i32
        %div3A_267 = arith.divsi %sub3A_265, %div3A_266 : i32
        %rem3A_268 = arith.constant 2 : i32
        %rem3A_269 = arith.remsi %sub3A_265, %rem3A_268 : i32
        %mul3A_270 = arith.constant 64 : i32
        %mul3A_271 = arith.muli %rem3A_269, %mul3A_270 : i32
        %dma_start3A_272 = tpu.memref_slice %arg4[%add3A, %div3A_267, %mul3A_271] : memref<32x80x128xi32, #tpu.memory_space<hbm>> -> memref<1x1x64xi32, #tpu.memory_space<hbm>>
        %dma_start3A_273 = tpu.memref_squeeze %dma_start3A_272 : memref<1x1x64xi32, #tpu.memory_space<hbm>> -> memref<64xi32, #tpu.memory_space<hbm>>
        %dma_start3A_274 = tpu.memref_slice %arg4[%add3A, %div3A_267, %mul3A_271] : memref<32x80x128xi32, #tpu.memory_space<hbm>> -> memref<1x1x64xi32, #tpu.memory_space<hbm>>
        %dma_start3A_275 = tpu.memref_squeeze %dma_start3A_274 : memref<1x1x64xi32, #tpu.memory_space<hbm>> -> memref<64xi32, #tpu.memory_space<hbm>>
        tpu.enqueue_dma source(%dma_start3A_275 : memref<64xi32, #tpu.memory_space<hbm>>) target(%arg9 : memref<64xi32, #tpu.memory_space<vmem>>) target_semaphore(%arg22 : memref<!tpu.dma_semaphore, #tpu.memory_space<semaphore_mem>>)
      } else {
      }
      %div3A_236 = arith.constant 2 : i32
      %div3A_237 = arith.divsi %add3A_215, %div3A_236 : i32
      %rem3A_238 = arith.constant 2 : i32
      %rem3A_239 = arith.remsi %add3A_215, %rem3A_238 : i32
      %mul3A_240 = arith.constant 64 : i32
      %mul3A_241 = arith.muli %rem3A_239, %mul3A_240 : i32
      %dma_wait3A_242 = tpu.memref_slice %arg4[%add3A, %div3A_237, %mul3A_241] : memref<32x80x128xi32, #tpu.memory_space<hbm>> -> memref<1x1x64xi32, #tpu.memory_space<hbm>>
      %dma_wait3A_243 = tpu.memref_squeeze %dma_wait3A_242 : memref<1x1x64xi32, #tpu.memory_space<hbm>> -> memref<64xi32, #tpu.memory_space<hbm>>
      %dma_wait3A_244 = tpu.memref_slice %arg4[%add3A, %div3A_237, %mul3A_241] : memref<32x80x128xi32, #tpu.memory_space<hbm>> -> memref<1x1x64xi32, #tpu.memory_space<hbm>>
      %dma_wait3A_245 = tpu.memref_squeeze %dma_wait3A_244 : memref<1x1x64xi32, #tpu.memory_space<hbm>> -> memref<64xi32, #tpu.memory_space<hbm>>
      tpu.wait_dma2 semaphore(%arg23 : memref<!tpu.dma_semaphore, #tpu.memory_space<semaphore_mem>>) src(%dma_wait3A_245 : memref<64xi32, #tpu.memory_space<hbm>>) dst(%arg10 : memref<64xi32, #tpu.memory_space<vmem>>)
      "tpu.region"() ({
        %run_scoped3A = tpu.sem_alloc : memref<!tpu.dma_semaphore, #tpu.memory_space<semaphore_mem>>
        %dma_start3A_247 = arith.constant 0 : i32
        %dma_start3A_248 = arith.constant 0 : i32
        %dma_start3A_249 = tpu.memref_slice %arg15[%dma_start3A_247, %dma_start3A_248] : memref<10240x128xf32, #tpu.memory_space<vmem_shared>> -> memref<10240x128xf32, #tpu.memory_space<vmem_shared>>
        tpu.enqueue_indirect_dma source(%arg14 : memref<64x128xf32, #tpu.memory_space<vmem>>) target(%dma_start3A_249 : memref<10240x128xf32, #tpu.memory_space<vmem_shared>>) offsets(%arg10 : memref<64xi32, #tpu.memory_space<vmem>>) semaphore(%run_scoped3A : memref<!tpu.dma_semaphore, #tpu.memory_space<semaphore_mem>>) {add = true}
        %dma_wait3A_250 = arith.constant 0 : i32
        %dma_wait3A_251 = arith.constant 0 : i32
        %dma_wait3A_252 = tpu.memref_slice %arg15[%dma_wait3A_250, %dma_wait3A_251] : memref<10240x128xf32, #tpu.memory_space<vmem_shared>> -> memref<10240x128xf32, #tpu.memory_space<vmem_shared>>
        tpu.wait_indirect_dma semaphore(%run_scoped3A : memref<!tpu.dma_semaphore, #tpu.memory_space<semaphore_mem>>) src(%arg14 : memref<64x128xf32, #tpu.memory_space<vmem>>) dst(%dma_wait3A_252 : memref<10240x128xf32, #tpu.memory_space<vmem_shared>>)
        tpu.yield
      }) : () -> ()
      %scan3A_246 = arith.constant 0 : i32
      scf.yield %scan3A_246 : i32
    }
    %scan3A_107 = arith.constant 40 : i32
    %barrier3A_108 = arith.constant 0 : index
    tpu.barrier barrier_id(%barrier3A_108)
    %add3A_109 = arith.constant 0 : i32
    %add3A_110 = arith.addi %mul3A_2, %add3A_109 : i32
    "tpu.region"() ({
      %run_scoped3A = tpu.sem_alloc : memref<!tpu.dma_semaphore, #tpu.memory_space<semaphore_mem>>
      %dma_start3A_119 = arith.constant 0 : i32
      %dma_start3A_120 = tpu.memref_slice %arg5[%arg0, %add3A_110, %dma_start3A_119] : memref<2x10240x128xf32, #tpu.memory_space<hbm>> -> memref<1x128x128xf32, #tpu.memory_space<hbm>>
      %dma_start3A_121 = tpu.memref_squeeze %dma_start3A_120 : memref<1x128x128xf32, #tpu.memory_space<hbm>> -> memref<128x128xf32, #tpu.memory_space<hbm>>
      %dma_start3A_122 = arith.constant 0 : i32
      %dma_start3A_123 = tpu.memref_slice %arg15[%add3A_110, %dma_start3A_122] : memref<10240x128xf32, #tpu.memory_space<vmem_shared>> -> memref<128x128xf32, #tpu.memory_space<vmem_shared>>
      tpu.enqueue_dma source(%dma_start3A_123 : memref<128x128xf32, #tpu.memory_space<vmem_shared>>) target(%dma_start3A_121 : memref<128x128xf32, #tpu.memory_space<hbm>>) target_semaphore(%run_scoped3A : memref<!tpu.dma_semaphore, #tpu.memory_space<semaphore_mem>>)
      %dma_wait3A = arith.constant 0 : i32
      %dma_wait3A_124 = tpu.memref_slice %arg5[%arg0, %add3A_110, %dma_wait3A] : memref<2x10240x128xf32, #tpu.memory_space<hbm>> -> memref<1x128x128xf32, #tpu.memory_space<hbm>>
      %dma_wait3A_125 = tpu.memref_squeeze %dma_wait3A_124 : memref<1x128x128xf32, #tpu.memory_space<hbm>> -> memref<128x128xf32, #tpu.memory_space<hbm>>
      %dma_wait3A_126 = arith.constant 0 : i32
      %dma_wait3A_127 = tpu.memref_slice %arg15[%add3A_110, %dma_wait3A_126] : memref<10240x128xf32, #tpu.memory_space<vmem_shared>> -> memref<128x128xf32, #tpu.memory_space<vmem_shared>>
      tpu.wait_dma2 semaphore(%run_scoped3A : memref<!tpu.dma_semaphore, #tpu.memory_space<semaphore_mem>>) src(%dma_wait3A_127 : memref<128x128xf32, #tpu.memory_space<vmem_shared>>) dst(%dma_wait3A_125 : memref<128x128xf32, #tpu.memory_space<hbm>>)
      tpu.yield
    }) : () -> ()
    %add3A_111 = arith.constant 128 : i32
    %add3A_112 = arith.addi %mul3A_2, %add3A_111 : i32
    "tpu.region"() ({
      %run_scoped3A = tpu.sem_alloc : memref<!tpu.dma_semaphore, #tpu.memory_space<semaphore_mem>>
      %dma_start3A_119 = arith.constant 0 : i32
      %dma_start3A_120 = tpu.memref_slice %arg5[%arg0, %add3A_112, %dma_start3A_119] : memref<2x10240x128xf32, #tpu.memory_space<hbm>> -> memref<1x128x128xf32, #tpu.memory_space<hbm>>
      %dma_start3A_121 = tpu.memref_squeeze %dma_start3A_120 : memref<1x128x128xf32, #tpu.memory_space<hbm>> -> memref<128x128xf32, #tpu.memory_space<hbm>>
      %dma_start3A_122 = arith.constant 0 : i32
      %dma_start3A_123 = tpu.memref_slice %arg15[%add3A_112, %dma_start3A_122] : memref<10240x128xf32, #tpu.memory_space<vmem_shared>> -> memref<128x128xf32, #tpu.memory_space<vmem_shared>>
      tpu.enqueue_dma source(%dma_start3A_123 : memref<128x128xf32, #tpu.memory_space<vmem_shared>>) target(%dma_start3A_121 : memref<128x128xf32, #tpu.memory_space<hbm>>) target_semaphore(%run_scoped3A : memref<!tpu.dma_semaphore, #tpu.memory_space<semaphore_mem>>)
      %dma_wait3A = arith.constant 0 : i32
      %dma_wait3A_124 = tpu.memref_slice %arg5[%arg0, %add3A_112, %dma_wait3A] : memref<2x10240x128xf32, #tpu.memory_space<hbm>> -> memref<1x128x128xf32, #tpu.memory_space<hbm>>
      %dma_wait3A_125 = tpu.memref_squeeze %dma_wait3A_124 : memref<1x128x128xf32, #tpu.memory_space<hbm>> -> memref<128x128xf32, #tpu.memory_space<hbm>>
      %dma_wait3A_126 = arith.constant 0 : i32
      %dma_wait3A_127 = tpu.memref_slice %arg15[%add3A_112, %dma_wait3A_126] : memref<10240x128xf32, #tpu.memory_space<vmem_shared>> -> memref<128x128xf32, #tpu.memory_space<vmem_shared>>
      tpu.wait_dma2 semaphore(%run_scoped3A : memref<!tpu.dma_semaphore, #tpu.memory_space<semaphore_mem>>) src(%dma_wait3A_127 : memref<128x128xf32, #tpu.memory_space<vmem_shared>>) dst(%dma_wait3A_125 : memref<128x128xf32, #tpu.memory_space<hbm>>)
      tpu.yield
    }) : () -> ()
    %add3A_113 = arith.constant 256 : i32
    %add3A_114 = arith.addi %mul3A_2, %add3A_113 : i32
    "tpu.region"() ({
      %run_scoped3A = tpu.sem_alloc : memref<!tpu.dma_semaphore, #tpu.memory_space<semaphore_mem>>
      %dma_start3A_119 = arith.constant 0 : i32
      %dma_start3A_120 = tpu.memref_slice %arg5[%arg0, %add3A_114, %dma_start3A_119] : memref<2x10240x128xf32, #tpu.memory_space<hbm>> -> memref<1x128x128xf32, #tpu.memory_space<hbm>>
      %dma_start3A_121 = tpu.memref_squeeze %dma_start3A_120 : memref<1x128x128xf32, #tpu.memory_space<hbm>> -> memref<128x128xf32, #tpu.memory_space<hbm>>
      %dma_start3A_122 = arith.constant 0 : i32
      %dma_start3A_123 = tpu.memref_slice %arg15[%add3A_114, %dma_start3A_122] : memref<10240x128xf32, #tpu.memory_space<vmem_shared>> -> memref<128x128xf32, #tpu.memory_space<vmem_shared>>
      tpu.enqueue_dma source(%dma_start3A_123 : memref<128x128xf32, #tpu.memory_space<vmem_shared>>) target(%dma_start3A_121 : memref<128x128xf32, #tpu.memory_space<hbm>>) target_semaphore(%run_scoped3A : memref<!tpu.dma_semaphore, #tpu.memory_space<semaphore_mem>>)
      %dma_wait3A = arith.constant 0 : i32
      %dma_wait3A_124 = tpu.memref_slice %arg5[%arg0, %add3A_114, %dma_wait3A] : memref<2x10240x128xf32, #tpu.memory_space<hbm>> -> memref<1x128x128xf32, #tpu.memory_space<hbm>>
      %dma_wait3A_125 = tpu.memref_squeeze %dma_wait3A_124 : memref<1x128x128xf32, #tpu.memory_space<hbm>> -> memref<128x128xf32, #tpu.memory_space<hbm>>
      %dma_wait3A_126 = arith.constant 0 : i32
      %dma_wait3A_127 = tpu.memref_slice %arg15[%add3A_114, %dma_wait3A_126] : memref<10240x128xf32, #tpu.memory_space<vmem_shared>> -> memref<128x128xf32, #tpu.memory_space<vmem_shared>>
      tpu.wait_dma2 semaphore(%run_scoped3A : memref<!tpu.dma_semaphore, #tpu.memory_space<semaphore_mem>>) src(%dma_wait3A_127 : memref<128x128xf32, #tpu.memory_space<vmem_shared>>) dst(%dma_wait3A_125 : memref<128x128xf32, #tpu.memory_space<hbm>>)
      tpu.yield
    }) : () -> ()
    %add3A_115 = arith.constant 384 : i32
    %add3A_116 = arith.addi %mul3A_2, %add3A_115 : i32
    "tpu.region"() ({
      %run_scoped3A = tpu.sem_alloc : memref<!tpu.dma_semaphore, #tpu.memory_space<semaphore_mem>>
      %dma_start3A_119 = arith.constant 0 : i32
      %dma_start3A_120 = tpu.memref_slice %arg5[%arg0, %add3A_116, %dma_start3A_119] : memref<2x10240x128xf32, #tpu.memory_space<hbm>> -> memref<1x128x128xf32, #tpu.memory_space<hbm>>
      %dma_start3A_121 = tpu.memref_squeeze %dma_start3A_120 : memref<1x128x128xf32, #tpu.memory_space<hbm>> -> memref<128x128xf32, #tpu.memory_space<hbm>>
      %dma_start3A_122 = arith.constant 0 : i32
      %dma_start3A_123 = tpu.memref_slice %arg15[%add3A_116, %dma_start3A_122] : memref<10240x128xf32, #tpu.memory_space<vmem_shared>> -> memref<128x128xf32, #tpu.memory_space<vmem_shared>>
      tpu.enqueue_dma source(%dma_start3A_123 : memref<128x128xf32, #tpu.memory_space<vmem_shared>>) target(%dma_start3A_121 : memref<128x128xf32, #tpu.memory_space<hbm>>) target_semaphore(%run_scoped3A : memref<!tpu.dma_semaphore, #tpu.memory_space<semaphore_mem>>)
      %dma_wait3A = arith.constant 0 : i32
      %dma_wait3A_124 = tpu.memref_slice %arg5[%arg0, %add3A_116, %dma_wait3A] : memref<2x10240x128xf32, #tpu.memory_space<hbm>> -> memref<1x128x128xf32, #tpu.memory_space<hbm>>
      %dma_wait3A_125 = tpu.memref_squeeze %dma_wait3A_124 : memref<1x128x128xf32, #tpu.memory_space<hbm>> -> memref<128x128xf32, #tpu.memory_space<hbm>>
      %dma_wait3A_126 = arith.constant 0 : i32
      %dma_wait3A_127 = tpu.memref_slice %arg15[%add3A_116, %dma_wait3A_126] : memref<10240x128xf32, #tpu.memory_space<vmem_shared>> -> memref<128x128xf32, #tpu.memory_space<vmem_shared>>
      tpu.wait_dma2 semaphore(%run_scoped3A : memref<!tpu.dma_semaphore, #tpu.memory_space<semaphore_mem>>) src(%dma_wait3A_127 : memref<128x128xf32, #tpu.memory_space<vmem_shared>>) dst(%dma_wait3A_125 : memref<128x128xf32, #tpu.memory_space<hbm>>)
      tpu.yield
    }) : () -> ()
    %add3A_117 = arith.constant 512 : i32
    %add3A_118 = arith.addi %mul3A_2, %add3A_117 : i32
    "tpu.region"() ({
      %run_scoped3A = tpu.sem_alloc : memref<!tpu.dma_semaphore, #tpu.memory_space<semaphore_mem>>
      %dma_start3A_119 = arith.constant 0 : i32
      %dma_start3A_120 = tpu.memref_slice %arg5[%arg0, %add3A_118, %dma_start3A_119] : memref<2x10240x128xf32, #tpu.memory_space<hbm>> -> memref<1x128x128xf32, #tpu.memory_space<hbm>>
      %dma_start3A_121 = tpu.memref_squeeze %dma_start3A_120 : memref<1x128x128xf32, #tpu.memory_space<hbm>> -> memref<128x128xf32, #tpu.memory_space<hbm>>
      %dma_start3A_122 = arith.constant 0 : i32
      %dma_start3A_123 = tpu.memref_slice %arg15[%add3A_118, %dma_start3A_122] : memref<10240x128xf32, #tpu.memory_space<vmem_shared>> -> memref<128x128xf32, #tpu.memory_space<vmem_shared>>
      tpu.enqueue_dma source(%dma_start3A_123 : memref<128x128xf32, #tpu.memory_space<vmem_shared>>) target(%dma_start3A_121 : memref<128x128xf32, #tpu.memory_space<hbm>>) target_semaphore(%run_scoped3A : memref<!tpu.dma_semaphore, #tpu.memory_space<semaphore_mem>>)
      %dma_wait3A = arith.constant 0 : i32
      %dma_wait3A_124 = tpu.memref_slice %arg5[%arg0, %add3A_118, %dma_wait3A] : memref<2x10240x128xf32, #tpu.memory_space<hbm>> -> memref<1x128x128xf32, #tpu.memory_space<hbm>>
      %dma_wait3A_125 = tpu.memref_squeeze %dma_wait3A_124 : memref<1x128x128xf32, #tpu.memory_space<hbm>> -> memref<128x128xf32, #tpu.memory_space<hbm>>
      %dma_wait3A_126 = arith.constant 0 : i32
      %dma_wait3A_127 = tpu.memref_slice %arg15[%add3A_118, %dma_wait3A_126] : memref<10240x128xf32, #tpu.memory_space<vmem_shared>> -> memref<128x128xf32, #tpu.memory_space<vmem_shared>>
      tpu.wait_dma2 semaphore(%run_scoped3A : memref<!tpu.dma_semaphore, #tpu.memory_space<semaphore_mem>>) src(%dma_wait3A_127 : memref<128x128xf32, #tpu.memory_space<vmem_shared>>) dst(%dma_wait3A_125 : memref<128x128xf32, #tpu.memory_space<hbm>>)
      tpu.yield
    }) : () -> ()
    return
  }
}

#map = affine_map<(d0, d1) -> (0, 0)>
#map1 = affine_map<(d0, d1) -> (0, 0, 0)>
module attributes {stable_mosaic.version = 14 : i64} {
  func.func @body(%arg0: i32, %arg1: i32, %arg2: memref<10000x128xf32, #tpu.memory_space<hbm>>, %arg3: memref<10000x128xf32, #tpu.memory_space<hbm>>, %arg4: memref<32x32x104xi32, #tpu.memory_space<hbm>>, %arg5: memref<32x32x104xi32, #tpu.memory_space<hbm>>, %arg6: memref<106496x128xf32, #tpu.memory_space<hbm>>, %arg7: memref<32x104xi32, #tpu.memory_space<vmem>>, %arg8: memref<32x104xi32, #tpu.memory_space<vmem>>, %arg9: memref<104x128xf32, #tpu.memory_space<vmem>>, %arg10: memref<104x128xf32, #tpu.memory_space<vmem>>, %arg11: memref<104x128xf32, #tpu.memory_space<vmem>>, %arg12: memref<104x128xf32, #tpu.memory_space<vmem>>, %arg13: memref<!tpu.dma_semaphore, #tpu.memory_space<semaphore_mem>>, %arg14: memref<!tpu.dma_semaphore, #tpu.memory_space<semaphore_mem>>, %arg15: memref<!tpu.dma_semaphore, #tpu.memory_space<semaphore_mem>>, %arg16: memref<!tpu.dma_semaphore, #tpu.memory_space<semaphore_mem>>) attributes {dimension_semantics = [#tpu.dimension_semantics<core_parallel>, #tpu.dimension_semantics<subcore_parallel>], iteration_bounds = array<i64: 2, 16>, scalar_prefetch = 0 : i64, scratch_operands = 10 : i64, tpu.core_type = #tpu.core_type<sc_vector_subcore>, window_params = [{transform_indices = #map}, {transform_indices = #map}, {transform_indices = #map1}, {transform_indices = #map1}, {transform_indices = #map}]} {
    %mul3A = arith.constant 16 : i32
    %mul3A_0 = arith.muli %arg0, %mul3A : i32
    %add3A = arith.addi %mul3A_0, %arg1 : i32
    %mul3A_1 = arith.constant 3328 : i32
    %mul3A_2 = arith.muli %add3A, %mul3A_1 : i32
    "tpu.region"() ({
      %run_scoped3A = tpu.sem_alloc : memref<!tpu.dma_semaphore, #tpu.memory_space<semaphore_mem>>
      %dma_start3A_22 = arith.constant 0 : i32
      %dma_start3A_23 = arith.constant 0 : i32
      %dma_start3A_24 = tpu.memref_slice %arg4[%add3A, %dma_start3A_22, %dma_start3A_23] : memref<32x32x104xi32, #tpu.memory_space<hbm>> -> memref<1x32x104xi32, #tpu.memory_space<hbm>>
      %dma_start3A_25 = tpu.memref_squeeze %dma_start3A_24 : memref<1x32x104xi32, #tpu.memory_space<hbm>> -> memref<32x104xi32, #tpu.memory_space<hbm>>
      %dma_start3A_26 = arith.constant 0 : i32
      %dma_start3A_27 = arith.constant 0 : i32
      %dma_start3A_28 = tpu.memref_slice %arg4[%add3A, %dma_start3A_26, %dma_start3A_27] : memref<32x32x104xi32, #tpu.memory_space<hbm>> -> memref<1x32x104xi32, #tpu.memory_space<hbm>>
      %dma_start3A_29 = tpu.memref_squeeze %dma_start3A_28 : memref<1x32x104xi32, #tpu.memory_space<hbm>> -> memref<32x104xi32, #tpu.memory_space<hbm>>
      tpu.enqueue_dma source(%dma_start3A_29 : memref<32x104xi32, #tpu.memory_space<hbm>>) target(%arg7 : memref<32x104xi32, #tpu.memory_space<vmem>>) target_semaphore(%run_scoped3A : memref<!tpu.dma_semaphore, #tpu.memory_space<semaphore_mem>>)
      %dma_wait3A = arith.constant 0 : i32
      %dma_wait3A_30 = arith.constant 0 : i32
      %dma_wait3A_31 = tpu.memref_slice %arg4[%add3A, %dma_wait3A, %dma_wait3A_30] : memref<32x32x104xi32, #tpu.memory_space<hbm>> -> memref<1x32x104xi32, #tpu.memory_space<hbm>>
      %dma_wait3A_32 = tpu.memref_squeeze %dma_wait3A_31 : memref<1x32x104xi32, #tpu.memory_space<hbm>> -> memref<32x104xi32, #tpu.memory_space<hbm>>
      %dma_wait3A_33 = arith.constant 0 : i32
      %dma_wait3A_34 = arith.constant 0 : i32
      %dma_wait3A_35 = tpu.memref_slice %arg4[%add3A, %dma_wait3A_33, %dma_wait3A_34] : memref<32x32x104xi32, #tpu.memory_space<hbm>> -> memref<1x32x104xi32, #tpu.memory_space<hbm>>
      %dma_wait3A_36 = tpu.memref_squeeze %dma_wait3A_35 : memref<1x32x104xi32, #tpu.memory_space<hbm>> -> memref<32x104xi32, #tpu.memory_space<hbm>>
      tpu.wait_dma2 semaphore(%run_scoped3A : memref<!tpu.dma_semaphore, #tpu.memory_space<semaphore_mem>>) src(%dma_wait3A_36 : memref<32x104xi32, #tpu.memory_space<hbm>>) dst(%arg7 : memref<32x104xi32, #tpu.memory_space<vmem>>)
      tpu.yield
    }) : () -> ()
    "tpu.region"() ({
      %run_scoped3A = tpu.sem_alloc : memref<!tpu.dma_semaphore, #tpu.memory_space<semaphore_mem>>
      %dma_start3A_22 = arith.constant 0 : i32
      %dma_start3A_23 = arith.constant 0 : i32
      %dma_start3A_24 = tpu.memref_slice %arg5[%add3A, %dma_start3A_22, %dma_start3A_23] : memref<32x32x104xi32, #tpu.memory_space<hbm>> -> memref<1x32x104xi32, #tpu.memory_space<hbm>>
      %dma_start3A_25 = tpu.memref_squeeze %dma_start3A_24 : memref<1x32x104xi32, #tpu.memory_space<hbm>> -> memref<32x104xi32, #tpu.memory_space<hbm>>
      %dma_start3A_26 = arith.constant 0 : i32
      %dma_start3A_27 = arith.constant 0 : i32
      %dma_start3A_28 = tpu.memref_slice %arg5[%add3A, %dma_start3A_26, %dma_start3A_27] : memref<32x32x104xi32, #tpu.memory_space<hbm>> -> memref<1x32x104xi32, #tpu.memory_space<hbm>>
      %dma_start3A_29 = tpu.memref_squeeze %dma_start3A_28 : memref<1x32x104xi32, #tpu.memory_space<hbm>> -> memref<32x104xi32, #tpu.memory_space<hbm>>
      tpu.enqueue_dma source(%dma_start3A_29 : memref<32x104xi32, #tpu.memory_space<hbm>>) target(%arg8 : memref<32x104xi32, #tpu.memory_space<vmem>>) target_semaphore(%run_scoped3A : memref<!tpu.dma_semaphore, #tpu.memory_space<semaphore_mem>>)
      %dma_wait3A = arith.constant 0 : i32
      %dma_wait3A_30 = arith.constant 0 : i32
      %dma_wait3A_31 = tpu.memref_slice %arg5[%add3A, %dma_wait3A, %dma_wait3A_30] : memref<32x32x104xi32, #tpu.memory_space<hbm>> -> memref<1x32x104xi32, #tpu.memory_space<hbm>>
      %dma_wait3A_32 = tpu.memref_squeeze %dma_wait3A_31 : memref<1x32x104xi32, #tpu.memory_space<hbm>> -> memref<32x104xi32, #tpu.memory_space<hbm>>
      %dma_wait3A_33 = arith.constant 0 : i32
      %dma_wait3A_34 = arith.constant 0 : i32
      %dma_wait3A_35 = tpu.memref_slice %arg5[%add3A, %dma_wait3A_33, %dma_wait3A_34] : memref<32x32x104xi32, #tpu.memory_space<hbm>> -> memref<1x32x104xi32, #tpu.memory_space<hbm>>
      %dma_wait3A_36 = tpu.memref_squeeze %dma_wait3A_35 : memref<1x32x104xi32, #tpu.memory_space<hbm>> -> memref<32x104xi32, #tpu.memory_space<hbm>>
      tpu.wait_dma2 semaphore(%run_scoped3A : memref<!tpu.dma_semaphore, #tpu.memory_space<semaphore_mem>>) src(%dma_wait3A_36 : memref<32x104xi32, #tpu.memory_space<hbm>>) dst(%arg8 : memref<32x104xi32, #tpu.memory_space<vmem>>)
      tpu.yield
    }) : () -> ()
    %dma_start3A = arith.constant 0 : i32
    %dma_start3A_3 = arith.constant 0 : i32
    %dma_start3A_4 = tpu.memref_slice %arg7[%dma_start3A, %dma_start3A_3] : memref<32x104xi32, #tpu.memory_space<vmem>> -> memref<1x104xi32, #tpu.memory_space<vmem>>
    %dma_start3A_5 = tpu.memref_squeeze %dma_start3A_4 : memref<1x104xi32, #tpu.memory_space<vmem>> -> memref<104xi32, #tpu.memory_space<vmem>>
    %dma_start3A_6 = arith.constant 0 : i32
    %dma_start3A_7 = arith.constant 0 : i32
    %dma_start3A_8 = tpu.memref_slice %arg2[%dma_start3A_6, %dma_start3A_7] : memref<10000x128xf32, #tpu.memory_space<hbm>> -> memref<10000x128xf32, #tpu.memory_space<hbm>>
    tpu.enqueue_indirect_dma source(%dma_start3A_8 : memref<10000x128xf32, #tpu.memory_space<hbm>>) target(%arg9 : memref<104x128xf32, #tpu.memory_space<vmem>>) offsets(%dma_start3A_5 : memref<104xi32, #tpu.memory_space<vmem>>) semaphore(%arg13 : memref<!tpu.dma_semaphore, #tpu.memory_space<semaphore_mem>>)
    %dma_start3A_9 = arith.constant 0 : i32
    %dma_start3A_10 = arith.constant 0 : i32
    %dma_start3A_11 = tpu.memref_slice %arg8[%dma_start3A_9, %dma_start3A_10] : memref<32x104xi32, #tpu.memory_space<vmem>> -> memref<1x104xi32, #tpu.memory_space<vmem>>
    %dma_start3A_12 = tpu.memref_squeeze %dma_start3A_11 : memref<1x104xi32, #tpu.memory_space<vmem>> -> memref<104xi32, #tpu.memory_space<vmem>>
    %dma_start3A_13 = arith.constant 0 : i32
    %dma_start3A_14 = arith.constant 0 : i32
    %dma_start3A_15 = tpu.memref_slice %arg3[%dma_start3A_13, %dma_start3A_14] : memref<10000x128xf32, #tpu.memory_space<hbm>> -> memref<10000x128xf32, #tpu.memory_space<hbm>>
    tpu.enqueue_indirect_dma source(%dma_start3A_15 : memref<10000x128xf32, #tpu.memory_space<hbm>>) target(%arg11 : memref<104x128xf32, #tpu.memory_space<vmem>>) offsets(%dma_start3A_12 : memref<104xi32, #tpu.memory_space<vmem>>) semaphore(%arg15 : memref<!tpu.dma_semaphore, #tpu.memory_space<semaphore_mem>>)
    %scan3A = arith.constant 0 : i32
    %scan3A_16 = arith.constant 0 : i32
    %scan3A_17 = arith.constant 16 : i32
    %scan3A_18 = arith.addi %scan3A_16, %scan3A_17 : i32
    %scan3A_19 = arith.constant 1 : i32
    %scan3A_20 = scf.for %scan3A_22 = %scan3A_16 to %scan3A_18 step %scan3A_19 iter_args(%scan3A_23 = %scan3A) -> (i32)  : i32 {
      %mul3A_24 = arith.constant 2 : i32
      %mul3A_25 = arith.muli %scan3A_22, %mul3A_24 : i32
      %add3A_26 = arith.constant 0 : i32
      %add3A_27 = arith.addi %mul3A_25, %add3A_26 : i32
      %dma_wait3A = arith.constant 0 : i32
      %dma_wait3A_28 = tpu.memref_slice %arg7[%add3A_27, %dma_wait3A] : memref<32x104xi32, #tpu.memory_space<vmem>> -> memref<1x104xi32, #tpu.memory_space<vmem>>
      %dma_wait3A_29 = tpu.memref_squeeze %dma_wait3A_28 : memref<1x104xi32, #tpu.memory_space<vmem>> -> memref<104xi32, #tpu.memory_space<vmem>>
      %dma_wait3A_30 = arith.constant 0 : i32
      %dma_wait3A_31 = arith.constant 0 : i32
      %dma_wait3A_32 = tpu.memref_slice %arg2[%dma_wait3A_30, %dma_wait3A_31] : memref<10000x128xf32, #tpu.memory_space<hbm>> -> memref<10000x128xf32, #tpu.memory_space<hbm>>
      tpu.wait_indirect_dma semaphore(%arg13 : memref<!tpu.dma_semaphore, #tpu.memory_space<semaphore_mem>>) src(%dma_wait3A_32 : memref<10000x128xf32, #tpu.memory_space<hbm>>) dst(%arg9 : memref<104x128xf32, #tpu.memory_space<vmem>>)
      %dma_wait3A_33 = arith.constant 0 : i32
      %dma_wait3A_34 = tpu.memref_slice %arg8[%add3A_27, %dma_wait3A_33] : memref<32x104xi32, #tpu.memory_space<vmem>> -> memref<1x104xi32, #tpu.memory_space<vmem>>
      %dma_wait3A_35 = tpu.memref_squeeze %dma_wait3A_34 : memref<1x104xi32, #tpu.memory_space<vmem>> -> memref<104xi32, #tpu.memory_space<vmem>>
      %dma_wait3A_36 = arith.constant 0 : i32
      %dma_wait3A_37 = arith.constant 0 : i32
      %dma_wait3A_38 = tpu.memref_slice %arg3[%dma_wait3A_36, %dma_wait3A_37] : memref<10000x128xf32, #tpu.memory_space<hbm>> -> memref<10000x128xf32, #tpu.memory_space<hbm>>
      tpu.wait_indirect_dma semaphore(%arg15 : memref<!tpu.dma_semaphore, #tpu.memory_space<semaphore_mem>>) src(%dma_wait3A_38 : memref<10000x128xf32, #tpu.memory_space<hbm>>) dst(%arg11 : memref<104x128xf32, #tpu.memory_space<vmem>>)
      %add3A_39 = arith.constant 1 : i32
      %add3A_40 = arith.addi %add3A_27, %add3A_39 : i32
      %lt3A = arith.constant 32 : i32
      %lt3A_41 = arith.cmpi slt, %add3A_40, %lt3A : i32
      %convert_element_type3A = arith.extui %lt3A_41 : i1 to i32
      %cond3A = arith.constant 0 : i32
      %cond3A_42 = arith.cmpi ne, %convert_element_type3A, %cond3A : i32
      scf.if %cond3A_42 {
        %add3A_85 = arith.constant 1 : i32
        %add3A_86 = arith.addi %add3A_27, %add3A_85 : i32
        %dma_start3A_87 = arith.constant 0 : i32
        %dma_start3A_88 = tpu.memref_slice %arg7[%add3A_86, %dma_start3A_87] : memref<32x104xi32, #tpu.memory_space<vmem>> -> memref<1x104xi32, #tpu.memory_space<vmem>>
        %dma_start3A_89 = tpu.memref_squeeze %dma_start3A_88 : memref<1x104xi32, #tpu.memory_space<vmem>> -> memref<104xi32, #tpu.memory_space<vmem>>
        %dma_start3A_90 = arith.constant 0 : i32
        %dma_start3A_91 = arith.constant 0 : i32
        %dma_start3A_92 = tpu.memref_slice %arg2[%dma_start3A_90, %dma_start3A_91] : memref<10000x128xf32, #tpu.memory_space<hbm>> -> memref<10000x128xf32, #tpu.memory_space<hbm>>
        tpu.enqueue_indirect_dma source(%dma_start3A_92 : memref<10000x128xf32, #tpu.memory_space<hbm>>) target(%arg10 : memref<104x128xf32, #tpu.memory_space<vmem>>) offsets(%dma_start3A_89 : memref<104xi32, #tpu.memory_space<vmem>>) semaphore(%arg14 : memref<!tpu.dma_semaphore, #tpu.memory_space<semaphore_mem>>)
        %add3A_93 = arith.constant 1 : i32
        %add3A_94 = arith.addi %add3A_27, %add3A_93 : i32
        %dma_start3A_95 = arith.constant 0 : i32
        %dma_start3A_96 = tpu.memref_slice %arg8[%add3A_94, %dma_start3A_95] : memref<32x104xi32, #tpu.memory_space<vmem>> -> memref<1x104xi32, #tpu.memory_space<vmem>>
        %dma_start3A_97 = tpu.memref_squeeze %dma_start3A_96 : memref<1x104xi32, #tpu.memory_space<vmem>> -> memref<104xi32, #tpu.memory_space<vmem>>
        %dma_start3A_98 = arith.constant 0 : i32
        %dma_start3A_99 = arith.constant 0 : i32
        %dma_start3A_100 = tpu.memref_slice %arg3[%dma_start3A_98, %dma_start3A_99] : memref<10000x128xf32, #tpu.memory_space<hbm>> -> memref<10000x128xf32, #tpu.memory_space<hbm>>
        tpu.enqueue_indirect_dma source(%dma_start3A_100 : memref<10000x128xf32, #tpu.memory_space<hbm>>) target(%arg12 : memref<104x128xf32, #tpu.memory_space<vmem>>) offsets(%dma_start3A_97 : memref<104xi32, #tpu.memory_space<vmem>>) semaphore(%arg16 : memref<!tpu.dma_semaphore, #tpu.memory_space<semaphore_mem>>)
      } else {
      }
      %scan3A_43 = arith.constant 0 : i32
      %scan3A_44 = arith.constant 0 : i32
      %scan3A_45 = arith.constant 104 : i32
      %scan3A_46 = arith.addi %scan3A_44, %scan3A_45 : i32
      %scan3A_47 = arith.constant 1 : i32
      %scan3A_48 = scf.for %scan3A_85 = %scan3A_44 to %scan3A_46 step %scan3A_47 iter_args(%scan3A_86 = %scan3A_43) -> (i32)  : i32 {
        %get3A = arith.index_cast %scan3A_85 : i32 to index
        %get3A_87 = arith.constant 0 : index
        %get3A_88 = tpu.vector_load %arg9[%get3A, %get3A_87] {strides = array<i32>} : memref<104x128xf32, #tpu.memory_space<vmem>>, vector<1x16xf32>,
        %get3A_89 = vector.shape_cast %get3A_88 : vector<1x16xf32> to vector<16xf32>
        %get3A_90 = arith.index_cast %scan3A_85 : i32 to index
        %get3A_91 = arith.constant 0 : index
        %get3A_92 = tpu.vector_load %arg11[%get3A_90, %get3A_91] {strides = array<i32>} : memref<104x128xf32, #tpu.memory_space<vmem>>, vector<1x16xf32>,
        %get3A_93 = vector.shape_cast %get3A_92 : vector<1x16xf32> to vector<16xf32>
        %add3A_94 = arith.addf %get3A_89, %get3A_93 : vector<16xf32>
        %swap3A = arith.index_cast %scan3A_85 : i32 to index
        %swap3A_95 = arith.constant 0 : index
        %swap3A_96 = tpu.vector_load %arg9[%swap3A, %swap3A_95] {strides = array<i32>} : memref<104x128xf32, #tpu.memory_space<vmem>>, vector<1x16xf32>,
        %swap3A_97 = vector.shape_cast %swap3A_96 : vector<1x16xf32> to vector<16xf32>
        %swap3A_98 = vector.shape_cast %add3A_94 : vector<16xf32> to vector<1x16xf32>
        tpu.vector_store %arg9[%swap3A, %swap3A_95], %swap3A_98 {strides = array<i32>} : memref<104x128xf32, #tpu.memory_space<vmem>>, vector<1x16xf32>,
        %get3A_99 = arith.index_cast %scan3A_85 : i32 to index
        %get3A_100 = arith.constant 16 : index
        %get3A_101 = tpu.vector_load %arg9[%get3A_99, %get3A_100] {strides = array<i32>} : memref<104x128xf32, #tpu.memory_space<vmem>>, vector<1x16xf32>,
        %get3A_102 = vector.shape_cast %get3A_101 : vector<1x16xf32> to vector<16xf32>
        %get3A_103 = arith.index_cast %scan3A_85 : i32 to index
        %get3A_104 = arith.constant 16 : index
        %get3A_105 = tpu.vector_load %arg11[%get3A_103, %get3A_104] {strides = array<i32>} : memref<104x128xf32, #tpu.memory_space<vmem>>, vector<1x16xf32>,
        %get3A_106 = vector.shape_cast %get3A_105 : vector<1x16xf32> to vector<16xf32>
        %add3A_107 = arith.addf %get3A_102, %get3A_106 : vector<16xf32>
        %swap3A_108 = arith.index_cast %scan3A_85 : i32 to index
        %swap3A_109 = arith.constant 16 : index
        %swap3A_110 = tpu.vector_load %arg9[%swap3A_108, %swap3A_109] {strides = array<i32>} : memref<104x128xf32, #tpu.memory_space<vmem>>, vector<1x16xf32>,
        %swap3A_111 = vector.shape_cast %swap3A_110 : vector<1x16xf32> to vector<16xf32>
        %swap3A_112 = vector.shape_cast %add3A_107 : vector<16xf32> to vector<1x16xf32>
        tpu.vector_store %arg9[%swap3A_108, %swap3A_109], %swap3A_112 {strides = array<i32>} : memref<104x128xf32, #tpu.memory_space<vmem>>, vector<1x16xf32>,
        %get3A_113 = arith.index_cast %scan3A_85 : i32 to index
        %get3A_114 = arith.constant 32 : index
        %get3A_115 = tpu.vector_load %arg9[%get3A_113, %get3A_114] {strides = array<i32>} : memref<104x128xf32, #tpu.memory_space<vmem>>, vector<1x16xf32>,
        %get3A_116 = vector.shape_cast %get3A_115 : vector<1x16xf32> to vector<16xf32>
        %get3A_117 = arith.index_cast %scan3A_85 : i32 to index
        %get3A_118 = arith.constant 32 : index
        %get3A_119 = tpu.vector_load %arg11[%get3A_117, %get3A_118] {strides = array<i32>} : memref<104x128xf32, #tpu.memory_space<vmem>>, vector<1x16xf32>,
        %get3A_120 = vector.shape_cast %get3A_119 : vector<1x16xf32> to vector<16xf32>
        %add3A_121 = arith.addf %get3A_116, %get3A_120 : vector<16xf32>
        %swap3A_122 = arith.index_cast %scan3A_85 : i32 to index
        %swap3A_123 = arith.constant 32 : index
        %swap3A_124 = tpu.vector_load %arg9[%swap3A_122, %swap3A_123] {strides = array<i32>} : memref<104x128xf32, #tpu.memory_space<vmem>>, vector<1x16xf32>,
        %swap3A_125 = vector.shape_cast %swap3A_124 : vector<1x16xf32> to vector<16xf32>
        %swap3A_126 = vector.shape_cast %add3A_121 : vector<16xf32> to vector<1x16xf32>
        tpu.vector_store %arg9[%swap3A_122, %swap3A_123], %swap3A_126 {strides = array<i32>} : memref<104x128xf32, #tpu.memory_space<vmem>>, vector<1x16xf32>,
        %get3A_127 = arith.index_cast %scan3A_85 : i32 to index
        %get3A_128 = arith.constant 48 : index
        %get3A_129 = tpu.vector_load %arg9[%get3A_127, %get3A_128] {strides = array<i32>} : memref<104x128xf32, #tpu.memory_space<vmem>>, vector<1x16xf32>,
        %get3A_130 = vector.shape_cast %get3A_129 : vector<1x16xf32> to vector<16xf32>
        %get3A_131 = arith.index_cast %scan3A_85 : i32 to index
        %get3A_132 = arith.constant 48 : index
        %get3A_133 = tpu.vector_load %arg11[%get3A_131, %get3A_132] {strides = array<i32>} : memref<104x128xf32, #tpu.memory_space<vmem>>, vector<1x16xf32>,
        %get3A_134 = vector.shape_cast %get3A_133 : vector<1x16xf32> to vector<16xf32>
        %add3A_135 = arith.addf %get3A_130, %get3A_134 : vector<16xf32>
        %swap3A_136 = arith.index_cast %scan3A_85 : i32 to index
        %swap3A_137 = arith.constant 48 : index
        %swap3A_138 = tpu.vector_load %arg9[%swap3A_136, %swap3A_137] {strides = array<i32>} : memref<104x128xf32, #tpu.memory_space<vmem>>, vector<1x16xf32>,
        %swap3A_139 = vector.shape_cast %swap3A_138 : vector<1x16xf32> to vector<16xf32>
        %swap3A_140 = vector.shape_cast %add3A_135 : vector<16xf32> to vector<1x16xf32>
        tpu.vector_store %arg9[%swap3A_136, %swap3A_137], %swap3A_140 {strides = array<i32>} : memref<104x128xf32, #tpu.memory_space<vmem>>, vector<1x16xf32>,
        %get3A_141 = arith.index_cast %scan3A_85 : i32 to index
        %get3A_142 = arith.constant 64 : index
        %get3A_143 = tpu.vector_load %arg9[%get3A_141, %get3A_142] {strides = array<i32>} : memref<104x128xf32, #tpu.memory_space<vmem>>, vector<1x16xf32>,
        %get3A_144 = vector.shape_cast %get3A_143 : vector<1x16xf32> to vector<16xf32>
        %get3A_145 = arith.index_cast %scan3A_85 : i32 to index
        %get3A_146 = arith.constant 64 : index
        %get3A_147 = tpu.vector_load %arg11[%get3A_145, %get3A_146] {strides = array<i32>} : memref<104x128xf32, #tpu.memory_space<vmem>>, vector<1x16xf32>,
        %get3A_148 = vector.shape_cast %get3A_147 : vector<1x16xf32> to vector<16xf32>
        %add3A_149 = arith.addf %get3A_144, %get3A_148 : vector<16xf32>
        %swap3A_150 = arith.index_cast %scan3A_85 : i32 to index
        %swap3A_151 = arith.constant 64 : index
        %swap3A_152 = tpu.vector_load %arg9[%swap3A_150, %swap3A_151] {strides = array<i32>} : memref<104x128xf32, #tpu.memory_space<vmem>>, vector<1x16xf32>,
        %swap3A_153 = vector.shape_cast %swap3A_152 : vector<1x16xf32> to vector<16xf32>
        %swap3A_154 = vector.shape_cast %add3A_149 : vector<16xf32> to vector<1x16xf32>
        tpu.vector_store %arg9[%swap3A_150, %swap3A_151], %swap3A_154 {strides = array<i32>} : memref<104x128xf32, #tpu.memory_space<vmem>>, vector<1x16xf32>,
        %get3A_155 = arith.index_cast %scan3A_85 : i32 to index
        %get3A_156 = arith.constant 80 : index
        %get3A_157 = tpu.vector_load %arg9[%get3A_155, %get3A_156] {strides = array<i32>} : memref<104x128xf32, #tpu.memory_space<vmem>>, vector<1x16xf32>,
        %get3A_158 = vector.shape_cast %get3A_157 : vector<1x16xf32> to vector<16xf32>
        %get3A_159 = arith.index_cast %scan3A_85 : i32 to index
        %get3A_160 = arith.constant 80 : index
        %get3A_161 = tpu.vector_load %arg11[%get3A_159, %get3A_160] {strides = array<i32>} : memref<104x128xf32, #tpu.memory_space<vmem>>, vector<1x16xf32>,
        %get3A_162 = vector.shape_cast %get3A_161 : vector<1x16xf32> to vector<16xf32>
        %add3A_163 = arith.addf %get3A_158, %get3A_162 : vector<16xf32>
        %swap3A_164 = arith.index_cast %scan3A_85 : i32 to index
        %swap3A_165 = arith.constant 80 : index
        %swap3A_166 = tpu.vector_load %arg9[%swap3A_164, %swap3A_165] {strides = array<i32>} : memref<104x128xf32, #tpu.memory_space<vmem>>, vector<1x16xf32>,
        %swap3A_167 = vector.shape_cast %swap3A_166 : vector<1x16xf32> to vector<16xf32>
        %swap3A_168 = vector.shape_cast %add3A_163 : vector<16xf32> to vector<1x16xf32>
        tpu.vector_store %arg9[%swap3A_164, %swap3A_165], %swap3A_168 {strides = array<i32>} : memref<104x128xf32, #tpu.memory_space<vmem>>, vector<1x16xf32>,
        %get3A_169 = arith.index_cast %scan3A_85 : i32 to index
        %get3A_170 = arith.constant 96 : index
        %get3A_171 = tpu.vector_load %arg9[%get3A_169, %get3A_170] {strides = array<i32>} : memref<104x128xf32, #tpu.memory_space<vmem>>, vector<1x16xf32>,
        %get3A_172 = vector.shape_cast %get3A_171 : vector<1x16xf32> to vector<16xf32>
        %get3A_173 = arith.index_cast %scan3A_85 : i32 to index
        %get3A_174 = arith.constant 96 : index
        %get3A_175 = tpu.vector_load %arg11[%get3A_173, %get3A_174] {strides = array<i32>} : memref<104x128xf32, #tpu.memory_space<vmem>>, vector<1x16xf32>,
        %get3A_176 = vector.shape_cast %get3A_175 : vector<1x16xf32> to vector<16xf32>
        %add3A_177 = arith.addf %get3A_172, %get3A_176 : vector<16xf32>
        %swap3A_178 = arith.index_cast %scan3A_85 : i32 to index
        %swap3A_179 = arith.constant 96 : index
        %swap3A_180 = tpu.vector_load %arg9[%swap3A_178, %swap3A_179] {strides = array<i32>} : memref<104x128xf32, #tpu.memory_space<vmem>>, vector<1x16xf32>,
        %swap3A_181 = vector.shape_cast %swap3A_180 : vector<1x16xf32> to vector<16xf32>
        %swap3A_182 = vector.shape_cast %add3A_177 : vector<16xf32> to vector<1x16xf32>
        tpu.vector_store %arg9[%swap3A_178, %swap3A_179], %swap3A_182 {strides = array<i32>} : memref<104x128xf32, #tpu.memory_space<vmem>>, vector<1x16xf32>,
        %get3A_183 = arith.index_cast %scan3A_85 : i32 to index
        %get3A_184 = arith.constant 112 : index
        %get3A_185 = tpu.vector_load %arg9[%get3A_183, %get3A_184] {strides = array<i32>} : memref<104x128xf32, #tpu.memory_space<vmem>>, vector<1x16xf32>,
        %get3A_186 = vector.shape_cast %get3A_185 : vector<1x16xf32> to vector<16xf32>
        %get3A_187 = arith.index_cast %scan3A_85 : i32 to index
        %get3A_188 = arith.constant 112 : index
        %get3A_189 = tpu.vector_load %arg11[%get3A_187, %get3A_188] {strides = array<i32>} : memref<104x128xf32, #tpu.memory_space<vmem>>, vector<1x16xf32>,
        %get3A_190 = vector.shape_cast %get3A_189 : vector<1x16xf32> to vector<16xf32>
        %add3A_191 = arith.addf %get3A_186, %get3A_190 : vector<16xf32>
        %swap3A_192 = arith.index_cast %scan3A_85 : i32 to index
        %swap3A_193 = arith.constant 112 : index
        %swap3A_194 = tpu.vector_load %arg9[%swap3A_192, %swap3A_193] {strides = array<i32>} : memref<104x128xf32, #tpu.memory_space<vmem>>, vector<1x16xf32>,
        %swap3A_195 = vector.shape_cast %swap3A_194 : vector<1x16xf32> to vector<16xf32>
        %swap3A_196 = vector.shape_cast %add3A_191 : vector<16xf32> to vector<1x16xf32>
        tpu.vector_store %arg9[%swap3A_192, %swap3A_193], %swap3A_196 {strides = array<i32>} : memref<104x128xf32, #tpu.memory_space<vmem>>, vector<1x16xf32>,
        %scan3A_197 = arith.constant 0 : i32
        scf.yield %scan3A_197 : i32
      }
      %scan3A_49 = arith.constant 104 : i32
      %mul3A_50 = arith.constant 104 : i32
      %mul3A_51 = arith.muli %add3A_27, %mul3A_50 : i32
      %add3A_52 = arith.addi %mul3A_2, %mul3A_51 : i32
      "tpu.region"() ({
        %run_scoped3A = tpu.sem_alloc : memref<!tpu.dma_semaphore, #tpu.memory_space<semaphore_mem>>
        %dma_start3A_85 = arith.constant 0 : i32
        %dma_start3A_86 = tpu.memref_slice %arg6[%add3A_52, %dma_start3A_85] : memref<106496x128xf32, #tpu.memory_space<hbm>> -> memref<104x128xf32, #tpu.memory_space<hbm>>
        %dma_start3A_87 = arith.constant 0 : i32
        %dma_start3A_88 = tpu.memref_slice %arg6[%add3A_52, %dma_start3A_87] : memref<106496x128xf32, #tpu.memory_space<hbm>> -> memref<104x128xf32, #tpu.memory_space<hbm>>
        tpu.enqueue_dma source(%arg9 : memref<104x128xf32, #tpu.memory_space<vmem>>) target(%dma_start3A_88 : memref<104x128xf32, #tpu.memory_space<hbm>>) target_semaphore(%run_scoped3A : memref<!tpu.dma_semaphore, #tpu.memory_space<semaphore_mem>>)
        %dma_wait3A_89 = arith.constant 0 : i32
        %dma_wait3A_90 = tpu.memref_slice %arg6[%add3A_52, %dma_wait3A_89] : memref<106496x128xf32, #tpu.memory_space<hbm>> -> memref<104x128xf32, #tpu.memory_space<hbm>>
        %dma_wait3A_91 = arith.constant 0 : i32
        %dma_wait3A_92 = tpu.memref_slice %arg6[%add3A_52, %dma_wait3A_91] : memref<106496x128xf32, #tpu.memory_space<hbm>> -> memref<104x128xf32, #tpu.memory_space<hbm>>
        tpu.wait_dma2 semaphore(%run_scoped3A : memref<!tpu.dma_semaphore, #tpu.memory_space<semaphore_mem>>) src(%arg9 : memref<104x128xf32, #tpu.memory_space<vmem>>) dst(%dma_wait3A_92 : memref<104x128xf32, #tpu.memory_space<hbm>>)
        tpu.yield
      }) : () -> ()
      %add3A_53 = arith.constant 1 : i32
      %add3A_54 = arith.addi %mul3A_25, %add3A_53 : i32
      %dma_wait3A_55 = arith.constant 0 : i32
      %dma_wait3A_56 = tpu.memref_slice %arg7[%add3A_54, %dma_wait3A_55] : memref<32x104xi32, #tpu.memory_space<vmem>> -> memref<1x104xi32, #tpu.memory_space<vmem>>
      %dma_wait3A_57 = tpu.memref_squeeze %dma_wait3A_56 : memref<1x104xi32, #tpu.memory_space<vmem>> -> memref<104xi32, #tpu.memory_space<vmem>>
      %dma_wait3A_58 = arith.constant 0 : i32
      %dma_wait3A_59 = arith.constant 0 : i32
      %dma_wait3A_60 = tpu.memref_slice %arg2[%dma_wait3A_58, %dma_wait3A_59] : memref<10000x128xf32, #tpu.memory_space<hbm>> -> memref<10000x128xf32, #tpu.memory_space<hbm>>
      tpu.wait_indirect_dma semaphore(%arg14 : memref<!tpu.dma_semaphore, #tpu.memory_space<semaphore_mem>>) src(%dma_wait3A_60 : memref<10000x128xf32, #tpu.memory_space<hbm>>) dst(%arg10 : memref<104x128xf32, #tpu.memory_space<vmem>>)
      %dma_wait3A_61 = arith.constant 0 : i32
      %dma_wait3A_62 = tpu.memref_slice %arg8[%add3A_54, %dma_wait3A_61] : memref<32x104xi32, #tpu.memory_space<vmem>> -> memref<1x104xi32, #tpu.memory_space<vmem>>
      %dma_wait3A_63 = tpu.memref_squeeze %dma_wait3A_62 : memref<1x104xi32, #tpu.memory_space<vmem>> -> memref<104xi32, #tpu.memory_space<vmem>>
      %dma_wait3A_64 = arith.constant 0 : i32
      %dma_wait3A_65 = arith.constant 0 : i32
      %dma_wait3A_66 = tpu.memref_slice %arg3[%dma_wait3A_64, %dma_wait3A_65] : memref<10000x128xf32, #tpu.memory_space<hbm>> -> memref<10000x128xf32, #tpu.memory_space<hbm>>
      tpu.wait_indirect_dma semaphore(%arg16 : memref<!tpu.dma_semaphore, #tpu.memory_space<semaphore_mem>>) src(%dma_wait3A_66 : memref<10000x128xf32, #tpu.memory_space<hbm>>) dst(%arg12 : memref<104x128xf32, #tpu.memory_space<vmem>>)
      %add3A_67 = arith.constant 1 : i32
      %add3A_68 = arith.addi %add3A_54, %add3A_67 : i32
      %lt3A_69 = arith.constant 32 : i32
      %lt3A_70 = arith.cmpi slt, %add3A_68, %lt3A_69 : i32
      %convert_element_type3A_71 = arith.extui %lt3A_70 : i1 to i32
      %cond3A_72 = arith.constant 0 : i32
      %cond3A_73 = arith.cmpi ne, %convert_element_type3A_71, %cond3A_72 : i32
      scf.if %cond3A_73 {
        %add3A_85 = arith.constant 1 : i32
        %add3A_86 = arith.addi %add3A_54, %add3A_85 : i32
        %dma_start3A_87 = arith.constant 0 : i32
        %dma_start3A_88 = tpu.memref_slice %arg7[%add3A_86, %dma_start3A_87] : memref<32x104xi32, #tpu.memory_space<vmem>> -> memref<1x104xi32, #tpu.memory_space<vmem>>
        %dma_start3A_89 = tpu.memref_squeeze %dma_start3A_88 : memref<1x104xi32, #tpu.memory_space<vmem>> -> memref<104xi32, #tpu.memory_space<vmem>>
        %dma_start3A_90 = arith.constant 0 : i32
        %dma_start3A_91 = arith.constant 0 : i32
        %dma_start3A_92 = tpu.memref_slice %arg2[%dma_start3A_90, %dma_start3A_91] : memref<10000x128xf32, #tpu.memory_space<hbm>> -> memref<10000x128xf32, #tpu.memory_space<hbm>>
        tpu.enqueue_indirect_dma source(%dma_start3A_92 : memref<10000x128xf32, #tpu.memory_space<hbm>>) target(%arg9 : memref<104x128xf32, #tpu.memory_space<vmem>>) offsets(%dma_start3A_89 : memref<104xi32, #tpu.memory_space<vmem>>) semaphore(%arg13 : memref<!tpu.dma_semaphore, #tpu.memory_space<semaphore_mem>>)
        %add3A_93 = arith.constant 1 : i32
        %add3A_94 = arith.addi %add3A_54, %add3A_93 : i32
        %dma_start3A_95 = arith.constant 0 : i32
        %dma_start3A_96 = tpu.memref_slice %arg8[%add3A_94, %dma_start3A_95] : memref<32x104xi32, #tpu.memory_space<vmem>> -> memref<1x104xi32, #tpu.memory_space<vmem>>
        %dma_start3A_97 = tpu.memref_squeeze %dma_start3A_96 : memref<1x104xi32, #tpu.memory_space<vmem>> -> memref<104xi32, #tpu.memory_space<vmem>>
        %dma_start3A_98 = arith.constant 0 : i32
        %dma_start3A_99 = arith.constant 0 : i32
        %dma_start3A_100 = tpu.memref_slice %arg3[%dma_start3A_98, %dma_start3A_99] : memref<10000x128xf32, #tpu.memory_space<hbm>> -> memref<10000x128xf32, #tpu.memory_space<hbm>>
        tpu.enqueue_indirect_dma source(%dma_start3A_100 : memref<10000x128xf32, #tpu.memory_space<hbm>>) target(%arg11 : memref<104x128xf32, #tpu.memory_space<vmem>>) offsets(%dma_start3A_97 : memref<104xi32, #tpu.memory_space<vmem>>) semaphore(%arg15 : memref<!tpu.dma_semaphore, #tpu.memory_space<semaphore_mem>>)
      } else {
      }
      %scan3A_74 = arith.constant 0 : i32
      %scan3A_75 = arith.constant 0 : i32
      %scan3A_76 = arith.constant 104 : i32
      %scan3A_77 = arith.addi %scan3A_75, %scan3A_76 : i32
      %scan3A_78 = arith.constant 1 : i32
      %scan3A_79 = scf.for %scan3A_85 = %scan3A_75 to %scan3A_77 step %scan3A_78 iter_args(%scan3A_86 = %scan3A_74) -> (i32)  : i32 {
        %get3A = arith.index_cast %scan3A_85 : i32 to index
        %get3A_87 = arith.constant 0 : index
        %get3A_88 = tpu.vector_load %arg10[%get3A, %get3A_87] {strides = array<i32>} : memref<104x128xf32, #tpu.memory_space<vmem>>, vector<1x16xf32>,
        %get3A_89 = vector.shape_cast %get3A_88 : vector<1x16xf32> to vector<16xf32>
        %get3A_90 = arith.index_cast %scan3A_85 : i32 to index
        %get3A_91 = arith.constant 0 : index
        %get3A_92 = tpu.vector_load %arg12[%get3A_90, %get3A_91] {strides = array<i32>} : memref<104x128xf32, #tpu.memory_space<vmem>>, vector<1x16xf32>,
        %get3A_93 = vector.shape_cast %get3A_92 : vector<1x16xf32> to vector<16xf32>
        %add3A_94 = arith.addf %get3A_89, %get3A_93 : vector<16xf32>
        %swap3A = arith.index_cast %scan3A_85 : i32 to index
        %swap3A_95 = arith.constant 0 : index
        %swap3A_96 = tpu.vector_load %arg10[%swap3A, %swap3A_95] {strides = array<i32>} : memref<104x128xf32, #tpu.memory_space<vmem>>, vector<1x16xf32>,
        %swap3A_97 = vector.shape_cast %swap3A_96 : vector<1x16xf32> to vector<16xf32>
        %swap3A_98 = vector.shape_cast %add3A_94 : vector<16xf32> to vector<1x16xf32>
        tpu.vector_store %arg10[%swap3A, %swap3A_95], %swap3A_98 {strides = array<i32>} : memref<104x128xf32, #tpu.memory_space<vmem>>, vector<1x16xf32>,
        %get3A_99 = arith.index_cast %scan3A_85 : i32 to index
        %get3A_100 = arith.constant 16 : index
        %get3A_101 = tpu.vector_load %arg10[%get3A_99, %get3A_100] {strides = array<i32>} : memref<104x128xf32, #tpu.memory_space<vmem>>, vector<1x16xf32>,
        %get3A_102 = vector.shape_cast %get3A_101 : vector<1x16xf32> to vector<16xf32>
        %get3A_103 = arith.index_cast %scan3A_85 : i32 to index
        %get3A_104 = arith.constant 16 : index
        %get3A_105 = tpu.vector_load %arg12[%get3A_103, %get3A_104] {strides = array<i32>} : memref<104x128xf32, #tpu.memory_space<vmem>>, vector<1x16xf32>,
        %get3A_106 = vector.shape_cast %get3A_105 : vector<1x16xf32> to vector<16xf32>
        %add3A_107 = arith.addf %get3A_102, %get3A_106 : vector<16xf32>
        %swap3A_108 = arith.index_cast %scan3A_85 : i32 to index
        %swap3A_109 = arith.constant 16 : index
        %swap3A_110 = tpu.vector_load %arg10[%swap3A_108, %swap3A_109] {strides = array<i32>} : memref<104x128xf32, #tpu.memory_space<vmem>>, vector<1x16xf32>,
        %swap3A_111 = vector.shape_cast %swap3A_110 : vector<1x16xf32> to vector<16xf32>
        %swap3A_112 = vector.shape_cast %add3A_107 : vector<16xf32> to vector<1x16xf32>
        tpu.vector_store %arg10[%swap3A_108, %swap3A_109], %swap3A_112 {strides = array<i32>} : memref<104x128xf32, #tpu.memory_space<vmem>>, vector<1x16xf32>,
        %get3A_113 = arith.index_cast %scan3A_85 : i32 to index
        %get3A_114 = arith.constant 32 : index
        %get3A_115 = tpu.vector_load %arg10[%get3A_113, %get3A_114] {strides = array<i32>} : memref<104x128xf32, #tpu.memory_space<vmem>>, vector<1x16xf32>,
        %get3A_116 = vector.shape_cast %get3A_115 : vector<1x16xf32> to vector<16xf32>
        %get3A_117 = arith.index_cast %scan3A_85 : i32 to index
        %get3A_118 = arith.constant 32 : index
        %get3A_119 = tpu.vector_load %arg12[%get3A_117, %get3A_118] {strides = array<i32>} : memref<104x128xf32, #tpu.memory_space<vmem>>, vector<1x16xf32>,
        %get3A_120 = vector.shape_cast %get3A_119 : vector<1x16xf32> to vector<16xf32>
        %add3A_121 = arith.addf %get3A_116, %get3A_120 : vector<16xf32>
        %swap3A_122 = arith.index_cast %scan3A_85 : i32 to index
        %swap3A_123 = arith.constant 32 : index
        %swap3A_124 = tpu.vector_load %arg10[%swap3A_122, %swap3A_123] {strides = array<i32>} : memref<104x128xf32, #tpu.memory_space<vmem>>, vector<1x16xf32>,
        %swap3A_125 = vector.shape_cast %swap3A_124 : vector<1x16xf32> to vector<16xf32>
        %swap3A_126 = vector.shape_cast %add3A_121 : vector<16xf32> to vector<1x16xf32>
        tpu.vector_store %arg10[%swap3A_122, %swap3A_123], %swap3A_126 {strides = array<i32>} : memref<104x128xf32, #tpu.memory_space<vmem>>, vector<1x16xf32>,
        %get3A_127 = arith.index_cast %scan3A_85 : i32 to index
        %get3A_128 = arith.constant 48 : index
        %get3A_129 = tpu.vector_load %arg10[%get3A_127, %get3A_128] {strides = array<i32>} : memref<104x128xf32, #tpu.memory_space<vmem>>, vector<1x16xf32>,
        %get3A_130 = vector.shape_cast %get3A_129 : vector<1x16xf32> to vector<16xf32>
        %get3A_131 = arith.index_cast %scan3A_85 : i32 to index
        %get3A_132 = arith.constant 48 : index
        %get3A_133 = tpu.vector_load %arg12[%get3A_131, %get3A_132] {strides = array<i32>} : memref<104x128xf32, #tpu.memory_space<vmem>>, vector<1x16xf32>,
        %get3A_134 = vector.shape_cast %get3A_133 : vector<1x16xf32> to vector<16xf32>
        %add3A_135 = arith.addf %get3A_130, %get3A_134 : vector<16xf32>
        %swap3A_136 = arith.index_cast %scan3A_85 : i32 to index
        %swap3A_137 = arith.constant 48 : index
        %swap3A_138 = tpu.vector_load %arg10[%swap3A_136, %swap3A_137] {strides = array<i32>} : memref<104x128xf32, #tpu.memory_space<vmem>>, vector<1x16xf32>,
        %swap3A_139 = vector.shape_cast %swap3A_138 : vector<1x16xf32> to vector<16xf32>
        %swap3A_140 = vector.shape_cast %add3A_135 : vector<16xf32> to vector<1x16xf32>
        tpu.vector_store %arg10[%swap3A_136, %swap3A_137], %swap3A_140 {strides = array<i32>} : memref<104x128xf32, #tpu.memory_space<vmem>>, vector<1x16xf32>,
        %get3A_141 = arith.index_cast %scan3A_85 : i32 to index
        %get3A_142 = arith.constant 64 : index
        %get3A_143 = tpu.vector_load %arg10[%get3A_141, %get3A_142] {strides = array<i32>} : memref<104x128xf32, #tpu.memory_space<vmem>>, vector<1x16xf32>,
        %get3A_144 = vector.shape_cast %get3A_143 : vector<1x16xf32> to vector<16xf32>
        %get3A_145 = arith.index_cast %scan3A_85 : i32 to index
        %get3A_146 = arith.constant 64 : index
        %get3A_147 = tpu.vector_load %arg12[%get3A_145, %get3A_146] {strides = array<i32>} : memref<104x128xf32, #tpu.memory_space<vmem>>, vector<1x16xf32>,
        %get3A_148 = vector.shape_cast %get3A_147 : vector<1x16xf32> to vector<16xf32>
        %add3A_149 = arith.addf %get3A_144, %get3A_148 : vector<16xf32>
        %swap3A_150 = arith.index_cast %scan3A_85 : i32 to index
        %swap3A_151 = arith.constant 64 : index
        %swap3A_152 = tpu.vector_load %arg10[%swap3A_150, %swap3A_151] {strides = array<i32>} : memref<104x128xf32, #tpu.memory_space<vmem>>, vector<1x16xf32>,
        %swap3A_153 = vector.shape_cast %swap3A_152 : vector<1x16xf32> to vector<16xf32>
        %swap3A_154 = vector.shape_cast %add3A_149 : vector<16xf32> to vector<1x16xf32>
        tpu.vector_store %arg10[%swap3A_150, %swap3A_151], %swap3A_154 {strides = array<i32>} : memref<104x128xf32, #tpu.memory_space<vmem>>, vector<1x16xf32>,
        %get3A_155 = arith.index_cast %scan3A_85 : i32 to index
        %get3A_156 = arith.constant 80 : index
        %get3A_157 = tpu.vector_load %arg10[%get3A_155, %get3A_156] {strides = array<i32>} : memref<104x128xf32, #tpu.memory_space<vmem>>, vector<1x16xf32>,
        %get3A_158 = vector.shape_cast %get3A_157 : vector<1x16xf32> to vector<16xf32>
        %get3A_159 = arith.index_cast %scan3A_85 : i32 to index
        %get3A_160 = arith.constant 80 : index
        %get3A_161 = tpu.vector_load %arg12[%get3A_159, %get3A_160] {strides = array<i32>} : memref<104x128xf32, #tpu.memory_space<vmem>>, vector<1x16xf32>,
        %get3A_162 = vector.shape_cast %get3A_161 : vector<1x16xf32> to vector<16xf32>
        %add3A_163 = arith.addf %get3A_158, %get3A_162 : vector<16xf32>
        %swap3A_164 = arith.index_cast %scan3A_85 : i32 to index
        %swap3A_165 = arith.constant 80 : index
        %swap3A_166 = tpu.vector_load %arg10[%swap3A_164, %swap3A_165] {strides = array<i32>} : memref<104x128xf32, #tpu.memory_space<vmem>>, vector<1x16xf32>,
        %swap3A_167 = vector.shape_cast %swap3A_166 : vector<1x16xf32> to vector<16xf32>
        %swap3A_168 = vector.shape_cast %add3A_163 : vector<16xf32> to vector<1x16xf32>
        tpu.vector_store %arg10[%swap3A_164, %swap3A_165], %swap3A_168 {strides = array<i32>} : memref<104x128xf32, #tpu.memory_space<vmem>>, vector<1x16xf32>,
        %get3A_169 = arith.index_cast %scan3A_85 : i32 to index
        %get3A_170 = arith.constant 96 : index
        %get3A_171 = tpu.vector_load %arg10[%get3A_169, %get3A_170] {strides = array<i32>} : memref<104x128xf32, #tpu.memory_space<vmem>>, vector<1x16xf32>,
        %get3A_172 = vector.shape_cast %get3A_171 : vector<1x16xf32> to vector<16xf32>
        %get3A_173 = arith.index_cast %scan3A_85 : i32 to index
        %get3A_174 = arith.constant 96 : index
        %get3A_175 = tpu.vector_load %arg12[%get3A_173, %get3A_174] {strides = array<i32>} : memref<104x128xf32, #tpu.memory_space<vmem>>, vector<1x16xf32>,
        %get3A_176 = vector.shape_cast %get3A_175 : vector<1x16xf32> to vector<16xf32>
        %add3A_177 = arith.addf %get3A_172, %get3A_176 : vector<16xf32>
        %swap3A_178 = arith.index_cast %scan3A_85 : i32 to index
        %swap3A_179 = arith.constant 96 : index
        %swap3A_180 = tpu.vector_load %arg10[%swap3A_178, %swap3A_179] {strides = array<i32>} : memref<104x128xf32, #tpu.memory_space<vmem>>, vector<1x16xf32>,
        %swap3A_181 = vector.shape_cast %swap3A_180 : vector<1x16xf32> to vector<16xf32>
        %swap3A_182 = vector.shape_cast %add3A_177 : vector<16xf32> to vector<1x16xf32>
        tpu.vector_store %arg10[%swap3A_178, %swap3A_179], %swap3A_182 {strides = array<i32>} : memref<104x128xf32, #tpu.memory_space<vmem>>, vector<1x16xf32>,
        %get3A_183 = arith.index_cast %scan3A_85 : i32 to index
        %get3A_184 = arith.constant 112 : index
        %get3A_185 = tpu.vector_load %arg10[%get3A_183, %get3A_184] {strides = array<i32>} : memref<104x128xf32, #tpu.memory_space<vmem>>, vector<1x16xf32>,
        %get3A_186 = vector.shape_cast %get3A_185 : vector<1x16xf32> to vector<16xf32>
        %get3A_187 = arith.index_cast %scan3A_85 : i32 to index
        %get3A_188 = arith.constant 112 : index
        %get3A_189 = tpu.vector_load %arg12[%get3A_187, %get3A_188] {strides = array<i32>} : memref<104x128xf32, #tpu.memory_space<vmem>>, vector<1x16xf32>,
        %get3A_190 = vector.shape_cast %get3A_189 : vector<1x16xf32> to vector<16xf32>
        %add3A_191 = arith.addf %get3A_186, %get3A_190 : vector<16xf32>
        %swap3A_192 = arith.index_cast %scan3A_85 : i32 to index
        %swap3A_193 = arith.constant 112 : index
        %swap3A_194 = tpu.vector_load %arg10[%swap3A_192, %swap3A_193] {strides = array<i32>} : memref<104x128xf32, #tpu.memory_space<vmem>>, vector<1x16xf32>,
        %swap3A_195 = vector.shape_cast %swap3A_194 : vector<1x16xf32> to vector<16xf32>
        %swap3A_196 = vector.shape_cast %add3A_191 : vector<16xf32> to vector<1x16xf32>
        tpu.vector_store %arg10[%swap3A_192, %swap3A_193], %swap3A_196 {strides = array<i32>} : memref<104x128xf32, #tpu.memory_space<vmem>>, vector<1x16xf32>,
        %scan3A_197 = arith.constant 0 : i32
        scf.yield %scan3A_197 : i32
      }
      %scan3A_80 = arith.constant 104 : i32
      %mul3A_81 = arith.constant 104 : i32
      %mul3A_82 = arith.muli %add3A_54, %mul3A_81 : i32
      %add3A_83 = arith.addi %mul3A_2, %mul3A_82 : i32
      "tpu.region"() ({
        %run_scoped3A = tpu.sem_alloc : memref<!tpu.dma_semaphore, #tpu.memory_space<semaphore_mem>>
        %dma_start3A_85 = arith.constant 0 : i32
        %dma_start3A_86 = tpu.memref_slice %arg6[%add3A_83, %dma_start3A_85] : memref<106496x128xf32, #tpu.memory_space<hbm>> -> memref<104x128xf32, #tpu.memory_space<hbm>>
        %dma_start3A_87 = arith.constant 0 : i32
        %dma_start3A_88 = tpu.memref_slice %arg6[%add3A_83, %dma_start3A_87] : memref<106496x128xf32, #tpu.memory_space<hbm>> -> memref<104x128xf32, #tpu.memory_space<hbm>>
        tpu.enqueue_dma source(%arg10 : memref<104x128xf32, #tpu.memory_space<vmem>>) target(%dma_start3A_88 : memref<104x128xf32, #tpu.memory_space<hbm>>) target_semaphore(%run_scoped3A : memref<!tpu.dma_semaphore, #tpu.memory_space<semaphore_mem>>)
        %dma_wait3A_89 = arith.constant 0 : i32
        %dma_wait3A_90 = tpu.memref_slice %arg6[%add3A_83, %dma_wait3A_89] : memref<106496x128xf32, #tpu.memory_space<hbm>> -> memref<104x128xf32, #tpu.memory_space<hbm>>
        %dma_wait3A_91 = arith.constant 0 : i32
        %dma_wait3A_92 = tpu.memref_slice %arg6[%add3A_83, %dma_wait3A_91] : memref<106496x128xf32, #tpu.memory_space<hbm>> -> memref<104x128xf32, #tpu.memory_space<hbm>>
        tpu.wait_dma2 semaphore(%run_scoped3A : memref<!tpu.dma_semaphore, #tpu.memory_space<semaphore_mem>>) src(%arg10 : memref<104x128xf32, #tpu.memory_space<vmem>>) dst(%dma_wait3A_92 : memref<104x128xf32, #tpu.memory_space<hbm>>)
        tpu.yield
      }) : () -> ()
      %scan3A_84 = arith.constant 0 : i32
      scf.yield %scan3A_84 : i32
    }
    %scan3A_21 = arith.constant 16 : i32
    return
  }
}

module attributes {stable_mosaic.version = 14 : i64} {
  func.func @_layer1_body(%arg0: i32, %arg1: memref<1000x128xf32, #tpu.memory_space<vmem>>, %arg2: memref<1000x128xf32, #tpu.memory_space<vmem>>, %arg3: memref<1000x128xf32, #tpu.memory_space<vmem>>, %arg4: memref<1000x128xf32, #tpu.memory_space<vmem>>, %arg5: memref<1000x128xf32, #tpu.memory_space<vmem>>, %arg6: memref<128x128xf32, #tpu.memory_space<vmem>>, %arg7: memref<128x128xf32, #tpu.memory_space<vmem>>, %arg8: memref<1x128xf32, #tpu.memory_space<vmem>>, %arg9: memref<1x128xf32, #tpu.memory_space<vmem>>, %arg10: memref<1x128xf32, #tpu.memory_space<vmem>>, %arg11: memref<1000x128xf32, #tpu.memory_space<vmem>>) attributes {dimension_semantics = [#tpu.dimension_semantics<arbitrary>], iteration_bounds = array<i64: 10>, scalar_prefetch = 0 : i64, scratch_operands = 0 : i64, tpu.core_type = #tpu.core_type<tc>, window_params = [{transform_indices = @transform_0, window_bounds = array<i64: 1000, 128>}, {transform_indices = @transform_1, window_bounds = array<i64: 1000, 128>}, {transform_indices = @transform_2, window_bounds = array<i64: 1000, 128>}, {transform_indices = @transform_3, window_bounds = array<i64: 1000, 128>}, {transform_indices = @transform_4, window_bounds = array<i64: 1000, 128>}, {pipeline_mode = #tpu.pipeline_mode<synchronous>, transform_indices = @transform_5, window_bounds = array<i64: 128, 128>}, {pipeline_mode = #tpu.pipeline_mode<synchronous>, transform_indices = @transform_6, window_bounds = array<i64: 128, 128>}, {pipeline_mode = #tpu.pipeline_mode<synchronous>, transform_indices = @transform_7, window_bounds = array<i64: 1, 128>}, {pipeline_mode = #tpu.pipeline_mode<synchronous>, transform_indices = @transform_8, window_bounds = array<i64: 1, 128>}, {pipeline_mode = #tpu.pipeline_mode<synchronous>, transform_indices = @transform_9, window_bounds = array<i64: 1, 128>}, {transform_indices = @transform_10, window_bounds = array<i64: 1000, 128>}]} {
    %get3A = arith.constant 0 : index
    %get3A_0 = arith.constant 0 : index
    %get3A_1 = vector.load %arg1[%get3A, %get3A_0] : memref<1000x128xf32, #tpu.memory_space<vmem>>, vector<1000x128xf32>
    %get3A_2 = arith.constant 0 : index
    %get3A_3 = arith.constant 0 : index
    %get3A_4 = vector.load %arg2[%get3A_2, %get3A_3] : memref<1000x128xf32, #tpu.memory_space<vmem>>, vector<1000x128xf32>
    %get3A_5 = arith.constant 0 : index
    %get3A_6 = arith.constant 0 : index
    %get3A_7 = vector.load %arg3[%get3A_5, %get3A_6] : memref<1000x128xf32, #tpu.memory_space<vmem>>, vector<1000x128xf32>
    %get3A_8 = arith.constant 0 : index
    %get3A_9 = arith.constant 0 : index
    %get3A_10 = vector.load %arg4[%get3A_8, %get3A_9] : memref<1000x128xf32, #tpu.memory_space<vmem>>, vector<1000x128xf32>
    %slice3A = vector.extract_strided_slice %get3A_7 {offsets = [0, 0], sizes = [1000, 1], strides = [1, 1]} : vector<1000x128xf32> to vector<1000x1xf32>
    %slice3A_11 = vector.extract_strided_slice %get3A_10 {offsets = [0, 0], sizes = [1000, 1], strides = [1, 1]} : vector<1000x128xf32> to vector<1000x1xf32>
    %add3A = arith.addf %slice3A, %slice3A_11 : vector<1000x1xf32>
    %max3A = arith.constant 1.000000e+00 : f32
    %max3A_12 = vector.broadcast %max3A : f32 to vector<1000x1xf32>
    %max3A_13 = arith.maximumf %add3A, %max3A_12 : vector<1000x1xf32>
    %add3A_14 = arith.addf %get3A_1, %get3A_4 : vector<1000x128xf32>
    %div3A = vector.broadcast %max3A_13 : vector<1000x1xf32> to vector<1000x128xf32>
    %div3A_15 = arith.divf %add3A_14, %div3A : vector<1000x128xf32>
    %get3A_16 = arith.constant 0 : index
    %get3A_17 = arith.constant 0 : index
    %get3A_18 = vector.load %arg6[%get3A_16, %get3A_17] : memref<128x128xf32, #tpu.memory_space<vmem>>, vector<128x128xf32>
    %dot_general3A = arith.constant dense<0.000000e+00> : vector<1000x128xf32>
    %dot_general3A_19 = tpu.matmul %div3A_15, %get3A_18, %dot_general3A {dimension_numbers = #tpu.dot_dimension_numbers<[1], [0], [0], [1], [0, 0, 1, 1], [], []>, transpose_lhs_hint = false} : vector<1000x128xf32>, vector<128x128xf32>, vector<1000x128xf32> -> vector<1000x128xf32>
    %get3A_20 = arith.constant 0 : index
    %get3A_21 = arith.constant 0 : index
    %get3A_22 = vector.load %arg5[%get3A_20, %get3A_21] : memref<1000x128xf32, #tpu.memory_space<vmem>>, vector<1000x128xf32>
    %get3A_23 = arith.constant 0 : index
    %get3A_24 = arith.constant 0 : index
    %get3A_25 = vector.load %arg7[%get3A_23, %get3A_24] : memref<128x128xf32, #tpu.memory_space<vmem>>, vector<128x128xf32>
    %dot_general3A_26 = arith.constant dense<0.000000e+00> : vector<1000x128xf32>
    %dot_general3A_27 = tpu.matmul %get3A_22, %get3A_25, %dot_general3A_26 {dimension_numbers = #tpu.dot_dimension_numbers<[1], [0], [0], [1], [0, 0, 1, 1], [], []>, transpose_lhs_hint = false} : vector<1000x128xf32>, vector<128x128xf32>, vector<1000x128xf32> -> vector<1000x128xf32>
    %add3A_28 = arith.addf %dot_general3A_19, %dot_general3A_27 : vector<1000x128xf32>
    %get3A_29 = arith.constant 0 : index
    %get3A_30 = arith.constant 0 : index
    %get3A_31 = vector.load %arg8[%get3A_29, %get3A_30] : memref<1x128xf32, #tpu.memory_space<vmem>>, vector<1x128xf32>
    %add3A_32 = vector.broadcast %get3A_31 : vector<1x128xf32> to vector<1000x128xf32>
    %add3A_33 = arith.addf %add3A_28, %add3A_32 : vector<1000x128xf32>
    %max3A_34 = arith.constant 0.000000e+00 : f32
    %max3A_35 = vector.broadcast %max3A_34 : f32 to vector<1000x128xf32>
    %max3A_36 = arith.maximumf %add3A_33, %max3A_35 : vector<1000x128xf32>
    %get3A_37 = arith.constant 0 : index
    %get3A_38 = arith.constant 0 : index
    %get3A_39 = vector.load %arg9[%get3A_37, %get3A_38] : memref<1x128xf32, #tpu.memory_space<vmem>>, vector<1x128xf32>
    %mul3A = vector.broadcast %get3A_39 : vector<1x128xf32> to vector<1000x128xf32>
    %mul3A_40 = arith.mulf %max3A_36, %mul3A : vector<1000x128xf32>
    %get3A_41 = arith.constant 0 : index
    %get3A_42 = arith.constant 0 : index
    %get3A_43 = vector.load %arg10[%get3A_41, %get3A_42] : memref<1x128xf32, #tpu.memory_space<vmem>>, vector<1x128xf32>
    %add3A_44 = vector.broadcast %get3A_43 : vector<1x128xf32> to vector<1000x128xf32>
    %add3A_45 = arith.addf %mul3A_40, %add3A_44 : vector<1000x128xf32>
    %swap3A = arith.constant 0 : index
    %swap3A_46 = arith.constant 0 : index
    %swap3A_47 = vector.load %arg11[%swap3A, %swap3A_46] : memref<1000x128xf32, #tpu.memory_space<vmem>>, vector<1000x128xf32>
    tpu.vector_store %arg11[%swap3A, %swap3A_46], %add3A_45 {strides = array<i32>} : memref<1000x128xf32, #tpu.memory_space<vmem>>, vector<1000x128xf32>,
    return
  }
  func.func @transform_0(%arg0: i32) -> (i32, i32) {
    %c0_i32 = arith.constant 0 : i32
    %c0_i32_0 = arith.constant 0 : i32
    return %arg0, %c0_i32 : i32, i32
  }
  func.func @transform_1(%arg0: i32) -> (i32, i32) {
    %c0_i32 = arith.constant 0 : i32
    %c0_i32_0 = arith.constant 0 : i32
    return %arg0, %c0_i32 : i32, i32
  }
  func.func @transform_2(%arg0: i32) -> (i32, i32) {
    %c0_i32 = arith.constant 0 : i32
    %c0_i32_0 = arith.constant 0 : i32
    return %arg0, %c0_i32 : i32, i32
  }
  func.func @transform_3(%arg0: i32) -> (i32, i32) {
    %c0_i32 = arith.constant 0 : i32
    %c0_i32_0 = arith.constant 0 : i32
    return %arg0, %c0_i32 : i32, i32
  }
  func.func @transform_4(%arg0: i32) -> (i32, i32) {
    %c0_i32 = arith.constant 0 : i32
    %c0_i32_0 = arith.constant 0 : i32
    return %arg0, %c0_i32 : i32, i32
  }
  func.func @transform_5(%arg0: i32) -> (i32, i32) {
    %c0_i32 = arith.constant 0 : i32
    %c0_i32_0 = arith.constant 0 : i32
    %c0_i32_1 = arith.constant 0 : i32
    return %c0_i32, %c0_i32_0 : i32, i32
  }
  func.func @transform_6(%arg0: i32) -> (i32, i32) {
    %c0_i32 = arith.constant 0 : i32
    %c0_i32_0 = arith.constant 0 : i32
    %c0_i32_1 = arith.constant 0 : i32
    return %c0_i32, %c0_i32_0 : i32, i32
  }
  func.func @transform_7(%arg0: i32) -> (i32, i32) {
    %c0_i32 = arith.constant 0 : i32
    %c0_i32_0 = arith.constant 0 : i32
    %c0_i32_1 = arith.constant 0 : i32
    return %c0_i32, %c0_i32_0 : i32, i32
  }
  func.func @transform_8(%arg0: i32) -> (i32, i32) {
    %c0_i32 = arith.constant 0 : i32
    %c0_i32_0 = arith.constant 0 : i32
    %c0_i32_1 = arith.constant 0 : i32
    return %c0_i32, %c0_i32_0 : i32, i32
  }
  func.func @transform_9(%arg0: i32) -> (i32, i32) {
    %c0_i32 = arith.constant 0 : i32
    %c0_i32_0 = arith.constant 0 : i32
    %c0_i32_1 = arith.constant 0 : i32
    return %c0_i32, %c0_i32_0 : i32, i32
  }
  func.func @transform_10(%arg0: i32) -> (i32, i32) {
    %c0_i32 = arith.constant 0 : i32
    %c0_i32_0 = arith.constant 0 : i32
    return %arg0, %c0_i32 : i32, i32
  }
}

module attributes {stable_mosaic.version = 14 : i64} {
  func.func @_layer2_body(%arg0: i32, %arg1: memref<1000x128xf32, #tpu.memory_space<vmem>>, %arg2: memref<1000x128xf32, #tpu.memory_space<vmem>>, %arg3: memref<1000x128xf32, #tpu.memory_space<vmem>>, %arg4: memref<1000x128xf32, #tpu.memory_space<vmem>>, %arg5: memref<1000x128xf32, #tpu.memory_space<vmem>>, %arg6: memref<128x128xf32, #tpu.memory_space<vmem>>, %arg7: memref<128x128xf32, #tpu.memory_space<vmem>>, %arg8: memref<1x128xf32, #tpu.memory_space<vmem>>, %arg9: memref<1x128xf32, #tpu.memory_space<vmem>>, %arg10: memref<1x128xf32, #tpu.memory_space<vmem>>, %arg11: memref<1000x128xf32, #tpu.memory_space<vmem>>, %arg12: memref<1000x128xf32, #tpu.memory_space<vmem>>) attributes {dimension_semantics = [#tpu.dimension_semantics<arbitrary>], iteration_bounds = array<i64: 10>, scalar_prefetch = 0 : i64, scratch_operands = 0 : i64, tpu.core_type = #tpu.core_type<tc>, window_params = [{transform_indices = @transform_0, window_bounds = array<i64: 1000, 128>}, {transform_indices = @transform_1, window_bounds = array<i64: 1000, 128>}, {transform_indices = @transform_2, window_bounds = array<i64: 1000, 128>}, {transform_indices = @transform_3, window_bounds = array<i64: 1000, 128>}, {transform_indices = @transform_4, window_bounds = array<i64: 1000, 128>}, {pipeline_mode = #tpu.pipeline_mode<synchronous>, transform_indices = @transform_5, window_bounds = array<i64: 128, 128>}, {pipeline_mode = #tpu.pipeline_mode<synchronous>, transform_indices = @transform_6, window_bounds = array<i64: 128, 128>}, {pipeline_mode = #tpu.pipeline_mode<synchronous>, transform_indices = @transform_7, window_bounds = array<i64: 1, 128>}, {pipeline_mode = #tpu.pipeline_mode<synchronous>, transform_indices = @transform_8, window_bounds = array<i64: 1, 128>}, {pipeline_mode = #tpu.pipeline_mode<synchronous>, transform_indices = @transform_9, window_bounds = array<i64: 1, 128>}, {transform_indices = @transform_10, window_bounds = array<i64: 1000, 128>}, {transform_indices = @transform_11, window_bounds = array<i64: 1000, 128>}]} {
    %get3A = arith.constant 0 : index
    %get3A_0 = arith.constant 0 : index
    %get3A_1 = vector.load %arg1[%get3A, %get3A_0] : memref<1000x128xf32, #tpu.memory_space<vmem>>, vector<1000x128xf32>
    %get3A_2 = arith.constant 0 : index
    %get3A_3 = arith.constant 0 : index
    %get3A_4 = vector.load %arg2[%get3A_2, %get3A_3] : memref<1000x128xf32, #tpu.memory_space<vmem>>, vector<1000x128xf32>
    %get3A_5 = arith.constant 0 : index
    %get3A_6 = arith.constant 0 : index
    %get3A_7 = vector.load %arg3[%get3A_5, %get3A_6] : memref<1000x128xf32, #tpu.memory_space<vmem>>, vector<1000x128xf32>
    %get3A_8 = arith.constant 0 : index
    %get3A_9 = arith.constant 0 : index
    %get3A_10 = vector.load %arg4[%get3A_8, %get3A_9] : memref<1000x128xf32, #tpu.memory_space<vmem>>, vector<1000x128xf32>
    %slice3A = vector.extract_strided_slice %get3A_7 {offsets = [0, 0], sizes = [1000, 1], strides = [1, 1]} : vector<1000x128xf32> to vector<1000x1xf32>
    %slice3A_11 = vector.extract_strided_slice %get3A_10 {offsets = [0, 0], sizes = [1000, 1], strides = [1, 1]} : vector<1000x128xf32> to vector<1000x1xf32>
    %add3A = arith.addf %slice3A, %slice3A_11 : vector<1000x1xf32>
    %max3A = arith.constant 1.000000e+00 : f32
    %max3A_12 = vector.broadcast %max3A : f32 to vector<1000x1xf32>
    %max3A_13 = arith.maximumf %add3A, %max3A_12 : vector<1000x1xf32>
    %add3A_14 = arith.addf %get3A_1, %get3A_4 : vector<1000x128xf32>
    %div3A = vector.broadcast %max3A_13 : vector<1000x1xf32> to vector<1000x128xf32>
    %div3A_15 = arith.divf %add3A_14, %div3A : vector<1000x128xf32>
    %get3A_16 = arith.constant 0 : index
    %get3A_17 = arith.constant 0 : index
    %get3A_18 = vector.load %arg6[%get3A_16, %get3A_17] : memref<128x128xf32, #tpu.memory_space<vmem>>, vector<128x128xf32>
    %dot_general3A = arith.constant dense<0.000000e+00> : vector<1000x128xf32>
    %dot_general3A_19 = tpu.matmul %div3A_15, %get3A_18, %dot_general3A {dimension_numbers = #tpu.dot_dimension_numbers<[1], [0], [0], [1], [0, 0, 1, 1], [], []>, transpose_lhs_hint = false} : vector<1000x128xf32>, vector<128x128xf32>, vector<1000x128xf32> -> vector<1000x128xf32>
    %get3A_20 = arith.constant 0 : index
    %get3A_21 = arith.constant 0 : index
    %get3A_22 = vector.load %arg5[%get3A_20, %get3A_21] : memref<1000x128xf32, #tpu.memory_space<vmem>>, vector<1000x128xf32>
    %get3A_23 = arith.constant 0 : index
    %get3A_24 = arith.constant 0 : index
    %get3A_25 = vector.load %arg7[%get3A_23, %get3A_24] : memref<128x128xf32, #tpu.memory_space<vmem>>, vector<128x128xf32>
    %dot_general3A_26 = arith.constant dense<0.000000e+00> : vector<1000x128xf32>
    %dot_general3A_27 = tpu.matmul %get3A_22, %get3A_25, %dot_general3A_26 {dimension_numbers = #tpu.dot_dimension_numbers<[1], [0], [0], [1], [0, 0, 1, 1], [], []>, transpose_lhs_hint = false} : vector<1000x128xf32>, vector<128x128xf32>, vector<1000x128xf32> -> vector<1000x128xf32>
    %add3A_28 = arith.addf %dot_general3A_19, %dot_general3A_27 : vector<1000x128xf32>
    %get3A_29 = arith.constant 0 : index
    %get3A_30 = arith.constant 0 : index
    %get3A_31 = vector.load %arg8[%get3A_29, %get3A_30] : memref<1x128xf32, #tpu.memory_space<vmem>>, vector<1x128xf32>
    %add3A_32 = vector.broadcast %get3A_31 : vector<1x128xf32> to vector<1000x128xf32>
    %add3A_33 = arith.addf %add3A_28, %add3A_32 : vector<1000x128xf32>
    %max3A_34 = arith.constant 0.000000e+00 : f32
    %max3A_35 = vector.broadcast %max3A_34 : f32 to vector<1000x128xf32>
    %max3A_36 = arith.maximumf %add3A_33, %max3A_35 : vector<1000x128xf32>
    %get3A_37 = arith.constant 0 : index
    %get3A_38 = arith.constant 0 : index
    %get3A_39 = vector.load %arg9[%get3A_37, %get3A_38] : memref<1x128xf32, #tpu.memory_space<vmem>>, vector<1x128xf32>
    %mul3A = vector.broadcast %get3A_39 : vector<1x128xf32> to vector<1000x128xf32>
    %mul3A_40 = arith.mulf %max3A_36, %mul3A : vector<1000x128xf32>
    %get3A_41 = arith.constant 0 : index
    %get3A_42 = arith.constant 0 : index
    %get3A_43 = vector.load %arg10[%get3A_41, %get3A_42] : memref<1x128xf32, #tpu.memory_space<vmem>>, vector<1x128xf32>
    %add3A_44 = vector.broadcast %get3A_43 : vector<1x128xf32> to vector<1000x128xf32>
    %add3A_45 = arith.addf %mul3A_40, %add3A_44 : vector<1000x128xf32>
    %get3A_46 = arith.constant 0 : index
    %get3A_47 = arith.constant 0 : index
    %get3A_48 = vector.load %arg11[%get3A_46, %get3A_47] : memref<1000x128xf32, #tpu.memory_space<vmem>>, vector<1000x128xf32>
    %add3A_49 = arith.addf %add3A_45, %get3A_48 : vector<1000x128xf32>
    %swap3A = arith.constant 0 : index
    %swap3A_50 = arith.constant 0 : index
    %swap3A_51 = vector.load %arg12[%swap3A, %swap3A_50] : memref<1000x128xf32, #tpu.memory_space<vmem>>, vector<1000x128xf32>
    tpu.vector_store %arg12[%swap3A, %swap3A_50], %add3A_49 {strides = array<i32>} : memref<1000x128xf32, #tpu.memory_space<vmem>>, vector<1000x128xf32>,
    return
  }
  func.func @transform_0(%arg0: i32) -> (i32, i32) {
    %c0_i32 = arith.constant 0 : i32
    %c0_i32_0 = arith.constant 0 : i32
    return %arg0, %c0_i32 : i32, i32
  }
  func.func @transform_1(%arg0: i32) -> (i32, i32) {
    %c0_i32 = arith.constant 0 : i32
    %c0_i32_0 = arith.constant 0 : i32
    return %arg0, %c0_i32 : i32, i32
  }
  func.func @transform_2(%arg0: i32) -> (i32, i32) {
    %c0_i32 = arith.constant 0 : i32
    %c0_i32_0 = arith.constant 0 : i32
    return %arg0, %c0_i32 : i32, i32
  }
  func.func @transform_3(%arg0: i32) -> (i32, i32) {
    %c0_i32 = arith.constant 0 : i32
    %c0_i32_0 = arith.constant 0 : i32
    return %arg0, %c0_i32 : i32, i32
  }
  func.func @transform_4(%arg0: i32) -> (i32, i32) {
    %c0_i32 = arith.constant 0 : i32
    %c0_i32_0 = arith.constant 0 : i32
    return %arg0, %c0_i32 : i32, i32
  }
  func.func @transform_5(%arg0: i32) -> (i32, i32) {
    %c0_i32 = arith.constant 0 : i32
    %c0_i32_0 = arith.constant 0 : i32
    %c0_i32_1 = arith.constant 0 : i32
    return %c0_i32, %c0_i32_0 : i32, i32
  }
  func.func @transform_6(%arg0: i32) -> (i32, i32) {
    %c0_i32 = arith.constant 0 : i32
    %c0_i32_0 = arith.constant 0 : i32
    %c0_i32_1 = arith.constant 0 : i32
    return %c0_i32, %c0_i32_0 : i32, i32
  }
  func.func @transform_7(%arg0: i32) -> (i32, i32) {
    %c0_i32 = arith.constant 0 : i32
    %c0_i32_0 = arith.constant 0 : i32
    %c0_i32_1 = arith.constant 0 : i32
    return %c0_i32, %c0_i32_0 : i32, i32
  }
  func.func @transform_8(%arg0: i32) -> (i32, i32) {
    %c0_i32 = arith.constant 0 : i32
    %c0_i32_0 = arith.constant 0 : i32
    %c0_i32_1 = arith.constant 0 : i32
    return %c0_i32, %c0_i32_0 : i32, i32
  }
  func.func @transform_9(%arg0: i32) -> (i32, i32) {
    %c0_i32 = arith.constant 0 : i32
    %c0_i32_0 = arith.constant 0 : i32
    %c0_i32_1 = arith.constant 0 : i32
    return %c0_i32, %c0_i32_0 : i32, i32
  }
  func.func @transform_10(%arg0: i32) -> (i32, i32) {
    %c0_i32 = arith.constant 0 : i32
    %c0_i32_0 = arith.constant 0 : i32
    return %arg0, %c0_i32 : i32, i32
  }
  func.func @transform_11(%arg0: i32) -> (i32, i32) {
    %c0_i32 = arith.constant 0 : i32
    %c0_i32_0 = arith.constant 0 : i32
    return %arg0, %c0_i32 : i32, i32
  }
}

module attributes {stable_mosaic.version = 14 : i64} {
  func.func @_layer3_body(%arg0: i32, %arg1: memref<1000x128xf32, #tpu.memory_space<vmem>>, %arg2: memref<1000x128xf32, #tpu.memory_space<vmem>>, %arg3: memref<1000x128xf32, #tpu.memory_space<vmem>>, %arg4: memref<1000x128xf32, #tpu.memory_space<vmem>>, %arg5: memref<1000x128xf32, #tpu.memory_space<vmem>>, %arg6: memref<128x128xf32, #tpu.memory_space<vmem>>, %arg7: memref<128x128xf32, #tpu.memory_space<vmem>>, %arg8: memref<1x128xf32, #tpu.memory_space<vmem>>, %arg9: memref<128x128xf32, #tpu.memory_space<vmem>>, %arg10: memref<128x128xf32, #tpu.memory_space<vmem>>, %arg11: memref<1000x128xf32, #tpu.memory_space<vmem>>, %arg12: memref<1000x128xf32, #tpu.memory_space<vmem>>) attributes {dimension_semantics = [#tpu.dimension_semantics<arbitrary>], iteration_bounds = array<i64: 10>, scalar_prefetch = 0 : i64, scratch_operands = 0 : i64, tpu.core_type = #tpu.core_type<tc>, window_params = [{transform_indices = @transform_0, window_bounds = array<i64: 1000, 128>}, {transform_indices = @transform_1, window_bounds = array<i64: 1000, 128>}, {transform_indices = @transform_2, window_bounds = array<i64: 1000, 128>}, {transform_indices = @transform_3, window_bounds = array<i64: 1000, 128>}, {transform_indices = @transform_4, window_bounds = array<i64: 1000, 128>}, {pipeline_mode = #tpu.pipeline_mode<synchronous>, transform_indices = @transform_5, window_bounds = array<i64: 128, 128>}, {pipeline_mode = #tpu.pipeline_mode<synchronous>, transform_indices = @transform_6, window_bounds = array<i64: 128, 128>}, {pipeline_mode = #tpu.pipeline_mode<synchronous>, transform_indices = @transform_7, window_bounds = array<i64: 1, 128>}, {pipeline_mode = #tpu.pipeline_mode<synchronous>, transform_indices = @transform_8, window_bounds = array<i64: 128, 128>}, {pipeline_mode = #tpu.pipeline_mode<synchronous>, transform_indices = @transform_9, window_bounds = array<i64: 128, 128>}, {transform_indices = @transform_10, window_bounds = array<i64: 1000, 128>}, {transform_indices = @transform_11, window_bounds = array<i64: 1000, 128>}]} {
    %get3A = arith.constant 0 : index
    %get3A_0 = arith.constant 0 : index
    %get3A_1 = vector.load %arg1[%get3A, %get3A_0] : memref<1000x128xf32, #tpu.memory_space<vmem>>, vector<1000x128xf32>
    %get3A_2 = arith.constant 0 : index
    %get3A_3 = arith.constant 0 : index
    %get3A_4 = vector.load %arg2[%get3A_2, %get3A_3] : memref<1000x128xf32, #tpu.memory_space<vmem>>, vector<1000x128xf32>
    %get3A_5 = arith.constant 0 : index
    %get3A_6 = arith.constant 0 : index
    %get3A_7 = vector.load %arg3[%get3A_5, %get3A_6] : memref<1000x128xf32, #tpu.memory_space<vmem>>, vector<1000x128xf32>
    %get3A_8 = arith.constant 0 : index
    %get3A_9 = arith.constant 0 : index
    %get3A_10 = vector.load %arg4[%get3A_8, %get3A_9] : memref<1000x128xf32, #tpu.memory_space<vmem>>, vector<1000x128xf32>
    %slice3A = vector.extract_strided_slice %get3A_7 {offsets = [0, 0], sizes = [1000, 1], strides = [1, 1]} : vector<1000x128xf32> to vector<1000x1xf32>
    %slice3A_11 = vector.extract_strided_slice %get3A_10 {offsets = [0, 0], sizes = [1000, 1], strides = [1, 1]} : vector<1000x128xf32> to vector<1000x1xf32>
    %add3A = arith.addf %slice3A, %slice3A_11 : vector<1000x1xf32>
    %max3A = arith.constant 1.000000e+00 : f32
    %max3A_12 = vector.broadcast %max3A : f32 to vector<1000x1xf32>
    %max3A_13 = arith.maximumf %add3A, %max3A_12 : vector<1000x1xf32>
    %add3A_14 = arith.addf %get3A_1, %get3A_4 : vector<1000x128xf32>
    %div3A = vector.broadcast %max3A_13 : vector<1000x1xf32> to vector<1000x128xf32>
    %div3A_15 = arith.divf %add3A_14, %div3A : vector<1000x128xf32>
    %get3A_16 = arith.constant 0 : index
    %get3A_17 = arith.constant 0 : index
    %get3A_18 = vector.load %arg6[%get3A_16, %get3A_17] : memref<128x128xf32, #tpu.memory_space<vmem>>, vector<128x128xf32>
    %dot_general3A = arith.constant dense<0.000000e+00> : vector<1000x128xf32>
    %dot_general3A_19 = tpu.matmul %div3A_15, %get3A_18, %dot_general3A {dimension_numbers = #tpu.dot_dimension_numbers<[1], [0], [0], [1], [0, 0, 1, 1], [], []>, transpose_lhs_hint = false} : vector<1000x128xf32>, vector<128x128xf32>, vector<1000x128xf32> -> vector<1000x128xf32>
    %get3A_20 = arith.constant 0 : index
    %get3A_21 = arith.constant 0 : index
    %get3A_22 = vector.load %arg5[%get3A_20, %get3A_21] : memref<1000x128xf32, #tpu.memory_space<vmem>>, vector<1000x128xf32>
    %get3A_23 = arith.constant 0 : index
    %get3A_24 = arith.constant 0 : index
    %get3A_25 = vector.load %arg7[%get3A_23, %get3A_24] : memref<128x128xf32, #tpu.memory_space<vmem>>, vector<128x128xf32>
    %dot_general3A_26 = arith.constant dense<0.000000e+00> : vector<1000x128xf32>
    %dot_general3A_27 = tpu.matmul %get3A_22, %get3A_25, %dot_general3A_26 {dimension_numbers = #tpu.dot_dimension_numbers<[1], [0], [0], [1], [0, 0, 1, 1], [], []>, transpose_lhs_hint = false} : vector<1000x128xf32>, vector<128x128xf32>, vector<1000x128xf32> -> vector<1000x128xf32>
    %add3A_28 = arith.addf %dot_general3A_19, %dot_general3A_27 : vector<1000x128xf32>
    %get3A_29 = arith.constant 0 : index
    %get3A_30 = arith.constant 0 : index
    %get3A_31 = vector.load %arg8[%get3A_29, %get3A_30] : memref<1x128xf32, #tpu.memory_space<vmem>>, vector<1x128xf32>
    %add3A_32 = vector.broadcast %get3A_31 : vector<1x128xf32> to vector<1000x128xf32>
    %add3A_33 = arith.addf %add3A_28, %add3A_32 : vector<1000x128xf32>
    %get3A_34 = arith.constant 0 : index
    %get3A_35 = arith.constant 0 : index
    %get3A_36 = vector.load %arg9[%get3A_34, %get3A_35] : memref<128x128xf32, #tpu.memory_space<vmem>>, vector<128x128xf32>
    %dot_general3A_37 = arith.constant dense<0.000000e+00> : vector<1000x128xf32>
    %dot_general3A_38 = tpu.matmul %add3A_33, %get3A_36, %dot_general3A_37 {dimension_numbers = #tpu.dot_dimension_numbers<[1], [0], [0], [1], [0, 0, 1, 1], [], []>, transpose_lhs_hint = false} : vector<1000x128xf32>, vector<128x128xf32>, vector<1000x128xf32> -> vector<1000x128xf32>
    %swap3A = arith.constant 0 : index
    %swap3A_39 = arith.constant 0 : index
    %swap3A_40 = vector.load %arg11[%swap3A, %swap3A_39] : memref<1000x128xf32, #tpu.memory_space<vmem>>, vector<1000x128xf32>
    tpu.vector_store %arg11[%swap3A, %swap3A_39], %dot_general3A_38 {strides = array<i32>} : memref<1000x128xf32, #tpu.memory_space<vmem>>, vector<1000x128xf32>,
    %get3A_41 = arith.constant 0 : index
    %get3A_42 = arith.constant 0 : index
    %get3A_43 = vector.load %arg10[%get3A_41, %get3A_42] : memref<128x128xf32, #tpu.memory_space<vmem>>, vector<128x128xf32>
    %dot_general3A_44 = arith.constant dense<0.000000e+00> : vector<1000x128xf32>
    %dot_general3A_45 = tpu.matmul %add3A_33, %get3A_43, %dot_general3A_44 {dimension_numbers = #tpu.dot_dimension_numbers<[1], [0], [0], [1], [0, 0, 1, 1], [], []>, transpose_lhs_hint = false} : vector<1000x128xf32>, vector<128x128xf32>, vector<1000x128xf32> -> vector<1000x128xf32>
    %swap3A_46 = arith.constant 0 : index
    %swap3A_47 = arith.constant 0 : index
    %swap3A_48 = vector.load %arg12[%swap3A_46, %swap3A_47] : memref<1000x128xf32, #tpu.memory_space<vmem>>, vector<1000x128xf32>
    tpu.vector_store %arg12[%swap3A_46, %swap3A_47], %dot_general3A_45 {strides = array<i32>} : memref<1000x128xf32, #tpu.memory_space<vmem>>, vector<1000x128xf32>,
    return
  }
  func.func @transform_0(%arg0: i32) -> (i32, i32) {
    %c0_i32 = arith.constant 0 : i32
    %c0_i32_0 = arith.constant 0 : i32
    return %arg0, %c0_i32 : i32, i32
  }
  func.func @transform_1(%arg0: i32) -> (i32, i32) {
    %c0_i32 = arith.constant 0 : i32
    %c0_i32_0 = arith.constant 0 : i32
    return %arg0, %c0_i32 : i32, i32
  }
  func.func @transform_2(%arg0: i32) -> (i32, i32) {
    %c0_i32 = arith.constant 0 : i32
    %c0_i32_0 = arith.constant 0 : i32
    return %arg0, %c0_i32 : i32, i32
  }
  func.func @transform_3(%arg0: i32) -> (i32, i32) {
    %c0_i32 = arith.constant 0 : i32
    %c0_i32_0 = arith.constant 0 : i32
    return %arg0, %c0_i32 : i32, i32
  }
  func.func @transform_4(%arg0: i32) -> (i32, i32) {
    %c0_i32 = arith.constant 0 : i32
    %c0_i32_0 = arith.constant 0 : i32
    return %arg0, %c0_i32 : i32, i32
  }
  func.func @transform_5(%arg0: i32) -> (i32, i32) {
    %c0_i32 = arith.constant 0 : i32
    %c0_i32_0 = arith.constant 0 : i32
    %c0_i32_1 = arith.constant 0 : i32
    return %c0_i32, %c0_i32_0 : i32, i32
  }
  func.func @transform_6(%arg0: i32) -> (i32, i32) {
    %c0_i32 = arith.constant 0 : i32
    %c0_i32_0 = arith.constant 0 : i32
    %c0_i32_1 = arith.constant 0 : i32
    return %c0_i32, %c0_i32_0 : i32, i32
  }
  func.func @transform_7(%arg0: i32) -> (i32, i32) {
    %c0_i32 = arith.constant 0 : i32
    %c0_i32_0 = arith.constant 0 : i32
    %c0_i32_1 = arith.constant 0 : i32
    return %c0_i32, %c0_i32_0 : i32, i32
  }
  func.func @transform_8(%arg0: i32) -> (i32, i32) {
    %c0_i32 = arith.constant 0 : i32
    %c0_i32_0 = arith.constant 0 : i32
    %c0_i32_1 = arith.constant 0 : i32
    return %c0_i32, %c0_i32_0 : i32, i32
  }
  func.func @transform_9(%arg0: i32) -> (i32, i32) {
    %c0_i32 = arith.constant 0 : i32
    %c0_i32_0 = arith.constant 0 : i32
    %c0_i32_1 = arith.constant 0 : i32
    return %c0_i32, %c0_i32_0 : i32, i32
  }
  func.func @transform_10(%arg0: i32) -> (i32, i32) {
    %c0_i32 = arith.constant 0 : i32
    %c0_i32_0 = arith.constant 0 : i32
    return %arg0, %c0_i32 : i32, i32
  }
  func.func @transform_11(%arg0: i32) -> (i32, i32) {
    %c0_i32 = arith.constant 0 : i32
    %c0_i32_0 = arith.constant 0 : i32
    return %arg0, %c0_i32 : i32, i32
  }
}

module attributes {stable_mosaic.version = 14 : i64} {
  func.func @_mlp_body(%arg0: i32, %arg1: memref<2000x128xf32, #tpu.memory_space<vmem>>, %arg2: memref<1x128xf32, #tpu.memory_space<vmem>>, %arg3: memref<128x1xf32, #tpu.memory_space<vmem>>, %arg4: memref<1x1xf32, #tpu.memory_space<vmem>>, %arg5: memref<2000x1xf32, #tpu.memory_space<vmem>>) attributes {dimension_semantics = [#tpu.dimension_semantics<arbitrary>], iteration_bounds = array<i64: 50>, scalar_prefetch = 0 : i64, scratch_operands = 0 : i64, tpu.core_type = #tpu.core_type<tc>, window_params = [{transform_indices = @transform_0, window_bounds = array<i64: 2000, 128>}, {pipeline_mode = #tpu.pipeline_mode<synchronous>, transform_indices = @transform_1, window_bounds = array<i64: 1, 128>}, {pipeline_mode = #tpu.pipeline_mode<synchronous>, transform_indices = @transform_2, window_bounds = array<i64: 128, 1>}, {pipeline_mode = #tpu.pipeline_mode<synchronous>, transform_indices = @transform_3, window_bounds = array<i64: 1, 1>}, {transform_indices = @transform_4, window_bounds = array<i64: 2000, 1>}]} {
    %get3A = arith.constant 0 : index
    %get3A_0 = arith.constant 0 : index
    %get3A_1 = vector.load %arg1[%get3A, %get3A_0] : memref<2000x128xf32, #tpu.memory_space<vmem>>, vector<2000x128xf32>
    %get3A_2 = arith.constant 0 : index
    %get3A_3 = arith.constant 0 : index
    %get3A_4 = vector.load %arg2[%get3A_2, %get3A_3] : memref<1x128xf32, #tpu.memory_space<vmem>>, vector<1x128xf32>
    %add3A = vector.broadcast %get3A_4 : vector<1x128xf32> to vector<2000x128xf32>
    %add3A_5 = arith.addf %get3A_1, %add3A : vector<2000x128xf32>
    %max3A = arith.constant 0.000000e+00 : f32
    %max3A_6 = vector.broadcast %max3A : f32 to vector<2000x128xf32>
    %max3A_7 = arith.maximumf %add3A_5, %max3A_6 : vector<2000x128xf32>
    %get3A_8 = arith.constant 0 : index
    %get3A_9 = arith.constant 0 : index
    %get3A_10 = vector.load %arg3[%get3A_8, %get3A_9] : memref<128x1xf32, #tpu.memory_space<vmem>>, vector<128x1xf32>
    %dot_general3A = arith.constant dense<0.000000e+00> : vector<2000x1xf32>
    %dot_general3A_11 = tpu.matmul %max3A_7, %get3A_10, %dot_general3A {dimension_numbers = #tpu.dot_dimension_numbers<[1], [0], [0], [1], [0, 0, 1, 1], [], []>, transpose_lhs_hint = false} : vector<2000x128xf32>, vector<128x1xf32>, vector<2000x1xf32> -> vector<2000x1xf32>
    %get3A_12 = arith.constant 0 : index
    %get3A_13 = arith.constant 0 : index
    %get3A_14 = vector.load %arg4[%get3A_12, %get3A_13] : memref<1x1xf32, #tpu.memory_space<vmem>>, vector<1x1xf32>
    %add3A_15 = vector.broadcast %get3A_14 : vector<1x1xf32> to vector<2000x1xf32>
    %add3A_16 = arith.addf %dot_general3A_11, %add3A_15 : vector<2000x1xf32>
    %swap3A = arith.constant 0 : index
    %swap3A_17 = arith.constant 0 : index
    %swap3A_18 = vector.load %arg5[%swap3A, %swap3A_17] : memref<2000x1xf32, #tpu.memory_space<vmem>>, vector<2000x1xf32>
    tpu.vector_store %arg5[%swap3A, %swap3A_17], %add3A_16 {strides = array<i32>} : memref<2000x1xf32, #tpu.memory_space<vmem>>, vector<2000x1xf32>,
    return
  }
  func.func @transform_0(%arg0: i32) -> (i32, i32) {
    %c0_i32 = arith.constant 0 : i32
    %c0_i32_0 = arith.constant 0 : i32
    return %arg0, %c0_i32 : i32, i32
  }
  func.func @transform_1(%arg0: i32) -> (i32, i32) {
    %c0_i32 = arith.constant 0 : i32
    %c0_i32_0 = arith.constant 0 : i32
    %c0_i32_1 = arith.constant 0 : i32
    return %c0_i32, %c0_i32_0 : i32, i32
  }
  func.func @transform_2(%arg0: i32) -> (i32, i32) {
    %c0_i32 = arith.constant 0 : i32
    %c0_i32_0 = arith.constant 0 : i32
    %c0_i32_1 = arith.constant 0 : i32
    return %c0_i32, %c0_i32_0 : i32, i32
  }
  func.func @transform_3(%arg0: i32) -> (i32, i32) {
    %c0_i32 = arith.constant 0 : i32
    %c0_i32_0 = arith.constant 0 : i32
    %c0_i32_1 = arith.constant 0 : i32
    return %c0_i32, %c0_i32_0 : i32, i32
  }
  func.func @transform_4(%arg0: i32) -> (i32, i32) {
    %c0_i32 = arith.constant 0 : i32
    %c0_i32_0 = arith.constant 0 : i32
    return %arg0, %c0_i32 : i32, i32
  }
}

</mosaic_0001>

<sc_bundles>
// kernel: kernel.11.cloned.1.call-start
scs
__scs_entry_jumppad:
0x0: {  	(pc) =	sbr.rel $0x88, $3  }
0x1: {  	(tag) =	ssettag $0x0;
	lr =	simm.s32 $0x1  }
0x2: {  	[smem:$0x3F8D] =	sst lr;
	_ =	strace $0xD0000000  }
0x3: {  	_ = 	snop  }
0x4: {  	_ = 	snop  }
0x5: {  	_ = 	snop  }
0x6: {  	_ = 	snop  }
0x7: {  	_ = 	snop  }
__scs_overlays_trampoline_lowered:
0x8: {  	[smem:$0x3F9C] =	sst s0  }
0x9: {  	[smem:$0x3F9D] =	sst s1  }
0xa: {  	[smem:$0x3F9E] =	sst s2  }
0xb: {  	[smem:$0x3F9F] =	sst s3  }
0xc: {  	[smem:$0x3FA0] =	sst s4  }
0xd: {  	[smem:$0x3FA1] =	sst s5  }
0xe: {  	[smem:$0x3FA2] =	sst s6  }
0xf: {  	[smem:$0x3FA3] =	sst s7  }
0x10: {  	[smem:$0x3FA4] =	sst s8  }
0x11: {  	[smem:$0x3FA5] =	sst s9;
	s0 =	simm.s32 @!p0 $0x0  }
0x12: {  	s1 =	sld [smem:$0x3F8B];
	s0 =	simm.s32 @p0 $0x1  }
0x13: {  	[smem:$0x3FA6] =	sst s0;
	s0 =	simm.s32 @!p1 $0x0  }
0x14: {  	s2 =	sld [smem:$0x3F8A];
	s0 =	simm.s32 @p1 $0x1  }
0x15: {  	[smem:$0x3FA7] =	sst s0;
	s0 =	simm.s32 @!p2 $0x0  }
0x16: {  	s3 =	sld [smem:$0x3FDB];
	s0 =	simm.s32 @p2 $0x1  }
0x17: {  	s4 =	simm.s32 $0x1BF5;
	[smem:$0x3FA9] =	sst s0  }
0x18: {  	s0 =	sld [smem:$0x3F8C];
	_ =	swait.ge [sflag:s4], $0x0  }
0x19: {  	s7 =	sld [smem:$0x3F8D]  }
0x1a: {  	s8 =	sadd.s32 $0xFFFFE003, lr  }
0x1b: {  	s9 =	sadd.s32 $0xFFFFFEF7, lr;
	s5 =	simm.s32 $0xFFFFFFFF;
	p2 =	slt.u32 s8, $0xFFFFF086  }
0x1c: {  	p1 =	slt.u32 s9, $0xF7A;
	s5 =	simm.s32 @!p2 $0x0  }
0x1d: {  	s5 =	simm.s32 @p1 $0x1;
	p0 =	seq.s32 s7, s2  }
0x1e: {  	s7 =	smul.u32 @!p0 $0xF7A, s2;
	p2 =	seq.s32 @!p0 s5, $0x0  }
0x1f: {  	s9 =	smul.u32 $0xF7A, s1;
	s8 =	simm.s32 @!p0 $0x1BF5;
	p2 =	por !p2, p0  }
0x20: {  	[sflag:s8] =	ssyncset.s32 @!p0 $0xFFFFF086;
	s6 =	sadd.s32 @!p0 s3, s7;
	s7 =	simm.s32 @!p0 $0x108  }
0x21: {  	s3 =	sadd.s32 s3, s9;
	s6 =	sadd.s32 @!p0 $0x88, s6;
	s7 =	simm.s32 @p2 $0x1082  }
0x22: {  	[simem:s7], [sflag:s8] =	dma.local @!p0 [hbm:s6], $0xF7A  }
0x23: {  	s9 =	sor.u32 $0xD0000000, s2;
	s6 =	simm.s32 $0x108;
	_ =	swait.ge @!p0 [sflag:s8], $0x0  }
0x24: {  	s3 =	sadd.s32 $0x88, s3;
	s6 =	simm.s32 @!p1 $0x1082;
	[sflag:s4] =	ssyncset.s32 $0xFFFFF086  }
0x25: {  	[simem:s6], [sflag:s4] =	dma.local [hbm:s3], $0xF7A  }
0x26: {  	[smem:$0x3F8D] =	sst s1;
	(tag) =	ssettag s2;
	_ =	strace s9  }
0x27: {  	s1 =	sld [smem:$0x3F9D]  }
0x28: {  	s2 =	sld [smem:$0x3F9E]  }
0x29: {  	s4 =	sld [smem:$0x3FA0]  }
0x2a: {  	p0 =	seq.s32 s5, $0x0;
	s5 =	sld [smem:$0x3FA1]  }
0x2b: {  	s6 =	sld [smem:$0x3FA2]  }
0x2c: {  	s7 =	sld [smem:$0x3FA3]  }
0x2d: {  	s3 =	simm.s32 $0x108;
	s8 =	sld [smem:$0x3FA4]  }
0x2e: {  	s3 =	simm.s32 @!p0 $0x1082;
	s9 =	sld [smem:$0x3FA5]  }
0x2f: {  	lr =	sadd.s32 s0, s3;
	s0 =	sld [smem:$0x3F9C]  }
0x30: {  	s3 =	sld [smem:$0x3F9F]  }
0x31: {  	[smem:$0x3FA8] =	sst s10  }
0x32: {  	s10 =	sld [smem:$0x3FA6];
	_ =	sdelay $0x3  }
0x33: {  	p0 =	seq.s32 s10, $0x1;
	s10 =	sld [smem:$0x3FA8];
	_ =	sdelay $0x3  }
0x34: {  	[smem:$0x3FA8] =	sst s10  }
0x35: {  	s10 =	sld [smem:$0x3FA7];
	_ =	sdelay $0x3  }
0x36: {  	p1 =	seq.s32 s10, $0x1;
	s10 =	sld [smem:$0x3FA8];
	_ =	sdelay $0x3  }
0x37: {  	[smem:$0x3FA8] =	sst s10  }
0x38: {  	s10 =	sld [smem:$0x3FA9]  }
0x39: {  	_ = 	snop;
	(pc) =	sbr.ind lr, $3  }
0x3a: {  	_ = 	snop  }
0x3b: {  	_ = 	snop  }
0x3c: {  	p2 =	seq.s32 s10, $0x1;
	s10 =	sld [smem:$0x3FA8]  }
0x3d: {  	_ =	shalt  }
0x3e: {  	_ =	shalt  }
0x3f: {  	_ =	shalt  }
0x40: {  	_ =	shalt  }
0x41: {  	_ =	shalt  }
0x42: {  	_ =	shalt  }
0x43: {  	_ =	shalt  }
0x44: {  	_ =	shalt  }
0x45: {  	_ =	shalt  }
0x46: {  	_ =	shalt  }
0x47: {  	_ =	shalt  }
0x48: {  	_ =	shalt  }
0x49: {  	_ =	shalt  }
0x4a: {  	_ =	shalt  }
0x4b: {  	_ =	shalt  }
0x4c: {  	_ =	shalt  }
0x4d: {  	_ =	shalt  }
0x4e: {  	_ =	shalt  }
0x4f: {  	_ =	shalt  }
0x50: {  	_ =	shalt  }
0x51: {  	_ =	shalt  }
0x52: {  	_ =	shalt  }
0x53: {  	_ =	shalt  }
0x54: {  	_ =	shalt  }
0x55: {  	_ =	shalt  }
0x56: {  	_ =	shalt  }
0x57: {  	_ =	shalt  }
0x58: {  	_ =	shalt  }
0x59: {  	_ =	shalt  }
0x5a: {  	_ =	shalt  }
0x5b: {  	_ =	shalt  }
0x5c: {  	_ =	shalt  }
0x5d: {  	_ =	shalt  }
0x5e: {  	_ =	shalt  }
0x5f: {  	_ =	shalt  }
0x60: {  	_ =	shalt  }
0x61: {  	_ =	shalt  }
0x62: {  	_ =	shalt  }
0x63: {  	_ =	shalt  }
0x64: {  	_ =	shalt  }
0x65: {  	_ =	shalt  }
0x66: {  	_ =	shalt  }
0x67: {  	_ =	shalt  }
0x68: {  	_ =	shalt  }
0x69: {  	_ =	shalt  }
0x6a: {  	_ =	shalt  }
0x6b: {  	_ =	shalt  }
0x6c: {  	_ =	shalt  }
0x6d: {  	_ =	shalt  }
0x6e: {  	_ =	shalt  }
0x6f: {  	_ =	shalt  }
0x70: {  	_ =	shalt  }
0x71: {  	_ =	shalt  }
0x72: {  	_ =	shalt  }
0x73: {  	_ =	shalt  }
0x74: {  	_ =	shalt  }
0x75: {  	_ =	shalt  }
0x76: {  	_ =	shalt  }
0x77: {  	_ =	shalt  }
0x78: {  	_ =	shalt  }
0x79: {  	_ =	shalt  }
0x7a: {  	_ =	shalt  }
0x7b: {  	_ =	shalt  }
0x7c: {  	_ =	shalt  }
0x7d: {  	_ =	shalt  }
0x7e: {  	_ =	shalt  }
0x7f: {  	_ =	shalt  }
0x80: {  	_ =	shalt  }
0x81: {  	_ =	shalt  }
0x82: {  	_ =	shalt  }
0x83: {  	_ =	shalt  }
0x84: {  	_ =	shalt  }
0x85: {  	_ =	shalt  }
0x86: {  	_ =	shalt  }
0x87: {  	_ =	shalt  }
.Lfunc_end0:
.L_simem_size_0:
called_computation_lowered:
.L_overlay_start_0:
0x88: {  	s2 =	sld [smem:$0x3FD9]  }
0x89: {  	s3 =	sld [smem:$0x3FFE];
	_ =	sdelay $0x1  }
0x8a: {  	s1 =	srdreg.scid  }
0x8b: {  	s0 =	sand.u32 $0x1, s1  }
0x8c: {  	s17 =	sshll.u32 s0, $0xA;
	s2 =	sadd.s32 s3, s2  }
0x8d: {  	s2 =	sadd.s32 s2, s17  }
0x8e: {  	[smem:$0x3FB4] =	sst s2  }
0x8f: {  	_ = 	snop  }
0x90: {  	(tm) =	ssettm $0x1  }
0x91: {  	s18 =	sld [smem:$0x3FFB];
	_ =	sdelay $0x3  }
0x92: {  	_ =	strace s18  }
0x93: {  	s2 =	sld [smem:$0x3FFC];
	_ =	sdelay $0x3  }
0x94: {  	_ =	strace s2  }
0x95: {  	s2 =	sld [smem:$0x3FFD];
	_ =	sdelay $0x3  }
0x96: {  	_ =	strace s2  }
0x97: {  	_ =	strace $0x8FFFFFFF  }
0x98: {  	s19 =	sld [smem:$0x3FDB];
	_ =	sdelay $0x1  }
0x99: {  	s20 =	simm.s32 $_scs_section_size  }
0x9a: {  	s4 =	simm.s32 $_size__tile_overlayer_lowered;
	s5 =	simm.s32 $_tile_overlayer_lowered  }
0x9b: {  	s6 =	simm.s32 $0x1BFF;
	s21 =	sshll.u32 s5, $0x1;
	s3 =	sadd.s32 s20, s19  }
0x9c: {  	s22 =	simm.s32 $0x0;
	s4 =	sshll.u32 s4, $0x1;
	s5 =	sadd.s32 s21, s3  }
0x9d: {  	[timem:s22], [sflag:s6] =	dma.local [hbm:s5], s4  }
0x9e: {  	_ =	swait.ge [sflag:s6], s4  }
0x9f: {  	s4 =	ssub.s32 $0x0, s4;
	[sflag:s6] =	ssyncset.done $0x0  }
0xa0: {  	[sflag:s6] =	ssyncadd.s32 s4;
	_ =	sdelay $0x1  }
0xa1: {  	s23 =	simm.s32 $0x1B8B  }
0xa2: {  	_ =	swait.ge [sflag:s23], $0x1  }
0xa3: {  	[sflag:s23] =	ssyncset.done $0x0  }
0xa4: {  	[sflag:s23] =	ssyncadd.s32 $0xFFFFFFFF  }
0xa5: {  	s4 =	sld [smem:$0x0]  }
0xa6: {  	s5 =	sand.u32 $0xFFFFFFFE, s1  }
0xa7: {  	p0 =	sne.s32 s1, s5  }
0xa8: {  	s5 =	sshll.u32 @p0 s5, $0xE  }
0xa9: {  	s5 =	sadd.s32 @p0 $0x11B8D, s5;
	s6 =	sshll.u32 @p0 s4, $0x11  }
0xaa: {  	s5 =	sor.u32 @p0 s6, s5  }
0xab: {  	[sflag:s5] =	ssyncadd.remote.s32 @p0 $0x1;
	_ =	sdelay $0x1  }
0xac: {  	s5 =	simm.s32 @p0 $0x1B8D  }
0xad: {  	_ =	swait.eq @p0 [sflag:s5], $0x1  }
0xae: {  	[sflag:s5] =	ssyncadd.s32 @p0 $0xFFFFFFFF  }
0xaf: {  	s6 =	sshll.u32 @!p0 s1, $0xE  }
0xb0: {  	s6 =	sor.u32 @!p0 $0x4000, s6;
	s5 =	simm.s32 @!p0 $0x1B8D  }
0xb1: {  	s4 =	sshll.u32 @!p0 s4, $0x11;
	s6 =	sadd.s32 @!p0 $0x11B8D, s6;
	_ =	swait.eq @!p0 [sflag:s5], $0x1  }
0xb2: {  	s4 =	sor.u32 @!p0 s4, s6;
	[sflag:s5] =	ssyncadd.s32 @!p0 $0xFFFFFFFF  }
0xb3: {  	s25 =	simm.s32 $0x1B8E;
	s24 =	sld [smem:$0x3FFE];
	[sflag:s4] =	ssyncadd.remote.s32 @!p0 $0x1  }
0xb4: {  	s26 =	simm.s32 $execute0_lowered;
	[smem:$0x3FD2] =	sst s25  }
0xb5: {  	s5 =	sshll.u32 s26, $0x1;
	_ =	strace $0x80000049;
	[dreg:$0x1] =	wrdreg $0xFFFFFFFF  }
0xb6: {  	s28 =	simm.s32 $_size_execute0_lowered;
	s3 =	sadd.s32 s3, s5;
	[dreg:$0x0] =	wrdreg $0x0  }
0xb7: {  	s5 =	sshll.u32 s28, $0x1;
	[dreg:$0x2] =	wrdreg s3  }
0xb8: {  	[dreg:$0x3] =	wrdreg s5  }
0xb9: {  	[dreg:$0x4] =	wrdreg $0xC0  }
0xba: {  	_ =	task [dreg:s22], $0x5FFFF  }
0xbb: {  	[dreg:$0x1] =	wrdreg $0xFFFFFFFF  }
0xbc: {  	[dreg:$0x0] =	wrdreg $0x60  }
0xbd: {  	[dreg:$0x2] =	wrdreg s24  }
0xbe: {  	[dreg:$0x3] =	wrdreg $0x68000  }
0xbf: {  	[dreg:$0x4] =	wrdreg $0x9  }
0xc0: {  	_ =	task.clear_ibuf [dreg:s22], $0x5FFFF;
	_ =	strace $0x90000049  }
0xc1: {  	s29 =	simm.s32 $0x9;
	_ =	strace $0x8000004B  }
0xc2: {  	_ =	swait.ge [sflag:s29], $0x1  }
0xc3: {  	[sflag:s29] =	ssyncadd.s32 $0xFFFFFFFF  }
0xc4: {  	_ =	strace $0x9000004B  }
0xc5: {  	_ =	sfence  }
0xc6: {  	s30 =	sld [smem:$0x0];
	_ =	sdelay $0x2  }
0xc7: {  	s31 =	sshll.u32 s1, $0xD;
	s1 =	sshrl.u32 s1, $0x2  }
0xc8: {  	s4 =	sand.u32 $0x4000, s31;
	s1 =	sadd.s32 s1, s30  }
0xc9: {  	s0 =	sor.u32 s4, s0;
	s1 =	sshll.u32 s1, $0x11  }
0xca: {  	s0 =	sor.u32 s1, s0  }
0xcb: {  	s0 =	sadd.s32 $0x8F2B, s0  }
0xcc: {  	[sflag:s0] =	ssyncadd.remote.s32 $0x1  }
0xcd: {  	_ =	sfence.sel $0xFFFF  }
0xce: {  	[dreg:$0x0] =	wrdreg $0xFFFFFFFF;
	(pc) =	sbr.abs _section_cstart, $3  }
0xcf: {  	[dreg:$0x1] =	wrdreg $0xFFFFFFFF  }
0xd0: {  	_ =	task.clear_ibuf [dreg:s22], $0x2FFFF;
	_ =	strace $0x9FFFFFFF  }
0xd1: {  	(tm) =	ssettm $0x7FFFFFFF  }
tec
execute0_lowered:
.L_overlay_start_1:
0x0: {  	(tag) =	ssettag $0x1  }
0x1: {  	s4 =	rddreg [dreg:$0x0]  }
0x2: {  	s0 =	srdreg.scid;
	s2 =	rddreg [dreg:$0x1]  }
0x3: {  	s3 =	simm.s32 $0x0;
	s6 =	sand.u32 $0x1, s0;
	s0 =	stileid.u32  }
0x4: {  	[smem:$0x7FF] =	sst s3;
	s7 =	smul.u32 $0x50000, s0  }
0x5: {  	s14 =	sadd.s32 $0x68800, s4;
	s1 =	sshll.u32 s6, $0x4;
	s9 =	smul.u32 $0x14000, s0  }
0x6: {  	s29 =	ssub.s32 $0x2, s6;
	s16 =	smul.u32 $0x140000, s6;
	s5 =	sor.u32 s0, s1  }
0x7: {  	s1 =	rddreg [dreg:$0x2];
	_ =	strace $0x8000004A;
	s30 =	sshrl.u32 s29, $0x1  }
0x8: {  	s5 =	smul.u32 $0x500, s5;
	s7 =	sshrl.u32 s7, $0x2;
	s11 =	sadd.s32 $0x4000, s9  }
0x9: {  	s15 =	ssub.s32 s29, s30;
	s12 =	sadd.s32 $0x8000, s9;
	s13 =	sadd.s32 $0xC000, s9  }
0xa: {  	s17 =	sadd.s32 $0x10000, s9;
	s18 =	sadd.s32 s9, s16;
	s6 =	sadd.s32 s12, s2  }
0xb: {  	s8 =	sadd.s32 s17, s2;
	s31 =	sshrl.u32 s18, $0x3;
	s12 =	sadd.s32 s16, s12  }
0xc: {  	s15 =	smax.u32 s15, $0x1;
	s18 =	simm.s32 $0x80;
	s10 =	sadd.s32 s5, s4  }
0xd: {  	s4 =	sadd.s32 s7, s2;
	s5 =	sadd.s32 s11, s2;
	s7 =	sadd.s32 s13, s2  }
0xe: {  	s11 =	sadd.s32 s16, s11;
	s12 =	sshrl.u32 s12, $0x3;
	s13 =	sadd.s32 s16, s13  }
0xf: {  	s16 =	sadd.s32 s16, s17;
	s17 =	simm.s32 $0x1;
	s9 =	sadd.s32 $0x4800, s10  }
0x10: {  	s11 =	sshrl.u32 s11, $0x3;
	s10 =	sadd.s32 s14, s31;
	s12 =	sadd.s32 s14, s12  }
0x11: {  	s13 =	sshrl.u32 s13, $0x3;
	s16 =	sshrl.u32 s16, $0x3;
	s11 =	sadd.s32 s14, s11  }
0x12: {  	v0 =	vimm.f32 $0.0e+00;
	v1 =	vimm.f32 $1.000000000e+00;
	s13 =	sadd.s32 s14, s13;
	s14 =	sadd.s32 s14, s16;
	s16 =	simm.s32 $0x2800  }
.LBB2_1:
0x13: {  	s19 =	simm.s32 $0x0;
	s20 =	simm.s32 $0x200  }
.LBB2_2:
0x14: {  	p0 =	sne.s32 s20, $0xFE00;
	[tilespmem:s19+$0x2870] =	vst v0  }
0x15: {  	[tilespmem:s19+$0x2800] =	vst v0  }
0x16: {  	[tilespmem:s19+$0x2810] =	vst v0  }
.Ltmp0:
0x17: {  	[tilespmem:s19+$0x2820] =	vst v0;
	(pc) =	sbr.rel @p0 .LBB2_2-.Ltmp0, $4  }
0x18: {  	[tilespmem:s19+$0x2830] =	vst v0  }
0x19: {  	[tilespmem:s19+$0x2840] =	vst v0  }
0x1a: {  	[tilespmem:s19+$0x2850] =	vst v0  }
0x1b: {  	[tilespmem:s19+$0x2860] =	vst v0;
	s19 =	sshra.s32 s20, $0x2;
	s20 =	sadd.s32 $0x200, s20  }
0x1c: {  	[tilespmem:s19+$0x2870] =	vst v0  }
0x1d: {  	[tilespmem:s19+$0x2800] =	vst v0  }
0x1e: {  	[tilespmem:s19+$0x2810] =	vst v0  }
0x1f: {  	[tilespmem:s19+$0x2820] =	vst v0  }
0x20: {  	[tilespmem:s19+$0x2830] =	vst v0  }
0x21: {  	[tilespmem:s19+$0x2840] =	vst v0  }
0x22: {  	[tilespmem:s19+$0x2850] =	vst v0  }
0x23: {  	[tilespmem:s19+$0x2860] =	vst v0  }
0x24: {  	[spmem:s4] =	stream.linear.scatter [tilespmem:s16], [sflag:$0x1], $0x4000, $0x38;
	[tilespmem:$0x1A800] =	vst v63  }
0x25: {  	_ =	swait.ge [sflag:s17], $0x4000  }
0x26: {  	[sflag:s17] =	ssyncset.done $0x0  }
0x27: {  	[sflag:s17] =	ssyncadd.s32 $0xFFFFC000  }
0x28: {  	[spmem:s5] =	stream.linear.scatter [tilespmem:s16], [sflag:$0x1], $0x4000, $0x38;
	[tilespmem:$0x1A800] =	vst v63  }
0x29: {  	_ =	swait.ge [sflag:s17], $0x4000  }
0x2a: {  	[sflag:s17] =	ssyncset.done $0x0  }
0x2b: {  	[sflag:s17] =	ssyncadd.s32 $0xFFFFC000  }
0x2c: {  	[spmem:s6] =	stream.linear.scatter [tilespmem:s16], [sflag:$0x1], $0x4000, $0x38;
	[tilespmem:$0x1A800] =	vst v63  }
0x2d: {  	_ =	swait.ge [sflag:s17], $0x4000  }
0x2e: {  	[sflag:s17] =	ssyncset.done $0x0  }
0x2f: {  	[sflag:s17] =	ssyncadd.s32 $0xFFFFC000  }
0x30: {  	[spmem:s7] =	stream.linear.scatter [tilespmem:s16], [sflag:$0x1], $0x4000, $0x38;
	[tilespmem:$0x1A800] =	vst v63  }
0x31: {  	_ =	swait.ge [sflag:s17], $0x4000  }
0x32: {  	[sflag:s17] =	ssyncset.done $0x0  }
0x33: {  	[sflag:s17] =	ssyncadd.s32 $0xFFFFC000  }
0x34: {  	[spmem:s8] =	stream.linear.scatter [tilespmem:s16], [sflag:$0x1], $0x4000, $0x38;
	[tilespmem:$0x1A800] =	vst v63  }
0x35: {  	_ =	swait.ge [sflag:s17], $0x4000  }
0x36: {  	[sflag:s17] =	ssyncset.done $0x0  }
0x37: {  	s19 =	simm.s32 $0x0;
	s20 =	simm.s32 $0x200;
	[sflag:s17] =	ssyncadd.s32 $0xFFFFC000  }
.LBB2_4:
0x38: {  	p0 =	sne.s32 s20, $0xFE00;
	[tilespmem:s19+$0x2870] =	vst v1  }
0x39: {  	[tilespmem:s19+$0x2800] =	vst v1  }
0x3a: {  	[tilespmem:s19+$0x2810] =	vst v1  }
.Ltmp1:
0x3b: {  	[tilespmem:s19+$0x2820] =	vst v1;
	(pc) =	sbr.rel @p0 .LBB2_4-.Ltmp1, $4  }
0x3c: {  	[tilespmem:s19+$0x2830] =	vst v1  }
0x3d: {  	[tilespmem:s19+$0x2840] =	vst v1  }
0x3e: {  	[tilespmem:s19+$0x2850] =	vst v1  }
0x3f: {  	[tilespmem:s19+$0x2860] =	vst v1;
	s19 =	sshra.s32 s20, $0x2;
	s20 =	sadd.s32 $0x200, s20  }
0x40: {  	[tilespmem:s19+$0x2870] =	vst v1  }
0x41: {  	[tilespmem:s19+$0x2800] =	vst v1  }
0x42: {  	[tilespmem:s19+$0x2810] =	vst v1  }
0x43: {  	[tilespmem:s19+$0x2820] =	vst v1  }
0x44: {  	[tilespmem:s19+$0x2830] =	vst v1  }
0x45: {  	[tilespmem:s19+$0x2840] =	vst v1  }
0x46: {  	[tilespmem:s19+$0x2850] =	vst v1  }
0x47: {  	[tilespmem:s19+$0x2860] =	vst v1  }
0x48: {  	s30 =	simm.s32 $0x0;
	[bflag:$0x0] =	sbarrier.arrive $0xFFFF  }
0x49: {  	[tilespmem:s30], [sflag:$0x1] =	stream.linear.gather [hbm4b:s9+s30], $0x2800, $0x38;
	[tilespmem:$0x1A800] =	vst v63  }
0x4a: {  	_ =	swait.ge [sflag:s17], $0x2800  }
0x4b: {  	[sflag:s17] =	ssyncset.done $0x0  }
0x4c: {  	s31 =	simm.s32 $0x0;
	[sflag:s17] =	ssyncadd.s32 $0xFFFFD800  }
0x4d: {  	[spmem:s2] =	stream.indirect.scatter.add.f32 [tilespmem:s16], [sflag:$0x1], $0x80, s31, s18, $0xb8;
	[tilespmem:$0x1A800] =	vst v63  }
0x4e: {  	_ =	swait.ge [sflag:s17], $0x4000  }
0x4f: {  	s19 =	simm.s32 $0x200;
	[sflag:s17] =	ssyncset.done $0x0  }
.LBB2_6:
0x50: {  	s20 =	sshra.s32 s19, $0x2;
	[sflag:s17] =	ssyncadd.s32 $0xFFFFC000;
	p0 =	sne.s32 s19, $0x9E00  }
0x51: {  	[spmem:s2] =	stream.indirect.scatter.add.f32 [tilespmem:s16], [sflag:$0x1], $0x80, s20, s18, $0xb8;
	[tilespmem:$0x1A800] =	vst v63  }
.Ltmp2:
0x52: {  	_ = 	snop;
	(pc) =	sbr.rel @p0 .LBB2_6-.Ltmp2, $4  }
0x53: {  	_ = 	snop  }
0x54: {  	s19 =	sadd.s32 $0x200, s19  }
0x55: {  	_ =	swait.ge [sflag:s17], $0x4000  }
0x56: {  	[sflag:s17] =	ssyncset.done $0x0  }
0x57: {  	[sflag:s17] =	ssyncadd.s32 $0xFFFFC000;
	s19 =	sshll.u32 s0, $0x6  }
0x58: {  	s20 =	sshrl.u32 s4, $0x3;
	[bflag:$0x0] =	sbarrier.arrive $0xFFFF;
	s19 =	sor.u32 $0x1C01, s19  }
0x59: {  	[hbm:s10], [sflag:s19] =	dma.local [spmem:s20], $0x800  }
0x5a: {  	_ =	swait.ge [sflag:s17], $0x800  }
0x5b: {  	[sflag:s17] =	ssyncset.done $0x0  }
0x5c: {  	s28 =	sshrl.u32 s5, $0x3;
	[sflag:s17] =	ssyncadd.s32 $0xFFFFF800  }
0x5d: {  	[hbm:s11], [sflag:s19] =	dma.local [spmem:s28], $0x800  }
0x5e: {  	_ =	swait.ge [sflag:s17], $0x800  }
0x5f: {  	[sflag:s17] =	ssyncset.done $0x0  }
0x60: {  	s29 =	sshrl.u32 s6, $0x3;
	[sflag:s17] =	ssyncadd.s32 $0xFFFFF800  }
0x61: {  	[hbm:s12], [sflag:s19] =	dma.local [spmem:s29], $0x800  }
0x62: {  	_ =	swait.ge [sflag:s17], $0x800  }
0x63: {  	[sflag:s17] =	ssyncset.done $0x0  }
0x64: {  	s30 =	sshrl.u32 s7, $0x3;
	[sflag:s17] =	ssyncadd.s32 $0xFFFFF800  }
0x65: {  	[hbm:s13], [sflag:s19] =	dma.local [spmem:s30], $0x800  }
0x66: {  	s3 =	sadd.s32 $0x1, s3;
	_ =	swait.ge [sflag:s17], $0x800  }
0x67: {  	p0 =	sne.s32 s3, s15;
	[sflag:s17] =	ssyncset.done $0x0  }
.Ltmp3:
0x68: {  	s31 =	sshrl.u32 s8, $0x3;
	[sflag:s17] =	ssyncadd.s32 $0xFFFFF800;
	(pc) =	sbr.rel @p0 .LBB2_1-.Ltmp3, $4  }
0x69: {  	[hbm:s14], [sflag:s19] =	dma.local [spmem:s31], $0x800  }
0x6a: {  	_ =	swait.ge [sflag:s17], $0x800  }
0x6b: {  	[sflag:s17] =	ssyncset.done $0x0  }
0x6c: {  	[sflag:s17] =	ssyncadd.s32 $0xFFFFF800  }
0x6d: {  	_ =	sfence.sel $0x180000  }
0x6e: {  	[bflag:$0x0] =	sbarrier.arrive $0xFFFF  }
0x6f: {  	p0 =	sne.s32 s0, $0x0;
	_ =	strace $0x9000004A  }
0x70: {  	s0 =	sadd.s32 @!p0 $0x100000, s1;
	[bflag:$0x2] =	sbarrier.arrive $0xFFFF  }
0x71: {  	[sflag:s0] =	ssyncadd.tile.s32 @!p0 $0x1;
	_ =	shalt  }
.Lfunc_end2:
_tile_overlayer_lowered:
.L_overlay_start_2:
0x72: {  	(tag) =	ssettag $0x2  }
0x73: {  	s0 =	rddreg [dreg:$0x0];
	s2 =	stileid.u32  }
0x74: {  	s1 =	rddreg [dreg:$0x1];
	p0 =	sne.s32 s2, $0x0  }
0x75: {  	s3 =	rddreg [dreg:$0x2];
	[bflag:$0x3] =	sbarrier.arrive $0xFFFF;
	s2 =	simm.s32 @!p0 $0x1C01  }
0x76: {  	[timem:s3], [sflag:s2] =	dma.local @!p0 [hbm:s0], s1  }
0x77: {  	s0 =	simm.s32 @!p0 $0x1  }
0x78: {  	_ =	swait.ge @!p0 [sflag:s0], s1  }
0x79: {  	s1 =	ssub.s32 @!p0 $0x0, s1;
	[sflag:s0] =	ssyncset.done @!p0 $0x0  }
0x7a: {  	[sflag:s0] =	ssyncadd.s32 @!p0 s1  }
0x7b: {  	[bflag:$0x3] =	sbarrier.arrive $0xFFFF  }
0x7c: {  	_ =	shalt  }

// kernel: kernel.14.cloned.1.call-start
scs
__scs_entry_jumppad:
0x0: {  	(pc) =	sbr.rel $0x88, $3  }
0x1: {  	(tag) =	ssettag $0x0;
	lr =	simm.s32 $0x1  }
0x2: {  	[smem:$0x3F8D] =	sst lr;
	_ =	strace $0xD0000000  }
0x3: {  	_ = 	snop  }
0x4: {  	_ = 	snop  }
0x5: {  	_ = 	snop  }
0x6: {  	_ = 	snop  }
0x7: {  	_ = 	snop  }
__scs_overlays_trampoline_lowered:
0x8: {  	[smem:$0x3F9C] =	sst s0  }
0x9: {  	[smem:$0x3F9D] =	sst s1  }
0xa: {  	[smem:$0x3F9E] =	sst s2  }
0xb: {  	[smem:$0x3F9F] =	sst s3  }
0xc: {  	[smem:$0x3FA0] =	sst s4  }
0xd: {  	[smem:$0x3FA1] =	sst s5  }
0xe: {  	[smem:$0x3FA2] =	sst s6  }
0xf: {  	[smem:$0x3FA3] =	sst s7  }
0x10: {  	[smem:$0x3FA4] =	sst s8  }
0x11: {  	[smem:$0x3FA5] =	sst s9;
	s0 =	simm.s32 @!p0 $0x0  }
0x12: {  	s1 =	sld [smem:$0x3F8B];
	s0 =	simm.s32 @p0 $0x1  }
0x13: {  	[smem:$0x3FA6] =	sst s0;
	s0 =	simm.s32 @!p1 $0x0  }
0x14: {  	s2 =	sld [smem:$0x3F8A];
	s0 =	simm.s32 @p1 $0x1  }
0x15: {  	[smem:$0x3FA7] =	sst s0;
	s0 =	simm.s32 @!p2 $0x0  }
0x16: {  	s3 =	sld [smem:$0x3FDB];
	s0 =	simm.s32 @p2 $0x1  }
0x17: {  	s4 =	simm.s32 $0x1BF5;
	[smem:$0x3FA9] =	sst s0  }
0x18: {  	s0 =	sld [smem:$0x3F8C];
	_ =	swait.ge [sflag:s4], $0x0  }
0x19: {  	s7 =	sld [smem:$0x3F8D]  }
0x1a: {  	s8 =	sadd.s32 $0xFFFFE003, lr  }
0x1b: {  	s9 =	sadd.s32 $0xFFFFFEF7, lr;
	s5 =	simm.s32 $0xFFFFFFFF;
	p2 =	slt.u32 s8, $0xFFFFF086  }
0x1c: {  	p1 =	slt.u32 s9, $0xF7A;
	s5 =	simm.s32 @!p2 $0x0  }
0x1d: {  	s5 =	simm.s32 @p1 $0x1;
	p0 =	seq.s32 s7, s2  }
0x1e: {  	s7 =	smul.u32 @!p0 $0xF7A, s2;
	p2 =	seq.s32 @!p0 s5, $0x0  }
0x1f: {  	s9 =	smul.u32 $0xF7A, s1;
	s8 =	simm.s32 @!p0 $0x1BF5;
	p2 =	por !p2, p0  }
0x20: {  	[sflag:s8] =	ssyncset.s32 @!p0 $0xFFFFF086;
	s6 =	sadd.s32 @!p0 s3, s7;
	s7 =	simm.s32 @!p0 $0x108  }
0x21: {  	s3 =	sadd.s32 s3, s9;
	s6 =	sadd.s32 @!p0 $0x88, s6;
	s7 =	simm.s32 @p2 $0x1082  }
0x22: {  	[simem:s7], [sflag:s8] =	dma.local @!p0 [hbm:s6], $0xF7A  }
0x23: {  	s9 =	sor.u32 $0xD0000000, s2;
	s6 =	simm.s32 $0x108;
	_ =	swait.ge @!p0 [sflag:s8], $0x0  }
0x24: {  	s3 =	sadd.s32 $0x88, s3;
	s6 =	simm.s32 @!p1 $0x1082;
	[sflag:s4] =	ssyncset.s32 $0xFFFFF086  }
0x25: {  	[simem:s6], [sflag:s4] =	dma.local [hbm:s3], $0xF7A  }
0x26: {  	[smem:$0x3F8D] =	sst s1;
	(tag) =	ssettag s2;
	_ =	strace s9  }
0x27: {  	s1 =	sld [smem:$0x3F9D]  }
0x28: {  	s2 =	sld [smem:$0x3F9E]  }
0x29: {  	s4 =	sld [smem:$0x3FA0]  }
0x2a: {  	p0 =	seq.s32 s5, $0x0;
	s5 =	sld [smem:$0x3FA1]  }
0x2b: {  	s6 =	sld [smem:$0x3FA2]  }
0x2c: {  	s7 =	sld [smem:$0x3FA3]  }
0x2d: {  	s3 =	simm.s32 $0x108;
	s8 =	sld [smem:$0x3FA4]  }
0x2e: {  	s3 =	simm.s32 @!p0 $0x1082;
	s9 =	sld [smem:$0x3FA5]  }
0x2f: {  	lr =	sadd.s32 s0, s3;
	s0 =	sld [smem:$0x3F9C]  }
0x30: {  	s3 =	sld [smem:$0x3F9F]  }
0x31: {  	[smem:$0x3FA8] =	sst s10  }
0x32: {  	s10 =	sld [smem:$0x3FA6];
	_ =	sdelay $0x3  }
0x33: {  	p0 =	seq.s32 s10, $0x1;
	s10 =	sld [smem:$0x3FA8];
	_ =	sdelay $0x3  }
0x34: {  	[smem:$0x3FA8] =	sst s10  }
0x35: {  	s10 =	sld [smem:$0x3FA7];
	_ =	sdelay $0x3  }
0x36: {  	p1 =	seq.s32 s10, $0x1;
	s10 =	sld [smem:$0x3FA8];
	_ =	sdelay $0x3  }
0x37: {  	[smem:$0x3FA8] =	sst s10  }
0x38: {  	s10 =	sld [smem:$0x3FA9]  }
0x39: {  	_ = 	snop;
	(pc) =	sbr.ind lr, $3  }
0x3a: {  	_ = 	snop  }
0x3b: {  	_ = 	snop  }
0x3c: {  	p2 =	seq.s32 s10, $0x1;
	s10 =	sld [smem:$0x3FA8]  }
0x3d: {  	_ =	shalt  }
0x3e: {  	_ =	shalt  }
0x3f: {  	_ =	shalt  }
0x40: {  	_ =	shalt  }
0x41: {  	_ =	shalt  }
0x42: {  	_ =	shalt  }
0x43: {  	_ =	shalt  }
0x44: {  	_ =	shalt  }
0x45: {  	_ =	shalt  }
0x46: {  	_ =	shalt  }
0x47: {  	_ =	shalt  }
0x48: {  	_ =	shalt  }
0x49: {  	_ =	shalt  }
0x4a: {  	_ =	shalt  }
0x4b: {  	_ =	shalt  }
0x4c: {  	_ =	shalt  }
0x4d: {  	_ =	shalt  }
0x4e: {  	_ =	shalt  }
0x4f: {  	_ =	shalt  }
0x50: {  	_ =	shalt  }
0x51: {  	_ =	shalt  }
0x52: {  	_ =	shalt  }
0x53: {  	_ =	shalt  }
0x54: {  	_ =	shalt  }
0x55: {  	_ =	shalt  }
0x56: {  	_ =	shalt  }
0x57: {  	_ =	shalt  }
0x58: {  	_ =	shalt  }
0x59: {  	_ =	shalt  }
0x5a: {  	_ =	shalt  }
0x5b: {  	_ =	shalt  }
0x5c: {  	_ =	shalt  }
0x5d: {  	_ =	shalt  }
0x5e: {  	_ =	shalt  }
0x5f: {  	_ =	shalt  }
0x60: {  	_ =	shalt  }
0x61: {  	_ =	shalt  }
0x62: {  	_ =	shalt  }
0x63: {  	_ =	shalt  }
0x64: {  	_ =	shalt  }
0x65: {  	_ =	shalt  }
0x66: {  	_ =	shalt  }
0x67: {  	_ =	shalt  }
0x68: {  	_ =	shalt  }
0x69: {  	_ =	shalt  }
0x6a: {  	_ =	shalt  }
0x6b: {  	_ =	shalt  }
0x6c: {  	_ =	shalt  }
0x6d: {  	_ =	shalt  }
0x6e: {  	_ =	shalt  }
0x6f: {  	_ =	shalt  }
0x70: {  	_ =	shalt  }
0x71: {  	_ =	shalt  }
0x72: {  	_ =	shalt  }
0x73: {  	_ =	shalt  }
0x74: {  	_ =	shalt  }
0x75: {  	_ =	shalt  }
0x76: {  	_ =	shalt  }
0x77: {  	_ =	shalt  }
0x78: {  	_ =	shalt  }
0x79: {  	_ =	shalt  }
0x7a: {  	_ =	shalt  }
0x7b: {  	_ =	shalt  }
0x7c: {  	_ =	shalt  }
0x7d: {  	_ =	shalt  }
0x7e: {  	_ =	shalt  }
0x7f: {  	_ =	shalt  }
0x80: {  	_ =	shalt  }
0x81: {  	_ =	shalt  }
0x82: {  	_ =	shalt  }
0x83: {  	_ =	shalt  }
0x84: {  	_ =	shalt  }
0x85: {  	_ =	shalt  }
0x86: {  	_ =	shalt  }
0x87: {  	_ =	shalt  }
.Lfunc_end0:
.L_simem_size_0:
called_computation.1_lowered:
.L_overlay_start_0:
0x88: {  	s2 =	sld [smem:$0x3FD9]  }
0x89: {  	s3 =	sld [smem:$0x3FFE];
	_ =	sdelay $0x1  }
0x8a: {  	s1 =	srdreg.scid  }
0x8b: {  	s0 =	sand.u32 $0x1, s1  }
0x8c: {  	s17 =	sshll.u32 s0, $0xA;
	s2 =	sadd.s32 s3, s2  }
0x8d: {  	s2 =	sadd.s32 s2, s17  }
0x8e: {  	[smem:$0x3FB4] =	sst s2  }
0x8f: {  	_ = 	snop  }
0x90: {  	s2 =	sld [smem:$0x3FC9];
	(tm) =	ssettm $0x1  }
0x91: {  	s18 =	sld [smem:$0x3FFB];
	_ =	sdelay $0x3  }
0x92: {  	_ =	strace s18  }
0x93: {  	s3 =	sld [smem:$0x3FFC];
	_ =	sdelay $0x3  }
0x94: {  	_ =	strace s3  }
0x95: {  	s3 =	sld [smem:$0x3FFD];
	_ =	sdelay $0x3  }
0x96: {  	_ =	strace s3  }
0x97: {  	_ =	strace $0x8FFFFFFF  }
0x98: {  	s19 =	sld [smem:$0x3FDB];
	_ =	sdelay $0x1  }
0x99: {  	s4 =	simm.s32 $_scs_section_size  }
0x9a: {  	s5 =	simm.s32 $_size__tile_overlayer_lowered;
	s6 =	simm.s32 $_tile_overlayer_lowered  }
0x9b: {  	s22 =	simm.s32 $0x1BFF;
	s21 =	sshll.u32 s6, $0x1;
	s3 =	sadd.s32 s4, s19  }
0x9c: {  	s7 =	simm.s32 $0x0;
	s20 =	sshll.u32 s5, $0x1;
	s5 =	sadd.s32 s21, s3  }
0x9d: {  	[timem:s7], [sflag:s22] =	dma.local [hbm:s5], s20  }
0x9e: {  	_ =	swait.ge [sflag:s22], s20  }
0x9f: {  	s4 =	ssub.s32 $0x0, s20;
	[sflag:s22] =	ssyncset.done $0x0  }
0xa0: {  	[sflag:s22] =	ssyncadd.s32 s4;
	_ =	sdelay $0x1  }
0xa1: {  	s23 =	simm.s32 $0x1B8B  }
0xa2: {  	_ =	swait.ge [sflag:s23], $0x1  }
0xa3: {  	[sflag:s23] =	ssyncset.done $0x0  }
0xa4: {  	s25 =	simm.s32 $0x1B8E;
	s24 =	sld [smem:$0x3FFE];
	[sflag:s23] =	ssyncadd.s32 $0xFFFFFFFF  }
0xa5: {  	s26 =	simm.s32 $execute0_lowered;
	[smem:$0x3FD2] =	sst s25  }
0xa6: {  	s5 =	sshll.u32 s26, $0x1;
	_ =	strace $0x80000046;
	[dreg:$0x1] =	wrdreg $0xFFFFFFFF  }
0xa7: {  	s28 =	simm.s32 $_size_execute0_lowered;
	s3 =	sadd.s32 s3, s5;
	[dreg:$0x0] =	wrdreg $0x0  }
0xa8: {  	s5 =	sshll.u32 s28, $0x1;
	[dreg:$0x2] =	wrdreg s3  }
0xa9: {  	[dreg:$0x3] =	wrdreg s5  }
0xaa: {  	[dreg:$0x4] =	wrdreg $0xC0  }
0xab: {  	_ =	task [dreg:s7], $0x5FFFF  }
0xac: {  	[dreg:$0x1] =	wrdreg $0xFFFFFFFF  }
0xad: {  	[dreg:$0x0] =	wrdreg $0x60  }
0xae: {  	[dreg:$0x2] =	wrdreg s2  }
0xaf: {  	[dreg:$0x3] =	wrdreg s24  }
0xb0: {  	[dreg:$0x4] =	wrdreg $0xAA000  }
0xb1: {  	[dreg:$0x5] =	wrdreg $0xA  }
0xb2: {  	_ =	task.clear_ibuf [dreg:s7], $0x6FFFF;
	_ =	strace $0x90000046  }
0xb3: {  	s29 =	simm.s32 $0xA;
	_ =	strace $0x80000048  }
0xb4: {  	_ =	swait.ge [sflag:s29], $0x1  }
0xb5: {  	[sflag:s29] =	ssyncadd.s32 $0xFFFFFFFF  }
0xb6: {  	_ =	strace $0x90000048  }
0xb7: {  	_ =	sfence  }
0xb8: {  	s30 =	sld [smem:$0x0];
	_ =	sdelay $0x2  }
0xb9: {  	s31 =	sshll.u32 s1, $0xD;
	s1 =	sshrl.u32 s1, $0x2  }
0xba: {  	s3 =	sand.u32 $0x4000, s31;
	s1 =	sadd.s32 s1, s30  }
0xbb: {  	s0 =	sor.u32 s3, s0;
	s1 =	sshll.u32 s1, $0x11  }
0xbc: {  	s0 =	sor.u32 s1, s0  }
0xbd: {  	s0 =	sadd.s32 $0x8F2B, s0  }
0xbe: {  	[sflag:s0] =	ssyncadd.remote.s32 $0x1  }
0xbf: {  	_ =	sfence.sel $0xFFFF  }
0xc0: {  	[dreg:$0x0] =	wrdreg $0xFFFFFFFF;
	(pc) =	sbr.abs _section_cstart, $3  }
0xc1: {  	[dreg:$0x1] =	wrdreg $0xFFFFFFFF  }
0xc2: {  	_ =	task.clear_ibuf [dreg:s7], $0x2FFFF;
	_ =	strace $0x9FFFFFFF  }
0xc3: {  	(tm) =	ssettm $0x7FFFFFFF  }
tec
execute0_lowered:
.L_overlay_start_1:
0x0: {  	(tag) =	ssettag $0x1  }
0x1: {  	s1 =	rddreg [dreg:$0x0]  }
0x2: {  	s0 =	srdreg.scid;
	s8 =	rddreg [dreg:$0x1]  }
0x3: {  	s11 =	stileid.u32;
	s3 =	rddreg [dreg:$0x2];
	s5 =	simm.s32 $0x0  }
0x4: {  	s29 =	simm.s32 $0x2A00;
	s30 =	simm.s32 $0x9;
	s31 =	simm.s32 $0x40  }
0x5: {  	s0 =	sand.u32 $0x1, s0;
	[smem:$0x7FF] =	sst s5;
	s7 =	smul.u32 $0x50000, s11  }
0x6: {  	s6 =	sadd.s32 $0x4800, s8;
	s12 =	smul.u32 $0x14000, s11;
	s14 =	sadd.s32 $0x18800, s8  }
0x7: {  	s2 =	sshll.u32 s0, $0x4;
	_ =	strace $0x80000047;
	s9 =	ssub.s32 $0x2, s0  }
0x8: {  	s0 =	smul.u32 $0x140000, s0;
	s2 =	sor.u32 s11, s2;
	s7 =	sshrl.u32 s7, $0x2  }
0x9: {  	s23 =	sshrl.u32 s9, $0x1;
	s15 =	sadd.s32 $0x4000, s12;
	s17 =	sadd.s32 $0x8000, s12  }
0xa: {  	s18 =	sadd.s32 $0xC000, s12;
	s19 =	sadd.s32 $0x10000, s12;
	s4 =	smul.u32 $0x2800, s2  }
0xb: {  	s13 =	sadd.s32 s7, s3;
	s16 =	ssub.s32 s9, s23;
	s11 =	sadd.s32 s15, s3  }
0xc: {  	s22 =	sadd.s32 s17, s3;
	s23 =	sadd.s32 s18, s3;
	[dreg:$0x4] =	wrdreg s13  }
0xd: {  	s12 =	sadd.s32 s12, s0;
	s20 =	sadd.s32 s0, s15;
	[dreg:$0x6] =	wrdreg s11  }
0xe: {  	s21 =	sadd.s32 s0, s17;
	s18 =	sadd.s32 s0, s18;
	[dreg:$0x8] =	wrdreg s22  }
0xf: {  	s0 =	sadd.s32 s0, s19;
	s15 =	sadd.s32 s19, s3;
	[dreg:$0xa] =	wrdreg s23  }
0x10: {  	s17 =	sadd.s32 $0x4808, s8;
	s7 =	sadd.s32 $0x2000, s13;
	[dreg:$0xc] =	wrdreg s15  }
0x11: {  	s24 =	sadd.s32 $0x6000, s13;
	s25 =	sadd.s32 $0xA000, s13;
	[dreg:$0x5] =	wrdreg s7  }
0x12: {  	s26 =	sadd.s32 $0xE000, s13;
	s19 =	sshrl.u32 s21, $0x3;
	[dreg:$0x7] =	wrdreg s24  }
0x13: {  	s0 =	sshrl.u32 s0, $0x3;
	s2 =	sshrl.u32 s4, $0x3;
	[dreg:$0x9] =	wrdreg s25  }
0x14: {  	[dreg:$0xb] =	wrdreg s26;
	s7 =	sshrl.u32 s12, $0x3;
	s21 =	sadd.s32 s14, s19  }
0x15: {  	s0 =	sadd.s32 s14, s0;
	s26 =	smax.u32 s16, $0x1;
	s16 =	simm.s32 $0x5  }
0x16: {  	s19 =	simm.s32 $0x7;
	s10 =	sadd.s32 s2, s8;
	[dreg:$0x10] =	wrdreg s21  }
0x17: {  	s9 =	sadd.s32 s14, s7;
	[dreg:$0x12] =	wrdreg s0;
	s25 =	sadd.s32 s6, s2  }
0x18: {  	s2 =	sadd.s32 s2, s17;
	[dreg:$0x15] =	wrdreg s26;
	s8 =	simm.s32 $0x2900  }
0x19: {  	s21 =	simm.s32 $0x8;
	s28 =	sadd.s32 $0xE800, s10;
	[dreg:$0xe] =	wrdreg s9  }
0x1a: {  	s10 =	sshrl.u32 s20, $0x3;
	s20 =	sshrl.u32 s18, $0x3;
	[dreg:$0x14] =	wrdreg s2  }
0x1b: {  	[dreg:$0x13] =	wrdreg s25;
	s0 =	sadd.s32 $0x10, s25;
	s2 =	simm.s32 $0x2800  }
0x1c: {  	s18 =	simm.s32 $0x2;
	s9 =	simm.s32 $0x0;
	[dreg:$0xd] =	wrdreg s28  }
0x1d: {  	s12 =	sadd.s32 s14, s10;
	s24 =	sadd.s32 s14, s20;
	[dreg:$0x17] =	wrdreg s0  }
0x1e: {  	s28 =	sadd.s32 $0x12000, s13;
	s0 =	simm.s32 $0x6A00;
	[dreg:$0xf] =	wrdreg s12  }
0x1f: {  	s10 =	simm.s32 $0x1;
	s14 =	simm.s32 $0x2980;
	[dreg:$0x11] =	wrdreg s24  }
0x20: {  	v0 =	vimm.f32 $0.0e+00;
	s20 =	simm.s32 $0x4;
	[dreg:$0x16] =	wrdreg s28;
	s12 =	simm.s32 $0x8A00  }
.LBB2_1:
0x21: {  	[dreg:$0x18] =	wrdreg s9;
	s24 =	simm.s32 $0x0;
	s25 =	simm.s32 $0x200  }
.LBB2_2:
0x22: {  	p0 =	sne.s32 s25, $0x7E00;
	[tilespmem:s24+$0x2A70] =	vst v0  }
0x23: {  	[tilespmem:s24+$0x2A00] =	vst v0  }
0x24: {  	[tilespmem:s24+$0x2A10] =	vst v0  }
.Ltmp0:
0x25: {  	[tilespmem:s24+$0x2A20] =	vst v0;
	(pc) =	sbr.rel @p0 .LBB2_2-.Ltmp0, $4  }
0x26: {  	[tilespmem:s24+$0x2A30] =	vst v0  }
0x27: {  	[tilespmem:s24+$0x2A40] =	vst v0  }
0x28: {  	[tilespmem:s24+$0x2A50] =	vst v0  }
0x29: {  	[tilespmem:s24+$0x2A60] =	vst v0;
	s24 =	sshra.s32 s25, $0x2;
	s25 =	sadd.s32 $0x200, s25  }
0x2a: {  	[tilespmem:s24+$0x2A70] =	vst v0  }
0x2b: {  	[tilespmem:s24+$0x2A00] =	vst v0  }
0x2c: {  	[tilespmem:s24+$0x2A10] =	vst v0  }
0x2d: {  	[tilespmem:s24+$0x2A20] =	vst v0  }
0x2e: {  	[tilespmem:s24+$0x2A30] =	vst v0  }
0x2f: {  	[tilespmem:s24+$0x2A40] =	vst v0  }
0x30: {  	[tilespmem:s24+$0x2A50] =	vst v0  }
0x31: {  	[tilespmem:s24+$0x2A60] =	vst v0  }
0x32: {  	[spmem:s13] =	stream.linear.scatter [tilespmem:s29], [sflag:$0x9], $0x2000, $0x38;
	[tilespmem:$0x1EA00] =	vst v63  }
0x33: {  	_ =	swait.ge [sflag:s30], $0x2000  }
0x34: {  	[sflag:s30] =	ssyncset.done $0x0  }
0x35: {  	s7 =	rddreg [dreg:$0x5];
	[sflag:s30] =	ssyncadd.s32 $0xFFFFE000  }
0x36: {  	[spmem:s7] =	stream.linear.scatter [tilespmem:s29], [sflag:$0x9], $0x2000, $0x38;
	[tilespmem:$0x1EA00] =	vst v63  }
0x37: {  	_ =	swait.ge [sflag:s30], $0x2000  }
0x38: {  	[sflag:s30] =	ssyncset.done $0x0  }
0x39: {  	[sflag:s30] =	ssyncadd.s32 $0xFFFFE000  }
0x3a: {  	[spmem:s11] =	stream.linear.scatter [tilespmem:s29], [sflag:$0x9], $0x2000, $0x38;
	[tilespmem:$0x1EA00] =	vst v63  }
0x3b: {  	_ =	swait.ge [sflag:s30], $0x2000  }
0x3c: {  	[sflag:s30] =	ssyncset.done $0x0  }
0x3d: {  	s26 =	rddreg [dreg:$0x7];
	[sflag:s30] =	ssyncadd.s32 $0xFFFFE000  }
0x3e: {  	[spmem:s26] =	stream.linear.scatter [tilespmem:s29], [sflag:$0x9], $0x2000, $0x38;
	[tilespmem:$0x1EA00] =	vst v63  }
0x3f: {  	_ =	swait.ge [sflag:s30], $0x2000  }
0x40: {  	[sflag:s30] =	ssyncset.done $0x0  }
0x41: {  	[sflag:s30] =	ssyncadd.s32 $0xFFFFE000  }
0x42: {  	[spmem:s22] =	stream.linear.scatter [tilespmem:s29], [sflag:$0x9], $0x2000, $0x38;
	[tilespmem:$0x1EA00] =	vst v63  }
0x43: {  	_ =	swait.ge [sflag:s30], $0x2000  }
0x44: {  	[sflag:s30] =	ssyncset.done $0x0  }
0x45: {  	s28 =	rddreg [dreg:$0x9];
	[sflag:s30] =	ssyncadd.s32 $0xFFFFE000  }
0x46: {  	[spmem:s28] =	stream.linear.scatter [tilespmem:s29], [sflag:$0x9], $0x2000, $0x38;
	[tilespmem:$0x1EA00] =	vst v63  }
0x47: {  	_ =	swait.ge [sflag:s30], $0x2000  }
0x48: {  	[sflag:s30] =	ssyncset.done $0x0  }
0x49: {  	[sflag:s30] =	ssyncadd.s32 $0xFFFFE000  }
0x4a: {  	[spmem:s23] =	stream.linear.scatter [tilespmem:s29], [sflag:$0x9], $0x2000, $0x38;
	[tilespmem:$0x1EA00] =	vst v63  }
0x4b: {  	_ =	swait.ge [sflag:s30], $0x2000  }
0x4c: {  	[sflag:s30] =	ssyncset.done $0x0  }
0x4d: {  	s9 =	rddreg [dreg:$0xb];
	[sflag:s30] =	ssyncadd.s32 $0xFFFFE000  }
0x4e: {  	[spmem:s9] =	stream.linear.scatter [tilespmem:s29], [sflag:$0x9], $0x2000, $0x38;
	[tilespmem:$0x1EA00] =	vst v63  }
0x4f: {  	_ =	swait.ge [sflag:s30], $0x2000  }
0x50: {  	[sflag:s30] =	ssyncset.done $0x0  }
0x51: {  	[sflag:s30] =	ssyncadd.s32 $0xFFFFE000  }
0x52: {  	[spmem:s15] =	stream.linear.scatter [tilespmem:s29], [sflag:$0x9], $0x2000, $0x38;
	[tilespmem:$0x1EA00] =	vst v63  }
0x53: {  	_ =	swait.ge [sflag:s30], $0x2000  }
0x54: {  	[sflag:s30] =	ssyncset.done $0x0  }
0x55: {  	s11 =	rddreg [dreg:$0x16];
	[sflag:s30] =	ssyncadd.s32 $0xFFFFE000  }
0x56: {  	[spmem:s11] =	stream.linear.scatter [tilespmem:s29], [sflag:$0x9], $0x2000, $0x38;
	[tilespmem:$0x1EA00] =	vst v63  }
0x57: {  	_ =	swait.ge [sflag:s30], $0x2000  }
0x58: {  	[sflag:s30] =	ssyncset.done $0x0  }
0x59: {  	[sflag:s30] =	ssyncadd.s32 $0xFFFFE000  }
0x5a: {  	[bflag:$0x0] =	sbarrier.arrive $0xFFFF  }
0x5b: {  	s13 =	rddreg [dreg:$0xd]  }
0x5c: {  	[tilespmem:s5], [sflag:$0x9] =	stream.linear.gather [hbm4b:s13+s5], $0x2800, $0x38;
	[tilespmem:$0x1EA00] =	vst v63  }
0x5d: {  	_ =	swait.ge [sflag:s30], $0x2800  }
0x5e: {  	[sflag:s30] =	ssyncset.done $0x0  }
0x5f: {  	[sflag:s30] =	ssyncadd.s32 $0xFFFFD800  }
0x60: {  	[tilespmem:s29], [sflag:$0x1] =	stream.indirect.gather [hbm4b:s1+s31], $0x80, s5, s31, $0xb8;
	[tilespmem:$0x1EA00] =	vst v63  }
0x61: {  	s15 =	rddreg [dreg:$0x13]  }
0x62: {  	[tilespmem:s2], [sflag:$0x5] =	stream.linear.gather [hbm4b:s15+s5], $0x40, $0x38;
	[tilespmem:$0x1EA00] =	vst v63  }
0x63: {  	s22 =	simm.s32 $0x4A00  }
0x64: {  	[tilespmem:s22], [sflag:$0x2] =	stream.indirect.gather [hbm4b:s1+s31], $0x80, s31, s31, $0xb8;
	[tilespmem:$0x1EA00] =	vst v63  }
0x65: {  	s9 =	simm.s32 $0x2880;
	s23 =	rddreg [dreg:$0x14]  }
0x66: {  	[tilespmem:s9], [sflag:$0x6] =	stream.linear.gather [hbm4b:s23+s5], $0x40, $0x38;
	[tilespmem:$0x1EA00] =	vst v63  }
0x67: {  	s24 =	simm.s32 $0x80  }
0x68: {  	[tilespmem:s0], [sflag:$0x3] =	stream.indirect.gather [hbm4b:s1+s31], $0x80, s24, s31, $0xb8;
	[tilespmem:$0x1EA00] =	vst v63  }
0x69: {  	s26 =	simm.s32 $0x0;
	s25 =	rddreg [dreg:$0x17]  }
0x6a: {  	[tilespmem:s8], [sflag:$0x7] =	stream.linear.gather [hbm4b:s25+s5], $0x40, $0x38;
	[tilespmem:$0x1EA00] =	vst v63  }
0x6b: {  	s24 =	sand.u32 $0x3C00, s26;
	s25 =	simm.s32 $0x80  }
0x6c: {  	s24 =	sadd.s32 s4, s24;
	s25 =	sand.u32 $0x380, s25;
	_ =	swait.ge [sflag:s10], $0x2000  }
0x6d: {  	s24 =	sor.u32 s24, s25;
	[sflag:s10] =	ssyncset.done $0x0  }
0x6e: {  	s28 =	simm.s32 $0xC0;
	s24 =	sshrl.u32 s24, $0x3;
	[sflag:s10] =	ssyncadd.s32 $0xFFFFE000  }
0x6f: {  	[tilespmem:s12], [sflag:$0x4] =	stream.indirect.gather [hbm4b:s1+s31], $0x80, s28, s31, $0xb8;
	[tilespmem:$0x1EA00] =	vst v63  }
0x70: {  	s24 =	sadd.s32 s24, s17  }
0x71: {  	[tilespmem:s14], [sflag:$0x8] =	stream.linear.gather [hbm4b:s24+s5], $0x40, $0x38;
	[tilespmem:$0x1EA00] =	vst v63  }
0x72: {  	_ =	swait.ge [sflag:s16], $0x40  }
0x73: {  	[sflag:s16] =	ssyncset.done $0x0  }
0x74: {  	[sflag:s16] =	ssyncadd.s32 $0xFFFFFFC0  }
0x75: {  	[spmem:s3] =	stream.indirect.scatter.add.f32 [tilespmem:s29], [sflag:$0x9], $0x80, s2, s31, $0xb8;
	[tilespmem:$0x1EA00] =	vst v63  }
0x76: {  	_ =	swait.ge [sflag:s30], $0x2000  }
0x77: {  	[sflag:s30] =	ssyncset.done $0x0  }
0x78: {  	[sflag:s30] =	ssyncadd.s32 $0xFFFFE000  }
0x79: {  	_ =	swait.ge [sflag:s18], $0x2000  }
0x7a: {  	p0 =	por $0x0, $0x0;
	[sflag:s18] =	ssyncset.done $0x0  }
0x7b: {  	s24 =	simm.s32 @p0 $0x6;
	[sflag:s18] =	ssyncadd.s32 $0xFFFFE000  }
0x7c: {  	_ =	swait.ge @p0 [sflag:s24], $0x40  }
0x7d: {  	s23 =	simm.s32 @p0 $0x40;
	s9 =	simm.s32 @p0 $0x9;
	[sflag:s24] =	ssyncset.done @p0 $0x0  }
0x7e: {  	s25 =	simm.s32 @p0 $0x2880;
	s28 =	simm.s32 @p0 $0x4A00;
	[sflag:s24] =	ssyncadd.s32 @p0 $0xFFFFFFC0  }
0x7f: {  	[spmem:s3] =	stream.indirect.scatter.add.f32 @p0 [tilespmem:s28], [sflag:$0x9], $0x80, s25, s23, $0xb8;
	[tilespmem:$0x1EA00] =	vst v63  }
0x80: {  	s26 =	simm.s32 @!p0 $0x100;
	_ =	swait.ge @p0 [sflag:s9], $0x2000  }
0x81: {  	s24 =	sand.u32 @!p0 $0x300, s26;
	s23 =	sand.u32 @!p0 $0x7C00, s26;
	[sflag:s9] =	ssyncset.done @p0 $0x0  }
0x82: {  	s25 =	simm.s32 @p0 $0x3;
	s26 =	simm.s32 @!p0 $0x100;
	[sflag:s9] =	ssyncadd.s32 @p0 $0xFFFFE000  }
0x83: {  	s28 =	simm.s32 @!p0 $0x6;
	s23 =	sadd.s32 @!p0 s4, s23;
	_ =	swait.ge @p0 [sflag:s25], $0x2000  }
0x84: {  	s23 =	sor.u32 @!p0 s24, s23;
	s24 =	simm.s32 @!p0 $0x2A00;
	[sflag:s25] =	ssyncset.done @p0 $0x0  }
0x85: {  	s9 =	simm.s32 @!p0 $0x40;
	s23 =	sshrl.u32 @!p0 s23, $0x3;
	[sflag:s25] =	ssyncadd.s32 @p0 $0xFFFFE000  }
0x86: {  	[tilespmem:s24], [sflag:$0x1] =	stream.indirect.gather @!p0 [hbm4b:s1+s9], $0x80, s26, s9, $0xb8;
	[tilespmem:$0x1EA00] =	vst v63  }
0x87: {  	s25 =	simm.s32 @!p0 $0x0;
	s24 =	simm.s32 @!p0 $0x2800;
	s26 =	sadd.s32 @!p0 s6, s23  }
0x88: {  	[tilespmem:s24], [sflag:$0x5] =	stream.linear.gather @!p0 [hbm4b:s26+s25], $0x40, $0x38;
	[tilespmem:$0x1EA00] =	vst v63  }
0x89: {  	_ =	swait.ge @!p0 [sflag:s28], $0x40  }
0x8a: {  	s24 =	simm.s32 @!p0 $0x2880;
	[sflag:s28] =	ssyncset.done @!p0 $0x0  }
0x8b: {  	s26 =	simm.s32 @!p0 $0x4A00;
	[sflag:s28] =	ssyncadd.s32 @!p0 $0xFFFFFFC0;
	s28 =	simm.s32 @!p0 $0x9  }
0x8c: {  	[spmem:s3] =	stream.indirect.scatter.add.f32 @!p0 [tilespmem:s26], [sflag:$0x9], $0x80, s24, s9, $0xb8;
	[tilespmem:$0x1EA00] =	vst v63  }
0x8d: {  	_ =	swait.ge @!p0 [sflag:s28], $0x2000  }
0x8e: {  	[sflag:s28] =	ssyncset.done @!p0 $0x0  }
0x8f: {  	[sflag:s28] =	ssyncadd.s32 @!p0 $0xFFFFE000;
	s28 =	simm.s32 @!p0 $0x3  }
0x90: {  	_ =	swait.ge @!p0 [sflag:s28], $0x2000  }
0x91: {  	[sflag:s28] =	ssyncset.done @!p0 $0x0  }
0x92: {  	[sflag:s28] =	ssyncadd.s32 @!p0 $0xFFFFE000;
	s28 =	simm.s32 @!p0 $0x140  }
0x93: {  	[tilespmem:s26], [sflag:$0x2] =	stream.indirect.gather @!p0 [hbm4b:s1+s9], $0x80, s28, s9, $0xb8;
	[tilespmem:$0x1EA00] =	vst v63  }
0x94: {  	s23 =	sadd.s32 @!p0 s23, s17  }
0x95: {  	[tilespmem:s24], [sflag:$0x6] =	stream.linear.gather @!p0 [hbm4b:s23+s25], $0x40, $0x38;
	[tilespmem:$0x1EA00] =	vst v63  }
0x96: {  	_ =	swait.ge [sflag:s19], $0x40  }
0x97: {  	[sflag:s19] =	ssyncset.done $0x0  }
0x98: {  	[sflag:s19] =	ssyncadd.s32 $0xFFFFFFC0  }
0x99: {  	[spmem:s3] =	stream.indirect.scatter.add.f32 [tilespmem:s0], [sflag:$0x9], $0x80, s8, s31, $0xb8;
	[tilespmem:$0x1EA00] =	vst v63  }
0x9a: {  	_ =	swait.ge [sflag:s30], $0x2000  }
0x9b: {  	[sflag:s30] =	ssyncset.done $0x0  }
0x9c: {  	[sflag:s30] =	ssyncadd.s32 $0xFFFFE000  }
0x9d: {  	_ =	swait.ge [sflag:s20], $0x2000  }
0x9e: {  	[sflag:s20] =	ssyncset.done $0x0  }
0x9f: {  	s24 =	simm.s32 $0x180;
	s23 =	simm.s32 @!p0 $0x6A00;
	[sflag:s20] =	ssyncadd.s32 $0xFFFFE000  }
0xa0: {  	[tilespmem:s23], [sflag:$0x3] =	stream.indirect.gather @!p0 [hbm4b:s1+s9], $0x80, s24, s9, $0xb8;
	[tilespmem:$0x1EA00] =	vst v63  }
0xa1: {  	s9 =	sand.u32 @!p0 $0x7C00, s24  }
0xa2: {  	s23 =	sand.u32 @!p0 $0x380, s24;
	s9 =	sadd.s32 @!p0 s4, s9  }
0xa3: {  	s9 =	sor.u32 @!p0 s23, s9  }
0xa4: {  	s9 =	sshrl.u32 @!p0 s9, $0x3  }
0xa5: {  	s23 =	simm.s32 @!p0 $0x2900;
	s9 =	sadd.s32 @!p0 s6, s9  }
0xa6: {  	[tilespmem:s23], [sflag:$0x7] =	stream.linear.gather @!p0 [hbm4b:s9+s25], $0x40, $0x38;
	[tilespmem:$0x1EA00] =	vst v63  }
0xa7: {  	_ =	swait.ge [sflag:s21], $0x40  }
0xa8: {  	[sflag:s21] =	ssyncset.done $0x0  }
0xa9: {  	s25 =	simm.s32 $0x280;
	[sflag:s21] =	ssyncadd.s32 $0xFFFFFFC0  }
0xaa: {  	[spmem:s3] =	stream.indirect.scatter.add.f32 [tilespmem:s12], [sflag:$0x9], $0x80, s14, s31, $0xb8;
	[tilespmem:$0x1EA00] =	vst v63  }
.LBB2_4:
0xab: {  	_ =	swait.ge [sflag:s30], $0x2000  }
0xac: {  	s24 =	sadd.s32 $0x100, s24;
	s28 =	smov.u32 s25;
	s25 =	sadd.s32 $0x100, s25  }
0xad: {  	s9 =	sadd.s32 $0xFFFFFE80, s28;
	p0 =	sne.s32 s25, $0x2980;
	[sflag:s30] =	ssyncset.done $0x0  }
0xae: {  	s23 =	sadd.s32 $0xFFFFFF00, s28;
	s9 =	sand.u32 $0x3C00, s9;
	[sflag:s30] =	ssyncadd.s32 $0xFFFFE000  }
0xaf: {  	s23 =	sand.u32 $0x380, s23;
	s9 =	sadd.s32 s4, s9  }
0xb0: {  	_ =	swait.ge [sflag:s10], $0x2000;
	s9 =	sor.u32 s9, s23  }
0xb1: {  	s23 =	sadd.s32 $0xFFFFFF40, s24;
	[sflag:s10] =	ssyncset.done $0x0;
	s9 =	sshrl.u32 s9, $0x3  }
0xb2: {  	[sflag:s10] =	ssyncadd.s32 $0xFFFFE000;
	s9 =	sadd.s32 s9, s17  }
0xb3: {  	[tilespmem:s12], [sflag:$0x4] =	stream.indirect.gather [hbm4b:s1+s31], $0x80, s23, s31, $0xb8;
	[tilespmem:$0x1EA00] =	vst v63  }
0xb4: {  	_ = 	snop  }
0xb5: {  	[tilespmem:s14], [sflag:$0x8] =	stream.linear.gather [hbm4b:s9+s5], $0x40, $0x38;
	[tilespmem:$0x1EA00] =	vst v63  }
0xb6: {  	_ =	swait.ge [sflag:s16], $0x40  }
0xb7: {  	[sflag:s16] =	ssyncset.done $0x0  }
0xb8: {  	[sflag:s16] =	ssyncadd.s32 $0xFFFFFFC0  }
0xb9: {  	[spmem:s3] =	stream.indirect.scatter.add.f32 [tilespmem:s29], [sflag:$0x9], $0x80, s2, s31, $0xb8;
	[tilespmem:$0x1EA00] =	vst v63  }
0xba: {  	_ =	swait.ge [sflag:s30], $0x2000  }
0xbb: {  	[sflag:s30] =	ssyncset.done $0x0  }
0xbc: {  	p1 =	seq.s32 s28, $0x2880;
	[sflag:s30] =	ssyncadd.s32 $0xFFFFE000  }
0xbd: {  	s23 =	simm.s32 @p1 $0x2880;
	s9 =	simm.s32 @p1 $0x6;
	_ =	swait.ge [sflag:s18], $0x2000  }
0xbe: {  	s11 =	sadd.s32 @!p1 $0xFFFFFF80, s28;
	[sflag:s18] =	ssyncset.done $0x0  }
0xbf: {  	s13 =	simm.s32 @p1 $0x4A00;
	s15 =	sand.u32 @!p1 $0x7C00, s11;
	[sflag:s18] =	ssyncadd.s32 $0xFFFFE000  }
0xc0: {  	s7 =	simm.s32 @p1 $0x40;
	s26 =	simm.s32 @!p1 $0x40;
	_ =	swait.ge @p1 [sflag:s9], $0x40  }
0xc1: {  	s22 =	simm.s32 @p1 $0x9;
	s15 =	sadd.s32 @!p1 s4, s15;
	[sflag:s9] =	ssyncset.done @p1 $0x0  }
0xc2: {  	[sflag:s9] =	ssyncadd.s32 @p1 $0xFFFFFFC0;
	s9 =	sand.u32 @!p1 $0x300, s11;
	s11 =	sand.u32 @!p1 $0x7C00, s28  }
0xc3: {  	[spmem:s3] =	stream.indirect.scatter.add.f32 @p1 [tilespmem:s13], [sflag:$0x9], $0x80, s23, s7, $0xb8;
	[tilespmem:$0x1EA00] =	vst v63  }
0xc4: {  	s7 =	simm.s32 @p1 $0x3;
	s9 =	sor.u32 @!p1 s9, s15;
	_ =	swait.ge @p1 [sflag:s22], $0x2000  }
0xc5: {  	s11 =	sadd.s32 @!p1 s4, s11;
	s9 =	sshrl.u32 @!p1 s9, $0x3;
	[sflag:s22] =	ssyncset.done @p1 $0x0  }
0xc6: {  	s13 =	simm.s32 @!p1 $0x2A00;
	s15 =	sand.u32 @!p1 $0x380, s28;
	[sflag:s22] =	ssyncadd.s32 @p1 $0xFFFFE000  }
0xc7: {  	s11 =	sor.u32 @!p1 s15, s11;
	s22 =	sadd.s32 @!p1 $0xFFFFFF80, s24;
	_ =	swait.ge @p1 [sflag:s7], $0x2000  }
0xc8: {  	s15 =	simm.s32 @!p1 $0x6;
	s11 =	sshrl.u32 @!p1 s11, $0x3;
	[sflag:s7] =	ssyncset.done @p1 $0x0  }
0xc9: {  	s28 =	simm.s32 @!p1 $0x0;
	[sflag:s7] =	ssyncadd.s32 @p1 $0xFFFFE000;
	s7 =	simm.s32 @!p1 $0x2800  }
0xca: {  	[tilespmem:s13], [sflag:$0x1] =	stream.indirect.gather @!p1 [hbm4b:s1+s26], $0x80, s22, s26, $0xb8;
	[tilespmem:$0x1EA00] =	vst v63  }
0xcb: {  	s11 =	sadd.s32 @!p1 s6, s11;
	s13 =	sadd.s32 @!p1 s6, s9;
	s9 =	sadd.s32 @!p1 s9, s17  }
0xcc: {  	[tilespmem:s7], [sflag:$0x5] =	stream.linear.gather @!p1 [hbm4b:s13+s28], $0x40, $0x38;
	[tilespmem:$0x1EA00] =	vst v63  }
0xcd: {  	s7 =	simm.s32 @!p1 $0x2880;
	s13 =	simm.s32 @!p1 $0x4A00;
	_ =	swait.ge @!p1 [sflag:s15], $0x40  }
0xce: {  	s22 =	simm.s32 @!p1 $0x9;
	[sflag:s15] =	ssyncset.done @!p1 $0x0  }
0xcf: {  	[sflag:s15] =	ssyncadd.s32 @!p1 $0xFFFFFFC0  }
0xd0: {  	[spmem:s3] =	stream.indirect.scatter.add.f32 @!p1 [tilespmem:s13], [sflag:$0x9], $0x80, s7, s26, $0xb8;
	[tilespmem:$0x1EA00] =	vst v63  }
0xd1: {  	s15 =	simm.s32 @!p1 $0x3;
	_ =	swait.ge @!p1 [sflag:s22], $0x2000  }
0xd2: {  	[sflag:s22] =	ssyncset.done @!p1 $0x0  }
0xd3: {  	[sflag:s22] =	ssyncadd.s32 @!p1 $0xFFFFE000  }
0xd4: {  	s22 =	sadd.s32 @!p1 $0xFFFFFFC0, s24;
	_ =	swait.ge @!p1 [sflag:s15], $0x2000  }
0xd5: {  	[sflag:s15] =	ssyncset.done @!p1 $0x0  }
0xd6: {  	[sflag:s15] =	ssyncadd.s32 @!p1 $0xFFFFE000  }
0xd7: {  	[tilespmem:s13], [sflag:$0x2] =	stream.indirect.gather @!p1 [hbm4b:s1+s26], $0x80, s22, s26, $0xb8;
	[tilespmem:$0x1EA00] =	vst v63  }
0xd8: {  	_ = 	snop  }
0xd9: {  	[tilespmem:s7], [sflag:$0x6] =	stream.linear.gather @!p1 [hbm4b:s9+s28], $0x40, $0x38;
	[tilespmem:$0x1EA00] =	vst v63  }
0xda: {  	_ =	swait.ge [sflag:s19], $0x40  }
0xdb: {  	[sflag:s19] =	ssyncset.done $0x0  }
0xdc: {  	[sflag:s19] =	ssyncadd.s32 $0xFFFFFFC0  }
0xdd: {  	[spmem:s3] =	stream.indirect.scatter.add.f32 [tilespmem:s0], [sflag:$0x9], $0x80, s8, s31, $0xb8;
	[tilespmem:$0x1EA00] =	vst v63  }
0xde: {  	_ =	swait.ge [sflag:s30], $0x2000  }
0xdf: {  	[sflag:s30] =	ssyncset.done $0x0  }
0xe0: {  	[sflag:s30] =	ssyncadd.s32 $0xFFFFE000  }
0xe1: {  	_ =	swait.ge [sflag:s20], $0x2000  }
0xe2: {  	[sflag:s20] =	ssyncset.done $0x0  }
0xe3: {  	s7 =	simm.s32 @!p1 $0x6A00;
	[sflag:s20] =	ssyncadd.s32 $0xFFFFE000  }
0xe4: {  	[tilespmem:s7], [sflag:$0x3] =	stream.indirect.gather @!p1 [hbm4b:s1+s26], $0x80, s24, s26, $0xb8;
	[tilespmem:$0x1EA00] =	vst v63  }
0xe5: {  	s7 =	simm.s32 @!p1 $0x2900  }
0xe6: {  	[tilespmem:s7], [sflag:$0x7] =	stream.linear.gather @!p1 [hbm4b:s11+s28], $0x40, $0x38;
	[tilespmem:$0x1EA00] =	vst v63  }
.Ltmp1:
0xe7: {  	_ = 	snop;
	(pc) =	sbr.rel @p0 .LBB2_4-.Ltmp1, $4  }
0xe8: {  	_ =	swait.ge [sflag:s21], $0x40  }
0xe9: {  	[sflag:s21] =	ssyncset.done $0x0  }
0xea: {  	[sflag:s21] =	ssyncadd.s32 $0xFFFFFFC0  }
0xeb: {  	[spmem:s3] =	stream.indirect.scatter.add.f32 [tilespmem:s12], [sflag:$0x9], $0x80, s14, s31, $0xb8;
	[tilespmem:$0x1EA00] =	vst v63  }
0xec: {  	_ =	swait.ge [sflag:s30], $0x2000  }
0xed: {  	[sflag:s30] =	ssyncset.done $0x0  }
0xee: {  	[sflag:s30] =	ssyncadd.s32 $0xFFFFE000  }
0xef: {  	s7 =	stileid.u32;
	[bflag:$0x0] =	sbarrier.arrive $0xFFFF  }
0xf0: {  	s7 =	sshll.u32 s7, $0x6;
	s13 =	rddreg [dreg:$0x4]  }
0xf1: {  	s7 =	sor.u32 $0x1C09, s7;
	s11 =	rddreg [dreg:$0xe];
	s9 =	sshrl.u32 s13, $0x3  }
0xf2: {  	[hbm:s11], [sflag:s7] =	dma.local [spmem:s9], $0x800  }
0xf3: {  	_ =	swait.ge [sflag:s30], $0x800  }
0xf4: {  	[sflag:s30] =	ssyncset.done $0x0;
	s11 =	rddreg [dreg:$0x6]  }
0xf5: {  	s15 =	rddreg [dreg:$0xf];
	[sflag:s30] =	ssyncadd.s32 $0xFFFFF800;
	s25 =	sshrl.u32 s11, $0x3  }
0xf6: {  	[hbm:s15], [sflag:s7] =	dma.local [spmem:s25], $0x800  }
0xf7: {  	_ =	swait.ge [sflag:s30], $0x800  }
0xf8: {  	[sflag:s30] =	ssyncset.done $0x0;
	s22 =	rddreg [dreg:$0x8]  }
0xf9: {  	s28 =	rddreg [dreg:$0x10];
	[sflag:s30] =	ssyncadd.s32 $0xFFFFF800;
	s26 =	sshrl.u32 s22, $0x3  }
0xfa: {  	[hbm:s28], [sflag:s7] =	dma.local [spmem:s26], $0x800  }
0xfb: {  	_ =	swait.ge [sflag:s30], $0x800  }
0xfc: {  	[sflag:s30] =	ssyncset.done $0x0;
	s23 =	rddreg [dreg:$0xa]  }
0xfd: {  	s24 =	rddreg [dreg:$0x11];
	[sflag:s30] =	ssyncadd.s32 $0xFFFFF800;
	s15 =	sshrl.u32 s23, $0x3  }
0xfe: {  	[hbm:s24], [sflag:s7] =	dma.local [spmem:s15], $0x800  }
0xff: {  	_ =	swait.ge [sflag:s30], $0x800  }
0x100: {  	[sflag:s30] =	ssyncset.done $0x0;
	s15 =	rddreg [dreg:$0xc]  }
0x101: {  	s24 =	rddreg [dreg:$0x12];
	[sflag:s30] =	ssyncadd.s32 $0xFFFFF800;
	s25 =	sshrl.u32 s15, $0x3  }
0x102: {  	[hbm:s24], [sflag:s7] =	dma.local [spmem:s25], $0x800  }
0x103: {  	_ =	swait.ge [sflag:s30], $0x800  }
0x104: {  	s26 =	rddreg [dreg:$0x18]  }
0x105: {  	s28 =	rddreg [dreg:$0x15];
	s9 =	sadd.s32 $0x1, s26  }
0x106: {  	p0 =	sne.s32 s9, s28  }
.Ltmp2:
0x107: {  	_ = 	snop;
	(pc) =	sbr.rel @p0 .LBB2_1-.Ltmp2, $3  }
0x108: {  	_ =	sdelay $0x1  }
0x109: {  	[sflag:s30] =	ssyncset.done $0x0  }
0x10a: {  	[sflag:s30] =	ssyncadd.s32 $0xFFFFF800  }
0x10b: {  	_ =	sfence.sel $0x180000  }
0x10c: {  	[bflag:$0x0] =	sbarrier.arrive $0xFFFF  }
0x10d: {  	_ =	strace $0x90000047  }
0x10e: {  	s0 =	stileid.u32;
	[bflag:$0x2] =	sbarrier.arrive $0xFFFF  }
0x10f: {  	p0 =	sne.s32 s0, $0x0;
	s0 =	rddreg [dreg:$0x3]  }
0x110: {  	s0 =	sadd.s32 @!p0 $0x100000, s0  }
0x111: {  	[sflag:s0] =	ssyncadd.tile.s32 @!p0 $0x1;
	_ =	shalt  }
.Lfunc_end2:
_tile_overlayer_lowered:
.L_overlay_start_2:
0x112: {  	(tag) =	ssettag $0x2  }
0x113: {  	s0 =	rddreg [dreg:$0x0];
	s2 =	stileid.u32  }
0x114: {  	s1 =	rddreg [dreg:$0x1];
	p0 =	sne.s32 s2, $0x0  }
0x115: {  	s3 =	rddreg [dreg:$0x2];
	[bflag:$0x3] =	sbarrier.arrive $0xFFFF;
	s2 =	simm.s32 @!p0 $0x1C09  }
0x116: {  	[timem:s3], [sflag:s2] =	dma.local @!p0 [hbm:s0], s1  }
0x117: {  	s0 =	simm.s32 @!p0 $0x9  }
0x118: {  	_ =	swait.ge @!p0 [sflag:s0], s1  }
0x119: {  	s1 =	ssub.s32 @!p0 $0x0, s1;
	[sflag:s0] =	ssyncset.done @!p0 $0x0  }
0x11a: {  	[sflag:s0] =	ssyncadd.s32 @!p0 s1  }
0x11b: {  	[bflag:$0x3] =	sbarrier.arrive $0xFFFF  }
0x11c: {  	_ =	shalt  }

// kernel: kernel.17.cloned.1.call-start
scs
__scs_entry_jumppad:
0x0: {  	(pc) =	sbr.rel $0x88, $3  }
0x1: {  	(tag) =	ssettag $0x0;
	lr =	simm.s32 $0x1  }
0x2: {  	[smem:$0x3F8D] =	sst lr;
	_ =	strace $0xD0000000  }
0x3: {  	_ = 	snop  }
0x4: {  	_ = 	snop  }
0x5: {  	_ = 	snop  }
0x6: {  	_ = 	snop  }
0x7: {  	_ = 	snop  }
__scs_overlays_trampoline_lowered:
0x8: {  	[smem:$0x3F9C] =	sst s0  }
0x9: {  	[smem:$0x3F9D] =	sst s1  }
0xa: {  	[smem:$0x3F9E] =	sst s2  }
0xb: {  	[smem:$0x3F9F] =	sst s3  }
0xc: {  	[smem:$0x3FA0] =	sst s4  }
0xd: {  	[smem:$0x3FA1] =	sst s5  }
0xe: {  	[smem:$0x3FA2] =	sst s6  }
0xf: {  	[smem:$0x3FA3] =	sst s7  }
0x10: {  	[smem:$0x3FA4] =	sst s8  }
0x11: {  	[smem:$0x3FA5] =	sst s9;
	s0 =	simm.s32 @!p0 $0x0  }
0x12: {  	s1 =	sld [smem:$0x3F8B];
	s0 =	simm.s32 @p0 $0x1  }
0x13: {  	[smem:$0x3FA6] =	sst s0;
	s0 =	simm.s32 @!p1 $0x0  }
0x14: {  	s2 =	sld [smem:$0x3F8A];
	s0 =	simm.s32 @p1 $0x1  }
0x15: {  	[smem:$0x3FA7] =	sst s0;
	s0 =	simm.s32 @!p2 $0x0  }
0x16: {  	s3 =	sld [smem:$0x3FDB];
	s0 =	simm.s32 @p2 $0x1  }
0x17: {  	s4 =	simm.s32 $0x1BF5;
	[smem:$0x3FA9] =	sst s0  }
0x18: {  	s0 =	sld [smem:$0x3F8C];
	_ =	swait.ge [sflag:s4], $0x0  }
0x19: {  	s7 =	sld [smem:$0x3F8D]  }
0x1a: {  	s8 =	sadd.s32 $0xFFFFE003, lr  }
0x1b: {  	s9 =	sadd.s32 $0xFFFFFEF7, lr;
	s5 =	simm.s32 $0xFFFFFFFF;
	p2 =	slt.u32 s8, $0xFFFFF086  }
0x1c: {  	p1 =	slt.u32 s9, $0xF7A;
	s5 =	simm.s32 @!p2 $0x0  }
0x1d: {  	s5 =	simm.s32 @p1 $0x1;
	p0 =	seq.s32 s7, s2  }
0x1e: {  	s7 =	smul.u32 @!p0 $0xF7A, s2;
	p2 =	seq.s32 @!p0 s5, $0x0  }
0x1f: {  	s9 =	smul.u32 $0xF7A, s1;
	s8 =	simm.s32 @!p0 $0x1BF5;
	p2 =	por !p2, p0  }
0x20: {  	[sflag:s8] =	ssyncset.s32 @!p0 $0xFFFFF086;
	s6 =	sadd.s32 @!p0 s3, s7;
	s7 =	simm.s32 @!p0 $0x108  }
0x21: {  	s3 =	sadd.s32 s3, s9;
	s6 =	sadd.s32 @!p0 $0x88, s6;
	s7 =	simm.s32 @p2 $0x1082  }
0x22: {  	[simem:s7], [sflag:s8] =	dma.local @!p0 [hbm:s6], $0xF7A  }
0x23: {  	s9 =	sor.u32 $0xD0000000, s2;
	s6 =	simm.s32 $0x108;
	_ =	swait.ge @!p0 [sflag:s8], $0x0  }
0x24: {  	s3 =	sadd.s32 $0x88, s3;
	s6 =	simm.s32 @!p1 $0x1082;
	[sflag:s4] =	ssyncset.s32 $0xFFFFF086  }
0x25: {  	[simem:s6], [sflag:s4] =	dma.local [hbm:s3], $0xF7A  }
0x26: {  	[smem:$0x3F8D] =	sst s1;
	(tag) =	ssettag s2;
	_ =	strace s9  }
0x27: {  	s1 =	sld [smem:$0x3F9D]  }
0x28: {  	s2 =	sld [smem:$0x3F9E]  }
0x29: {  	s4 =	sld [smem:$0x3FA0]  }
0x2a: {  	p0 =	seq.s32 s5, $0x0;
	s5 =	sld [smem:$0x3FA1]  }
0x2b: {  	s6 =	sld [smem:$0x3FA2]  }
0x2c: {  	s7 =	sld [smem:$0x3FA3]  }
0x2d: {  	s3 =	simm.s32 $0x108;
	s8 =	sld [smem:$0x3FA4]  }
0x2e: {  	s3 =	simm.s32 @!p0 $0x1082;
	s9 =	sld [smem:$0x3FA5]  }
0x2f: {  	lr =	sadd.s32 s0, s3;
	s0 =	sld [smem:$0x3F9C]  }
0x30: {  	s3 =	sld [smem:$0x3F9F]  }
0x31: {  	[smem:$0x3FA8] =	sst s10  }
0x32: {  	s10 =	sld [smem:$0x3FA6];
	_ =	sdelay $0x3  }
0x33: {  	p0 =	seq.s32 s10, $0x1;
	s10 =	sld [smem:$0x3FA8];
	_ =	sdelay $0x3  }
0x34: {  	[smem:$0x3FA8] =	sst s10  }
0x35: {  	s10 =	sld [smem:$0x3FA7];
	_ =	sdelay $0x3  }
0x36: {  	p1 =	seq.s32 s10, $0x1;
	s10 =	sld [smem:$0x3FA8];
	_ =	sdelay $0x3  }
0x37: {  	[smem:$0x3FA8] =	sst s10  }
0x38: {  	s10 =	sld [smem:$0x3FA9]  }
0x39: {  	_ = 	snop;
	(pc) =	sbr.ind lr, $3  }
0x3a: {  	_ = 	snop  }
0x3b: {  	_ = 	snop  }
0x3c: {  	p2 =	seq.s32 s10, $0x1;
	s10 =	sld [smem:$0x3FA8]  }
0x3d: {  	_ =	shalt  }
0x3e: {  	_ =	shalt  }
0x3f: {  	_ =	shalt  }
0x40: {  	_ =	shalt  }
0x41: {  	_ =	shalt  }
0x42: {  	_ =	shalt  }
0x43: {  	_ =	shalt  }
0x44: {  	_ =	shalt  }
0x45: {  	_ =	shalt  }
0x46: {  	_ =	shalt  }
0x47: {  	_ =	shalt  }
0x48: {  	_ =	shalt  }
0x49: {  	_ =	shalt  }
0x4a: {  	_ =	shalt  }
0x4b: {  	_ =	shalt  }
0x4c: {  	_ =	shalt  }
0x4d: {  	_ =	shalt  }
0x4e: {  	_ =	shalt  }
0x4f: {  	_ =	shalt  }
0x50: {  	_ =	shalt  }
0x51: {  	_ =	shalt  }
0x52: {  	_ =	shalt  }
0x53: {  	_ =	shalt  }
0x54: {  	_ =	shalt  }
0x55: {  	_ =	shalt  }
0x56: {  	_ =	shalt  }
0x57: {  	_ =	shalt  }
0x58: {  	_ =	shalt  }
0x59: {  	_ =	shalt  }
0x5a: {  	_ =	shalt  }
0x5b: {  	_ =	shalt  }
0x5c: {  	_ =	shalt  }
0x5d: {  	_ =	shalt  }
0x5e: {  	_ =	shalt  }
0x5f: {  	_ =	shalt  }
0x60: {  	_ =	shalt  }
0x61: {  	_ =	shalt  }
0x62: {  	_ =	shalt  }
0x63: {  	_ =	shalt  }
0x64: {  	_ =	shalt  }
0x65: {  	_ =	shalt  }
0x66: {  	_ =	shalt  }
0x67: {  	_ =	shalt  }
0x68: {  	_ =	shalt  }
0x69: {  	_ =	shalt  }
0x6a: {  	_ =	shalt  }
0x6b: {  	_ =	shalt  }
0x6c: {  	_ =	shalt  }
0x6d: {  	_ =	shalt  }
0x6e: {  	_ =	shalt  }
0x6f: {  	_ =	shalt  }
0x70: {  	_ =	shalt  }
0x71: {  	_ =	shalt  }
0x72: {  	_ =	shalt  }
0x73: {  	_ =	shalt  }
0x74: {  	_ =	shalt  }
0x75: {  	_ =	shalt  }
0x76: {  	_ =	shalt  }
0x77: {  	_ =	shalt  }
0x78: {  	_ =	shalt  }
0x79: {  	_ =	shalt  }
0x7a: {  	_ =	shalt  }
0x7b: {  	_ =	shalt  }
0x7c: {  	_ =	shalt  }
0x7d: {  	_ =	shalt  }
0x7e: {  	_ =	shalt  }
0x7f: {  	_ =	shalt  }
0x80: {  	_ =	shalt  }
0x81: {  	_ =	shalt  }
0x82: {  	_ =	shalt  }
0x83: {  	_ =	shalt  }
0x84: {  	_ =	shalt  }
0x85: {  	_ =	shalt  }
0x86: {  	_ =	shalt  }
0x87: {  	_ =	shalt  }
.Lfunc_end0:
.L_simem_size_0:
called_computation.2_lowered:
.L_overlay_start_0:
0x88: {  	s2 =	sld [smem:$0x3FD9]  }
0x89: {  	s3 =	sld [smem:$0x3FFE];
	_ =	sdelay $0x1  }
0x8a: {  	s1 =	srdreg.scid  }
0x8b: {  	s0 =	sand.u32 $0x1, s1  }
0x8c: {  	s16 =	sshll.u32 s0, $0xA;
	s2 =	sadd.s32 s3, s2  }
0x8d: {  	s2 =	sadd.s32 s2, s16  }
0x8e: {  	[smem:$0x3FB4] =	sst s2  }
0x8f: {  	_ = 	snop  }
0x90: {  	(tm) =	ssettm $0x1  }
0x91: {  	s17 =	sld [smem:$0x3FFB];
	_ =	sdelay $0x3  }
0x92: {  	_ =	strace s17  }
0x93: {  	s2 =	sld [smem:$0x3FFC];
	_ =	sdelay $0x3  }
0x94: {  	_ =	strace s2  }
0x95: {  	s2 =	sld [smem:$0x3FFD];
	_ =	sdelay $0x3  }
0x96: {  	_ =	strace s2  }
0x97: {  	_ =	strace $0x8FFFFFFF  }
0x98: {  	s18 =	sld [smem:$0x3FDB];
	_ =	sdelay $0x1  }
0x99: {  	s19 =	simm.s32 $_scs_section_size  }
0x9a: {  	s4 =	simm.s32 $_size__tile_overlayer_lowered;
	s5 =	simm.s32 $_tile_overlayer_lowered  }
0x9b: {  	s22 =	simm.s32 $0x1BFF;
	s21 =	sshll.u32 s5, $0x1;
	s2 =	sadd.s32 s19, s18  }
0x9c: {  	s6 =	simm.s32 $0x0;
	s20 =	sshll.u32 s4, $0x1;
	s4 =	sadd.s32 s21, s2  }
0x9d: {  	[timem:s6], [sflag:s22] =	dma.local [hbm:s4], s20  }
0x9e: {  	_ =	swait.ge [sflag:s22], s20  }
0x9f: {  	s3 =	ssub.s32 $0x0, s20;
	[sflag:s22] =	ssyncset.done $0x0  }
0xa0: {  	[sflag:s22] =	ssyncadd.s32 s3;
	_ =	sdelay $0x1  }
0xa1: {  	s23 =	simm.s32 $0x1B8B  }
0xa2: {  	_ =	swait.ge [sflag:s23], $0x1  }
0xa3: {  	[sflag:s23] =	ssyncset.done $0x0  }
0xa4: {  	s25 =	simm.s32 $0x1B8E;
	s24 =	sld [smem:$0x3FFE];
	[sflag:s23] =	ssyncadd.s32 $0xFFFFFFFF  }
0xa5: {  	s26 =	simm.s32 $execute0_lowered;
	[smem:$0x3FD2] =	sst s25  }
0xa6: {  	s4 =	sshll.u32 s26, $0x1;
	_ =	strace $0x8000004C;
	[dreg:$0x1] =	wrdreg $0xFFFFFFFF  }
0xa7: {  	s28 =	simm.s32 $_size_execute0_lowered;
	s2 =	sadd.s32 s2, s4;
	[dreg:$0x0] =	wrdreg $0x0  }
0xa8: {  	s4 =	sshll.u32 s28, $0x1;
	[dreg:$0x2] =	wrdreg s2  }
0xa9: {  	[dreg:$0x3] =	wrdreg s4  }
0xaa: {  	[dreg:$0x4] =	wrdreg $0xC0  }
0xab: {  	_ =	task [dreg:s6], $0x5FFFF  }
0xac: {  	[dreg:$0x1] =	wrdreg $0xFFFFFFFF  }
0xad: {  	[dreg:$0x0] =	wrdreg $0x60  }
0xae: {  	[dreg:$0x2] =	wrdreg s24  }
0xaf: {  	[dreg:$0x3] =	wrdreg $0xAA000  }
0xb0: {  	[dreg:$0x4] =	wrdreg $0x9  }
0xb1: {  	_ =	task.clear_ibuf [dreg:s6], $0x5FFFF;
	_ =	strace $0x9000004C  }
0xb2: {  	s29 =	simm.s32 $0x9;
	_ =	strace $0x8000004E  }
0xb3: {  	_ =	swait.ge [sflag:s29], $0x1  }
0xb4: {  	[sflag:s29] =	ssyncadd.s32 $0xFFFFFFFF  }
0xb5: {  	_ =	strace $0x9000004E  }
0xb6: {  	_ =	sfence  }
0xb7: {  	s30 =	sld [smem:$0x0];
	_ =	sdelay $0x2  }
0xb8: {  	s31 =	sshll.u32 s1, $0xD;
	s1 =	sshrl.u32 s1, $0x2  }
0xb9: {  	s3 =	sand.u32 $0x4000, s31;
	s1 =	sadd.s32 s1, s30  }
0xba: {  	s0 =	sor.u32 s3, s0;
	s1 =	sshll.u32 s1, $0x11  }
0xbb: {  	s0 =	sor.u32 s1, s0  }
0xbc: {  	s0 =	sadd.s32 $0x8F2B, s0  }
0xbd: {  	[sflag:s0] =	ssyncadd.remote.s32 $0x1  }
0xbe: {  	_ =	sfence.sel $0xFFFF  }
0xbf: {  	[dreg:$0x0] =	wrdreg $0xFFFFFFFF;
	(pc) =	sbr.abs _section_cstart, $3  }
0xc0: {  	[dreg:$0x1] =	wrdreg $0xFFFFFFFF  }
0xc1: {  	_ =	task.clear_ibuf [dreg:s6], $0x2FFFF;
	_ =	strace $0x9FFFFFFF  }
0xc2: {  	(tm) =	ssettm $0x7FFFFFFF  }
0xc3: {  	_ =	shalt  }
tec
execute0_lowered:
.L_overlay_start_1:
0x0: {  	(tag) =	ssettag $0x1  }
0x1: {  	s0 =	srdreg.scid  }
0x2: {  	s1 =	rddreg [dreg:$0x0];
	s11 =	stileid.u32  }
0x3: {  	s2 =	rddreg [dreg:$0x1];
	s29 =	simm.s32 $0x2A00;
	s30 =	simm.s32 $0x9  }
0x4: {  	s31 =	simm.s32 $0x40;
	s0 =	sand.u32 $0x1, s0;
	s7 =	smul.u32 $0x50000, s11  }
0x5: {  	s5 =	sadd.s32 $0x18800, s1;
	s6 =	sadd.s32 $0x4800, s1;
	s12 =	smul.u32 $0x14000, s11  }
0x6: {  	s14 =	sadd.s32 $0x3FA00, s1;
	s3 =	sshll.u32 s0, $0x4;
	s9 =	ssub.s32 $0x2, s0  }
0x7: {  	s0 =	smul.u32 $0x140000, s0;
	s4 =	sor.u32 s11, s3;
	s3 =	simm.s32 $0x0  }
0x8: {  	s7 =	sshrl.u32 s7, $0x2;
	s23 =	sshrl.u32 s9, $0x1;
	s15 =	sadd.s32 $0x4000, s12  }
0x9: {  	s17 =	sadd.s32 $0x8000, s12;
	s18 =	sadd.s32 $0xC000, s12;
	s19 =	sadd.s32 $0x10000, s12  }
0xa: {  	s4 =	smul.u32 $0x2800, s4;
	[smem:$0x7FF] =	sst s3;
	s13 =	sadd.s32 s7, s2  }
0xb: {  	s16 =	ssub.s32 s9, s23;
	s11 =	sadd.s32 s15, s2;
	s22 =	sadd.s32 s17, s2  }
0xc: {  	s23 =	sadd.s32 s18, s2;
	s12 =	sadd.s32 s12, s0;
	s20 =	sadd.s32 s0, s15  }
0xd: {  	s21 =	sadd.s32 s0, s17;
	_ =	strace $0x8000004D;
	[dreg:$0x3] =	wrdreg s13  }
0xe: {  	s18 =	sadd.s32 s0, s18;
	s0 =	sadd.s32 s0, s19;
	[dreg:$0x5] =	wrdreg s11  }
0xf: {  	s15 =	sadd.s32 s19, s2;
	s17 =	sadd.s32 $0x4808, s1;
	[dreg:$0x7] =	wrdreg s22  }
0x10: {  	s7 =	sadd.s32 $0x2000, s13;
	s24 =	sadd.s32 $0x6000, s13;
	[dreg:$0x9] =	wrdreg s23  }
0x11: {  	s25 =	sadd.s32 $0xA000, s13;
	s26 =	sadd.s32 $0xE000, s13;
	[dreg:$0xb] =	wrdreg s15  }
0x12: {  	s9 =	sshrl.u32 s12, $0x3;
	s12 =	sshrl.u32 s20, $0x3;
	[dreg:$0x4] =	wrdreg s7  }
0x13: {  	s19 =	sshrl.u32 s21, $0x3;
	s20 =	sshrl.u32 s18, $0x3;
	[dreg:$0x6] =	wrdreg s24  }
0x14: {  	s0 =	sshrl.u32 s0, $0x3;
	s18 =	simm.s32 $0x2;
	[dreg:$0x8] =	wrdreg s25  }
0x15: {  	s8 =	sshrl.u32 s4, $0x3;
	[dreg:$0xa] =	wrdreg s26;
	s21 =	sadd.s32 s14, s20  }
0x16: {  	s0 =	sadd.s32 s14, s0;
	s26 =	smax.u32 s16, $0x1;
	[dreg:$0x10] =	wrdreg s21  }
0x17: {  	s16 =	simm.s32 $0x5;
	s20 =	simm.s32 $0x4;
	[dreg:$0x11] =	wrdreg s0  }
0x18: {  	s10 =	sadd.s32 s8, s1;
	s1 =	sadd.s32 s14, s12;
	[dreg:$0x14] =	wrdreg s26  }
0x19: {  	s24 =	sadd.s32 s6, s8;
	s25 =	sadd.s32 s8, s17;
	[dreg:$0xe] =	wrdreg s1  }
0x1a: {  	s8 =	simm.s32 $0x2900;
	s12 =	simm.s32 $0x8A00;
	[dreg:$0x13] =	wrdreg s25  }
0x1b: {  	s21 =	simm.s32 $0x8;
	s28 =	sadd.s32 $0xE800, s10;
	[dreg:$0x12] =	wrdreg s24  }
0x1c: {  	s10 =	sadd.s32 s14, s9;
	s1 =	sadd.s32 s14, s19;
	[dreg:$0xc] =	wrdreg s28  }
0x1d: {  	s0 =	sadd.s32 $0x10, s24;
	s14 =	simm.s32 $0x2980;
	[dreg:$0xd] =	wrdreg s10  }
0x1e: {  	s19 =	simm.s32 $0x7;
	s9 =	simm.s32 $0x0;
	[dreg:$0xf] =	wrdreg s1  }
0x1f: {  	s28 =	sadd.s32 $0x12000, s13;
	[dreg:$0x16] =	wrdreg s0;
	s1 =	simm.s32 $0x2800  }
0x20: {  	v0 =	vimm.f32 $0.0e+00;
	s0 =	simm.s32 $0x6A00;
	s10 =	simm.s32 $0x1;
	[dreg:$0x15] =	wrdreg s28  }
.LBB2_1:
0x21: {  	[dreg:$0x17] =	wrdreg s9;
	s24 =	simm.s32 $0x0;
	s25 =	simm.s32 $0x200  }
.LBB2_2:
0x22: {  	p0 =	sne.s32 s25, $0x7E00;
	[tilespmem:s24+$0x2A70] =	vst v0  }
0x23: {  	[tilespmem:s24+$0x2A00] =	vst v0  }
0x24: {  	[tilespmem:s24+$0x2A10] =	vst v0  }
.Ltmp0:
0x25: {  	[tilespmem:s24+$0x2A20] =	vst v0;
	(pc) =	sbr.rel @p0 .LBB2_2-.Ltmp0, $4  }
0x26: {  	[tilespmem:s24+$0x2A30] =	vst v0  }
0x27: {  	[tilespmem:s24+$0x2A40] =	vst v0  }
0x28: {  	[tilespmem:s24+$0x2A50] =	vst v0  }
0x29: {  	[tilespmem:s24+$0x2A60] =	vst v0;
	s24 =	sshra.s32 s25, $0x2;
	s25 =	sadd.s32 $0x200, s25  }
0x2a: {  	[tilespmem:s24+$0x2A70] =	vst v0  }
0x2b: {  	[tilespmem:s24+$0x2A00] =	vst v0  }
0x2c: {  	[tilespmem:s24+$0x2A10] =	vst v0  }
0x2d: {  	[tilespmem:s24+$0x2A20] =	vst v0  }
0x2e: {  	[tilespmem:s24+$0x2A30] =	vst v0  }
0x2f: {  	[tilespmem:s24+$0x2A40] =	vst v0  }
0x30: {  	[tilespmem:s24+$0x2A50] =	vst v0  }
0x31: {  	[tilespmem:s24+$0x2A60] =	vst v0  }
0x32: {  	[spmem:s13] =	stream.linear.scatter [tilespmem:s29], [sflag:$0x9], $0x2000, $0x38;
	[tilespmem:$0x1EA00] =	vst v63  }
0x33: {  	_ =	swait.ge [sflag:s30], $0x2000  }
0x34: {  	[sflag:s30] =	ssyncset.done $0x0  }
0x35: {  	s7 =	rddreg [dreg:$0x4];
	[sflag:s30] =	ssyncadd.s32 $0xFFFFE000  }
0x36: {  	[spmem:s7] =	stream.linear.scatter [tilespmem:s29], [sflag:$0x9], $0x2000, $0x38;
	[tilespmem:$0x1EA00] =	vst v63  }
0x37: {  	_ =	swait.ge [sflag:s30], $0x2000  }
0x38: {  	[sflag:s30] =	ssyncset.done $0x0  }
0x39: {  	[sflag:s30] =	ssyncadd.s32 $0xFFFFE000  }
0x3a: {  	[spmem:s11] =	stream.linear.scatter [tilespmem:s29], [sflag:$0x9], $0x2000, $0x38;
	[tilespmem:$0x1EA00] =	vst v63  }
0x3b: {  	_ =	swait.ge [sflag:s30], $0x2000  }
0x3c: {  	[sflag:s30] =	ssyncset.done $0x0  }
0x3d: {  	s26 =	rddreg [dreg:$0x6];
	[sflag:s30] =	ssyncadd.s32 $0xFFFFE000  }
0x3e: {  	[spmem:s26] =	stream.linear.scatter [tilespmem:s29], [sflag:$0x9], $0x2000, $0x38;
	[tilespmem:$0x1EA00] =	vst v63  }
0x3f: {  	_ =	swait.ge [sflag:s30], $0x2000  }
0x40: {  	[sflag:s30] =	ssyncset.done $0x0  }
0x41: {  	[sflag:s30] =	ssyncadd.s32 $0xFFFFE000  }
0x42: {  	[spmem:s22] =	stream.linear.scatter [tilespmem:s29], [sflag:$0x9], $0x2000, $0x38;
	[tilespmem:$0x1EA00] =	vst v63  }
0x43: {  	_ =	swait.ge [sflag:s30], $0x2000  }
0x44: {  	[sflag:s30] =	ssyncset.done $0x0  }
0x45: {  	s28 =	rddreg [dreg:$0x8];
	[sflag:s30] =	ssyncadd.s32 $0xFFFFE000  }
0x46: {  	[spmem:s28] =	stream.linear.scatter [tilespmem:s29], [sflag:$0x9], $0x2000, $0x38;
	[tilespmem:$0x1EA00] =	vst v63  }
0x47: {  	_ =	swait.ge [sflag:s30], $0x2000  }
0x48: {  	[sflag:s30] =	ssyncset.done $0x0  }
0x49: {  	[sflag:s30] =	ssyncadd.s32 $0xFFFFE000  }
0x4a: {  	[spmem:s23] =	stream.linear.scatter [tilespmem:s29], [sflag:$0x9], $0x2000, $0x38;
	[tilespmem:$0x1EA00] =	vst v63  }
0x4b: {  	_ =	swait.ge [sflag:s30], $0x2000  }
0x4c: {  	[sflag:s30] =	ssyncset.done $0x0  }
0x4d: {  	s9 =	rddreg [dreg:$0xa];
	[sflag:s30] =	ssyncadd.s32 $0xFFFFE000  }
0x4e: {  	[spmem:s9] =	stream.linear.scatter [tilespmem:s29], [sflag:$0x9], $0x2000, $0x38;
	[tilespmem:$0x1EA00] =	vst v63  }
0x4f: {  	_ =	swait.ge [sflag:s30], $0x2000  }
0x50: {  	[sflag:s30] =	ssyncset.done $0x0  }
0x51: {  	[sflag:s30] =	ssyncadd.s32 $0xFFFFE000  }
0x52: {  	[spmem:s15] =	stream.linear.scatter [tilespmem:s29], [sflag:$0x9], $0x2000, $0x38;
	[tilespmem:$0x1EA00] =	vst v63  }
0x53: {  	_ =	swait.ge [sflag:s30], $0x2000  }
0x54: {  	[sflag:s30] =	ssyncset.done $0x0  }
0x55: {  	s11 =	rddreg [dreg:$0x15];
	[sflag:s30] =	ssyncadd.s32 $0xFFFFE000  }
0x56: {  	[spmem:s11] =	stream.linear.scatter [tilespmem:s29], [sflag:$0x9], $0x2000, $0x38;
	[tilespmem:$0x1EA00] =	vst v63  }
0x57: {  	_ =	swait.ge [sflag:s30], $0x2000  }
0x58: {  	[sflag:s30] =	ssyncset.done $0x0  }
0x59: {  	[sflag:s30] =	ssyncadd.s32 $0xFFFFE000  }
0x5a: {  	[bflag:$0x0] =	sbarrier.arrive $0xFFFF  }
0x5b: {  	s13 =	rddreg [dreg:$0xc]  }
0x5c: {  	[tilespmem:s3], [sflag:$0x9] =	stream.linear.gather [hbm4b:s13+s3], $0x2800, $0x38;
	[tilespmem:$0x1EA00] =	vst v63  }
0x5d: {  	_ =	swait.ge [sflag:s30], $0x2800  }
0x5e: {  	[sflag:s30] =	ssyncset.done $0x0  }
0x5f: {  	[sflag:s30] =	ssyncadd.s32 $0xFFFFD800  }
0x60: {  	[tilespmem:s29], [sflag:$0x1] =	stream.indirect.gather [hbm4b:s5+s31], $0x80, s3, s31, $0xb8;
	[tilespmem:$0x1EA00] =	vst v63  }
0x61: {  	s15 =	rddreg [dreg:$0x12]  }
0x62: {  	[tilespmem:s1], [sflag:$0x5] =	stream.linear.gather [hbm4b:s15+s3], $0x40, $0x38;
	[tilespmem:$0x1EA00] =	vst v63  }
0x63: {  	s22 =	simm.s32 $0x4A00  }
0x64: {  	[tilespmem:s22], [sflag:$0x2] =	stream.indirect.gather [hbm4b:s5+s31], $0x80, s31, s31, $0xb8;
	[tilespmem:$0x1EA00] =	vst v63  }
0x65: {  	s9 =	simm.s32 $0x2880;
	s23 =	rddreg [dreg:$0x13]  }
0x66: {  	[tilespmem:s9], [sflag:$0x6] =	stream.linear.gather [hbm4b:s23+s3], $0x40, $0x38;
	[tilespmem:$0x1EA00] =	vst v63  }
0x67: {  	s24 =	simm.s32 $0x80  }
0x68: {  	[tilespmem:s0], [sflag:$0x3] =	stream.indirect.gather [hbm4b:s5+s31], $0x80, s24, s31, $0xb8;
	[tilespmem:$0x1EA00] =	vst v63  }
0x69: {  	s26 =	simm.s32 $0x0;
	s25 =	rddreg [dreg:$0x16]  }
0x6a: {  	[tilespmem:s8], [sflag:$0x7] =	stream.linear.gather [hbm4b:s25+s3], $0x40, $0x38;
	[tilespmem:$0x1EA00] =	vst v63  }
0x6b: {  	s24 =	sand.u32 $0x3C00, s26;
	s25 =	simm.s32 $0x80  }
0x6c: {  	s24 =	sadd.s32 s4, s24;
	s25 =	sand.u32 $0x380, s25;
	_ =	swait.ge [sflag:s10], $0x2000  }
0x6d: {  	s24 =	sor.u32 s24, s25;
	[sflag:s10] =	ssyncset.done $0x0  }
0x6e: {  	s28 =	simm.s32 $0xC0;
	s24 =	sshrl.u32 s24, $0x3;
	[sflag:s10] =	ssyncadd.s32 $0xFFFFE000  }
0x6f: {  	[tilespmem:s12], [sflag:$0x4] =	stream.indirect.gather [hbm4b:s5+s31], $0x80, s28, s31, $0xb8;
	[tilespmem:$0x1EA00] =	vst v63  }
0x70: {  	s24 =	sadd.s32 s24, s17  }
0x71: {  	[tilespmem:s14], [sflag:$0x8] =	stream.linear.gather [hbm4b:s24+s3], $0x40, $0x38;
	[tilespmem:$0x1EA00] =	vst v63  }
0x72: {  	_ =	swait.ge [sflag:s16], $0x40  }
0x73: {  	[sflag:s16] =	ssyncset.done $0x0  }
0x74: {  	[sflag:s16] =	ssyncadd.s32 $0xFFFFFFC0  }
0x75: {  	[spmem:s2] =	stream.indirect.scatter.add.f32 [tilespmem:s29], [sflag:$0x9], $0x80, s1, s31, $0xb8;
	[tilespmem:$0x1EA00] =	vst v63  }
0x76: {  	_ =	swait.ge [sflag:s30], $0x2000  }
0x77: {  	[sflag:s30] =	ssyncset.done $0x0  }
0x78: {  	[sflag:s30] =	ssyncadd.s32 $0xFFFFE000  }
0x79: {  	_ =	swait.ge [sflag:s18], $0x2000  }
0x7a: {  	p0 =	por $0x0, $0x0;
	[sflag:s18] =	ssyncset.done $0x0  }
0x7b: {  	s24 =	simm.s32 @p0 $0x6;
	[sflag:s18] =	ssyncadd.s32 $0xFFFFE000  }
0x7c: {  	_ =	swait.ge @p0 [sflag:s24], $0x40  }
0x7d: {  	s23 =	simm.s32 @p0 $0x40;
	s9 =	simm.s32 @p0 $0x9;
	[sflag:s24] =	ssyncset.done @p0 $0x0  }
0x7e: {  	s25 =	simm.s32 @p0 $0x2880;
	s28 =	simm.s32 @p0 $0x4A00;
	[sflag:s24] =	ssyncadd.s32 @p0 $0xFFFFFFC0  }
0x7f: {  	[spmem:s2] =	stream.indirect.scatter.add.f32 @p0 [tilespmem:s28], [sflag:$0x9], $0x80, s25, s23, $0xb8;
	[tilespmem:$0x1EA00] =	vst v63  }
0x80: {  	s26 =	simm.s32 @!p0 $0x100;
	_ =	swait.ge @p0 [sflag:s9], $0x2000  }
0x81: {  	s24 =	sand.u32 @!p0 $0x300, s26;
	s23 =	sand.u32 @!p0 $0x7C00, s26;
	[sflag:s9] =	ssyncset.done @p0 $0x0  }
0x82: {  	s25 =	simm.s32 @p0 $0x3;
	s26 =	simm.s32 @!p0 $0x100;
	[sflag:s9] =	ssyncadd.s32 @p0 $0xFFFFE000  }
0x83: {  	s28 =	simm.s32 @!p0 $0x6;
	s23 =	sadd.s32 @!p0 s4, s23;
	_ =	swait.ge @p0 [sflag:s25], $0x2000  }
0x84: {  	s23 =	sor.u32 @!p0 s24, s23;
	s24 =	simm.s32 @!p0 $0x2A00;
	[sflag:s25] =	ssyncset.done @p0 $0x0  }
0x85: {  	s9 =	simm.s32 @!p0 $0x40;
	s23 =	sshrl.u32 @!p0 s23, $0x3;
	[sflag:s25] =	ssyncadd.s32 @p0 $0xFFFFE000  }
0x86: {  	[tilespmem:s24], [sflag:$0x1] =	stream.indirect.gather @!p0 [hbm4b:s5+s9], $0x80, s26, s9, $0xb8;
	[tilespmem:$0x1EA00] =	vst v63  }
0x87: {  	s25 =	simm.s32 @!p0 $0x0;
	s24 =	simm.s32 @!p0 $0x2800;
	s26 =	sadd.s32 @!p0 s6, s23  }
0x88: {  	[tilespmem:s24], [sflag:$0x5] =	stream.linear.gather @!p0 [hbm4b:s26+s25], $0x40, $0x38;
	[tilespmem:$0x1EA00] =	vst v63  }
0x89: {  	_ =	swait.ge @!p0 [sflag:s28], $0x40  }
0x8a: {  	s24 =	simm.s32 @!p0 $0x2880;
	[sflag:s28] =	ssyncset.done @!p0 $0x0  }
0x8b: {  	s26 =	simm.s32 @!p0 $0x4A00;
	[sflag:s28] =	ssyncadd.s32 @!p0 $0xFFFFFFC0;
	s28 =	simm.s32 @!p0 $0x9  }
0x8c: {  	[spmem:s2] =	stream.indirect.scatter.add.f32 @!p0 [tilespmem:s26], [sflag:$0x9], $0x80, s24, s9, $0xb8;
	[tilespmem:$0x1EA00] =	vst v63  }
0x8d: {  	_ =	swait.ge @!p0 [sflag:s28], $0x2000  }
0x8e: {  	[sflag:s28] =	ssyncset.done @!p0 $0x0  }
0x8f: {  	[sflag:s28] =	ssyncadd.s32 @!p0 $0xFFFFE000;
	s28 =	simm.s32 @!p0 $0x3  }
0x90: {  	_ =	swait.ge @!p0 [sflag:s28], $0x2000  }
0x91: {  	[sflag:s28] =	ssyncset.done @!p0 $0x0  }
0x92: {  	[sflag:s28] =	ssyncadd.s32 @!p0 $0xFFFFE000;
	s28 =	simm.s32 @!p0 $0x140  }
0x93: {  	[tilespmem:s26], [sflag:$0x2] =	stream.indirect.gather @!p0 [hbm4b:s5+s9], $0x80, s28, s9, $0xb8;
	[tilespmem:$0x1EA00] =	vst v63  }
0x94: {  	s23 =	sadd.s32 @!p0 s23, s17  }
0x95: {  	[tilespmem:s24], [sflag:$0x6] =	stream.linear.gather @!p0 [hbm4b:s23+s25], $0x40, $0x38;
	[tilespmem:$0x1EA00] =	vst v63  }
0x96: {  	_ =	swait.ge [sflag:s19], $0x40  }
0x97: {  	[sflag:s19] =	ssyncset.done $0x0  }
0x98: {  	[sflag:s19] =	ssyncadd.s32 $0xFFFFFFC0  }
0x99: {  	[spmem:s2] =	stream.indirect.scatter.add.f32 [tilespmem:s0], [sflag:$0x9], $0x80, s8, s31, $0xb8;
	[tilespmem:$0x1EA00] =	vst v63  }
0x9a: {  	_ =	swait.ge [sflag:s30], $0x2000  }
0x9b: {  	[sflag:s30] =	ssyncset.done $0x0  }
0x9c: {  	[sflag:s30] =	ssyncadd.s32 $0xFFFFE000  }
0x9d: {  	_ =	swait.ge [sflag:s20], $0x2000  }
0x9e: {  	[sflag:s20] =	ssyncset.done $0x0  }
0x9f: {  	s24 =	simm.s32 $0x180;
	s23 =	simm.s32 @!p0 $0x6A00;
	[sflag:s20] =	ssyncadd.s32 $0xFFFFE000  }
0xa0: {  	[tilespmem:s23], [sflag:$0x3] =	stream.indirect.gather @!p0 [hbm4b:s5+s9], $0x80, s24, s9, $0xb8;
	[tilespmem:$0x1EA00] =	vst v63  }
0xa1: {  	s9 =	sand.u32 @!p0 $0x7C00, s24  }
0xa2: {  	s23 =	sand.u32 @!p0 $0x380, s24;
	s9 =	sadd.s32 @!p0 s4, s9  }
0xa3: {  	s9 =	sor.u32 @!p0 s23, s9  }
0xa4: {  	s9 =	sshrl.u32 @!p0 s9, $0x3  }
0xa5: {  	s23 =	simm.s32 @!p0 $0x2900;
	s9 =	sadd.s32 @!p0 s6, s9  }
0xa6: {  	[tilespmem:s23], [sflag:$0x7] =	stream.linear.gather @!p0 [hbm4b:s9+s25], $0x40, $0x38;
	[tilespmem:$0x1EA00] =	vst v63  }
0xa7: {  	_ =	swait.ge [sflag:s21], $0x40  }
0xa8: {  	[sflag:s21] =	ssyncset.done $0x0  }
0xa9: {  	s25 =	simm.s32 $0x280;
	[sflag:s21] =	ssyncadd.s32 $0xFFFFFFC0  }
0xaa: {  	[spmem:s2] =	stream.indirect.scatter.add.f32 [tilespmem:s12], [sflag:$0x9], $0x80, s14, s31, $0xb8;
	[tilespmem:$0x1EA00] =	vst v63  }
.LBB2_4:
0xab: {  	_ =	swait.ge [sflag:s30], $0x2000  }
0xac: {  	s24 =	sadd.s32 $0x100, s24;
	s28 =	smov.u32 s25;
	s25 =	sadd.s32 $0x100, s25  }
0xad: {  	s9 =	sadd.s32 $0xFFFFFE80, s28;
	p0 =	sne.s32 s25, $0x2980;
	[sflag:s30] =	ssyncset.done $0x0  }
0xae: {  	s23 =	sadd.s32 $0xFFFFFF00, s28;
	s9 =	sand.u32 $0x3C00, s9;
	[sflag:s30] =	ssyncadd.s32 $0xFFFFE000  }
0xaf: {  	s23 =	sand.u32 $0x380, s23;
	s9 =	sadd.s32 s4, s9  }
0xb0: {  	_ =	swait.ge [sflag:s10], $0x2000;
	s9 =	sor.u32 s9, s23  }
0xb1: {  	s23 =	sadd.s32 $0xFFFFFF40, s24;
	[sflag:s10] =	ssyncset.done $0x0;
	s9 =	sshrl.u32 s9, $0x3  }
0xb2: {  	[sflag:s10] =	ssyncadd.s32 $0xFFFFE000;
	s9 =	sadd.s32 s9, s17  }
0xb3: {  	[tilespmem:s12], [sflag:$0x4] =	stream.indirect.gather [hbm4b:s5+s31], $0x80, s23, s31, $0xb8;
	[tilespmem:$0x1EA00] =	vst v63  }
0xb4: {  	_ = 	snop  }
0xb5: {  	[tilespmem:s14], [sflag:$0x8] =	stream.linear.gather [hbm4b:s9+s3], $0x40, $0x38;
	[tilespmem:$0x1EA00] =	vst v63  }
0xb6: {  	_ =	swait.ge [sflag:s16], $0x40  }
0xb7: {  	[sflag:s16] =	ssyncset.done $0x0  }
0xb8: {  	[sflag:s16] =	ssyncadd.s32 $0xFFFFFFC0  }
0xb9: {  	[spmem:s2] =	stream.indirect.scatter.add.f32 [tilespmem:s29], [sflag:$0x9], $0x80, s1, s31, $0xb8;
	[tilespmem:$0x1EA00] =	vst v63  }
0xba: {  	_ =	swait.ge [sflag:s30], $0x2000  }
0xbb: {  	[sflag:s30] =	ssyncset.done $0x0  }
0xbc: {  	p1 =	seq.s32 s28, $0x2880;
	[sflag:s30] =	ssyncadd.s32 $0xFFFFE000  }
0xbd: {  	s23 =	simm.s32 @p1 $0x2880;
	s9 =	simm.s32 @p1 $0x6;
	_ =	swait.ge [sflag:s18], $0x2000  }
0xbe: {  	s11 =	sadd.s32 @!p1 $0xFFFFFF80, s28;
	[sflag:s18] =	ssyncset.done $0x0  }
0xbf: {  	s13 =	simm.s32 @p1 $0x4A00;
	s15 =	sand.u32 @!p1 $0x7C00, s11;
	[sflag:s18] =	ssyncadd.s32 $0xFFFFE000  }
0xc0: {  	s7 =	simm.s32 @p1 $0x40;
	s26 =	simm.s32 @!p1 $0x40;
	_ =	swait.ge @p1 [sflag:s9], $0x40  }
0xc1: {  	s22 =	simm.s32 @p1 $0x9;
	s15 =	sadd.s32 @!p1 s4, s15;
	[sflag:s9] =	ssyncset.done @p1 $0x0  }
0xc2: {  	[sflag:s9] =	ssyncadd.s32 @p1 $0xFFFFFFC0;
	s9 =	sand.u32 @!p1 $0x300, s11;
	s11 =	sand.u32 @!p1 $0x7C00, s28  }
0xc3: {  	[spmem:s2] =	stream.indirect.scatter.add.f32 @p1 [tilespmem:s13], [sflag:$0x9], $0x80, s23, s7, $0xb8;
	[tilespmem:$0x1EA00] =	vst v63  }
0xc4: {  	s7 =	simm.s32 @p1 $0x3;
	s9 =	sor.u32 @!p1 s9, s15;
	_ =	swait.ge @p1 [sflag:s22], $0x2000  }
0xc5: {  	s11 =	sadd.s32 @!p1 s4, s11;
	s9 =	sshrl.u32 @!p1 s9, $0x3;
	[sflag:s22] =	ssyncset.done @p1 $0x0  }
0xc6: {  	s13 =	simm.s32 @!p1 $0x2A00;
	s15 =	sand.u32 @!p1 $0x380, s28;
	[sflag:s22] =	ssyncadd.s32 @p1 $0xFFFFE000  }
0xc7: {  	s11 =	sor.u32 @!p1 s15, s11;
	s22 =	sadd.s32 @!p1 $0xFFFFFF80, s24;
	_ =	swait.ge @p1 [sflag:s7], $0x2000  }
0xc8: {  	s15 =	simm.s32 @!p1 $0x6;
	s11 =	sshrl.u32 @!p1 s11, $0x3;
	[sflag:s7] =	ssyncset.done @p1 $0x0  }
0xc9: {  	s28 =	simm.s32 @!p1 $0x0;
	[sflag:s7] =	ssyncadd.s32 @p1 $0xFFFFE000;
	s7 =	simm.s32 @!p1 $0x2800  }
0xca: {  	[tilespmem:s13], [sflag:$0x1] =	stream.indirect.gather @!p1 [hbm4b:s5+s26], $0x80, s22, s26, $0xb8;
	[tilespmem:$0x1EA00] =	vst v63  }
0xcb: {  	s11 =	sadd.s32 @!p1 s6, s11;
	s13 =	sadd.s32 @!p1 s6, s9;
	s9 =	sadd.s32 @!p1 s9, s17  }
0xcc: {  	[tilespmem:s7], [sflag:$0x5] =	stream.linear.gather @!p1 [hbm4b:s13+s28], $0x40, $0x38;
	[tilespmem:$0x1EA00] =	vst v63  }
0xcd: {  	s7 =	simm.s32 @!p1 $0x2880;
	s13 =	simm.s32 @!p1 $0x4A00;
	_ =	swait.ge @!p1 [sflag:s15], $0x40  }
0xce: {  	s22 =	simm.s32 @!p1 $0x9;
	[sflag:s15] =	ssyncset.done @!p1 $0x0  }
0xcf: {  	[sflag:s15] =	ssyncadd.s32 @!p1 $0xFFFFFFC0  }
0xd0: {  	[spmem:s2] =	stream.indirect.scatter.add.f32 @!p1 [tilespmem:s13], [sflag:$0x9], $0x80, s7, s26, $0xb8;
	[tilespmem:$0x1EA00] =	vst v63  }
0xd1: {  	s15 =	simm.s32 @!p1 $0x3;
	_ =	swait.ge @!p1 [sflag:s22], $0x2000  }
0xd2: {  	[sflag:s22] =	ssyncset.done @!p1 $0x0  }
0xd3: {  	[sflag:s22] =	ssyncadd.s32 @!p1 $0xFFFFE000  }
0xd4: {  	s22 =	sadd.s32 @!p1 $0xFFFFFFC0, s24;
	_ =	swait.ge @!p1 [sflag:s15], $0x2000  }
0xd5: {  	[sflag:s15] =	ssyncset.done @!p1 $0x0  }
0xd6: {  	[sflag:s15] =	ssyncadd.s32 @!p1 $0xFFFFE000  }
0xd7: {  	[tilespmem:s13], [sflag:$0x2] =	stream.indirect.gather @!p1 [hbm4b:s5+s26], $0x80, s22, s26, $0xb8;
	[tilespmem:$0x1EA00] =	vst v63  }
0xd8: {  	_ = 	snop  }
0xd9: {  	[tilespmem:s7], [sflag:$0x6] =	stream.linear.gather @!p1 [hbm4b:s9+s28], $0x40, $0x38;
	[tilespmem:$0x1EA00] =	vst v63  }
0xda: {  	_ =	swait.ge [sflag:s19], $0x40  }
0xdb: {  	[sflag:s19] =	ssyncset.done $0x0  }
0xdc: {  	[sflag:s19] =	ssyncadd.s32 $0xFFFFFFC0  }
0xdd: {  	[spmem:s2] =	stream.indirect.scatter.add.f32 [tilespmem:s0], [sflag:$0x9], $0x80, s8, s31, $0xb8;
	[tilespmem:$0x1EA00] =	vst v63  }
0xde: {  	_ =	swait.ge [sflag:s30], $0x2000  }
0xdf: {  	[sflag:s30] =	ssyncset.done $0x0  }
0xe0: {  	[sflag:s30] =	ssyncadd.s32 $0xFFFFE000  }
0xe1: {  	_ =	swait.ge [sflag:s20], $0x2000  }
0xe2: {  	[sflag:s20] =	ssyncset.done $0x0  }
0xe3: {  	s7 =	simm.s32 @!p1 $0x6A00;
	[sflag:s20] =	ssyncadd.s32 $0xFFFFE000  }
0xe4: {  	[tilespmem:s7], [sflag:$0x3] =	stream.indirect.gather @!p1 [hbm4b:s5+s26], $0x80, s24, s26, $0xb8;
	[tilespmem:$0x1EA00] =	vst v63  }
0xe5: {  	s7 =	simm.s32 @!p1 $0x2900  }
0xe6: {  	[tilespmem:s7], [sflag:$0x7] =	stream.linear.gather @!p1 [hbm4b:s11+s28], $0x40, $0x38;
	[tilespmem:$0x1EA00] =	vst v63  }
.Ltmp1:
0xe7: {  	_ = 	snop;
	(pc) =	sbr.rel @p0 .LBB2_4-.Ltmp1, $4  }
0xe8: {  	_ =	swait.ge [sflag:s21], $0x40  }
0xe9: {  	[sflag:s21] =	ssyncset.done $0x0  }
0xea: {  	[sflag:s21] =	ssyncadd.s32 $0xFFFFFFC0  }
0xeb: {  	[spmem:s2] =	stream.indirect.scatter.add.f32 [tilespmem:s12], [sflag:$0x9], $0x80, s14, s31, $0xb8;
	[tilespmem:$0x1EA00] =	vst v63  }
0xec: {  	_ =	swait.ge [sflag:s30], $0x2000  }
0xed: {  	[sflag:s30] =	ssyncset.done $0x0  }
0xee: {  	[sflag:s30] =	ssyncadd.s32 $0xFFFFE000  }
0xef: {  	s7 =	stileid.u32;
	[bflag:$0x0] =	sbarrier.arrive $0xFFFF  }
0xf0: {  	s7 =	sshll.u32 s7, $0x6;
	s13 =	rddreg [dreg:$0x3]  }
0xf1: {  	s7 =	sor.u32 $0x1C09, s7;
	s11 =	rddreg [dreg:$0xd];
	s9 =	sshrl.u32 s13, $0x3  }
0xf2: {  	[hbm:s11], [sflag:s7] =	dma.local [spmem:s9], $0x800  }
0xf3: {  	_ =	swait.ge [sflag:s30], $0x800  }
0xf4: {  	[sflag:s30] =	ssyncset.done $0x0;
	s11 =	rddreg [dreg:$0x5]  }
0xf5: {  	s15 =	rddreg [dreg:$0xe];
	[sflag:s30] =	ssyncadd.s32 $0xFFFFF800;
	s25 =	sshrl.u32 s11, $0x3  }
0xf6: {  	[hbm:s15], [sflag:s7] =	dma.local [spmem:s25], $0x800  }
0xf7: {  	_ =	swait.ge [sflag:s30], $0x800  }
0xf8: {  	[sflag:s30] =	ssyncset.done $0x0;
	s22 =	rddreg [dreg:$0x7]  }
0xf9: {  	s28 =	rddreg [dreg:$0xf];
	[sflag:s30] =	ssyncadd.s32 $0xFFFFF800;
	s26 =	sshrl.u32 s22, $0x3  }
0xfa: {  	[hbm:s28], [sflag:s7] =	dma.local [spmem:s26], $0x800  }
0xfb: {  	_ =	swait.ge [sflag:s30], $0x800  }
0xfc: {  	[sflag:s30] =	ssyncset.done $0x0;
	s23 =	rddreg [dreg:$0x9]  }
0xfd: {  	s24 =	rddreg [dreg:$0x10];
	[sflag:s30] =	ssyncadd.s32 $0xFFFFF800;
	s15 =	sshrl.u32 s23, $0x3  }
0xfe: {  	[hbm:s24], [sflag:s7] =	dma.local [spmem:s15], $0x800  }
0xff: {  	_ =	swait.ge [sflag:s30], $0x800  }
0x100: {  	[sflag:s30] =	ssyncset.done $0x0;
	s15 =	rddreg [dreg:$0xb]  }
0x101: {  	s24 =	rddreg [dreg:$0x11];
	[sflag:s30] =	ssyncadd.s32 $0xFFFFF800;
	s25 =	sshrl.u32 s15, $0x3  }
0x102: {  	[hbm:s24], [sflag:s7] =	dma.local [spmem:s25], $0x800  }
0x103: {  	_ =	swait.ge [sflag:s30], $0x800  }
0x104: {  	s26 =	rddreg [dreg:$0x17]  }
0x105: {  	s28 =	rddreg [dreg:$0x14];
	s9 =	sadd.s32 $0x1, s26  }
0x106: {  	p0 =	sne.s32 s9, s28  }
.Ltmp2:
0x107: {  	_ = 	snop;
	(pc) =	sbr.rel @p0 .LBB2_1-.Ltmp2, $3  }
0x108: {  	_ =	sdelay $0x1  }
0x109: {  	[sflag:s30] =	ssyncset.done $0x0  }
0x10a: {  	[sflag:s30] =	ssyncadd.s32 $0xFFFFF800  }
0x10b: {  	_ =	sfence.sel $0x180000  }
0x10c: {  	[bflag:$0x0] =	sbarrier.arrive $0xFFFF  }
0x10d: {  	_ =	strace $0x9000004D  }
0x10e: {  	s0 =	stileid.u32;
	[bflag:$0x2] =	sbarrier.arrive $0xFFFF  }
0x10f: {  	p0 =	sne.s32 s0, $0x0;
	s0 =	rddreg [dreg:$0x2]  }
0x110: {  	s0 =	sadd.s32 @!p0 $0x100000, s0  }
0x111: {  	[sflag:s0] =	ssyncadd.tile.s32 @!p0 $0x1;
	_ =	shalt  }
.Lfunc_end2:
_tile_overlayer_lowered:
.L_overlay_start_2:
0x112: {  	(tag) =	ssettag $0x2  }
0x113: {  	s0 =	rddreg [dreg:$0x0];
	s2 =	stileid.u32  }
0x114: {  	s1 =	rddreg [dreg:$0x1];
	p0 =	sne.s32 s2, $0x0  }
0x115: {  	s3 =	rddreg [dreg:$0x2];
	[bflag:$0x3] =	sbarrier.arrive $0xFFFF;
	s2 =	simm.s32 @!p0 $0x1C09  }
0x116: {  	[timem:s3], [sflag:s2] =	dma.local @!p0 [hbm:s0], s1  }
0x117: {  	s0 =	simm.s32 @!p0 $0x9  }
0x118: {  	_ =	swait.ge @!p0 [sflag:s0], s1  }
0x119: {  	s1 =	ssub.s32 @!p0 $0x0, s1;
	[sflag:s0] =	ssyncset.done @!p0 $0x0  }
0x11a: {  	[sflag:s0] =	ssyncadd.s32 @!p0 s1  }
0x11b: {  	[bflag:$0x3] =	sbarrier.arrive $0xFFFF  }
0x11c: {  	_ =	shalt  }

// kernel: kernel.20.cloned.1.call-start
scs
__scs_entry_jumppad:
0x0: {  	(pc) =	sbr.rel $0x88, $3  }
0x1: {  	(tag) =	ssettag $0x0;
	lr =	simm.s32 $0x1  }
0x2: {  	[smem:$0x3F8D] =	sst lr;
	_ =	strace $0xD0000000  }
0x3: {  	_ = 	snop  }
0x4: {  	_ = 	snop  }
0x5: {  	_ = 	snop  }
0x6: {  	_ = 	snop  }
0x7: {  	_ = 	snop  }
__scs_overlays_trampoline_lowered:
0x8: {  	[smem:$0x3F9C] =	sst s0  }
0x9: {  	[smem:$0x3F9D] =	sst s1  }
0xa: {  	[smem:$0x3F9E] =	sst s2  }
0xb: {  	[smem:$0x3F9F] =	sst s3  }
0xc: {  	[smem:$0x3FA0] =	sst s4  }
0xd: {  	[smem:$0x3FA1] =	sst s5  }
0xe: {  	[smem:$0x3FA2] =	sst s6  }
0xf: {  	[smem:$0x3FA3] =	sst s7  }
0x10: {  	[smem:$0x3FA4] =	sst s8  }
0x11: {  	[smem:$0x3FA5] =	sst s9;
	s0 =	simm.s32 @!p0 $0x0  }
0x12: {  	s1 =	sld [smem:$0x3F8B];
	s0 =	simm.s32 @p0 $0x1  }
0x13: {  	[smem:$0x3FA6] =	sst s0;
	s0 =	simm.s32 @!p1 $0x0  }
0x14: {  	s2 =	sld [smem:$0x3F8A];
	s0 =	simm.s32 @p1 $0x1  }
0x15: {  	[smem:$0x3FA7] =	sst s0;
	s0 =	simm.s32 @!p2 $0x0  }
0x16: {  	s3 =	sld [smem:$0x3FDB];
	s0 =	simm.s32 @p2 $0x1  }
0x17: {  	s4 =	simm.s32 $0x1BF5;
	[smem:$0x3FA9] =	sst s0  }
0x18: {  	s0 =	sld [smem:$0x3F8C];
	_ =	swait.ge [sflag:s4], $0x0  }
0x19: {  	s7 =	sld [smem:$0x3F8D]  }
0x1a: {  	s8 =	sadd.s32 $0xFFFFE003, lr  }
0x1b: {  	s9 =	sadd.s32 $0xFFFFFEF7, lr;
	s5 =	simm.s32 $0xFFFFFFFF;
	p2 =	slt.u32 s8, $0xFFFFF086  }
0x1c: {  	p1 =	slt.u32 s9, $0xF7A;
	s5 =	simm.s32 @!p2 $0x0  }
0x1d: {  	s5 =	simm.s32 @p1 $0x1;
	p0 =	seq.s32 s7, s2  }
0x1e: {  	s7 =	smul.u32 @!p0 $0xF7A, s2;
	p2 =	seq.s32 @!p0 s5, $0x0  }
0x1f: {  	s9 =	smul.u32 $0xF7A, s1;
	s8 =	simm.s32 @!p0 $0x1BF5;
	p2 =	por !p2, p0  }
0x20: {  	[sflag:s8] =	ssyncset.s32 @!p0 $0xFFFFF086;
	s6 =	sadd.s32 @!p0 s3, s7;
	s7 =	simm.s32 @!p0 $0x108  }
0x21: {  	s3 =	sadd.s32 s3, s9;
	s6 =	sadd.s32 @!p0 $0x88, s6;
	s7 =	simm.s32 @p2 $0x1082  }
0x22: {  	[simem:s7], [sflag:s8] =	dma.local @!p0 [hbm:s6], $0xF7A  }
0x23: {  	s9 =	sor.u32 $0xD0000000, s2;
	s6 =	simm.s32 $0x108;
	_ =	swait.ge @!p0 [sflag:s8], $0x0  }
0x24: {  	s3 =	sadd.s32 $0x88, s3;
	s6 =	simm.s32 @!p1 $0x1082;
	[sflag:s4] =	ssyncset.s32 $0xFFFFF086  }
0x25: {  	[simem:s6], [sflag:s4] =	dma.local [hbm:s3], $0xF7A  }
0x26: {  	[smem:$0x3F8D] =	sst s1;
	(tag) =	ssettag s2;
	_ =	strace s9  }
0x27: {  	s1 =	sld [smem:$0x3F9D]  }
0x28: {  	s2 =	sld [smem:$0x3F9E]  }
0x29: {  	s4 =	sld [smem:$0x3FA0]  }
0x2a: {  	p0 =	seq.s32 s5, $0x0;
	s5 =	sld [smem:$0x3FA1]  }
0x2b: {  	s6 =	sld [smem:$0x3FA2]  }
0x2c: {  	s7 =	sld [smem:$0x3FA3]  }
0x2d: {  	s3 =	simm.s32 $0x108;
	s8 =	sld [smem:$0x3FA4]  }
0x2e: {  	s3 =	simm.s32 @!p0 $0x1082;
	s9 =	sld [smem:$0x3FA5]  }
0x2f: {  	lr =	sadd.s32 s0, s3;
	s0 =	sld [smem:$0x3F9C]  }
0x30: {  	s3 =	sld [smem:$0x3F9F]  }
0x31: {  	[smem:$0x3FA8] =	sst s10  }
0x32: {  	s10 =	sld [smem:$0x3FA6];
	_ =	sdelay $0x3  }
0x33: {  	p0 =	seq.s32 s10, $0x1;
	s10 =	sld [smem:$0x3FA8];
	_ =	sdelay $0x3  }
0x34: {  	[smem:$0x3FA8] =	sst s10  }
0x35: {  	s10 =	sld [smem:$0x3FA7];
	_ =	sdelay $0x3  }
0x36: {  	p1 =	seq.s32 s10, $0x1;
	s10 =	sld [smem:$0x3FA8];
	_ =	sdelay $0x3  }
0x37: {  	[smem:$0x3FA8] =	sst s10  }
0x38: {  	s10 =	sld [smem:$0x3FA9]  }
0x39: {  	_ = 	snop;
	(pc) =	sbr.ind lr, $3  }
0x3a: {  	_ = 	snop  }
0x3b: {  	_ = 	snop  }
0x3c: {  	p2 =	seq.s32 s10, $0x1;
	s10 =	sld [smem:$0x3FA8]  }
0x3d: {  	_ =	shalt  }
0x3e: {  	_ =	shalt  }
0x3f: {  	_ =	shalt  }
0x40: {  	_ =	shalt  }
0x41: {  	_ =	shalt  }
0x42: {  	_ =	shalt  }
0x43: {  	_ =	shalt  }
0x44: {  	_ =	shalt  }
0x45: {  	_ =	shalt  }
0x46: {  	_ =	shalt  }
0x47: {  	_ =	shalt  }
0x48: {  	_ =	shalt  }
0x49: {  	_ =	shalt  }
0x4a: {  	_ =	shalt  }
0x4b: {  	_ =	shalt  }
0x4c: {  	_ =	shalt  }
0x4d: {  	_ =	shalt  }
0x4e: {  	_ =	shalt  }
0x4f: {  	_ =	shalt  }
0x50: {  	_ =	shalt  }
0x51: {  	_ =	shalt  }
0x52: {  	_ =	shalt  }
0x53: {  	_ =	shalt  }
0x54: {  	_ =	shalt  }
0x55: {  	_ =	shalt  }
0x56: {  	_ =	shalt  }
0x57: {  	_ =	shalt  }
0x58: {  	_ =	shalt  }
0x59: {  	_ =	shalt  }
0x5a: {  	_ =	shalt  }
0x5b: {  	_ =	shalt  }
0x5c: {  	_ =	shalt  }
0x5d: {  	_ =	shalt  }
0x5e: {  	_ =	shalt  }
0x5f: {  	_ =	shalt  }
0x60: {  	_ =	shalt  }
0x61: {  	_ =	shalt  }
0x62: {  	_ =	shalt  }
0x63: {  	_ =	shalt  }
0x64: {  	_ =	shalt  }
0x65: {  	_ =	shalt  }
0x66: {  	_ =	shalt  }
0x67: {  	_ =	shalt  }
0x68: {  	_ =	shalt  }
0x69: {  	_ =	shalt  }
0x6a: {  	_ =	shalt  }
0x6b: {  	_ =	shalt  }
0x6c: {  	_ =	shalt  }
0x6d: {  	_ =	shalt  }
0x6e: {  	_ =	shalt  }
0x6f: {  	_ =	shalt  }
0x70: {  	_ =	shalt  }
0x71: {  	_ =	shalt  }
0x72: {  	_ =	shalt  }
0x73: {  	_ =	shalt  }
0x74: {  	_ =	shalt  }
0x75: {  	_ =	shalt  }
0x76: {  	_ =	shalt  }
0x77: {  	_ =	shalt  }
0x78: {  	_ =	shalt  }
0x79: {  	_ =	shalt  }
0x7a: {  	_ =	shalt  }
0x7b: {  	_ =	shalt  }
0x7c: {  	_ =	shalt  }
0x7d: {  	_ =	shalt  }
0x7e: {  	_ =	shalt  }
0x7f: {  	_ =	shalt  }
0x80: {  	_ =	shalt  }
0x81: {  	_ =	shalt  }
0x82: {  	_ =	shalt  }
0x83: {  	_ =	shalt  }
0x84: {  	_ =	shalt  }
0x85: {  	_ =	shalt  }
0x86: {  	_ =	shalt  }
0x87: {  	_ =	shalt  }
.Lfunc_end0:
.L_simem_size_0:
called_computation.3_lowered:
.L_overlay_start_0:
0x88: {  	s2 =	sld [smem:$0x3FD9]  }
0x89: {  	s3 =	sld [smem:$0x3FFE];
	_ =	sdelay $0x1  }
0x8a: {  	s1 =	srdreg.scid  }
0x8b: {  	s0 =	sand.u32 $0x1, s1  }
0x8c: {  	s16 =	sshll.u32 s0, $0xA;
	s2 =	sadd.s32 s3, s2  }
0x8d: {  	s2 =	sadd.s32 s2, s16  }
0x8e: {  	[smem:$0x3FB4] =	sst s2  }
0x8f: {  	_ = 	snop  }
0x90: {  	(tm) =	ssettm $0x1  }
0x91: {  	s17 =	sld [smem:$0x3FFB];
	_ =	sdelay $0x3  }
0x92: {  	_ =	strace s17  }
0x93: {  	s2 =	sld [smem:$0x3FFC];
	_ =	sdelay $0x3  }
0x94: {  	_ =	strace s2  }
0x95: {  	s2 =	sld [smem:$0x3FFD];
	_ =	sdelay $0x3  }
0x96: {  	_ =	strace s2  }
0x97: {  	_ =	strace $0x8FFFFFFF  }
0x98: {  	s18 =	sld [smem:$0x3FDB];
	_ =	sdelay $0x1  }
0x99: {  	s19 =	simm.s32 $_scs_section_size  }
0x9a: {  	s4 =	simm.s32 $_size__tile_overlayer_lowered;
	s5 =	simm.s32 $_tile_overlayer_lowered  }
0x9b: {  	s22 =	simm.s32 $0x1BFF;
	s21 =	sshll.u32 s5, $0x1;
	s2 =	sadd.s32 s19, s18  }
0x9c: {  	s6 =	simm.s32 $0x0;
	s20 =	sshll.u32 s4, $0x1;
	s4 =	sadd.s32 s21, s2  }
0x9d: {  	[timem:s6], [sflag:s22] =	dma.local [hbm:s4], s20  }
0x9e: {  	_ =	swait.ge [sflag:s22], s20  }
0x9f: {  	s3 =	ssub.s32 $0x0, s20;
	[sflag:s22] =	ssyncset.done $0x0  }
0xa0: {  	[sflag:s22] =	ssyncadd.s32 s3;
	_ =	sdelay $0x1  }
0xa1: {  	s23 =	simm.s32 $0x1B8B  }
0xa2: {  	_ =	swait.ge [sflag:s23], $0x1  }
0xa3: {  	[sflag:s23] =	ssyncset.done $0x0  }
0xa4: {  	s25 =	simm.s32 $0x1B8E;
	s24 =	sld [smem:$0x3FFE];
	[sflag:s23] =	ssyncadd.s32 $0xFFFFFFFF  }
0xa5: {  	s26 =	simm.s32 $execute0_lowered;
	[smem:$0x3FD2] =	sst s25  }
0xa6: {  	s4 =	sshll.u32 s26, $0x1;
	_ =	strace $0x8000004F;
	[dreg:$0x1] =	wrdreg $0xFFFFFFFF  }
0xa7: {  	s28 =	simm.s32 $_size_execute0_lowered;
	s2 =	sadd.s32 s2, s4;
	[dreg:$0x0] =	wrdreg $0x0  }
0xa8: {  	s4 =	sshll.u32 s28, $0x1;
	[dreg:$0x2] =	wrdreg s2  }
0xa9: {  	[dreg:$0x3] =	wrdreg s4  }
0xaa: {  	[dreg:$0x4] =	wrdreg $0xC0  }
0xab: {  	_ =	task [dreg:s6], $0x5FFFF  }
0xac: {  	[dreg:$0x1] =	wrdreg $0xFFFFFFFF  }
0xad: {  	[dreg:$0x0] =	wrdreg $0x60  }
0xae: {  	[dreg:$0x2] =	wrdreg s24  }
0xaf: {  	[dreg:$0x3] =	wrdreg $0xAA000  }
0xb0: {  	[dreg:$0x4] =	wrdreg $0x9  }
0xb1: {  	_ =	task.clear_ibuf [dreg:s6], $0x5FFFF;
	_ =	strace $0x9000004F  }
0xb2: {  	s29 =	simm.s32 $0x9;
	_ =	strace $0x80000051  }
0xb3: {  	_ =	swait.ge [sflag:s29], $0x1  }
0xb4: {  	[sflag:s29] =	ssyncadd.s32 $0xFFFFFFFF  }
0xb5: {  	_ =	strace $0x90000051  }
0xb6: {  	_ =	sfence  }
0xb7: {  	s30 =	sld [smem:$0x0];
	_ =	sdelay $0x2  }
0xb8: {  	s31 =	sshll.u32 s1, $0xD;
	s1 =	sshrl.u32 s1, $0x2  }
0xb9: {  	s3 =	sand.u32 $0x4000, s31;
	s1 =	sadd.s32 s1, s30  }
0xba: {  	s0 =	sor.u32 s3, s0;
	s1 =	sshll.u32 s1, $0x11  }
0xbb: {  	s0 =	sor.u32 s1, s0  }
0xbc: {  	s0 =	sadd.s32 $0x8F2B, s0  }
0xbd: {  	[sflag:s0] =	ssyncadd.remote.s32 $0x1  }
0xbe: {  	_ =	sfence.sel $0xFFFF  }
0xbf: {  	[dreg:$0x0] =	wrdreg $0xFFFFFFFF;
	(pc) =	sbr.abs _section_cstart, $3  }
0xc0: {  	[dreg:$0x1] =	wrdreg $0xFFFFFFFF  }
0xc1: {  	_ =	task.clear_ibuf [dreg:s6], $0x2FFFF;
	_ =	strace $0x9FFFFFFF  }
0xc2: {  	(tm) =	ssettm $0x7FFFFFFF  }
0xc3: {  	_ =	shalt  }
tec
execute0_lowered:
.L_overlay_start_1:
0x0: {  	(tag) =	ssettag $0x1  }
0x1: {  	s0 =	srdreg.scid  }
0x2: {  	s1 =	rddreg [dreg:$0x0];
	s11 =	stileid.u32  }
0x3: {  	s2 =	rddreg [dreg:$0x1];
	s29 =	simm.s32 $0x2A00;
	s30 =	simm.s32 $0x9  }
0x4: {  	s31 =	simm.s32 $0x40;
	s0 =	sand.u32 $0x1, s0;
	s7 =	smul.u32 $0x50000, s11  }
0x5: {  	s5 =	sadd.s32 $0x18800, s1;
	s6 =	sadd.s32 $0x4800, s1;
	s12 =	smul.u32 $0x14000, s11  }
0x6: {  	s14 =	sadd.s32 $0x3FA00, s1;
	s3 =	sshll.u32 s0, $0x4;
	s9 =	ssub.s32 $0x2, s0  }
0x7: {  	s0 =	smul.u32 $0x140000, s0;
	s4 =	sor.u32 s11, s3;
	s3 =	simm.s32 $0x0  }
0x8: {  	s7 =	sshrl.u32 s7, $0x2;
	s23 =	sshrl.u32 s9, $0x1;
	s15 =	sadd.s32 $0x4000, s12  }
0x9: {  	s17 =	sadd.s32 $0x8000, s12;
	s18 =	sadd.s32 $0xC000, s12;
	s19 =	sadd.s32 $0x10000, s12  }
0xa: {  	s4 =	smul.u32 $0x2800, s4;
	[smem:$0x7FF] =	sst s3;
	s13 =	sadd.s32 s7, s2  }
0xb: {  	s16 =	ssub.s32 s9, s23;
	s11 =	sadd.s32 s15, s2;
	s22 =	sadd.s32 s17, s2  }
0xc: {  	s23 =	sadd.s32 s18, s2;
	s12 =	sadd.s32 s12, s0;
	s20 =	sadd.s32 s0, s15  }
0xd: {  	s21 =	sadd.s32 s0, s17;
	_ =	strace $0x80000050;
	[dreg:$0x3] =	wrdreg s13  }
0xe: {  	s18 =	sadd.s32 s0, s18;
	s0 =	sadd.s32 s0, s19;
	[dreg:$0x5] =	wrdreg s11  }
0xf: {  	s15 =	sadd.s32 s19, s2;
	s17 =	sadd.s32 $0x4808, s1;
	[dreg:$0x7] =	wrdreg s22  }
0x10: {  	s7 =	sadd.s32 $0x2000, s13;
	s24 =	sadd.s32 $0x6000, s13;
	[dreg:$0x9] =	wrdreg s23  }
0x11: {  	s25 =	sadd.s32 $0xA000, s13;
	s26 =	sadd.s32 $0xE000, s13;
	[dreg:$0xb] =	wrdreg s15  }
0x12: {  	s9 =	sshrl.u32 s12, $0x3;
	s12 =	sshrl.u32 s20, $0x3;
	[dreg:$0x4] =	wrdreg s7  }
0x13: {  	s19 =	sshrl.u32 s21, $0x3;
	s20 =	sshrl.u32 s18, $0x3;
	[dreg:$0x6] =	wrdreg s24  }
0x14: {  	s0 =	sshrl.u32 s0, $0x3;
	s18 =	simm.s32 $0x2;
	[dreg:$0x8] =	wrdreg s25  }
0x15: {  	s8 =	sshrl.u32 s4, $0x3;
	[dreg:$0xa] =	wrdreg s26;
	s21 =	sadd.s32 s14, s20  }
0x16: {  	s0 =	sadd.s32 s14, s0;
	s26 =	smax.u32 s16, $0x1;
	[dreg:$0x10] =	wrdreg s21  }
0x17: {  	s16 =	simm.s32 $0x5;
	s20 =	simm.s32 $0x4;
	[dreg:$0x11] =	wrdreg s0  }
0x18: {  	s10 =	sadd.s32 s8, s1;
	s1 =	sadd.s32 s14, s12;
	[dreg:$0x14] =	wrdreg s26  }
0x19: {  	s24 =	sadd.s32 s6, s8;
	s25 =	sadd.s32 s8, s17;
	[dreg:$0xe] =	wrdreg s1  }
0x1a: {  	s8 =	simm.s32 $0x2900;
	s12 =	simm.s32 $0x8A00;
	[dreg:$0x13] =	wrdreg s25  }
0x1b: {  	s21 =	simm.s32 $0x8;
	s28 =	sadd.s32 $0xE800, s10;
	[dreg:$0x12] =	wrdreg s24  }
0x1c: {  	s10 =	sadd.s32 s14, s9;
	s1 =	sadd.s32 s14, s19;
	[dreg:$0xc] =	wrdreg s28  }
0x1d: {  	s0 =	sadd.s32 $0x10, s24;
	s14 =	simm.s32 $0x2980;
	[dreg:$0xd] =	wrdreg s10  }
0x1e: {  	s19 =	simm.s32 $0x7;
	s9 =	simm.s32 $0x0;
	[dreg:$0xf] =	wrdreg s1  }
0x1f: {  	s28 =	sadd.s32 $0x12000, s13;
	[dreg:$0x16] =	wrdreg s0;
	s1 =	simm.s32 $0x2800  }
0x20: {  	v0 =	vimm.f32 $0.0e+00;
	s0 =	simm.s32 $0x6A00;
	s10 =	simm.s32 $0x1;
	[dreg:$0x15] =	wrdreg s28  }
.LBB2_1:
0x21: {  	[dreg:$0x17] =	wrdreg s9;
	s24 =	simm.s32 $0x0;
	s25 =	simm.s32 $0x200  }
.LBB2_2:
0x22: {  	p0 =	sne.s32 s25, $0x7E00;
	[tilespmem:s24+$0x2A70] =	vst v0  }
0x23: {  	[tilespmem:s24+$0x2A00] =	vst v0  }
0x24: {  	[tilespmem:s24+$0x2A10] =	vst v0  }
.Ltmp0:
0x25: {  	[tilespmem:s24+$0x2A20] =	vst v0;
	(pc) =	sbr.rel @p0 .LBB2_2-.Ltmp0, $4  }
0x26: {  	[tilespmem:s24+$0x2A30] =	vst v0  }
0x27: {  	[tilespmem:s24+$0x2A40] =	vst v0  }
0x28: {  	[tilespmem:s24+$0x2A50] =	vst v0  }
0x29: {  	[tilespmem:s24+$0x2A60] =	vst v0;
	s24 =	sshra.s32 s25, $0x2;
	s25 =	sadd.s32 $0x200, s25  }
0x2a: {  	[tilespmem:s24+$0x2A70] =	vst v0  }
0x2b: {  	[tilespmem:s24+$0x2A00] =	vst v0  }
0x2c: {  	[tilespmem:s24+$0x2A10] =	vst v0  }
0x2d: {  	[tilespmem:s24+$0x2A20] =	vst v0  }
0x2e: {  	[tilespmem:s24+$0x2A30] =	vst v0  }
0x2f: {  	[tilespmem:s24+$0x2A40] =	vst v0  }
0x30: {  	[tilespmem:s24+$0x2A50] =	vst v0  }
0x31: {  	[tilespmem:s24+$0x2A60] =	vst v0  }
0x32: {  	[spmem:s13] =	stream.linear.scatter [tilespmem:s29], [sflag:$0x9], $0x2000, $0x38;
	[tilespmem:$0x1EA00] =	vst v63  }
0x33: {  	_ =	swait.ge [sflag:s30], $0x2000  }
0x34: {  	[sflag:s30] =	ssyncset.done $0x0  }
0x35: {  	s7 =	rddreg [dreg:$0x4];
	[sflag:s30] =	ssyncadd.s32 $0xFFFFE000  }
0x36: {  	[spmem:s7] =	stream.linear.scatter [tilespmem:s29], [sflag:$0x9], $0x2000, $0x38;
	[tilespmem:$0x1EA00] =	vst v63  }
0x37: {  	_ =	swait.ge [sflag:s30], $0x2000  }
0x38: {  	[sflag:s30] =	ssyncset.done $0x0  }
0x39: {  	[sflag:s30] =	ssyncadd.s32 $0xFFFFE000  }
0x3a: {  	[spmem:s11] =	stream.linear.scatter [tilespmem:s29], [sflag:$0x9], $0x2000, $0x38;
	[tilespmem:$0x1EA00] =	vst v63  }
0x3b: {  	_ =	swait.ge [sflag:s30], $0x2000  }
0x3c: {  	[sflag:s30] =	ssyncset.done $0x0  }
0x3d: {  	s26 =	rddreg [dreg:$0x6];
	[sflag:s30] =	ssyncadd.s32 $0xFFFFE000  }
0x3e: {  	[spmem:s26] =	stream.linear.scatter [tilespmem:s29], [sflag:$0x9], $0x2000, $0x38;
	[tilespmem:$0x1EA00] =	vst v63  }
0x3f: {  	_ =	swait.ge [sflag:s30], $0x2000  }
0x40: {  	[sflag:s30] =	ssyncset.done $0x0  }
0x41: {  	[sflag:s30] =	ssyncadd.s32 $0xFFFFE000  }
0x42: {  	[spmem:s22] =	stream.linear.scatter [tilespmem:s29], [sflag:$0x9], $0x2000, $0x38;
	[tilespmem:$0x1EA00] =	vst v63  }
0x43: {  	_ =	swait.ge [sflag:s30], $0x2000  }
0x44: {  	[sflag:s30] =	ssyncset.done $0x0  }
0x45: {  	s28 =	rddreg [dreg:$0x8];
	[sflag:s30] =	ssyncadd.s32 $0xFFFFE000  }
0x46: {  	[spmem:s28] =	stream.linear.scatter [tilespmem:s29], [sflag:$0x9], $0x2000, $0x38;
	[tilespmem:$0x1EA00] =	vst v63  }
0x47: {  	_ =	swait.ge [sflag:s30], $0x2000  }
0x48: {  	[sflag:s30] =	ssyncset.done $0x0  }
0x49: {  	[sflag:s30] =	ssyncadd.s32 $0xFFFFE000  }
0x4a: {  	[spmem:s23] =	stream.linear.scatter [tilespmem:s29], [sflag:$0x9], $0x2000, $0x38;
	[tilespmem:$0x1EA00] =	vst v63  }
0x4b: {  	_ =	swait.ge [sflag:s30], $0x2000  }
0x4c: {  	[sflag:s30] =	ssyncset.done $0x0  }
0x4d: {  	s9 =	rddreg [dreg:$0xa];
	[sflag:s30] =	ssyncadd.s32 $0xFFFFE000  }
0x4e: {  	[spmem:s9] =	stream.linear.scatter [tilespmem:s29], [sflag:$0x9], $0x2000, $0x38;
	[tilespmem:$0x1EA00] =	vst v63  }
0x4f: {  	_ =	swait.ge [sflag:s30], $0x2000  }
0x50: {  	[sflag:s30] =	ssyncset.done $0x0  }
0x51: {  	[sflag:s30] =	ssyncadd.s32 $0xFFFFE000  }
0x52: {  	[spmem:s15] =	stream.linear.scatter [tilespmem:s29], [sflag:$0x9], $0x2000, $0x38;
	[tilespmem:$0x1EA00] =	vst v63  }
0x53: {  	_ =	swait.ge [sflag:s30], $0x2000  }
0x54: {  	[sflag:s30] =	ssyncset.done $0x0  }
0x55: {  	s11 =	rddreg [dreg:$0x15];
	[sflag:s30] =	ssyncadd.s32 $0xFFFFE000  }
0x56: {  	[spmem:s11] =	stream.linear.scatter [tilespmem:s29], [sflag:$0x9], $0x2000, $0x38;
	[tilespmem:$0x1EA00] =	vst v63  }
0x57: {  	_ =	swait.ge [sflag:s30], $0x2000  }
0x58: {  	[sflag:s30] =	ssyncset.done $0x0  }
0x59: {  	[sflag:s30] =	ssyncadd.s32 $0xFFFFE000  }
0x5a: {  	[bflag:$0x0] =	sbarrier.arrive $0xFFFF  }
0x5b: {  	s13 =	rddreg [dreg:$0xc]  }
0x5c: {  	[tilespmem:s3], [sflag:$0x9] =	stream.linear.gather [hbm4b:s13+s3], $0x2800, $0x38;
	[tilespmem:$0x1EA00] =	vst v63  }
0x5d: {  	_ =	swait.ge [sflag:s30], $0x2800  }
0x5e: {  	[sflag:s30] =	ssyncset.done $0x0  }
0x5f: {  	[sflag:s30] =	ssyncadd.s32 $0xFFFFD800  }
0x60: {  	[tilespmem:s29], [sflag:$0x1] =	stream.indirect.gather [hbm4b:s5+s31], $0x80, s3, s31, $0xb8;
	[tilespmem:$0x1EA00] =	vst v63  }
0x61: {  	s15 =	rddreg [dreg:$0x12]  }
0x62: {  	[tilespmem:s1], [sflag:$0x5] =	stream.linear.gather [hbm4b:s15+s3], $0x40, $0x38;
	[tilespmem:$0x1EA00] =	vst v63  }
0x63: {  	s22 =	simm.s32 $0x4A00  }
0x64: {  	[tilespmem:s22], [sflag:$0x2] =	stream.indirect.gather [hbm4b:s5+s31], $0x80, s31, s31, $0xb8;
	[tilespmem:$0x1EA00] =	vst v63  }
0x65: {  	s9 =	simm.s32 $0x2880;
	s23 =	rddreg [dreg:$0x13]  }
0x66: {  	[tilespmem:s9], [sflag:$0x6] =	stream.linear.gather [hbm4b:s23+s3], $0x40, $0x38;
	[tilespmem:$0x1EA00] =	vst v63  }
0x67: {  	s24 =	simm.s32 $0x80  }
0x68: {  	[tilespmem:s0], [sflag:$0x3] =	stream.indirect.gather [hbm4b:s5+s31], $0x80, s24, s31, $0xb8;
	[tilespmem:$0x1EA00] =	vst v63  }
0x69: {  	s26 =	simm.s32 $0x0;
	s25 =	rddreg [dreg:$0x16]  }
0x6a: {  	[tilespmem:s8], [sflag:$0x7] =	stream.linear.gather [hbm4b:s25+s3], $0x40, $0x38;
	[tilespmem:$0x1EA00] =	vst v63  }
0x6b: {  	s24 =	sand.u32 $0x3C00, s26;
	s25 =	simm.s32 $0x80  }
0x6c: {  	s24 =	sadd.s32 s4, s24;
	s25 =	sand.u32 $0x380, s25;
	_ =	swait.ge [sflag:s10], $0x2000  }
0x6d: {  	s24 =	sor.u32 s24, s25;
	[sflag:s10] =	ssyncset.done $0x0  }
0x6e: {  	s28 =	simm.s32 $0xC0;
	s24 =	sshrl.u32 s24, $0x3;
	[sflag:s10] =	ssyncadd.s32 $0xFFFFE000  }
0x6f: {  	[tilespmem:s12], [sflag:$0x4] =	stream.indirect.gather [hbm4b:s5+s31], $0x80, s28, s31, $0xb8;
	[tilespmem:$0x1EA00] =	vst v63  }
0x70: {  	s24 =	sadd.s32 s24, s17  }
0x71: {  	[tilespmem:s14], [sflag:$0x8] =	stream.linear.gather [hbm4b:s24+s3], $0x40, $0x38;
	[tilespmem:$0x1EA00] =	vst v63  }
0x72: {  	_ =	swait.ge [sflag:s16], $0x40  }
0x73: {  	[sflag:s16] =	ssyncset.done $0x0  }
0x74: {  	[sflag:s16] =	ssyncadd.s32 $0xFFFFFFC0  }
0x75: {  	[spmem:s2] =	stream.indirect.scatter.add.f32 [tilespmem:s29], [sflag:$0x9], $0x80, s1, s31, $0xb8;
	[tilespmem:$0x1EA00] =	vst v63  }
0x76: {  	_ =	swait.ge [sflag:s30], $0x2000  }
0x77: {  	[sflag:s30] =	ssyncset.done $0x0  }
0x78: {  	[sflag:s30] =	ssyncadd.s32 $0xFFFFE000  }
0x79: {  	_ =	swait.ge [sflag:s18], $0x2000  }
0x7a: {  	p0 =	por $0x0, $0x0;
	[sflag:s18] =	ssyncset.done $0x0  }
0x7b: {  	s24 =	simm.s32 @p0 $0x6;
	[sflag:s18] =	ssyncadd.s32 $0xFFFFE000  }
0x7c: {  	_ =	swait.ge @p0 [sflag:s24], $0x40  }
0x7d: {  	s23 =	simm.s32 @p0 $0x40;
	s9 =	simm.s32 @p0 $0x9;
	[sflag:s24] =	ssyncset.done @p0 $0x0  }
0x7e: {  	s25 =	simm.s32 @p0 $0x2880;
	s28 =	simm.s32 @p0 $0x4A00;
	[sflag:s24] =	ssyncadd.s32 @p0 $0xFFFFFFC0  }
0x7f: {  	[spmem:s2] =	stream.indirect.scatter.add.f32 @p0 [tilespmem:s28], [sflag:$0x9], $0x80, s25, s23, $0xb8;
	[tilespmem:$0x1EA00] =	vst v63  }
0x80: {  	s26 =	simm.s32 @!p0 $0x100;
	_ =	swait.ge @p0 [sflag:s9], $0x2000  }
0x81: {  	s24 =	sand.u32 @!p0 $0x300, s26;
	s23 =	sand.u32 @!p0 $0x7C00, s26;
	[sflag:s9] =	ssyncset.done @p0 $0x0  }
0x82: {  	s25 =	simm.s32 @p0 $0x3;
	s26 =	simm.s32 @!p0 $0x100;
	[sflag:s9] =	ssyncadd.s32 @p0 $0xFFFFE000  }
0x83: {  	s28 =	simm.s32 @!p0 $0x6;
	s23 =	sadd.s32 @!p0 s4, s23;
	_ =	swait.ge @p0 [sflag:s25], $0x2000  }
0x84: {  	s23 =	sor.u32 @!p0 s24, s23;
	s24 =	simm.s32 @!p0 $0x2A00;
	[sflag:s25] =	ssyncset.done @p0 $0x0  }
0x85: {  	s9 =	simm.s32 @!p0 $0x40;
	s23 =	sshrl.u32 @!p0 s23, $0x3;
	[sflag:s25] =	ssyncadd.s32 @p0 $0xFFFFE000  }
0x86: {  	[tilespmem:s24], [sflag:$0x1] =	stream.indirect.gather @!p0 [hbm4b:s5+s9], $0x80, s26, s9, $0xb8;
	[tilespmem:$0x1EA00] =	vst v63  }
0x87: {  	s25 =	simm.s32 @!p0 $0x0;
	s24 =	simm.s32 @!p0 $0x2800;
	s26 =	sadd.s32 @!p0 s6, s23  }
0x88: {  	[tilespmem:s24], [sflag:$0x5] =	stream.linear.gather @!p0 [hbm4b:s26+s25], $0x40, $0x38;
	[tilespmem:$0x1EA00] =	vst v63  }
0x89: {  	_ =	swait.ge @!p0 [sflag:s28], $0x40  }
0x8a: {  	s24 =	simm.s32 @!p0 $0x2880;
	[sflag:s28] =	ssyncset.done @!p0 $0x0  }
0x8b: {  	s26 =	simm.s32 @!p0 $0x4A00;
	[sflag:s28] =	ssyncadd.s32 @!p0 $0xFFFFFFC0;
	s28 =	simm.s32 @!p0 $0x9  }
0x8c: {  	[spmem:s2] =	stream.indirect.scatter.add.f32 @!p0 [tilespmem:s26], [sflag:$0x9], $0x80, s24, s9, $0xb8;
	[tilespmem:$0x1EA00] =	vst v63  }
0x8d: {  	_ =	swait.ge @!p0 [sflag:s28], $0x2000  }
0x8e: {  	[sflag:s28] =	ssyncset.done @!p0 $0x0  }
0x8f: {  	[sflag:s28] =	ssyncadd.s32 @!p0 $0xFFFFE000;
	s28 =	simm.s32 @!p0 $0x3  }
0x90: {  	_ =	swait.ge @!p0 [sflag:s28], $0x2000  }
0x91: {  	[sflag:s28] =	ssyncset.done @!p0 $0x0  }
0x92: {  	[sflag:s28] =	ssyncadd.s32 @!p0 $0xFFFFE000;
	s28 =	simm.s32 @!p0 $0x140  }
0x93: {  	[tilespmem:s26], [sflag:$0x2] =	stream.indirect.gather @!p0 [hbm4b:s5+s9], $0x80, s28, s9, $0xb8;
	[tilespmem:$0x1EA00] =	vst v63  }
0x94: {  	s23 =	sadd.s32 @!p0 s23, s17  }
0x95: {  	[tilespmem:s24], [sflag:$0x6] =	stream.linear.gather @!p0 [hbm4b:s23+s25], $0x40, $0x38;
	[tilespmem:$0x1EA00] =	vst v63  }
0x96: {  	_ =	swait.ge [sflag:s19], $0x40  }
0x97: {  	[sflag:s19] =	ssyncset.done $0x0  }
0x98: {  	[sflag:s19] =	ssyncadd.s32 $0xFFFFFFC0  }
0x99: {  	[spmem:s2] =	stream.indirect.scatter.add.f32 [tilespmem:s0], [sflag:$0x9], $0x80, s8, s31, $0xb8;
	[tilespmem:$0x1EA00] =	vst v63  }
0x9a: {  	_ =	swait.ge [sflag:s30], $0x2000  }
0x9b: {  	[sflag:s30] =	ssyncset.done $0x0  }
0x9c: {  	[sflag:s30] =	ssyncadd.s32 $0xFFFFE000  }
0x9d: {  	_ =	swait.ge [sflag:s20], $0x2000  }
0x9e: {  	[sflag:s20] =	ssyncset.done $0x0  }
0x9f: {  	s24 =	simm.s32 $0x180;
	s23 =	simm.s32 @!p0 $0x6A00;
	[sflag:s20] =	ssyncadd.s32 $0xFFFFE000  }
0xa0: {  	[tilespmem:s23], [sflag:$0x3] =	stream.indirect.gather @!p0 [hbm4b:s5+s9], $0x80, s24, s9, $0xb8;
	[tilespmem:$0x1EA00] =	vst v63  }
0xa1: {  	s9 =	sand.u32 @!p0 $0x7C00, s24  }
0xa2: {  	s23 =	sand.u32 @!p0 $0x380, s24;
	s9 =	sadd.s32 @!p0 s4, s9  }
0xa3: {  	s9 =	sor.u32 @!p0 s23, s9  }
0xa4: {  	s9 =	sshrl.u32 @!p0 s9, $0x3  }
0xa5: {  	s23 =	simm.s32 @!p0 $0x2900;
	s9 =	sadd.s32 @!p0 s6, s9  }
0xa6: {  	[tilespmem:s23], [sflag:$0x7] =	stream.linear.gather @!p0 [hbm4b:s9+s25], $0x40, $0x38;
	[tilespmem:$0x1EA00] =	vst v63  }
0xa7: {  	_ =	swait.ge [sflag:s21], $0x40  }
0xa8: {  	[sflag:s21] =	ssyncset.done $0x0  }
0xa9: {  	s25 =	simm.s32 $0x280;
	[sflag:s21] =	ssyncadd.s32 $0xFFFFFFC0  }
0xaa: {  	[spmem:s2] =	stream.indirect.scatter.add.f32 [tilespmem:s12], [sflag:$0x9], $0x80, s14, s31, $0xb8;
	[tilespmem:$0x1EA00] =	vst v63  }
.LBB2_4:
0xab: {  	_ =	swait.ge [sflag:s30], $0x2000  }
0xac: {  	s24 =	sadd.s32 $0x100, s24;
	s28 =	smov.u32 s25;
	s25 =	sadd.s32 $0x100, s25  }
0xad: {  	s9 =	sadd.s32 $0xFFFFFE80, s28;
	p0 =	sne.s32 s25, $0x2980;
	[sflag:s30] =	ssyncset.done $0x0  }
0xae: {  	s23 =	sadd.s32 $0xFFFFFF00, s28;
	s9 =	sand.u32 $0x3C00, s9;
	[sflag:s30] =	ssyncadd.s32 $0xFFFFE000  }
0xaf: {  	s23 =	sand.u32 $0x380, s23;
	s9 =	sadd.s32 s4, s9  }
0xb0: {  	_ =	swait.ge [sflag:s10], $0x2000;
	s9 =	sor.u32 s9, s23  }
0xb1: {  	s23 =	sadd.s32 $0xFFFFFF40, s24;
	[sflag:s10] =	ssyncset.done $0x0;
	s9 =	sshrl.u32 s9, $0x3  }
0xb2: {  	[sflag:s10] =	ssyncadd.s32 $0xFFFFE000;
	s9 =	sadd.s32 s9, s17  }
0xb3: {  	[tilespmem:s12], [sflag:$0x4] =	stream.indirect.gather [hbm4b:s5+s31], $0x80, s23, s31, $0xb8;
	[tilespmem:$0x1EA00] =	vst v63  }
0xb4: {  	_ = 	snop  }
0xb5: {  	[tilespmem:s14], [sflag:$0x8] =	stream.linear.gather [hbm4b:s9+s3], $0x40, $0x38;
	[tilespmem:$0x1EA00] =	vst v63  }
0xb6: {  	_ =	swait.ge [sflag:s16], $0x40  }
0xb7: {  	[sflag:s16] =	ssyncset.done $0x0  }
0xb8: {  	[sflag:s16] =	ssyncadd.s32 $0xFFFFFFC0  }
0xb9: {  	[spmem:s2] =	stream.indirect.scatter.add.f32 [tilespmem:s29], [sflag:$0x9], $0x80, s1, s31, $0xb8;
	[tilespmem:$0x1EA00] =	vst v63  }
0xba: {  	_ =	swait.ge [sflag:s30], $0x2000  }
0xbb: {  	[sflag:s30] =	ssyncset.done $0x0  }
0xbc: {  	p1 =	seq.s32 s28, $0x2880;
	[sflag:s30] =	ssyncadd.s32 $0xFFFFE000  }
0xbd: {  	s23 =	simm.s32 @p1 $0x2880;
	s9 =	simm.s32 @p1 $0x6;
	_ =	swait.ge [sflag:s18], $0x2000  }
0xbe: {  	s11 =	sadd.s32 @!p1 $0xFFFFFF80, s28;
	[sflag:s18] =	ssyncset.done $0x0  }
0xbf: {  	s13 =	simm.s32 @p1 $0x4A00;
	s15 =	sand.u32 @!p1 $0x7C00, s11;
	[sflag:s18] =	ssyncadd.s32 $0xFFFFE000  }
0xc0: {  	s7 =	simm.s32 @p1 $0x40;
	s26 =	simm.s32 @!p1 $0x40;
	_ =	swait.ge @p1 [sflag:s9], $0x40  }
0xc1: {  	s22 =	simm.s32 @p1 $0x9;
	s15 =	sadd.s32 @!p1 s4, s15;
	[sflag:s9] =	ssyncset.done @p1 $0x0  }
0xc2: {  	[sflag:s9] =	ssyncadd.s32 @p1 $0xFFFFFFC0;
	s9 =	sand.u32 @!p1 $0x300, s11;
	s11 =	sand.u32 @!p1 $0x7C00, s28  }
0xc3: {  	[spmem:s2] =	stream.indirect.scatter.add.f32 @p1 [tilespmem:s13], [sflag:$0x9], $0x80, s23, s7, $0xb8;
	[tilespmem:$0x1EA00] =	vst v63  }
0xc4: {  	s7 =	simm.s32 @p1 $0x3;
	s9 =	sor.u32 @!p1 s9, s15;
	_ =	swait.ge @p1 [sflag:s22], $0x2000  }
0xc5: {  	s11 =	sadd.s32 @!p1 s4, s11;
	s9 =	sshrl.u32 @!p1 s9, $0x3;
	[sflag:s22] =	ssyncset.done @p1 $0x0  }
0xc6: {  	s13 =	simm.s32 @!p1 $0x2A00;
	s15 =	sand.u32 @!p1 $0x380, s28;
	[sflag:s22] =	ssyncadd.s32 @p1 $0xFFFFE000  }
0xc7: {  	s11 =	sor.u32 @!p1 s15, s11;
	s22 =	sadd.s32 @!p1 $0xFFFFFF80, s24;
	_ =	swait.ge @p1 [sflag:s7], $0x2000  }
0xc8: {  	s15 =	simm.s32 @!p1 $0x6;
	s11 =	sshrl.u32 @!p1 s11, $0x3;
	[sflag:s7] =	ssyncset.done @p1 $0x0  }
0xc9: {  	s28 =	simm.s32 @!p1 $0x0;
	[sflag:s7] =	ssyncadd.s32 @p1 $0xFFFFE000;
	s7 =	simm.s32 @!p1 $0x2800  }
0xca: {  	[tilespmem:s13], [sflag:$0x1] =	stream.indirect.gather @!p1 [hbm4b:s5+s26], $0x80, s22, s26, $0xb8;
	[tilespmem:$0x1EA00] =	vst v63  }
0xcb: {  	s11 =	sadd.s32 @!p1 s6, s11;
	s13 =	sadd.s32 @!p1 s6, s9;
	s9 =	sadd.s32 @!p1 s9, s17  }
0xcc: {  	[tilespmem:s7], [sflag:$0x5] =	stream.linear.gather @!p1 [hbm4b:s13+s28], $0x40, $0x38;
	[tilespmem:$0x1EA00] =	vst v63  }
0xcd: {  	s7 =	simm.s32 @!p1 $0x2880;
	s13 =	simm.s32 @!p1 $0x4A00;
	_ =	swait.ge @!p1 [sflag:s15], $0x40  }
0xce: {  	s22 =	simm.s32 @!p1 $0x9;
	[sflag:s15] =	ssyncset.done @!p1 $0x0  }
0xcf: {  	[sflag:s15] =	ssyncadd.s32 @!p1 $0xFFFFFFC0  }
0xd0: {  	[spmem:s2] =	stream.indirect.scatter.add.f32 @!p1 [tilespmem:s13], [sflag:$0x9], $0x80, s7, s26, $0xb8;
	[tilespmem:$0x1EA00] =	vst v63  }
0xd1: {  	s15 =	simm.s32 @!p1 $0x3;
	_ =	swait.ge @!p1 [sflag:s22], $0x2000  }
0xd2: {  	[sflag:s22] =	ssyncset.done @!p1 $0x0  }
0xd3: {  	[sflag:s22] =	ssyncadd.s32 @!p1 $0xFFFFE000  }
0xd4: {  	s22 =	sadd.s32 @!p1 $0xFFFFFFC0, s24;
	_ =	swait.ge @!p1 [sflag:s15], $0x2000  }
0xd5: {  	[sflag:s15] =	ssyncset.done @!p1 $0x0  }
0xd6: {  	[sflag:s15] =	ssyncadd.s32 @!p1 $0xFFFFE000  }
0xd7: {  	[tilespmem:s13], [sflag:$0x2] =	stream.indirect.gather @!p1 [hbm4b:s5+s26], $0x80, s22, s26, $0xb8;
	[tilespmem:$0x1EA00] =	vst v63  }
0xd8: {  	_ = 	snop  }
0xd9: {  	[tilespmem:s7], [sflag:$0x6] =	stream.linear.gather @!p1 [hbm4b:s9+s28], $0x40, $0x38;
	[tilespmem:$0x1EA00] =	vst v63  }
0xda: {  	_ =	swait.ge [sflag:s19], $0x40  }
0xdb: {  	[sflag:s19] =	ssyncset.done $0x0  }
0xdc: {  	[sflag:s19] =	ssyncadd.s32 $0xFFFFFFC0  }
0xdd: {  	[spmem:s2] =	stream.indirect.scatter.add.f32 [tilespmem:s0], [sflag:$0x9], $0x80, s8, s31, $0xb8;
	[tilespmem:$0x1EA00] =	vst v63  }
0xde: {  	_ =	swait.ge [sflag:s30], $0x2000  }
0xdf: {  	[sflag:s30] =	ssyncset.done $0x0  }
0xe0: {  	[sflag:s30] =	ssyncadd.s32 $0xFFFFE000  }
0xe1: {  	_ =	swait.ge [sflag:s20], $0x2000  }
0xe2: {  	[sflag:s20] =	ssyncset.done $0x0  }
0xe3: {  	s7 =	simm.s32 @!p1 $0x6A00;
	[sflag:s20] =	ssyncadd.s32 $0xFFFFE000  }
0xe4: {  	[tilespmem:s7], [sflag:$0x3] =	stream.indirect.gather @!p1 [hbm4b:s5+s26], $0x80, s24, s26, $0xb8;
	[tilespmem:$0x1EA00] =	vst v63  }
0xe5: {  	s7 =	simm.s32 @!p1 $0x2900  }
0xe6: {  	[tilespmem:s7], [sflag:$0x7] =	stream.linear.gather @!p1 [hbm4b:s11+s28], $0x40, $0x38;
	[tilespmem:$0x1EA00] =	vst v63  }
.Ltmp1:
0xe7: {  	_ = 	snop;
	(pc) =	sbr.rel @p0 .LBB2_4-.Ltmp1, $4  }
0xe8: {  	_ =	swait.ge [sflag:s21], $0x40  }
0xe9: {  	[sflag:s21] =	ssyncset.done $0x0  }
0xea: {  	[sflag:s21] =	ssyncadd.s32 $0xFFFFFFC0  }
0xeb: {  	[spmem:s2] =	stream.indirect.scatter.add.f32 [tilespmem:s12], [sflag:$0x9], $0x80, s14, s31, $0xb8;
	[tilespmem:$0x1EA00] =	vst v63  }
0xec: {  	_ =	swait.ge [sflag:s30], $0x2000  }
0xed: {  	[sflag:s30] =	ssyncset.done $0x0  }
0xee: {  	[sflag:s30] =	ssyncadd.s32 $0xFFFFE000  }
0xef: {  	s7 =	stileid.u32;
	[bflag:$0x0] =	sbarrier.arrive $0xFFFF  }
0xf0: {  	s7 =	sshll.u32 s7, $0x6;
	s13 =	rddreg [dreg:$0x3]  }
0xf1: {  	s7 =	sor.u32 $0x1C09, s7;
	s11 =	rddreg [dreg:$0xd];
	s9 =	sshrl.u32 s13, $0x3  }
0xf2: {  	[hbm:s11], [sflag:s7] =	dma.local [spmem:s9], $0x800  }
0xf3: {  	_ =	swait.ge [sflag:s30], $0x800  }
0xf4: {  	[sflag:s30] =	ssyncset.done $0x0;
	s11 =	rddreg [dreg:$0x5]  }
0xf5: {  	s15 =	rddreg [dreg:$0xe];
	[sflag:s30] =	ssyncadd.s32 $0xFFFFF800;
	s25 =	sshrl.u32 s11, $0x3  }
0xf6: {  	[hbm:s15], [sflag:s7] =	dma.local [spmem:s25], $0x800  }
0xf7: {  	_ =	swait.ge [sflag:s30], $0x800  }
0xf8: {  	[sflag:s30] =	ssyncset.done $0x0;
	s22 =	rddreg [dreg:$0x7]  }
0xf9: {  	s28 =	rddreg [dreg:$0xf];
	[sflag:s30] =	ssyncadd.s32 $0xFFFFF800;
	s26 =	sshrl.u32 s22, $0x3  }
0xfa: {  	[hbm:s28], [sflag:s7] =	dma.local [spmem:s26], $0x800  }
0xfb: {  	_ =	swait.ge [sflag:s30], $0x800  }
0xfc: {  	[sflag:s30] =	ssyncset.done $0x0;
	s23 =	rddreg [dreg:$0x9]  }
0xfd: {  	s24 =	rddreg [dreg:$0x10];
	[sflag:s30] =	ssyncadd.s32 $0xFFFFF800;
	s15 =	sshrl.u32 s23, $0x3  }
0xfe: {  	[hbm:s24], [sflag:s7] =	dma.local [spmem:s15], $0x800  }
0xff: {  	_ =	swait.ge [sflag:s30], $0x800  }
0x100: {  	[sflag:s30] =	ssyncset.done $0x0;
	s15 =	rddreg [dreg:$0xb]  }
0x101: {  	s24 =	rddreg [dreg:$0x11];
	[sflag:s30] =	ssyncadd.s32 $0xFFFFF800;
	s25 =	sshrl.u32 s15, $0x3  }
0x102: {  	[hbm:s24], [sflag:s7] =	dma.local [spmem:s25], $0x800  }
0x103: {  	_ =	swait.ge [sflag:s30], $0x800  }
0x104: {  	s26 =	rddreg [dreg:$0x17]  }
0x105: {  	s28 =	rddreg [dreg:$0x14];
	s9 =	sadd.s32 $0x1, s26  }
0x106: {  	p0 =	sne.s32 s9, s28  }
.Ltmp2:
0x107: {  	_ = 	snop;
	(pc) =	sbr.rel @p0 .LBB2_1-.Ltmp2, $3  }
0x108: {  	_ =	sdelay $0x1  }
0x109: {  	[sflag:s30] =	ssyncset.done $0x0  }
0x10a: {  	[sflag:s30] =	ssyncadd.s32 $0xFFFFF800  }
0x10b: {  	_ =	sfence.sel $0x180000  }
0x10c: {  	[bflag:$0x0] =	sbarrier.arrive $0xFFFF  }
0x10d: {  	_ =	strace $0x90000050  }
0x10e: {  	s0 =	stileid.u32;
	[bflag:$0x2] =	sbarrier.arrive $0xFFFF  }
0x10f: {  	p0 =	sne.s32 s0, $0x0;
	s0 =	rddreg [dreg:$0x2]  }
0x110: {  	s0 =	sadd.s32 @!p0 $0x100000, s0  }
0x111: {  	[sflag:s0] =	ssyncadd.tile.s32 @!p0 $0x1;
	_ =	shalt  }
.Lfunc_end2:
_tile_overlayer_lowered:
.L_overlay_start_2:
0x112: {  	(tag) =	ssettag $0x2  }
0x113: {  	s0 =	rddreg [dreg:$0x0];
	s2 =	stileid.u32  }
0x114: {  	s1 =	rddreg [dreg:$0x1];
	p0 =	sne.s32 s2, $0x0  }
0x115: {  	s3 =	rddreg [dreg:$0x2];
	[bflag:$0x3] =	sbarrier.arrive $0xFFFF;
	s2 =	simm.s32 @!p0 $0x1C09  }
0x116: {  	[timem:s3], [sflag:s2] =	dma.local @!p0 [hbm:s0], s1  }
0x117: {  	s0 =	simm.s32 @!p0 $0x9  }
0x118: {  	_ =	swait.ge @!p0 [sflag:s0], s1  }
0x119: {  	s1 =	ssub.s32 @!p0 $0x0, s1;
	[sflag:s0] =	ssyncset.done @!p0 $0x0  }
0x11a: {  	[sflag:s0] =	ssyncadd.s32 @!p0 s1  }
0x11b: {  	[bflag:$0x3] =	sbarrier.arrive $0xFFFF  }
0x11c: {  	_ =	shalt  }

// kernel: kernel.23.cloned.1.call-start
scs
__scs_entry_jumppad:
0x0: {  	(pc) =	sbr.rel $0x88, $3  }
0x1: {  	(tag) =	ssettag $0x0;
	lr =	simm.s32 $0x1  }
0x2: {  	[smem:$0x3F8D] =	sst lr;
	_ =	strace $0xD0000000  }
0x3: {  	_ = 	snop  }
0x4: {  	_ = 	snop  }
0x5: {  	_ = 	snop  }
0x6: {  	_ = 	snop  }
0x7: {  	_ = 	snop  }
__scs_overlays_trampoline_lowered:
0x8: {  	[smem:$0x3F9C] =	sst s0  }
0x9: {  	[smem:$0x3F9D] =	sst s1  }
0xa: {  	[smem:$0x3F9E] =	sst s2  }
0xb: {  	[smem:$0x3F9F] =	sst s3  }
0xc: {  	[smem:$0x3FA0] =	sst s4  }
0xd: {  	[smem:$0x3FA1] =	sst s5  }
0xe: {  	[smem:$0x3FA2] =	sst s6  }
0xf: {  	[smem:$0x3FA3] =	sst s7  }
0x10: {  	[smem:$0x3FA4] =	sst s8  }
0x11: {  	[smem:$0x3FA5] =	sst s9;
	s0 =	simm.s32 @!p0 $0x0  }
0x12: {  	s1 =	sld [smem:$0x3F8B];
	s0 =	simm.s32 @p0 $0x1  }
0x13: {  	[smem:$0x3FA6] =	sst s0;
	s0 =	simm.s32 @!p1 $0x0  }
0x14: {  	s2 =	sld [smem:$0x3F8A];
	s0 =	simm.s32 @p1 $0x1  }
0x15: {  	[smem:$0x3FA7] =	sst s0;
	s0 =	simm.s32 @!p2 $0x0  }
0x16: {  	s3 =	sld [smem:$0x3FDB];
	s0 =	simm.s32 @p2 $0x1  }
0x17: {  	s4 =	simm.s32 $0x1BF5;
	[smem:$0x3FA9] =	sst s0  }
0x18: {  	s0 =	sld [smem:$0x3F8C];
	_ =	swait.ge [sflag:s4], $0x0  }
0x19: {  	s7 =	sld [smem:$0x3F8D]  }
0x1a: {  	s8 =	sadd.s32 $0xFFFFE003, lr  }
0x1b: {  	s9 =	sadd.s32 $0xFFFFFEF7, lr;
	s5 =	simm.s32 $0xFFFFFFFF;
	p2 =	slt.u32 s8, $0xFFFFF086  }
0x1c: {  	p1 =	slt.u32 s9, $0xF7A;
	s5 =	simm.s32 @!p2 $0x0  }
0x1d: {  	s5 =	simm.s32 @p1 $0x1;
	p0 =	seq.s32 s7, s2  }
0x1e: {  	s7 =	smul.u32 @!p0 $0xF7A, s2;
	p2 =	seq.s32 @!p0 s5, $0x0  }
0x1f: {  	s9 =	smul.u32 $0xF7A, s1;
	s8 =	simm.s32 @!p0 $0x1BF5;
	p2 =	por !p2, p0  }
0x20: {  	[sflag:s8] =	ssyncset.s32 @!p0 $0xFFFFF086;
	s6 =	sadd.s32 @!p0 s3, s7;
	s7 =	simm.s32 @!p0 $0x108  }
0x21: {  	s3 =	sadd.s32 s3, s9;
	s6 =	sadd.s32 @!p0 $0x88, s6;
	s7 =	simm.s32 @p2 $0x1082  }
0x22: {  	[simem:s7], [sflag:s8] =	dma.local @!p0 [hbm:s6], $0xF7A  }
0x23: {  	s9 =	sor.u32 $0xD0000000, s2;
	s6 =	simm.s32 $0x108;
	_ =	swait.ge @!p0 [sflag:s8], $0x0  }
0x24: {  	s3 =	sadd.s32 $0x88, s3;
	s6 =	simm.s32 @!p1 $0x1082;
	[sflag:s4] =	ssyncset.s32 $0xFFFFF086  }
0x25: {  	[simem:s6], [sflag:s4] =	dma.local [hbm:s3], $0xF7A  }
0x26: {  	[smem:$0x3F8D] =	sst s1;
	(tag) =	ssettag s2;
	_ =	strace s9  }
0x27: {  	s1 =	sld [smem:$0x3F9D]  }
0x28: {  	s2 =	sld [smem:$0x3F9E]  }
0x29: {  	s4 =	sld [smem:$0x3FA0]  }
0x2a: {  	p0 =	seq.s32 s5, $0x0;
	s5 =	sld [smem:$0x3FA1]  }
0x2b: {  	s6 =	sld [smem:$0x3FA2]  }
0x2c: {  	s7 =	sld [smem:$0x3FA3]  }
0x2d: {  	s3 =	simm.s32 $0x108;
	s8 =	sld [smem:$0x3FA4]  }
0x2e: {  	s3 =	simm.s32 @!p0 $0x1082;
	s9 =	sld [smem:$0x3FA5]  }
0x2f: {  	lr =	sadd.s32 s0, s3;
	s0 =	sld [smem:$0x3F9C]  }
0x30: {  	s3 =	sld [smem:$0x3F9F]  }
0x31: {  	[smem:$0x3FA8] =	sst s10  }
0x32: {  	s10 =	sld [smem:$0x3FA6];
	_ =	sdelay $0x3  }
0x33: {  	p0 =	seq.s32 s10, $0x1;
	s10 =	sld [smem:$0x3FA8];
	_ =	sdelay $0x3  }
0x34: {  	[smem:$0x3FA8] =	sst s10  }
0x35: {  	s10 =	sld [smem:$0x3FA7];
	_ =	sdelay $0x3  }
0x36: {  	p1 =	seq.s32 s10, $0x1;
	s10 =	sld [smem:$0x3FA8];
	_ =	sdelay $0x3  }
0x37: {  	[smem:$0x3FA8] =	sst s10  }
0x38: {  	s10 =	sld [smem:$0x3FA9]  }
0x39: {  	_ = 	snop;
	(pc) =	sbr.ind lr, $3  }
0x3a: {  	_ = 	snop  }
0x3b: {  	_ = 	snop  }
0x3c: {  	p2 =	seq.s32 s10, $0x1;
	s10 =	sld [smem:$0x3FA8]  }
0x3d: {  	_ =	shalt  }
0x3e: {  	_ =	shalt  }
0x3f: {  	_ =	shalt  }
0x40: {  	_ =	shalt  }
0x41: {  	_ =	shalt  }
0x42: {  	_ =	shalt  }
0x43: {  	_ =	shalt  }
0x44: {  	_ =	shalt  }
0x45: {  	_ =	shalt  }
0x46: {  	_ =	shalt  }
0x47: {  	_ =	shalt  }
0x48: {  	_ =	shalt  }
0x49: {  	_ =	shalt  }
0x4a: {  	_ =	shalt  }
0x4b: {  	_ =	shalt  }
0x4c: {  	_ =	shalt  }
0x4d: {  	_ =	shalt  }
0x4e: {  	_ =	shalt  }
0x4f: {  	_ =	shalt  }
0x50: {  	_ =	shalt  }
0x51: {  	_ =	shalt  }
0x52: {  	_ =	shalt  }
0x53: {  	_ =	shalt  }
0x54: {  	_ =	shalt  }
0x55: {  	_ =	shalt  }
0x56: {  	_ =	shalt  }
0x57: {  	_ =	shalt  }
0x58: {  	_ =	shalt  }
0x59: {  	_ =	shalt  }
0x5a: {  	_ =	shalt  }
0x5b: {  	_ =	shalt  }
0x5c: {  	_ =	shalt  }
0x5d: {  	_ =	shalt  }
0x5e: {  	_ =	shalt  }
0x5f: {  	_ =	shalt  }
0x60: {  	_ =	shalt  }
0x61: {  	_ =	shalt  }
0x62: {  	_ =	shalt  }
0x63: {  	_ =	shalt  }
0x64: {  	_ =	shalt  }
0x65: {  	_ =	shalt  }
0x66: {  	_ =	shalt  }
0x67: {  	_ =	shalt  }
0x68: {  	_ =	shalt  }
0x69: {  	_ =	shalt  }
0x6a: {  	_ =	shalt  }
0x6b: {  	_ =	shalt  }
0x6c: {  	_ =	shalt  }
0x6d: {  	_ =	shalt  }
0x6e: {  	_ =	shalt  }
0x6f: {  	_ =	shalt  }
0x70: {  	_ =	shalt  }
0x71: {  	_ =	shalt  }
0x72: {  	_ =	shalt  }
0x73: {  	_ =	shalt  }
0x74: {  	_ =	shalt  }
0x75: {  	_ =	shalt  }
0x76: {  	_ =	shalt  }
0x77: {  	_ =	shalt  }
0x78: {  	_ =	shalt  }
0x79: {  	_ =	shalt  }
0x7a: {  	_ =	shalt  }
0x7b: {  	_ =	shalt  }
0x7c: {  	_ =	shalt  }
0x7d: {  	_ =	shalt  }
0x7e: {  	_ =	shalt  }
0x7f: {  	_ =	shalt  }
0x80: {  	_ =	shalt  }
0x81: {  	_ =	shalt  }
0x82: {  	_ =	shalt  }
0x83: {  	_ =	shalt  }
0x84: {  	_ =	shalt  }
0x85: {  	_ =	shalt  }
0x86: {  	_ =	shalt  }
0x87: {  	_ =	shalt  }
.Lfunc_end0:
.L_simem_size_0:
called_computation.4_lowered:
.L_overlay_start_0:
0x88: {  	s2 =	sld [smem:$0x3FD9]  }
0x89: {  	s3 =	sld [smem:$0x3FFE];
	_ =	sdelay $0x1  }
0x8a: {  	s1 =	srdreg.scid  }
0x8b: {  	s0 =	sand.u32 $0x1, s1  }
0x8c: {  	s16 =	sshll.u32 s0, $0xA;
	s2 =	sadd.s32 s3, s2  }
0x8d: {  	s2 =	sadd.s32 s2, s16  }
0x8e: {  	[smem:$0x3FB4] =	sst s2  }
0x8f: {  	_ = 	snop  }
0x90: {  	(tm) =	ssettm $0x1  }
0x91: {  	s17 =	sld [smem:$0x3FFB];
	_ =	sdelay $0x3  }
0x92: {  	_ =	strace s17  }
0x93: {  	s2 =	sld [smem:$0x3FFC];
	_ =	sdelay $0x3  }
0x94: {  	_ =	strace s2  }
0x95: {  	s2 =	sld [smem:$0x3FFD];
	_ =	sdelay $0x3  }
0x96: {  	_ =	strace s2  }
0x97: {  	_ =	strace $0x8FFFFFFF  }
0x98: {  	s18 =	sld [smem:$0x3FDB];
	_ =	sdelay $0x1  }
0x99: {  	s19 =	simm.s32 $_scs_section_size  }
0x9a: {  	s4 =	simm.s32 $_size__tile_overlayer_lowered;
	s5 =	simm.s32 $_tile_overlayer_lowered  }
0x9b: {  	s22 =	simm.s32 $0x1BFF;
	s21 =	sshll.u32 s5, $0x1;
	s2 =	sadd.s32 s19, s18  }
0x9c: {  	s6 =	simm.s32 $0x0;
	s20 =	sshll.u32 s4, $0x1;
	s4 =	sadd.s32 s21, s2  }
0x9d: {  	[timem:s6], [sflag:s22] =	dma.local [hbm:s4], s20  }
0x9e: {  	_ =	swait.ge [sflag:s22], s20  }
0x9f: {  	s3 =	ssub.s32 $0x0, s20;
	[sflag:s22] =	ssyncset.done $0x0  }
0xa0: {  	[sflag:s22] =	ssyncadd.s32 s3;
	_ =	sdelay $0x1  }
0xa1: {  	s23 =	simm.s32 $0x1B8B  }
0xa2: {  	_ =	swait.ge [sflag:s23], $0x1  }
0xa3: {  	[sflag:s23] =	ssyncset.done $0x0  }
0xa4: {  	s25 =	simm.s32 $0x1B8E;
	s24 =	sld [smem:$0x3FFE];
	[sflag:s23] =	ssyncadd.s32 $0xFFFFFFFF  }
0xa5: {  	s26 =	simm.s32 $execute0_lowered;
	[smem:$0x3FD2] =	sst s25  }
0xa6: {  	s4 =	sshll.u32 s26, $0x1;
	_ =	strace $0x80000052;
	[dreg:$0x1] =	wrdreg $0xFFFFFFFF  }
0xa7: {  	s28 =	simm.s32 $_size_execute0_lowered;
	s2 =	sadd.s32 s2, s4;
	[dreg:$0x0] =	wrdreg $0x0  }
0xa8: {  	s4 =	sshll.u32 s28, $0x1;
	[dreg:$0x2] =	wrdreg s2  }
0xa9: {  	[dreg:$0x3] =	wrdreg s4  }
0xaa: {  	[dreg:$0x4] =	wrdreg $0xC0  }
0xab: {  	_ =	task [dreg:s6], $0x5FFFF  }
0xac: {  	[dreg:$0x1] =	wrdreg $0xFFFFFFFF  }
0xad: {  	[dreg:$0x0] =	wrdreg $0x60  }
0xae: {  	[dreg:$0x2] =	wrdreg s24  }
0xaf: {  	[dreg:$0x3] =	wrdreg $0x9  }
0xb0: {  	_ =	task.clear_ibuf [dreg:s6], $0x4FFFF;
	_ =	strace $0x90000052  }
0xb1: {  	s29 =	simm.s32 $0x9;
	_ =	strace $0x80000054  }
0xb2: {  	_ =	swait.ge [sflag:s29], $0x1  }
0xb3: {  	[sflag:s29] =	ssyncadd.s32 $0xFFFFFFFF  }
0xb4: {  	_ =	strace $0x90000054  }
0xb5: {  	_ =	sfence  }
0xb6: {  	s30 =	sld [smem:$0x0];
	_ =	sdelay $0x2  }
0xb7: {  	s31 =	sshll.u32 s1, $0xD;
	s1 =	sshrl.u32 s1, $0x2  }
0xb8: {  	s3 =	sand.u32 $0x4000, s31;
	s1 =	sadd.s32 s1, s30  }
0xb9: {  	s0 =	sor.u32 s3, s0;
	s1 =	sshll.u32 s1, $0x11  }
0xba: {  	s0 =	sor.u32 s1, s0  }
0xbb: {  	s0 =	sadd.s32 $0x8F2B, s0  }
0xbc: {  	[sflag:s0] =	ssyncadd.remote.s32 $0x1  }
0xbd: {  	_ =	sfence.sel $0xFFFF  }
0xbe: {  	[dreg:$0x0] =	wrdreg $0xFFFFFFFF;
	(pc) =	sbr.abs _section_cstart, $3  }
0xbf: {  	[dreg:$0x1] =	wrdreg $0xFFFFFFFF  }
0xc0: {  	_ =	task.clear_ibuf [dreg:s6], $0x2FFFF;
	_ =	strace $0x9FFFFFFF  }
0xc1: {  	(tm) =	ssettm $0x7FFFFFFF  }
tec
execute0_lowered:
.L_overlay_start_1:
0x0: {  	(tag) =	ssettag $0x1  }
0x1: {  	s5 =	rddreg [dreg:$0x0]  }
0x2: {  	s1 =	srdreg.scid;
	s0 =	rddreg [dreg:$0x1];
	s2 =	simm.s32 $0x0  }
0x3: {  	s11 =	simm.s32 $0x1000;
	s12 =	simm.s32 $0x68;
	s13 =	simm.s32 $0x2000  }
0x4: {  	s14 =	simm.s32 $0x8800;
	s15 =	simm.s32 $0x1;
	s16 =	simm.s32 $0x3  }
0x5: {  	s17 =	simm.s32 $0x5400;
	s18 =	simm.s32 $0xBC00;
	s19 =	simm.s32 $0x2  }
0x6: {  	s20 =	simm.s32 $0x4;
	s21 =	simm.s32 $0x0;
	s4 =	sand.u32 $0x1, s1  }
0x7: {  	[smem:$0x7FF] =	sst s2;
	s1 =	stileid.u32;
	s3 =	sshll.u32 s4, $0x4  }
0x8: {  	_ =	strace $0x80000053;
	s8 =	ssub.s32 $0x2, s4;
	s6 =	sor.u32 s1, s3  }
0x9: {  	s4 =	sadd.s32 $0x2BA00, s5;
	s31 =	sshrl.u32 s8, $0x1;
	s7 =	sshll.u32 s6, $0x9  }
0xa: {  	s3 =	sadd.s32 $0x4800, s5;
	s10 =	ssub.s32 s8, s31;
	s9 =	sadd.s32 s7, s5  }
0xb: {  	s6 =	smul.u32 $0xD00, s6;
	s5 =	sadd.s32 $0x97A00, s5;
	s7 =	sadd.s32 $0x8FA00, s9  }
0xc: {  	s8 =	sadd.s32 $0x93A00, s9;
	s9 =	smax.u32 s10, $0x1;
	s10 =	simm.s32 $0x5  }
.LBB2_1:
0xd: {  	[tilespmem:s2], [sflag:$0x5] =	stream.linear.gather [hbm4b:s7+s2], $0x1000, $0x38;
	[tilespmem:$0xF000] =	vst v63  }
0xe: {  	_ =	swait.ge [sflag:s10], $0x1000  }
0xf: {  	[sflag:s10] =	ssyncset.done $0x0  }
0x10: {  	[sflag:s10] =	ssyncadd.s32 $0xFFFFF000  }
0x11: {  	[tilespmem:s11], [sflag:$0x5] =	stream.linear.gather [hbm4b:s8+s2], $0x1000, $0x38;
	[tilespmem:$0xF000] =	vst v63  }
0x12: {  	_ =	swait.ge [sflag:s10], $0x1000  }
0x13: {  	[sflag:s10] =	ssyncset.done $0x0  }
0x14: {  	[sflag:s10] =	ssyncadd.s32 $0xFFFFF000  }
0x15: {  	[tilespmem:s13], [sflag:$0x1] =	stream.indirect.gather [hbm4b:s3+s12], $0x80, s2, s12, $0xb8;
	[tilespmem:$0xF000] =	vst v63  }
0x16: {  	s22 =	simm.s32 $0x0  }
0x17: {  	[tilespmem:s14], [sflag:$0x3] =	stream.indirect.gather [hbm4b:s4+s12], $0x80, s11, s12, $0xb8;
	[tilespmem:$0xF000] =	vst v63  }
.LBB2_2:
0x18: {  	_ =	swait.ge [sflag:s15], $0x3400  }
0x19: {  	[sflag:s15] =	ssyncset.done $0x0  }
0x1a: {  	[sflag:s15] =	ssyncadd.s32 $0xFFFFCC00  }
0x1b: {  	_ =	swait.ge [sflag:s16], $0x3400  }
0x1c: {  	s23 =	sshllo.u32 s22, $0x1;
	[sflag:s16] =	ssyncset.done $0x0  }
0x1d: {  	s24 =	sshll.u32 s23, $0x7;
	[sflag:s16] =	ssyncadd.s32 $0xFFFFCC00  }
0x1e: {  	[tilespmem:s17], [sflag:$0x2] =	stream.indirect.gather [hbm4b:s3+s12], $0x80, s24, s12, $0xb8;
	[tilespmem:$0xF000] =	vst v63  }
0x1f: {  	s24 =	sadd.s32 $0x1000, s24  }
0x20: {  	[tilespmem:s18], [sflag:$0x4] =	stream.indirect.gather [hbm4b:s4+s12], $0x80, s24, s12, $0xb8;
	[tilespmem:$0xF000] =	vst v63  }
0x21: {  	s24 =	simm.s32 $0x0  }
0x22: {  	v6 =	vld [tilespmem:s24+$0x8800]  }
0x23: {  	v11 =	vld [tilespmem:s24+$0x8810]  }
0x24: {  	v5 =	vld [tilespmem:s24+$0x8820]  }
0x25: {  	v4 =	vld [tilespmem:s24+$0x8830]  }
0x26: {  	v3 =	vld [tilespmem:s24+$0x8840]  }
0x27: {  	v2 =	vld [tilespmem:s24+$0x8850]  }
0x28: {  	v1 =	vld [tilespmem:s24+$0x8860]  }
0x29: {  	v0 =	vld [tilespmem:s24+$0x8870]  }
0x2a: {  	v12 =	vld [tilespmem:s24+$0x2000]  }
0x2b: {  	v13 =	vld [tilespmem:s24+$0x2010]  }
0x2c: {  	v10 =	vld [tilespmem:s24+$0x2020]  }
0x2d: {  	v9 =	vld [tilespmem:s24+$0x2030]  }
0x2e: {  	v8 =	vld [tilespmem:s24+$0x2040]  }
0x2f: {  	v7 =	vld [tilespmem:s24+$0x2050];
	v12 =	vadd.f32 v6, v12  }
0x30: {  	s25 =	simm.s32 $0x200;
	v11 =	vadd.f32 v11, v13;
	v6 =	vld [tilespmem:s24+$0x2060]  }
.LBB2_3:
0x31: {  	s26 =	sshra.s32 s25, $0x2;
	p0 =	sne.s32 s25, $0xCE00;
	[tilespmem:s24+$0x2000] =	vst v12;
	v5 =	vadd.f32 v5, v10;
	v10 =	vld [tilespmem:s24+$0x2070]  }
0x32: {  	v12 =	vld [tilespmem:s26+$0x8800];
	[tilespmem:s24+$0x2010] =	vst v11;
	v4 =	vadd.f32 v4, v9  }
0x33: {  	v11 =	vld [tilespmem:s26+$0x8810];
	[tilespmem:s24+$0x2020] =	vst v5;
	v3 =	vadd.f32 v3, v8  }
0x34: {  	v5 =	vld [tilespmem:s26+$0x8820];
	[tilespmem:s24+$0x2030] =	vst v4;
	v2 =	vadd.f32 v2, v7  }
0x35: {  	v4 =	vld [tilespmem:s26+$0x8830];
	[tilespmem:s24+$0x2040] =	vst v3;
	v1 =	vadd.f32 v1, v6  }
0x36: {  	v3 =	vld [tilespmem:s26+$0x8840];
	[tilespmem:s24+$0x2050] =	vst v2;
	v0 =	vadd.f32 v0, v10  }
0x37: {  	v2 =	vld [tilespmem:s26+$0x8850];
	[tilespmem:s24+$0x2060] =	vst v1  }
0x38: {  	v1 =	vld [tilespmem:s26+$0x8860];
	[tilespmem:s24+$0x2070] =	vst v0;
	s24 =	smov.u32 s26  }
0x39: {  	v0 =	vld [tilespmem:s24+$0x8870]  }
0x3a: {  	v6 =	vld [tilespmem:s24+$0x2000]  }
0x3b: {  	v13 =	vld [tilespmem:s24+$0x2010]  }
.Ltmp0:
0x3c: {  	v10 =	vld [tilespmem:s24+$0x2020];
	(pc) =	sbr.rel @p0 .LBB2_3-.Ltmp0, $4  }
0x3d: {  	v9 =	vld [tilespmem:s24+$0x2030]  }
0x3e: {  	v8 =	vld [tilespmem:s24+$0x2040]  }
0x3f: {  	v12 =	vadd.f32 v12, v6;
	v7 =	vld [tilespmem:s24+$0x2050]  }
0x40: {  	s25 =	sadd.s32 $0x200, s25;
	v11 =	vadd.f32 v11, v13;
	v6 =	vld [tilespmem:s24+$0x2060]  }
0x41: {  	[tilespmem:s24+$0x2000] =	vst v12;
	v5 =	vadd.f32 v5, v10;
	v10 =	vld [tilespmem:s24+$0x2070]  }
0x42: {  	[tilespmem:s24+$0x2010] =	vst v11;
	v4 =	vadd.f32 v4, v9  }
0x43: {  	[tilespmem:s24+$0x2020] =	vst v5;
	v3 =	vadd.f32 v3, v8  }
0x44: {  	s25 =	smul.u32 $0xD0, s22;
	[tilespmem:s24+$0x2030] =	vst v4;
	v2 =	vadd.f32 v2, v7  }
0x45: {  	[tilespmem:s24+$0x2040] =	vst v3;
	v1 =	vadd.f32 v1, v6  }
0x46: {  	s25 =	sadd.s32 s6, s25;
	[tilespmem:s24+$0x2050] =	vst v2;
	v0 =	vadd.f32 v0, v10  }
0x47: {  	s25 =	sshll.u32 s25, $0x4;
	[tilespmem:s24+$0x2060] =	vst v1  }
0x48: {  	s31 =	sadd.s32 s5, s25;
	[tilespmem:s24+$0x2070] =	vst v0  }
0x49: {  	[hbm4b:s31+s2] =	stream.linear.scatter [tilespmem:s13], [sflag:$0x5], $0x3400, $0x38;
	[tilespmem:$0xF000] =	vst v63  }
0x4a: {  	_ =	swait.ge [sflag:s10], $0x3400  }
0x4b: {  	[sflag:s10] =	ssyncset.done $0x0  }
0x4c: {  	[sflag:s10] =	ssyncadd.s32 $0xFFFFCC00  }
0x4d: {  	_ =	swait.ge [sflag:s19], $0x3400  }
0x4e: {  	[sflag:s19] =	ssyncset.done $0x0  }
0x4f: {  	[sflag:s19] =	ssyncadd.s32 $0xFFFFCC00  }
0x50: {  	p0 =	seq.s32 s22, $0xF;
	_ =	swait.ge [sflag:s20], $0x3400  }
0x51: {  	s26 =	simm.s32 @!p0 $0x68;
	s24 =	sshll.u32 @!p0 s22, $0x8;
	[sflag:s20] =	ssyncset.done $0x0  }
0x52: {  	s28 =	simm.s32 @!p0 $0x2000;
	s25 =	sadd.s32 @!p0 $0x100, s24;
	[sflag:s20] =	ssyncadd.s32 $0xFFFFCC00  }
0x53: {  	[tilespmem:s28], [sflag:$0x1] =	stream.indirect.gather @!p0 [hbm4b:s3+s26], $0x80, s25, s26, $0xb8;
	[tilespmem:$0xF000] =	vst v63  }
0x54: {  	s24 =	sadd.s32 @!p0 $0x1100, s24;
	s25 =	simm.s32 @!p0 $0x8800  }
0x55: {  	[tilespmem:s25], [sflag:$0x3] =	stream.indirect.gather @!p0 [hbm4b:s4+s26], $0x80, s24, s26, $0xb8;
	[tilespmem:$0xF000] =	vst v63  }
0x56: {  	s24 =	simm.s32 $0x0  }
0x57: {  	v6 =	vld [tilespmem:s24+$0xBC00]  }
0x58: {  	v11 =	vld [tilespmem:s24+$0xBC10]  }
0x59: {  	v5 =	vld [tilespmem:s24+$0xBC20]  }
0x5a: {  	v4 =	vld [tilespmem:s24+$0xBC30]  }
0x5b: {  	v3 =	vld [tilespmem:s24+$0xBC40]  }
0x5c: {  	v2 =	vld [tilespmem:s24+$0xBC50]  }
0x5d: {  	v1 =	vld [tilespmem:s24+$0xBC60]  }
0x5e: {  	v0 =	vld [tilespmem:s24+$0xBC70]  }
0x5f: {  	v12 =	vld [tilespmem:s24+$0x5400]  }
0x60: {  	v13 =	vld [tilespmem:s24+$0x5410]  }
0x61: {  	v10 =	vld [tilespmem:s24+$0x5420]  }
0x62: {  	v9 =	vld [tilespmem:s24+$0x5430]  }
0x63: {  	v8 =	vld [tilespmem:s24+$0x5440]  }
0x64: {  	v7 =	vld [tilespmem:s24+$0x5450];
	v12 =	vadd.f32 v6, v12  }
0x65: {  	s25 =	simm.s32 $0x200;
	v11 =	vadd.f32 v11, v13;
	v6 =	vld [tilespmem:s24+$0x5460]  }
.LBB2_5:
0x66: {  	s26 =	sshra.s32 s25, $0x2;
	p0 =	sne.s32 s25, $0xCE00;
	[tilespmem:s24+$0x5400] =	vst v12;
	v5 =	vadd.f32 v5, v10;
	v10 =	vld [tilespmem:s24+$0x5470]  }
0x67: {  	v12 =	vld [tilespmem:s26+$0xBC00];
	[tilespmem:s24+$0x5410] =	vst v11;
	v4 =	vadd.f32 v4, v9  }
0x68: {  	v11 =	vld [tilespmem:s26+$0xBC10];
	[tilespmem:s24+$0x5420] =	vst v5;
	v3 =	vadd.f32 v3, v8  }
0x69: {  	v5 =	vld [tilespmem:s26+$0xBC20];
	[tilespmem:s24+$0x5430] =	vst v4;
	v2 =	vadd.f32 v2, v7  }
0x6a: {  	v4 =	vld [tilespmem:s26+$0xBC30];
	[tilespmem:s24+$0x5440] =	vst v3;
	v1 =	vadd.f32 v1, v6  }
0x6b: {  	v3 =	vld [tilespmem:s26+$0xBC40];
	[tilespmem:s24+$0x5450] =	vst v2;
	v0 =	vadd.f32 v0, v10  }
0x6c: {  	v2 =	vld [tilespmem:s26+$0xBC50];
	[tilespmem:s24+$0x5460] =	vst v1  }
0x6d: {  	v1 =	vld [tilespmem:s26+$0xBC60];
	[tilespmem:s24+$0x5470] =	vst v0;
	s24 =	smov.u32 s26  }
0x6e: {  	v0 =	vld [tilespmem:s24+$0xBC70]  }
0x6f: {  	v6 =	vld [tilespmem:s24+$0x5400]  }
0x70: {  	v13 =	vld [tilespmem:s24+$0x5410]  }
.Ltmp1:
0x71: {  	v10 =	vld [tilespmem:s24+$0x5420];
	(pc) =	sbr.rel @p0 .LBB2_5-.Ltmp1, $4  }
0x72: {  	v9 =	vld [tilespmem:s24+$0x5430]  }
0x73: {  	v8 =	vld [tilespmem:s24+$0x5440]  }
0x74: {  	v12 =	vadd.f32 v12, v6;
	v7 =	vld [tilespmem:s24+$0x5450]  }
0x75: {  	s25 =	sadd.s32 $0x200, s25;
	v11 =	vadd.f32 v11, v13;
	v6 =	vld [tilespmem:s24+$0x5460]  }
0x76: {  	[tilespmem:s24+$0x5400] =	vst v12;
	v5 =	vadd.f32 v5, v10;
	v63 =	vld [tilespmem:s24+$0x5470]  }
0x77: {  	[tilespmem:s24+$0x5410] =	vst v11;
	v4 =	vadd.f32 v4, v9  }
0x78: {  	[tilespmem:s24+$0x5420] =	vst v5;
	v3 =	vadd.f32 v3, v8  }
0x79: {  	s23 =	smul.u32 $0x68, s23;
	[tilespmem:s24+$0x5430] =	vst v4;
	v2 =	vadd.f32 v2, v7  }
0x7a: {  	[tilespmem:s24+$0x5440] =	vst v3;
	v1 =	vadd.f32 v1, v6  }
0x7b: {  	s22 =	sadd.s32 $0x1, s22;
	s23 =	sadd.s32 s6, s23;
	[tilespmem:s24+$0x5450] =	vst v2;
	v0 =	vadd.f32 v0, v63  }
0x7c: {  	p0 =	sne.s32 s22, $0x10;
	s23 =	sshll.u32 s23, $0x4;
	[tilespmem:s24+$0x5460] =	vst v1  }
.Ltmp2:
0x7d: {  	s23 =	sadd.s32 s5, s23;
	[tilespmem:s24+$0x5470] =	vst v0;
	(pc) =	sbr.rel @p0 .LBB2_2-.Ltmp2, $4  }
0x7e: {  	[hbm4b:s23+s2] =	stream.linear.scatter [tilespmem:s17], [sflag:$0x5], $0x3400, $0x38;
	[tilespmem:$0xF000] =	vst v63  }
0x7f: {  	_ =	swait.ge [sflag:s10], $0x3400  }
0x80: {  	[sflag:s10] =	ssyncset.done $0x0  }
0x81: {  	[sflag:s10] =	ssyncadd.s32 $0xFFFFCC00  }
0x82: {  	s21 =	sadd.s32 $0x1, s21  }
0x83: {  	p0 =	sne.s32 s21, s9  }
.Ltmp3:
0x84: {  	_ = 	snop;
	(pc) =	sbr.rel @p0 .LBB2_1-.Ltmp3, $1  }
0x85: {  	_ =	sdelay $0x3  }
0x86: {  	_ =	sfence.sel $0x180000  }
0x87: {  	[bflag:$0x0] =	sbarrier.arrive $0xFFFF  }
0x88: {  	p0 =	sne.s32 s1, $0x0;
	_ =	strace $0x90000053  }
0x89: {  	s0 =	sadd.s32 @!p0 $0x100000, s0;
	[bflag:$0x2] =	sbarrier.arrive $0xFFFF  }
0x8a: {  	[sflag:s0] =	ssyncadd.tile.s32 @!p0 $0x1;
	_ =	shalt  }
.Lfunc_end2:
_tile_overlayer_lowered:
.L_overlay_start_2:
0x8b: {  	(tag) =	ssettag $0x2  }
0x8c: {  	s0 =	rddreg [dreg:$0x0];
	s2 =	stileid.u32  }
0x8d: {  	s1 =	rddreg [dreg:$0x1];
	p0 =	sne.s32 s2, $0x0  }
0x8e: {  	s3 =	rddreg [dreg:$0x2];
	[bflag:$0x3] =	sbarrier.arrive $0xFFFF;
	s2 =	simm.s32 @!p0 $0x1C05  }
0x8f: {  	[timem:s3], [sflag:s2] =	dma.local @!p0 [hbm:s0], s1  }
0x90: {  	s0 =	simm.s32 @!p0 $0x5  }
0x91: {  	_ =	swait.ge @!p0 [sflag:s0], s1  }
0x92: {  	s1 =	ssub.s32 @!p0 $0x0, s1;
	[sflag:s0] =	ssyncset.done @!p0 $0x0  }
0x93: {  	[sflag:s0] =	ssyncadd.s32 @!p0 s1  }
0x94: {  	[bflag:$0x3] =	sbarrier.arrive $0xFFFF  }
0x95: {  	_ =	shalt  }

</sc_bundles>
